<compile_context>
chip_gen: v7x
topology: tpu7x:2x2x1
jax: 0.10.2.dev20260603
libtpu: 0.0.44.dev20260713+nightly
codegen_flags: <defaults>
</compile_context>

<pallas_src>
import functools

import jax
import jax.numpy as jnp
from jax import lax
from jax.experimental import pallas as pl
from jax.experimental.pallas import tpu as pltpu
from jax.experimental.pallas import tpu_sc as plsc

N = 10000
E = 320000
D = 128
NPAD = 10240
NT = 32
CH = 64
NCH = 159
EPAD = NT * NCH * CH
CH2 = 128
NCH2 = 81
EPAD2 = NT * NCH2 * CH2
ROWS_PER_TILE = NPAD // 16

_mesh = plsc.VectorSubcoreMesh(core_axis_name="c", subcore_axis_name="s")


def _fill_loop(ref, nrows, width, value):
    def body(i, _):
        for j in range(width // 16):
            ref[i, pl.ds(j * 16, 16)] = jnp.full((16,), value, jnp.float32)
        return 0
    lax.fori_loop(0, nrows, body, 0)


def _make_edge_agg(feat, ch, nch):
    @functools.partial(
        pl.kernel,
        out_type=jax.ShapeDtypeStruct((2, NPAD, feat), jnp.float32),
        mesh=_mesh,
        compiler_params=pltpu.CompilerParams(use_tc_tiling_on_sc=False),
        scratch_types=[
            pltpu.VMEM((nch, ch), jnp.int32),
            pltpu.VMEM((nch, ch), jnp.int32),
            pltpu.VMEM((ch, feat), jnp.float32),
            pltpu.VMEM((ch, feat), jnp.float32),
            pltpu.VMEM((ch, feat), jnp.float32),
            pltpu.VMEM_SHARED((NPAD, feat), jnp.float32),
            pltpu.SemaphoreType.DMA,
            pltpu.SemaphoreType.DMA,
            pltpu.SemaphoreType.DMA,
            pltpu.SemaphoreType.DMA,
            pltpu.SemaphoreType.DMA,
            pltpu.SemaphoreType.DMA,
        ],
    )
    def agg(hp_hbm, srcT_hbm, dstT_hbm, out_hbm, src_v, dst_v, r0, r1, r2,
            acc_sh, g0, g1, g2, s0, s1, s2):
        rows = (r0, r1, r2)
        gsem = (g0, g1, g2)
        ssem = (s0, s1, s2)
        cid = lax.axis_index("c")
        sid = lax.axis_index("s")
        wid = sid * 2 + cid
        pltpu.sync_copy(srcT_hbm.at[wid], src_v)
        pltpu.sync_copy(dstT_hbm.at[wid], dst_v)
        _fill_loop(r0, ch, feat, 0.0)
        for k in range(ROWS_PER_TILE // ch):
            pltpu.sync_copy(r0, acc_sh.at[pl.ds(sid * ROWS_PER_TILE + k * ch, ch)])
        plsc.subcore_barrier()

        for k in range(3):
            pltpu.async_copy(hp_hbm.at[src_v.at[k]], rows[k], gsem[k])

        def step(i, _):
            c = 3 * i
            for k in range(3):
                pltpu.make_async_copy(hp_hbm.at[src_v.at[c + k]], rows[k], gsem[k]).wait()
                pltpu.async_copy(rows[k], acc_sh.at[dst_v.at[c + k]], ssem[k], add=True)
            for k in range(3):
                pltpu.make_async_copy(rows[k], acc_sh.at[dst_v.at[c + k]], ssem[k]).wait()
                pltpu.async_copy(hp_hbm.at[src_v.at[c + 3 + k]], rows[k], gsem[k])
            return 0
        lax.fori_loop(0, nch // 3 - 1, step, 0)

        for k in range(3):
            c = nch - 3 + k
            pltpu.make_async_copy(hp_hbm.at[src_v.at[c]], rows[k], gsem[k]).wait()
            pltpu.sync_copy(rows[k], acc_sh.at[dst_v.at[c]], add=True)

        plsc.subcore_barrier()
        for k in range(ROWS_PER_TILE // ch):
            sl = pl.ds(sid * ROWS_PER_TILE + k * ch, ch)
            pltpu.sync_copy(acc_sh.at[sl], r0)
            pltpu.sync_copy(r0, out_hbm.at[cid, sl])
    return agg


_edge_agg_128 = _make_edge_agg(128, CH, NCH)
_edge_agg_16 = _make_edge_agg(16, CH2, NCH2)


@functools.partial(
    pl.kernel,
    out_type=jax.ShapeDtypeStruct((2, NPAD, 16), jnp.float32),
    mesh=_mesh,
    compiler_params=pltpu.CompilerParams(use_tc_tiling_on_sc=False),
    scratch_types=[
        pltpu.VMEM((NCH2, CH2), jnp.int32),
        pltpu.VMEM((CH2, 16), jnp.float32),
        pltpu.VMEM((CH2, 16), jnp.float32),
        pltpu.VMEM_SHARED((NPAD, 16), jnp.float32),
        pltpu.SemaphoreType.DMA,
    ],
)
def _deg_count(dstT_hbm, out_hbm, dst_v, ones_v, buf_v, acc_sh, dsem):
    cid = lax.axis_index("c")
    sid = lax.axis_index("s")
    wid = sid * 2 + cid
    pltpu.sync_copy(dstT_hbm.at[wid], dst_v)
    _fill_loop(ones_v, CH2, 16, 1.0)
    _fill_loop(buf_v, CH2, 16, 0.0)
    for k in range(ROWS_PER_TILE // CH2):
        pltpu.sync_copy(buf_v, acc_sh.at[pl.ds(sid * ROWS_PER_TILE + k * CH2, CH2)])
    plsc.subcore_barrier()

    def step(i, _):
        c = 8 * i
        for k in range(8):
            pltpu.async_copy(ones_v, acc_sh.at[dst_v.at[c + k]], dsem, add=True)
        for k in range(8):
            pltpu.make_async_copy(ones_v, acc_sh.at[dst_v.at[c + k]], dsem).wait()
        return 0
    lax.fori_loop(0, NCH2 // 8, step, 0)
    for c in range(8 * (NCH2 // 8), NCH2):
        pltpu.sync_copy(ones_v, acc_sh.at[dst_v.at[c]], add=True)

    plsc.subcore_barrier()
    for k in range(ROWS_PER_TILE // CH2):
        sl = pl.ds(sid * ROWS_PER_TILE + k * CH2, CH2)
        pltpu.sync_copy(acc_sh.at[sl], buf_v)
        pltpu.sync_copy(buf_v, out_hbm.at[cid, sl])



_BR = 1000
_GRID = N // _BR


def _tc_a_body(deg_ref, x_ref, dinv_ref, hp_ref):
    deg = deg_ref[0, :, 0] + deg_ref[1, :, 0] + 1.0
    dinv = lax.rsqrt(deg)[:, None]
    dinv_ref[...] = dinv
    hp_ref[...] = x_ref[...] * dinv


def _tc_a(deg2, x):
    return pl.pallas_call(
        _tc_a_body,
        grid=(_GRID,),
        in_specs=[
            pl.BlockSpec((2, _BR, 16), lambda i: (0, i, 0)),
            pl.BlockSpec((_BR, D), lambda i: (i, 0)),
        ],
        out_specs=[
            pl.BlockSpec((_BR, 1), lambda i: (i, 0)),
            pl.BlockSpec((_BR, D), lambda i: (i, 0)),
        ],
        out_shape=[
            jax.ShapeDtypeStruct((N, 1), jnp.float32),
            jax.ShapeDtypeStruct((N, D), jnp.float32),
        ],
    )(deg2, x)


def _tc_b_body(s0_ref, hp0_ref, dinv_ref, w1_ref, b1_ref, w2_ref, hp2_ref):
    dinv = dinv_ref[...]
    u = dinv * (s0_ref[0] + s0_ref[1] + hp0_ref[...])
    z1 = jnp.maximum(
        jnp.dot(u, w1_ref[...], preferred_element_type=jnp.float32) + b1_ref[...], 0.0)
    h2 = jnp.dot(z1, w2_ref[...], preferred_element_type=jnp.float32)
    hp2_ref[...] = dinv * h2


def _tc_b(s0, hp0, dinv, w1, b1, w2):
    return pl.pallas_call(
        _tc_b_body,
        grid=(_GRID,),
        in_specs=[
            pl.BlockSpec((2, _BR, D), lambda i: (0, i, 0)),
            pl.BlockSpec((_BR, D), lambda i: (i, 0)),
            pl.BlockSpec((_BR, 1), lambda i: (i, 0)),
            pl.BlockSpec((D, 256), lambda i: (0, 0)),
            pl.BlockSpec((1, 256), lambda i: (0, 0)),
            pl.BlockSpec((256, D), lambda i: (0, 0)),
        ],
        out_specs=pl.BlockSpec((_BR, D), lambda i: (i, 0)),
        out_shape=jax.ShapeDtypeStruct((N, D), jnp.float32),
    )(s0, hp0, dinv, w1, b1, w2)


def _tc_c_body(s2_ref, hp2_ref, dinv_ref, b2_ref, w3_ref, hp3_ref):
    dinv = dinv_ref[...]
    z2 = jnp.maximum(dinv * (s2_ref[0] + s2_ref[1] + hp2_ref[...]) + b2_ref[...], 0.0)
    h3 = jnp.dot(z2, w3_ref[...], preferred_element_type=jnp.float32)
    hp3_ref[...] = dinv * h3


def _tc_c(s2, hp2, dinv, b2, w3p):
    return pl.pallas_call(
        _tc_c_body,
        grid=(_GRID,),
        in_specs=[
            pl.BlockSpec((2, _BR, D), lambda i: (0, i, 0)),
            pl.BlockSpec((_BR, D), lambda i: (i, 0)),
            pl.BlockSpec((_BR, 1), lambda i: (i, 0)),
            pl.BlockSpec((1, D), lambda i: (0, 0)),
            pl.BlockSpec((D, 16), lambda i: (0, 0)),
        ],
        out_specs=pl.BlockSpec((_BR, 16), lambda i: (i, 0)),
        out_shape=jax.ShapeDtypeStruct((N, 16), jnp.float32),
    )(s2, hp2, dinv, b2, w3p)


def _tc_d_body(s3_ref, hp3_ref, dinv_ref, b3_ref, out_ref):
    a = dinv_ref[...] * (s3_ref[0] + s3_ref[1] + hp3_ref[...]) + b3_ref[...]
    mask = lax.broadcasted_iota(jnp.int32, (_BR, 16), 1) < 2
    m = jnp.max(jnp.where(mask, a, -jnp.inf), axis=1, keepdims=True)
    s = jnp.sum(jnp.where(mask, jnp.exp(a - m), 0.0), axis=1, keepdims=True)
    out_ref[...] = a - m - jnp.log(s)


def _tc_d(s3, hp3, dinv, b3p):
    return pl.pallas_call(
        _tc_d_body,
        grid=(_GRID,),
        in_specs=[
            pl.BlockSpec((2, _BR, 16), lambda i: (0, i, 0)),
            pl.BlockSpec((_BR, 16), lambda i: (i, 0)),
            pl.BlockSpec((_BR, 1), lambda i: (i, 0)),
            pl.BlockSpec((1, 16), lambda i: (0, 0)),
        ],
        out_specs=pl.BlockSpec((_BR, 16), lambda i: (i, 0)),
        out_shape=jax.ShapeDtypeStruct((N, 16), jnp.float32),
    )(s3, hp3, dinv, b3p)


def kernel(building_x, edge_index, W1, b1, W2, b2, W3, b3):
    src = edge_index[0]
    dst = edge_index[1]

    def strips(n_pad_e, nch, ch):
        pad_src = jnp.arange(n_pad_e, dtype=jnp.int32) % N
        pad_dst = N + jnp.arange(n_pad_e, dtype=jnp.int32) % (NPAD - N)
        return (jnp.concatenate([src, pad_src]).reshape(NT, nch, ch),
                jnp.concatenate([dst, pad_dst]).reshape(NT, nch, ch))

    srcT, dstT = strips(EPAD - E, NCH, CH)
    srcT2, dstT2 = strips(EPAD2 - E, NCH2, CH2)

    b1r = b1.reshape(1, 256)
    b2r = b2.reshape(1, D)
    w3p = jnp.pad(W3, ((0, 0), (0, 16 - W3.shape[1])))
    b3p = jnp.pad(b3, (0, 16 - b3.shape[0])).reshape(1, 16)

    deg2 = _deg_count(dstT2)
    dinv, hp0 = _tc_a(deg2, building_x)
    s0 = _edge_agg_128(hp0, srcT, dstT)
    hp2 = _tc_b(s0, hp0, dinv, W1, b1r, W2)
    s2 = _edge_agg_128(hp2, srcT, dstT)
    hp3 = _tc_c(s2, hp2, dinv, b2r, w3p)
    s3 = _edge_agg_16(hp3, srcT2, dstT2)
    out16 = _tc_d(s3, hp3, dinv, b3p)
    return out16[:, :2]

# --- scband reference (transcript-rebuilt; emitter-appended) ---
"""Pipeline reference for scband-single-layer-gcnnetwork-41918880809421 (READ-ONLY COPY).

The authoritative reference and input builder live on the scoring server;
editing this copy changes nothing except your own understanding.
"""

import jax, jax.numpy as jnp
import numpy as np

N_NODES = 10000
N_EDGES = 320000
D_FEAT = 128

def gcn_conv(x, edge_index, W, b):
    # Faithful GCNConv: add self-loops, symmetric D^-1/2 A D^-1/2 normalization,
    # linear transform, scatter-add aggregation, bias.
    N = x.shape[0]
    loop = jnp.arange(N, dtype=edge_index.dtype)
    src = jnp.concatenate([edge_index[0], loop])
    dst = jnp.concatenate([edge_index[1], loop])
    deg = jnp.zeros((N,), dtype=x.dtype).at[dst].add(1.0)
    dinv = jnp.where(deg > 0, jax.lax.rsqrt(deg), 0.0)
    norm = dinv[src] * dinv[dst]
    h = x @ W
    msg = h[src] * norm[:, None]
    out = jnp.zeros((N, W.shape[1]), dtype=x.dtype).at[dst].add(msg)
    return out + b

def setup_inputs(seed: int = 0) -> dict:
    key = jax.random.key(seed)
    ks = jax.random.split(key, 8)
    building_x = jax.random.normal(ks[0], (N_NODES, D_FEAT), dtype=jnp.float32)
    edge_index = jax.random.randint(ks[1], (2, N_EDGES), 0, N_NODES, dtype=jnp.int32)
    def glorot(k, fan_in, fan_out):
        s = float(np.sqrt(6.0 / (fan_in + fan_out)))
        return jax.random.uniform(k, (fan_in, fan_out), dtype=jnp.float32, minval=-s, maxval=s)
    W1 = glorot(ks[2], D_FEAT, 256)
    b1 = jnp.zeros((256,), dtype=jnp.float32)
    W2 = glorot(ks[3], 256, 128)
    b2 = jnp.zeros((128,), dtype=jnp.float32)
    W3 = glorot(ks[4], 128, 2)
    b3 = jnp.zeros((2,), dtype=jnp.float32)
    return {"building_x": building_x, "edge_index": edge_index,
            "W1": W1, "b1": b1, "W2": W2, "b2": b2, "W3": W3, "b3": b3}

def reference(building_x, edge_index, W1, b1, W2, b2, W3, b3):
    # Single community covering all nodes: local_to_global = arange(N), so the
    # batched subgraph equals the full graph and the final scatter-overwrite
    # into combined_output is the identity placement. Dropout is eval-mode (identity).
    x = gcn_conv(building_x, edge_index, W1, b1)
    x = jax.nn.relu(x)
    x = gcn_conv(x, edge_index, W2, b2)
    x = jax.nn.relu(x)
    x = gcn_conv(x, edge_index, W3, b3)
    combined_output = jnp.zeros((building_x.shape[0], 2), dtype=building_x.dtype)
    combined_output = combined_output.at[jnp.arange(building_x.shape[0])].set(x)
    return jax.nn.log_softmax(combined_output, axis=1)

if __name__ == "__main__":
    import jax
    _d = setup_inputs()
    print(jax.jit(kernel)(*tuple(_d.values())))

</pallas_src>

<mosaic_0001>
#map = affine_map<(d0, d1) -> (0, 0)>
#map1 = affine_map<(d0, d1) -> (0, 0, 0)>
module attributes {stable_mosaic.version = 14 : i64} {
  func.func @agg(%arg0: i32, %arg1: i32, %arg2: memref<10000x16xf32, #tpu.memory_space<hbm>>, %arg3: memref<32x81x128xi32, #tpu.memory_space<hbm>>, %arg4: memref<32x81x128xi32, #tpu.memory_space<hbm>>, %arg5: memref<2x10240x16xf32, #tpu.memory_space<hbm>>, %arg6: memref<81x128xi32, #tpu.memory_space<vmem>>, %arg7: memref<81x128xi32, #tpu.memory_space<vmem>>, %arg8: memref<128x16xf32, #tpu.memory_space<vmem>>, %arg9: memref<128x16xf32, #tpu.memory_space<vmem>>, %arg10: memref<128x16xf32, #tpu.memory_space<vmem>>, %arg11: memref<10240x16xf32, #tpu.memory_space<vmem_shared>>, %arg12: memref<!tpu.dma_semaphore, #tpu.memory_space<semaphore_mem>>, %arg13: memref<!tpu.dma_semaphore, #tpu.memory_space<semaphore_mem>>, %arg14: memref<!tpu.dma_semaphore, #tpu.memory_space<semaphore_mem>>, %arg15: memref<!tpu.dma_semaphore, #tpu.memory_space<semaphore_mem>>, %arg16: memref<!tpu.dma_semaphore, #tpu.memory_space<semaphore_mem>>, %arg17: memref<!tpu.dma_semaphore, #tpu.memory_space<semaphore_mem>>) attributes {dimension_semantics = [#tpu.dimension_semantics<core_parallel>, #tpu.dimension_semantics<subcore_parallel>], iteration_bounds = array<i64: 2, 16>, scalar_prefetch = 0 : i64, scratch_operands = 12 : i64, tpu.core_type = #tpu.core_type<sc_vector_subcore>, window_params = [{transform_indices = #map}, {transform_indices = #map1}, {transform_indices = #map1}, {transform_indices = #map1}]} {
    %mul3A = arith.constant 2 : i32
    %mul3A_0 = arith.muli %arg1, %mul3A : i32
    %add3A = arith.addi %mul3A_0, %arg0 : i32
    "tpu.region"() ({
      %run_scoped3A_97 = tpu.sem_alloc : memref<!tpu.dma_semaphore, #tpu.memory_space<semaphore_mem>>
      %dma_start3A_98 = arith.constant 0 : i32
      %dma_start3A_99 = arith.constant 0 : i32
      %dma_start3A_100 = tpu.memref_slice %arg3[%add3A, %dma_start3A_98, %dma_start3A_99] : memref<32x81x128xi32, #tpu.memory_space<hbm>> -> memref<1x81x128xi32, #tpu.memory_space<hbm>>
      %dma_start3A_101 = tpu.memref_squeeze %dma_start3A_100 : memref<1x81x128xi32, #tpu.memory_space<hbm>> -> memref<81x128xi32, #tpu.memory_space<hbm>>
      %dma_start3A_102 = arith.constant 0 : i32
      %dma_start3A_103 = arith.constant 0 : i32
      %dma_start3A_104 = tpu.memref_slice %arg3[%add3A, %dma_start3A_102, %dma_start3A_103] : memref<32x81x128xi32, #tpu.memory_space<hbm>> -> memref<1x81x128xi32, #tpu.memory_space<hbm>>
      %dma_start3A_105 = tpu.memref_squeeze %dma_start3A_104 : memref<1x81x128xi32, #tpu.memory_space<hbm>> -> memref<81x128xi32, #tpu.memory_space<hbm>>
      tpu.enqueue_dma source(%dma_start3A_105 : memref<81x128xi32, #tpu.memory_space<hbm>>) target(%arg6 : memref<81x128xi32, #tpu.memory_space<vmem>>) target_semaphore(%run_scoped3A_97 : memref<!tpu.dma_semaphore, #tpu.memory_space<semaphore_mem>>)
      %dma_wait3A_106 = arith.constant 0 : i32
      %dma_wait3A_107 = arith.constant 0 : i32
      %dma_wait3A_108 = tpu.memref_slice %arg3[%add3A, %dma_wait3A_106, %dma_wait3A_107] : memref<32x81x128xi32, #tpu.memory_space<hbm>> -> memref<1x81x128xi32, #tpu.memory_space<hbm>>
      %dma_wait3A_109 = tpu.memref_squeeze %dma_wait3A_108 : memref<1x81x128xi32, #tpu.memory_space<hbm>> -> memref<81x128xi32, #tpu.memory_space<hbm>>
      %dma_wait3A_110 = arith.constant 0 : i32
      %dma_wait3A_111 = arith.constant 0 : i32
      %dma_wait3A_112 = tpu.memref_slice %arg3[%add3A, %dma_wait3A_110, %dma_wait3A_111] : memref<32x81x128xi32, #tpu.memory_space<hbm>> -> memref<1x81x128xi32, #tpu.memory_space<hbm>>
      %dma_wait3A_113 = tpu.memref_squeeze %dma_wait3A_112 : memref<1x81x128xi32, #tpu.memory_space<hbm>> -> memref<81x128xi32, #tpu.memory_space<hbm>>
      tpu.wait_dma2 semaphore(%run_scoped3A_97 : memref<!tpu.dma_semaphore, #tpu.memory_space<semaphore_mem>>) src(%dma_wait3A_113 : memref<81x128xi32, #tpu.memory_space<hbm>>) dst(%arg6 : memref<81x128xi32, #tpu.memory_space<vmem>>)
      tpu.yield
    }) : () -> ()
    "tpu.region"() ({
      %run_scoped3A_97 = tpu.sem_alloc : memref<!tpu.dma_semaphore, #tpu.memory_space<semaphore_mem>>
      %dma_start3A_98 = arith.constant 0 : i32
      %dma_start3A_99 = arith.constant 0 : i32
      %dma_start3A_100 = tpu.memref_slice %arg4[%add3A, %dma_start3A_98, %dma_start3A_99] : memref<32x81x128xi32, #tpu.memory_space<hbm>> -> memref<1x81x128xi32, #tpu.memory_space<hbm>>
      %dma_start3A_101 = tpu.memref_squeeze %dma_start3A_100 : memref<1x81x128xi32, #tpu.memory_space<hbm>> -> memref<81x128xi32, #tpu.memory_space<hbm>>
      %dma_start3A_102 = arith.constant 0 : i32
      %dma_start3A_103 = arith.constant 0 : i32
      %dma_start3A_104 = tpu.memref_slice %arg4[%add3A, %dma_start3A_102, %dma_start3A_103] : memref<32x81x128xi32, #tpu.memory_space<hbm>> -> memref<1x81x128xi32, #tpu.memory_space<hbm>>
      %dma_start3A_105 = tpu.memref_squeeze %dma_start3A_104 : memref<1x81x128xi32, #tpu.memory_space<hbm>> -> memref<81x128xi32, #tpu.memory_space<hbm>>
      tpu.enqueue_dma source(%dma_start3A_105 : memref<81x128xi32, #tpu.memory_space<hbm>>) target(%arg7 : memref<81x128xi32, #tpu.memory_space<vmem>>) target_semaphore(%run_scoped3A_97 : memref<!tpu.dma_semaphore, #tpu.memory_space<semaphore_mem>>)
      %dma_wait3A_106 = arith.constant 0 : i32
      %dma_wait3A_107 = arith.constant 0 : i32
      %dma_wait3A_108 = tpu.memref_slice %arg4[%add3A, %dma_wait3A_106, %dma_wait3A_107] : memref<32x81x128xi32, #tpu.memory_space<hbm>> -> memref<1x81x128xi32, #tpu.memory_space<hbm>>
      %dma_wait3A_109 = tpu.memref_squeeze %dma_wait3A_108 : memref<1x81x128xi32, #tpu.memory_space<hbm>> -> memref<81x128xi32, #tpu.memory_space<hbm>>
      %dma_wait3A_110 = arith.constant 0 : i32
      %dma_wait3A_111 = arith.constant 0 : i32
      %dma_wait3A_112 = tpu.memref_slice %arg4[%add3A, %dma_wait3A_110, %dma_wait3A_111] : memref<32x81x128xi32, #tpu.memory_space<hbm>> -> memref<1x81x128xi32, #tpu.memory_space<hbm>>
      %dma_wait3A_113 = tpu.memref_squeeze %dma_wait3A_112 : memref<1x81x128xi32, #tpu.memory_space<hbm>> -> memref<81x128xi32, #tpu.memory_space<hbm>>
      tpu.wait_dma2 semaphore(%run_scoped3A_97 : memref<!tpu.dma_semaphore, #tpu.memory_space<semaphore_mem>>) src(%dma_wait3A_113 : memref<81x128xi32, #tpu.memory_space<hbm>>) dst(%arg7 : memref<81x128xi32, #tpu.memory_space<vmem>>)
      tpu.yield
    }) : () -> ()
    %scan3A = arith.constant 0 : i32
    %scan3A_1 = arith.constant 0 : i32
    %scan3A_2 = arith.constant 128 : i32
    %scan3A_3 = arith.addi %scan3A_1, %scan3A_2 : i32
    %scan3A_4 = arith.constant 1 : i32
    %scan3A_5 = scf.for %scan3A_97 = %scan3A_1 to %scan3A_3 step %scan3A_4 iter_args(%scan3A_98 = %scan3A) -> (i32)  : i32 {
      %broadcast_in_dim3A = arith.constant 0.000000e+00 : f32
      %broadcast_in_dim3A_99 = vector.broadcast %broadcast_in_dim3A : f32 to vector<16xf32>
      %swap3A = arith.index_cast %scan3A_97 : i32 to index
      %swap3A_100 = arith.constant 0 : index
      %swap3A_101 = tpu.vector_load %arg8[%swap3A, %swap3A_100] {strides = array<i32>} : memref<128x16xf32, #tpu.memory_space<vmem>>, vector<1x16xf32>,
      %swap3A_102 = vector.shape_cast %swap3A_101 : vector<1x16xf32> to vector<16xf32>
      %swap3A_103 = vector.shape_cast %broadcast_in_dim3A_99 : vector<16xf32> to vector<1x16xf32>
      tpu.vector_store %arg8[%swap3A, %swap3A_100], %swap3A_103 {strides = array<i32>} : memref<128x16xf32, #tpu.memory_space<vmem>>, vector<1x16xf32>,
      %scan3A_104 = arith.constant 0 : i32
      scf.yield %scan3A_104 : i32
    }
    %scan3A_6 = arith.constant 128 : i32
    %mul3A_7 = arith.constant 640 : i32
    %mul3A_8 = arith.muli %arg1, %mul3A_7 : i32
    %add3A_9 = arith.constant 0 : i32
    %add3A_10 = arith.addi %mul3A_8, %add3A_9 : i32
    "tpu.region"() ({
      %run_scoped3A_97 = tpu.sem_alloc : memref<!tpu.dma_semaphore, #tpu.memory_space<semaphore_mem>>
      %dma_start3A_98 = arith.constant 0 : i32
      %dma_start3A_99 = tpu.memref_slice %arg11[%add3A_10, %dma_start3A_98] : memref<10240x16xf32, #tpu.memory_space<vmem_shared>> -> memref<128x16xf32, #tpu.memory_space<vmem_shared>>
      %dma_start3A_100 = arith.constant 0 : i32
      %dma_start3A_101 = tpu.memref_slice %arg11[%add3A_10, %dma_start3A_100] : memref<10240x16xf32, #tpu.memory_space<vmem_shared>> -> memref<128x16xf32, #tpu.memory_space<vmem_shared>>
      tpu.enqueue_dma source(%arg8 : memref<128x16xf32, #tpu.memory_space<vmem>>) target(%dma_start3A_101 : memref<128x16xf32, #tpu.memory_space<vmem_shared>>) target_semaphore(%run_scoped3A_97 : memref<!tpu.dma_semaphore, #tpu.memory_space<semaphore_mem>>)
      %dma_wait3A_102 = arith.constant 0 : i32
      %dma_wait3A_103 = tpu.memref_slice %arg11[%add3A_10, %dma_wait3A_102] : memref<10240x16xf32, #tpu.memory_space<vmem_shared>> -> memref<128x16xf32, #tpu.memory_space<vmem_shared>>
      %dma_wait3A_104 = arith.constant 0 : i32
      %dma_wait3A_105 = tpu.memref_slice %arg11[%add3A_10, %dma_wait3A_104] : memref<10240x16xf32, #tpu.memory_space<vmem_shared>> -> memref<128x16xf32, #tpu.memory_space<vmem_shared>>
      tpu.wait_dma2 semaphore(%run_scoped3A_97 : memref<!tpu.dma_semaphore, #tpu.memory_space<semaphore_mem>>) src(%arg8 : memref<128x16xf32, #tpu.memory_space<vmem>>) dst(%dma_wait3A_105 : memref<128x16xf32, #tpu.memory_space<vmem_shared>>)
      tpu.yield
    }) : () -> ()
    %mul3A_11 = arith.constant 640 : i32
    %mul3A_12 = arith.muli %arg1, %mul3A_11 : i32
    %add3A_13 = arith.constant 128 : i32
    %add3A_14 = arith.addi %mul3A_12, %add3A_13 : i32
    "tpu.region"() ({
      %run_scoped3A_97 = tpu.sem_alloc : memref<!tpu.dma_semaphore, #tpu.memory_space<semaphore_mem>>
      %dma_start3A_98 = arith.constant 0 : i32
      %dma_start3A_99 = tpu.memref_slice %arg11[%add3A_14, %dma_start3A_98] : memref<10240x16xf32, #tpu.memory_space<vmem_shared>> -> memref<128x16xf32, #tpu.memory_space<vmem_shared>>
      %dma_start3A_100 = arith.constant 0 : i32
      %dma_start3A_101 = tpu.memref_slice %arg11[%add3A_14, %dma_start3A_100] : memref<10240x16xf32, #tpu.memory_space<vmem_shared>> -> memref<128x16xf32, #tpu.memory_space<vmem_shared>>
      tpu.enqueue_dma source(%arg8 : memref<128x16xf32, #tpu.memory_space<vmem>>) target(%dma_start3A_101 : memref<128x16xf32, #tpu.memory_space<vmem_shared>>) target_semaphore(%run_scoped3A_97 : memref<!tpu.dma_semaphore, #tpu.memory_space<semaphore_mem>>)
      %dma_wait3A_102 = arith.constant 0 : i32
      %dma_wait3A_103 = tpu.memref_slice %arg11[%add3A_14, %dma_wait3A_102] : memref<10240x16xf32, #tpu.memory_space<vmem_shared>> -> memref<128x16xf32, #tpu.memory_space<vmem_shared>>
      %dma_wait3A_104 = arith.constant 0 : i32
      %dma_wait3A_105 = tpu.memref_slice %arg11[%add3A_14, %dma_wait3A_104] : memref<10240x16xf32, #tpu.memory_space<vmem_shared>> -> memref<128x16xf32, #tpu.memory_space<vmem_shared>>
      tpu.wait_dma2 semaphore(%run_scoped3A_97 : memref<!tpu.dma_semaphore, #tpu.memory_space<semaphore_mem>>) src(%arg8 : memref<128x16xf32, #tpu.memory_space<vmem>>) dst(%dma_wait3A_105 : memref<128x16xf32, #tpu.memory_space<vmem_shared>>)
      tpu.yield
    }) : () -> ()
    %mul3A_15 = arith.constant 640 : i32
    %mul3A_16 = arith.muli %arg1, %mul3A_15 : i32
    %add3A_17 = arith.constant 256 : i32
    %add3A_18 = arith.addi %mul3A_16, %add3A_17 : i32
    "tpu.region"() ({
      %run_scoped3A_97 = tpu.sem_alloc : memref<!tpu.dma_semaphore, #tpu.memory_space<semaphore_mem>>
      %dma_start3A_98 = arith.constant 0 : i32
      %dma_start3A_99 = tpu.memref_slice %arg11[%add3A_18, %dma_start3A_98] : memref<10240x16xf32, #tpu.memory_space<vmem_shared>> -> memref<128x16xf32, #tpu.memory_space<vmem_shared>>
      %dma_start3A_100 = arith.constant 0 : i32
      %dma_start3A_101 = tpu.memref_slice %arg11[%add3A_18, %dma_start3A_100] : memref<10240x16xf32, #tpu.memory_space<vmem_shared>> -> memref<128x16xf32, #tpu.memory_space<vmem_shared>>
      tpu.enqueue_dma source(%arg8 : memref<128x16xf32, #tpu.memory_space<vmem>>) target(%dma_start3A_101 : memref<128x16xf32, #tpu.memory_space<vmem_shared>>) target_semaphore(%run_scoped3A_97 : memref<!tpu.dma_semaphore, #tpu.memory_space<semaphore_mem>>)
      %dma_wait3A_102 = arith.constant 0 : i32
      %dma_wait3A_103 = tpu.memref_slice %arg11[%add3A_18, %dma_wait3A_102] : memref<10240x16xf32, #tpu.memory_space<vmem_shared>> -> memref<128x16xf32, #tpu.memory_space<vmem_shared>>
      %dma_wait3A_104 = arith.constant 0 : i32
      %dma_wait3A_105 = tpu.memref_slice %arg11[%add3A_18, %dma_wait3A_104] : memref<10240x16xf32, #tpu.memory_space<vmem_shared>> -> memref<128x16xf32, #tpu.memory_space<vmem_shared>>
      tpu.wait_dma2 semaphore(%run_scoped3A_97 : memref<!tpu.dma_semaphore, #tpu.memory_space<semaphore_mem>>) src(%arg8 : memref<128x16xf32, #tpu.memory_space<vmem>>) dst(%dma_wait3A_105 : memref<128x16xf32, #tpu.memory_space<vmem_shared>>)
      tpu.yield
    }) : () -> ()
    %mul3A_19 = arith.constant 640 : i32
    %mul3A_20 = arith.muli %arg1, %mul3A_19 : i32
    %add3A_21 = arith.constant 384 : i32
    %add3A_22 = arith.addi %mul3A_20, %add3A_21 : i32
    "tpu.region"() ({
      %run_scoped3A_97 = tpu.sem_alloc : memref<!tpu.dma_semaphore, #tpu.memory_space<semaphore_mem>>
      %dma_start3A_98 = arith.constant 0 : i32
      %dma_start3A_99 = tpu.memref_slice %arg11[%add3A_22, %dma_start3A_98] : memref<10240x16xf32, #tpu.memory_space<vmem_shared>> -> memref<128x16xf32, #tpu.memory_space<vmem_shared>>
      %dma_start3A_100 = arith.constant 0 : i32
      %dma_start3A_101 = tpu.memref_slice %arg11[%add3A_22, %dma_start3A_100] : memref<10240x16xf32, #tpu.memory_space<vmem_shared>> -> memref<128x16xf32, #tpu.memory_space<vmem_shared>>
      tpu.enqueue_dma source(%arg8 : memref<128x16xf32, #tpu.memory_space<vmem>>) target(%dma_start3A_101 : memref<128x16xf32, #tpu.memory_space<vmem_shared>>) target_semaphore(%run_scoped3A_97 : memref<!tpu.dma_semaphore, #tpu.memory_space<semaphore_mem>>)
      %dma_wait3A_102 = arith.constant 0 : i32
      %dma_wait3A_103 = tpu.memref_slice %arg11[%add3A_22, %dma_wait3A_102] : memref<10240x16xf32, #tpu.memory_space<vmem_shared>> -> memref<128x16xf32, #tpu.memory_space<vmem_shared>>
      %dma_wait3A_104 = arith.constant 0 : i32
      %dma_wait3A_105 = tpu.memref_slice %arg11[%add3A_22, %dma_wait3A_104] : memref<10240x16xf32, #tpu.memory_space<vmem_shared>> -> memref<128x16xf32, #tpu.memory_space<vmem_shared>>
      tpu.wait_dma2 semaphore(%run_scoped3A_97 : memref<!tpu.dma_semaphore, #tpu.memory_space<semaphore_mem>>) src(%arg8 : memref<128x16xf32, #tpu.memory_space<vmem>>) dst(%dma_wait3A_105 : memref<128x16xf32, #tpu.memory_space<vmem_shared>>)
      tpu.yield
    }) : () -> ()
    %mul3A_23 = arith.constant 640 : i32
    %mul3A_24 = arith.muli %arg1, %mul3A_23 : i32
    %add3A_25 = arith.constant 512 : i32
    %add3A_26 = arith.addi %mul3A_24, %add3A_25 : i32
    "tpu.region"() ({
      %run_scoped3A_97 = tpu.sem_alloc : memref<!tpu.dma_semaphore, #tpu.memory_space<semaphore_mem>>
      %dma_start3A_98 = arith.constant 0 : i32
      %dma_start3A_99 = tpu.memref_slice %arg11[%add3A_26, %dma_start3A_98] : memref<10240x16xf32, #tpu.memory_space<vmem_shared>> -> memref<128x16xf32, #tpu.memory_space<vmem_shared>>
      %dma_start3A_100 = arith.constant 0 : i32
      %dma_start3A_101 = tpu.memref_slice %arg11[%add3A_26, %dma_start3A_100] : memref<10240x16xf32, #tpu.memory_space<vmem_shared>> -> memref<128x16xf32, #tpu.memory_space<vmem_shared>>
      tpu.enqueue_dma source(%arg8 : memref<128x16xf32, #tpu.memory_space<vmem>>) target(%dma_start3A_101 : memref<128x16xf32, #tpu.memory_space<vmem_shared>>) target_semaphore(%run_scoped3A_97 : memref<!tpu.dma_semaphore, #tpu.memory_space<semaphore_mem>>)
      %dma_wait3A_102 = arith.constant 0 : i32
      %dma_wait3A_103 = tpu.memref_slice %arg11[%add3A_26, %dma_wait3A_102] : memref<10240x16xf32, #tpu.memory_space<vmem_shared>> -> memref<128x16xf32, #tpu.memory_space<vmem_shared>>
      %dma_wait3A_104 = arith.constant 0 : i32
      %dma_wait3A_105 = tpu.memref_slice %arg11[%add3A_26, %dma_wait3A_104] : memref<10240x16xf32, #tpu.memory_space<vmem_shared>> -> memref<128x16xf32, #tpu.memory_space<vmem_shared>>
      tpu.wait_dma2 semaphore(%run_scoped3A_97 : memref<!tpu.dma_semaphore, #tpu.memory_space<semaphore_mem>>) src(%arg8 : memref<128x16xf32, #tpu.memory_space<vmem>>) dst(%dma_wait3A_105 : memref<128x16xf32, #tpu.memory_space<vmem_shared>>)
      tpu.yield
    }) : () -> ()
    %barrier3A = arith.constant 0 : index
    tpu.barrier barrier_id(%barrier3A)
    %dma_start3A = arith.constant 0 : i32
    %dma_start3A_27 = arith.constant 0 : i32
    %dma_start3A_28 = tpu.memref_slice %arg6[%dma_start3A, %dma_start3A_27] : memref<81x128xi32, #tpu.memory_space<vmem>> -> memref<1x128xi32, #tpu.memory_space<vmem>>
    %dma_start3A_29 = tpu.memref_squeeze %dma_start3A_28 : memref<1x128xi32, #tpu.memory_space<vmem>> -> memref<128xi32, #tpu.memory_space<vmem>>
    %dma_start3A_30 = arith.constant 0 : i32
    %dma_start3A_31 = arith.constant 0 : i32
    %dma_start3A_32 = tpu.memref_slice %arg2[%dma_start3A_30, %dma_start3A_31] : memref<10000x16xf32, #tpu.memory_space<hbm>> -> memref<10000x16xf32, #tpu.memory_space<hbm>>
    tpu.enqueue_indirect_dma source(%dma_start3A_32 : memref<10000x16xf32, #tpu.memory_space<hbm>>) target(%arg8 : memref<128x16xf32, #tpu.memory_space<vmem>>) offsets(%dma_start3A_29 : memref<128xi32, #tpu.memory_space<vmem>>) semaphore(%arg12 : memref<!tpu.dma_semaphore, #tpu.memory_space<semaphore_mem>>)
    %dma_start3A_33 = arith.constant 1 : i32
    %dma_start3A_34 = arith.constant 0 : i32
    %dma_start3A_35 = tpu.memref_slice %arg6[%dma_start3A_33, %dma_start3A_34] : memref<81x128xi32, #tpu.memory_space<vmem>> -> memref<1x128xi32, #tpu.memory_space<vmem>>
    %dma_start3A_36 = tpu.memref_squeeze %dma_start3A_35 : memref<1x128xi32, #tpu.memory_space<vmem>> -> memref<128xi32, #tpu.memory_space<vmem>>
    %dma_start3A_37 = arith.constant 0 : i32
    %dma_start3A_38 = arith.constant 0 : i32
    %dma_start3A_39 = tpu.memref_slice %arg2[%dma_start3A_37, %dma_start3A_38] : memref<10000x16xf32, #tpu.memory_space<hbm>> -> memref<10000x16xf32, #tpu.memory_space<hbm>>
    tpu.enqueue_indirect_dma source(%dma_start3A_39 : memref<10000x16xf32, #tpu.memory_space<hbm>>) target(%arg9 : memref<128x16xf32, #tpu.memory_space<vmem>>) offsets(%dma_start3A_36 : memref<128xi32, #tpu.memory_space<vmem>>) semaphore(%arg13 : memref<!tpu.dma_semaphore, #tpu.memory_space<semaphore_mem>>)
    %dma_start3A_40 = arith.constant 2 : i32
    %dma_start3A_41 = arith.constant 0 : i32
    %dma_start3A_42 = tpu.memref_slice %arg6[%dma_start3A_40, %dma_start3A_41] : memref<81x128xi32, #tpu.memory_space<vmem>> -> memref<1x128xi32, #tpu.memory_space<vmem>>
    %dma_start3A_43 = tpu.memref_squeeze %dma_start3A_42 : memref<1x128xi32, #tpu.memory_space<vmem>> -> memref<128xi32, #tpu.memory_space<vmem>>
    %dma_start3A_44 = arith.constant 0 : i32
    %dma_start3A_45 = arith.constant 0 : i32
    %dma_start3A_46 = tpu.memref_slice %arg2[%dma_start3A_44, %dma_start3A_45] : memref<10000x16xf32, #tpu.memory_space<hbm>> -> memref<10000x16xf32, #tpu.memory_space<hbm>>
    tpu.enqueue_indirect_dma source(%dma_start3A_46 : memref<10000x16xf32, #tpu.memory_space<hbm>>) target(%arg10 : memref<128x16xf32, #tpu.memory_space<vmem>>) offsets(%dma_start3A_43 : memref<128xi32, #tpu.memory_space<vmem>>) semaphore(%arg14 : memref<!tpu.dma_semaphore, #tpu.memory_space<semaphore_mem>>)
    %scan3A_47 = arith.constant 0 : i32
    %scan3A_48 = arith.constant 0 : i32
    %scan3A_49 = arith.constant 26 : i32
    %scan3A_50 = arith.addi %scan3A_48, %scan3A_49 : i32
    %scan3A_51 = arith.constant 1 : i32
    %scan3A_52 = scf.for %scan3A_97 = %scan3A_48 to %scan3A_50 step %scan3A_51 iter_args(%scan3A_98 = %scan3A_47) -> (i32)  : i32 {
      %mul3A_99 = arith.constant 3 : i32
      %mul3A_100 = arith.muli %mul3A_99, %scan3A_97 : i32
      %add3A_101 = arith.constant 0 : i32
      %add3A_102 = arith.addi %mul3A_100, %add3A_101 : i32
      %dma_wait3A_103 = arith.constant 0 : i32
      %dma_wait3A_104 = tpu.memref_slice %arg6[%add3A_102, %dma_wait3A_103] : memref<81x128xi32, #tpu.memory_space<vmem>> -> memref<1x128xi32, #tpu.memory_space<vmem>>
      %dma_wait3A_105 = tpu.memref_squeeze %dma_wait3A_104 : memref<1x128xi32, #tpu.memory_space<vmem>> -> memref<128xi32, #tpu.memory_space<vmem>>
      %dma_wait3A_106 = arith.constant 0 : i32
      %dma_wait3A_107 = arith.constant 0 : i32
      %dma_wait3A_108 = tpu.memref_slice %arg2[%dma_wait3A_106, %dma_wait3A_107] : memref<10000x16xf32, #tpu.memory_space<hbm>> -> memref<10000x16xf32, #tpu.memory_space<hbm>>
      tpu.wait_indirect_dma semaphore(%arg12 : memref<!tpu.dma_semaphore, #tpu.memory_space<semaphore_mem>>) src(%dma_wait3A_108 : memref<10000x16xf32, #tpu.memory_space<hbm>>) dst(%arg8 : memref<128x16xf32, #tpu.memory_space<vmem>>)
      %add3A_109 = arith.constant 0 : i32
      %add3A_110 = arith.addi %mul3A_100, %add3A_109 : i32
      %dma_start3A_111 = arith.constant 0 : i32
      %dma_start3A_112 = tpu.memref_slice %arg7[%add3A_110, %dma_start3A_111] : memref<81x128xi32, #tpu.memory_space<vmem>> -> memref<1x128xi32, #tpu.memory_space<vmem>>
      %dma_start3A_113 = tpu.memref_squeeze %dma_start3A_112 : memref<1x128xi32, #tpu.memory_space<vmem>> -> memref<128xi32, #tpu.memory_space<vmem>>
      %dma_start3A_114 = arith.constant 0 : i32
      %dma_start3A_115 = arith.constant 0 : i32
      %dma_start3A_116 = tpu.memref_slice %arg11[%dma_start3A_114, %dma_start3A_115] : memref<10240x16xf32, #tpu.memory_space<vmem_shared>> -> memref<10240x16xf32, #tpu.memory_space<vmem_shared>>
      tpu.enqueue_indirect_dma source(%arg8 : memref<128x16xf32, #tpu.memory_space<vmem>>) target(%dma_start3A_116 : memref<10240x16xf32, #tpu.memory_space<vmem_shared>>) offsets(%dma_start3A_113 : memref<128xi32, #tpu.memory_space<vmem>>) semaphore(%arg15 : memref<!tpu.dma_semaphore, #tpu.memory_space<semaphore_mem>>) {add = true}
      %add3A_117 = arith.constant 1 : i32
      %add3A_118 = arith.addi %mul3A_100, %add3A_117 : i32
      %dma_wait3A_119 = arith.constant 0 : i32
      %dma_wait3A_120 = tpu.memref_slice %arg6[%add3A_118, %dma_wait3A_119] : memref<81x128xi32, #tpu.memory_space<vmem>> -> memref<1x128xi32, #tpu.memory_space<vmem>>
      %dma_wait3A_121 = tpu.memref_squeeze %dma_wait3A_120 : memref<1x128xi32, #tpu.memory_space<vmem>> -> memref<128xi32, #tpu.memory_space<vmem>>
      %dma_wait3A_122 = arith.constant 0 : i32
      %dma_wait3A_123 = arith.constant 0 : i32
      %dma_wait3A_124 = tpu.memref_slice %arg2[%dma_wait3A_122, %dma_wait3A_123] : memref<10000x16xf32, #tpu.memory_space<hbm>> -> memref<10000x16xf32, #tpu.memory_space<hbm>>
      tpu.wait_indirect_dma semaphore(%arg13 : memref<!tpu.dma_semaphore, #tpu.memory_space<semaphore_mem>>) src(%dma_wait3A_124 : memref<10000x16xf32, #tpu.memory_space<hbm>>) dst(%arg9 : memref<128x16xf32, #tpu.memory_space<vmem>>)
      %add3A_125 = arith.constant 1 : i32
      %add3A_126 = arith.addi %mul3A_100, %add3A_125 : i32
      %dma_start3A_127 = arith.constant 0 : i32
      %dma_start3A_128 = tpu.memref_slice %arg7[%add3A_126, %dma_start3A_127] : memref<81x128xi32, #tpu.memory_space<vmem>> -> memref<1x128xi32, #tpu.memory_space<vmem>>
      %dma_start3A_129 = tpu.memref_squeeze %dma_start3A_128 : memref<1x128xi32, #tpu.memory_space<vmem>> -> memref<128xi32, #tpu.memory_space<vmem>>
      %dma_start3A_130 = arith.constant 0 : i32
      %dma_start3A_131 = arith.constant 0 : i32
      %dma_start3A_132 = tpu.memref_slice %arg11[%dma_start3A_130, %dma_start3A_131] : memref<10240x16xf32, #tpu.memory_space<vmem_shared>> -> memref<10240x16xf32, #tpu.memory_space<vmem_shared>>
      tpu.enqueue_indirect_dma source(%arg9 : memref<128x16xf32, #tpu.memory_space<vmem>>) target(%dma_start3A_132 : memref<10240x16xf32, #tpu.memory_space<vmem_shared>>) offsets(%dma_start3A_129 : memref<128xi32, #tpu.memory_space<vmem>>) semaphore(%arg16 : memref<!tpu.dma_semaphore, #tpu.memory_space<semaphore_mem>>) {add = true}
      %add3A_133 = arith.constant 2 : i32
      %add3A_134 = arith.addi %mul3A_100, %add3A_133 : i32
      %dma_wait3A_135 = arith.constant 0 : i32
      %dma_wait3A_136 = tpu.memref_slice %arg6[%add3A_134, %dma_wait3A_135] : memref<81x128xi32, #tpu.memory_space<vmem>> -> memref<1x128xi32, #tpu.memory_space<vmem>>
      %dma_wait3A_137 = tpu.memref_squeeze %dma_wait3A_136 : memref<1x128xi32, #tpu.memory_space<vmem>> -> memref<128xi32, #tpu.memory_space<vmem>>
      %dma_wait3A_138 = arith.constant 0 : i32
      %dma_wait3A_139 = arith.constant 0 : i32
      %dma_wait3A_140 = tpu.memref_slice %arg2[%dma_wait3A_138, %dma_wait3A_139] : memref<10000x16xf32, #tpu.memory_space<hbm>> -> memref<10000x16xf32, #tpu.memory_space<hbm>>
      tpu.wait_indirect_dma semaphore(%arg14 : memref<!tpu.dma_semaphore, #tpu.memory_space<semaphore_mem>>) src(%dma_wait3A_140 : memref<10000x16xf32, #tpu.memory_space<hbm>>) dst(%arg10 : memref<128x16xf32, #tpu.memory_space<vmem>>)
      %add3A_141 = arith.constant 2 : i32
      %add3A_142 = arith.addi %mul3A_100, %add3A_141 : i32
      %dma_start3A_143 = arith.constant 0 : i32
      %dma_start3A_144 = tpu.memref_slice %arg7[%add3A_142, %dma_start3A_143] : memref<81x128xi32, #tpu.memory_space<vmem>> -> memref<1x128xi32, #tpu.memory_space<vmem>>
      %dma_start3A_145 = tpu.memref_squeeze %dma_start3A_144 : memref<1x128xi32, #tpu.memory_space<vmem>> -> memref<128xi32, #tpu.memory_space<vmem>>
      %dma_start3A_146 = arith.constant 0 : i32
      %dma_start3A_147 = arith.constant 0 : i32
      %dma_start3A_148 = tpu.memref_slice %arg11[%dma_start3A_146, %dma_start3A_147] : memref<10240x16xf32, #tpu.memory_space<vmem_shared>> -> memref<10240x16xf32, #tpu.memory_space<vmem_shared>>
      tpu.enqueue_indirect_dma source(%arg10 : memref<128x16xf32, #tpu.memory_space<vmem>>) target(%dma_start3A_148 : memref<10240x16xf32, #tpu.memory_space<vmem_shared>>) offsets(%dma_start3A_145 : memref<128xi32, #tpu.memory_space<vmem>>) semaphore(%arg17 : memref<!tpu.dma_semaphore, #tpu.memory_space<semaphore_mem>>) {add = true}
      %add3A_149 = arith.constant 0 : i32
      %add3A_150 = arith.addi %mul3A_100, %add3A_149 : i32
      %dma_wait3A_151 = arith.constant 0 : i32
      %dma_wait3A_152 = tpu.memref_slice %arg7[%add3A_150, %dma_wait3A_151] : memref<81x128xi32, #tpu.memory_space<vmem>> -> memref<1x128xi32, #tpu.memory_space<vmem>>
      %dma_wait3A_153 = tpu.memref_squeeze %dma_wait3A_152 : memref<1x128xi32, #tpu.memory_space<vmem>> -> memref<128xi32, #tpu.memory_space<vmem>>
      %dma_wait3A_154 = arith.constant 0 : i32
      %dma_wait3A_155 = arith.constant 0 : i32
      %dma_wait3A_156 = tpu.memref_slice %arg11[%dma_wait3A_154, %dma_wait3A_155] : memref<10240x16xf32, #tpu.memory_space<vmem_shared>> -> memref<10240x16xf32, #tpu.memory_space<vmem_shared>>
      tpu.wait_indirect_dma semaphore(%arg15 : memref<!tpu.dma_semaphore, #tpu.memory_space<semaphore_mem>>) src(%arg8 : memref<128x16xf32, #tpu.memory_space<vmem>>) dst(%dma_wait3A_156 : memref<10240x16xf32, #tpu.memory_space<vmem_shared>>)
      %add3A_157 = arith.constant 3 : i32
      %add3A_158 = arith.addi %mul3A_100, %add3A_157 : i32
      %add3A_159 = arith.constant 0 : i32
      %add3A_160 = arith.addi %add3A_158, %add3A_159 : i32
      %dma_start3A_161 = arith.constant 0 : i32
      %dma_start3A_162 = tpu.memref_slice %arg6[%add3A_160, %dma_start3A_161] : memref<81x128xi32, #tpu.memory_space<vmem>> -> memref<1x128xi32, #tpu.memory_space<vmem>>
      %dma_start3A_163 = tpu.memref_squeeze %dma_start3A_162 : memref<1x128xi32, #tpu.memory_space<vmem>> -> memref<128xi32, #tpu.memory_space<vmem>>
      %dma_start3A_164 = arith.constant 0 : i32
      %dma_start3A_165 = arith.constant 0 : i32
      %dma_start3A_166 = tpu.memref_slice %arg2[%dma_start3A_164, %dma_start3A_165] : memref<10000x16xf32, #tpu.memory_space<hbm>> -> memref<10000x16xf32, #tpu.memory_space<hbm>>
      tpu.enqueue_indirect_dma source(%dma_start3A_166 : memref<10000x16xf32, #tpu.memory_space<hbm>>) target(%arg8 : memref<128x16xf32, #tpu.memory_space<vmem>>) offsets(%dma_start3A_163 : memref<128xi32, #tpu.memory_space<vmem>>) semaphore(%arg12 : memref<!tpu.dma_semaphore, #tpu.memory_space<semaphore_mem>>)
      %add3A_167 = arith.constant 1 : i32
      %add3A_168 = arith.addi %mul3A_100, %add3A_167 : i32
      %dma_wait3A_169 = arith.constant 0 : i32
      %dma_wait3A_170 = tpu.memref_slice %arg7[%add3A_168, %dma_wait3A_169] : memref<81x128xi32, #tpu.memory_space<vmem>> -> memref<1x128xi32, #tpu.memory_space<vmem>>
      %dma_wait3A_171 = tpu.memref_squeeze %dma_wait3A_170 : memref<1x128xi32, #tpu.memory_space<vmem>> -> memref<128xi32, #tpu.memory_space<vmem>>
      %dma_wait3A_172 = arith.constant 0 : i32
      %dma_wait3A_173 = arith.constant 0 : i32
      %dma_wait3A_174 = tpu.memref_slice %arg11[%dma_wait3A_172, %dma_wait3A_173] : memref<10240x16xf32, #tpu.memory_space<vmem_shared>> -> memref<10240x16xf32, #tpu.memory_space<vmem_shared>>
      tpu.wait_indirect_dma semaphore(%arg16 : memref<!tpu.dma_semaphore, #tpu.memory_space<semaphore_mem>>) src(%arg9 : memref<128x16xf32, #tpu.memory_space<vmem>>) dst(%dma_wait3A_174 : memref<10240x16xf32, #tpu.memory_space<vmem_shared>>)
      %add3A_175 = arith.constant 3 : i32
      %add3A_176 = arith.addi %mul3A_100, %add3A_175 : i32
      %add3A_177 = arith.constant 1 : i32
      %add3A_178 = arith.addi %add3A_176, %add3A_177 : i32
      %dma_start3A_179 = arith.constant 0 : i32
      %dma_start3A_180 = tpu.memref_slice %arg6[%add3A_178, %dma_start3A_179] : memref<81x128xi32, #tpu.memory_space<vmem>> -> memref<1x128xi32, #tpu.memory_space<vmem>>
      %dma_start3A_181 = tpu.memref_squeeze %dma_start3A_180 : memref<1x128xi32, #tpu.memory_space<vmem>> -> memref<128xi32, #tpu.memory_space<vmem>>
      %dma_start3A_182 = arith.constant 0 : i32
      %dma_start3A_183 = arith.constant 0 : i32
      %dma_start3A_184 = tpu.memref_slice %arg2[%dma_start3A_182, %dma_start3A_183] : memref<10000x16xf32, #tpu.memory_space<hbm>> -> memref<10000x16xf32, #tpu.memory_space<hbm>>
      tpu.enqueue_indirect_dma source(%dma_start3A_184 : memref<10000x16xf32, #tpu.memory_space<hbm>>) target(%arg9 : memref<128x16xf32, #tpu.memory_space<vmem>>) offsets(%dma_start3A_181 : memref<128xi32, #tpu.memory_space<vmem>>) semaphore(%arg13 : memref<!tpu.dma_semaphore, #tpu.memory_space<semaphore_mem>>)
      %add3A_185 = arith.constant 2 : i32
      %add3A_186 = arith.addi %mul3A_100, %add3A_185 : i32
      %dma_wait3A_187 = arith.constant 0 : i32
      %dma_wait3A_188 = tpu.memref_slice %arg7[%add3A_186, %dma_wait3A_187] : memref<81x128xi32, #tpu.memory_space<vmem>> -> memref<1x128xi32, #tpu.memory_space<vmem>>
      %dma_wait3A_189 = tpu.memref_squeeze %dma_wait3A_188 : memref<1x128xi32, #tpu.memory_space<vmem>> -> memref<128xi32, #tpu.memory_space<vmem>>
      %dma_wait3A_190 = arith.constant 0 : i32
      %dma_wait3A_191 = arith.constant 0 : i32
      %dma_wait3A_192 = tpu.memref_slice %arg11[%dma_wait3A_190, %dma_wait3A_191] : memref<10240x16xf32, #tpu.memory_space<vmem_shared>> -> memref<10240x16xf32, #tpu.memory_space<vmem_shared>>
      tpu.wait_indirect_dma semaphore(%arg17 : memref<!tpu.dma_semaphore, #tpu.memory_space<semaphore_mem>>) src(%arg10 : memref<128x16xf32, #tpu.memory_space<vmem>>) dst(%dma_wait3A_192 : memref<10240x16xf32, #tpu.memory_space<vmem_shared>>)
      %add3A_193 = arith.constant 3 : i32
      %add3A_194 = arith.addi %mul3A_100, %add3A_193 : i32
      %add3A_195 = arith.constant 2 : i32
      %add3A_196 = arith.addi %add3A_194, %add3A_195 : i32
      %dma_start3A_197 = arith.constant 0 : i32
      %dma_start3A_198 = tpu.memref_slice %arg6[%add3A_196, %dma_start3A_197] : memref<81x128xi32, #tpu.memory_space<vmem>> -> memref<1x128xi32, #tpu.memory_space<vmem>>
      %dma_start3A_199 = tpu.memref_squeeze %dma_start3A_198 : memref<1x128xi32, #tpu.memory_space<vmem>> -> memref<128xi32, #tpu.memory_space<vmem>>
      %dma_start3A_200 = arith.constant 0 : i32
      %dma_start3A_201 = arith.constant 0 : i32
      %dma_start3A_202 = tpu.memref_slice %arg2[%dma_start3A_200, %dma_start3A_201] : memref<10000x16xf32, #tpu.memory_space<hbm>> -> memref<10000x16xf32, #tpu.memory_space<hbm>>
      tpu.enqueue_indirect_dma source(%dma_start3A_202 : memref<10000x16xf32, #tpu.memory_space<hbm>>) target(%arg10 : memref<128x16xf32, #tpu.memory_space<vmem>>) offsets(%dma_start3A_199 : memref<128xi32, #tpu.memory_space<vmem>>) semaphore(%arg14 : memref<!tpu.dma_semaphore, #tpu.memory_space<semaphore_mem>>)
      %scan3A_203 = arith.constant 0 : i32
      scf.yield %scan3A_203 : i32
    }
    %scan3A_53 = arith.constant 26 : i32
    %dma_wait3A = arith.constant 78 : i32
    %dma_wait3A_54 = arith.constant 0 : i32
    %dma_wait3A_55 = tpu.memref_slice %arg6[%dma_wait3A, %dma_wait3A_54] : memref<81x128xi32, #tpu.memory_space<vmem>> -> memref<1x128xi32, #tpu.memory_space<vmem>>
    %dma_wait3A_56 = tpu.memref_squeeze %dma_wait3A_55 : memref<1x128xi32, #tpu.memory_space<vmem>> -> memref<128xi32, #tpu.memory_space<vmem>>
    %dma_wait3A_57 = arith.constant 0 : i32
    %dma_wait3A_58 = arith.constant 0 : i32
    %dma_wait3A_59 = tpu.memref_slice %arg2[%dma_wait3A_57, %dma_wait3A_58] : memref<10000x16xf32, #tpu.memory_space<hbm>> -> memref<10000x16xf32, #tpu.memory_space<hbm>>
    tpu.wait_indirect_dma semaphore(%arg12 : memref<!tpu.dma_semaphore, #tpu.memory_space<semaphore_mem>>) src(%dma_wait3A_59 : memref<10000x16xf32, #tpu.memory_space<hbm>>) dst(%arg8 : memref<128x16xf32, #tpu.memory_space<vmem>>)
    %run_scoped3A = arith.constant 78 : i32
    "tpu.region"() ({
      %run_scoped3A_97 = tpu.sem_alloc : memref<!tpu.dma_semaphore, #tpu.memory_space<semaphore_mem>>
      %dma_start3A_98 = arith.constant 0 : i32
      %dma_start3A_99 = tpu.memref_slice %arg7[%run_scoped3A, %dma_start3A_98] : memref<81x128xi32, #tpu.memory_space<vmem>> -> memref<1x128xi32, #tpu.memory_space<vmem>>
      %dma_start3A_100 = tpu.memref_squeeze %dma_start3A_99 : memref<1x128xi32, #tpu.memory_space<vmem>> -> memref<128xi32, #tpu.memory_space<vmem>>
      %dma_start3A_101 = arith.constant 0 : i32
      %dma_start3A_102 = arith.constant 0 : i32
      %dma_start3A_103 = tpu.memref_slice %arg11[%dma_start3A_101, %dma_start3A_102] : memref<10240x16xf32, #tpu.memory_space<vmem_shared>> -> memref<10240x16xf32, #tpu.memory_space<vmem_shared>>
      tpu.enqueue_indirect_dma source(%arg8 : memref<128x16xf32, #tpu.memory_space<vmem>>) target(%dma_start3A_103 : memref<10240x16xf32, #tpu.memory_space<vmem_shared>>) offsets(%dma_start3A_100 : memref<128xi32, #tpu.memory_space<vmem>>) semaphore(%run_scoped3A_97 : memref<!tpu.dma_semaphore, #tpu.memory_space<semaphore_mem>>) {add = true}
      %dma_wait3A_104 = arith.constant 0 : i32
      %dma_wait3A_105 = tpu.memref_slice %arg7[%run_scoped3A, %dma_wait3A_104] : memref<81x128xi32, #tpu.memory_space<vmem>> -> memref<1x128xi32, #tpu.memory_space<vmem>>
      %dma_wait3A_106 = tpu.memref_squeeze %dma_wait3A_105 : memref<1x128xi32, #tpu.memory_space<vmem>> -> memref<128xi32, #tpu.memory_space<vmem>>
      %dma_wait3A_107 = arith.constant 0 : i32
      %dma_wait3A_108 = arith.constant 0 : i32
      %dma_wait3A_109 = tpu.memref_slice %arg11[%dma_wait3A_107, %dma_wait3A_108] : memref<10240x16xf32, #tpu.memory_space<vmem_shared>> -> memref<10240x16xf32, #tpu.memory_space<vmem_shared>>
      tpu.wait_indirect_dma semaphore(%run_scoped3A_97 : memref<!tpu.dma_semaphore, #tpu.memory_space<semaphore_mem>>) src(%arg8 : memref<128x16xf32, #tpu.memory_space<vmem>>) dst(%dma_wait3A_109 : memref<10240x16xf32, #tpu.memory_space<vmem_shared>>)
      tpu.yield
    }) : () -> ()
    %dma_wait3A_60 = arith.constant 79 : i32
    %dma_wait3A_61 = arith.constant 0 : i32
    %dma_wait3A_62 = tpu.memref_slice %arg6[%dma_wait3A_60, %dma_wait3A_61] : memref<81x128xi32, #tpu.memory_space<vmem>> -> memref<1x128xi32, #tpu.memory_space<vmem>>
    %dma_wait3A_63 = tpu.memref_squeeze %dma_wait3A_62 : memref<1x128xi32, #tpu.memory_space<vmem>> -> memref<128xi32, #tpu.memory_space<vmem>>
    %dma_wait3A_64 = arith.constant 0 : i32
    %dma_wait3A_65 = arith.constant 0 : i32
    %dma_wait3A_66 = tpu.memref_slice %arg2[%dma_wait3A_64, %dma_wait3A_65] : memref<10000x16xf32, #tpu.memory_space<hbm>> -> memref<10000x16xf32, #tpu.memory_space<hbm>>
    tpu.wait_indirect_dma semaphore(%arg13 : memref<!tpu.dma_semaphore, #tpu.memory_space<semaphore_mem>>) src(%dma_wait3A_66 : memref<10000x16xf32, #tpu.memory_space<hbm>>) dst(%arg9 : memref<128x16xf32, #tpu.memory_space<vmem>>)
    %run_scoped3A_67 = arith.constant 79 : i32
    "tpu.region"() ({
      %run_scoped3A_97 = tpu.sem_alloc : memref<!tpu.dma_semaphore, #tpu.memory_space<semaphore_mem>>
      %dma_start3A_98 = arith.constant 0 : i32
      %dma_start3A_99 = tpu.memref_slice %arg7[%run_scoped3A_67, %dma_start3A_98] : memref<81x128xi32, #tpu.memory_space<vmem>> -> memref<1x128xi32, #tpu.memory_space<vmem>>
      %dma_start3A_100 = tpu.memref_squeeze %dma_start3A_99 : memref<1x128xi32, #tpu.memory_space<vmem>> -> memref<128xi32, #tpu.memory_space<vmem>>
      %dma_start3A_101 = arith.constant 0 : i32
      %dma_start3A_102 = arith.constant 0 : i32
      %dma_start3A_103 = tpu.memref_slice %arg11[%dma_start3A_101, %dma_start3A_102] : memref<10240x16xf32, #tpu.memory_space<vmem_shared>> -> memref<10240x16xf32, #tpu.memory_space<vmem_shared>>
      tpu.enqueue_indirect_dma source(%arg9 : memref<128x16xf32, #tpu.memory_space<vmem>>) target(%dma_start3A_103 : memref<10240x16xf32, #tpu.memory_space<vmem_shared>>) offsets(%dma_start3A_100 : memref<128xi32, #tpu.memory_space<vmem>>) semaphore(%run_scoped3A_97 : memref<!tpu.dma_semaphore, #tpu.memory_space<semaphore_mem>>) {add = true}
      %dma_wait3A_104 = arith.constant 0 : i32
      %dma_wait3A_105 = tpu.memref_slice %arg7[%run_scoped3A_67, %dma_wait3A_104] : memref<81x128xi32, #tpu.memory_space<vmem>> -> memref<1x128xi32, #tpu.memory_space<vmem>>
      %dma_wait3A_106 = tpu.memref_squeeze %dma_wait3A_105 : memref<1x128xi32, #tpu.memory_space<vmem>> -> memref<128xi32, #tpu.memory_space<vmem>>
      %dma_wait3A_107 = arith.constant 0 : i32
      %dma_wait3A_108 = arith.constant 0 : i32
      %dma_wait3A_109 = tpu.memref_slice %arg11[%dma_wait3A_107, %dma_wait3A_108] : memref<10240x16xf32, #tpu.memory_space<vmem_shared>> -> memref<10240x16xf32, #tpu.memory_space<vmem_shared>>
      tpu.wait_indirect_dma semaphore(%run_scoped3A_97 : memref<!tpu.dma_semaphore, #tpu.memory_space<semaphore_mem>>) src(%arg9 : memref<128x16xf32, #tpu.memory_space<vmem>>) dst(%dma_wait3A_109 : memref<10240x16xf32, #tpu.memory_space<vmem_shared>>)
      tpu.yield
    }) : () -> ()
    %dma_wait3A_68 = arith.constant 80 : i32
    %dma_wait3A_69 = arith.constant 0 : i32
    %dma_wait3A_70 = tpu.memref_slice %arg6[%dma_wait3A_68, %dma_wait3A_69] : memref<81x128xi32, #tpu.memory_space<vmem>> -> memref<1x128xi32, #tpu.memory_space<vmem>>
    %dma_wait3A_71 = tpu.memref_squeeze %dma_wait3A_70 : memref<1x128xi32, #tpu.memory_space<vmem>> -> memref<128xi32, #tpu.memory_space<vmem>>
    %dma_wait3A_72 = arith.constant 0 : i32
    %dma_wait3A_73 = arith.constant 0 : i32
    %dma_wait3A_74 = tpu.memref_slice %arg2[%dma_wait3A_72, %dma_wait3A_73] : memref<10000x16xf32, #tpu.memory_space<hbm>> -> memref<10000x16xf32, #tpu.memory_space<hbm>>
    tpu.wait_indirect_dma semaphore(%arg14 : memref<!tpu.dma_semaphore, #tpu.memory_space<semaphore_mem>>) src(%dma_wait3A_74 : memref<10000x16xf32, #tpu.memory_space<hbm>>) dst(%arg10 : memref<128x16xf32, #tpu.memory_space<vmem>>)
    %run_scoped3A_75 = arith.constant 80 : i32
    "tpu.region"() ({
      %run_scoped3A_97 = tpu.sem_alloc : memref<!tpu.dma_semaphore, #tpu.memory_space<semaphore_mem>>
      %dma_start3A_98 = arith.constant 0 : i32
      %dma_start3A_99 = tpu.memref_slice %arg7[%run_scoped3A_75, %dma_start3A_98] : memref<81x128xi32, #tpu.memory_space<vmem>> -> memref<1x128xi32, #tpu.memory_space<vmem>>
      %dma_start3A_100 = tpu.memref_squeeze %dma_start3A_99 : memref<1x128xi32, #tpu.memory_space<vmem>> -> memref<128xi32, #tpu.memory_space<vmem>>
      %dma_start3A_101 = arith.constant 0 : i32
      %dma_start3A_102 = arith.constant 0 : i32
      %dma_start3A_103 = tpu.memref_slice %arg11[%dma_start3A_101, %dma_start3A_102] : memref<10240x16xf32, #tpu.memory_space<vmem_shared>> -> memref<10240x16xf32, #tpu.memory_space<vmem_shared>>
      tpu.enqueue_indirect_dma source(%arg10 : memref<128x16xf32, #tpu.memory_space<vmem>>) target(%dma_start3A_103 : memref<10240x16xf32, #tpu.memory_space<vmem_shared>>) offsets(%dma_start3A_100 : memref<128xi32, #tpu.memory_space<vmem>>) semaphore(%run_scoped3A_97 : memref<!tpu.dma_semaphore, #tpu.memory_space<semaphore_mem>>) {add = true}
      %dma_wait3A_104 = arith.constant 0 : i32
      %dma_wait3A_105 = tpu.memref_slice %arg7[%run_scoped3A_75, %dma_wait3A_104] : memref<81x128xi32, #tpu.memory_space<vmem>> -> memref<1x128xi32, #tpu.memory_space<vmem>>
      %dma_wait3A_106 = tpu.memref_squeeze %dma_wait3A_105 : memref<1x128xi32, #tpu.memory_space<vmem>> -> memref<128xi32, #tpu.memory_space<vmem>>
      %dma_wait3A_107 = arith.constant 0 : i32
      %dma_wait3A_108 = arith.constant 0 : i32
      %dma_wait3A_109 = tpu.memref_slice %arg11[%dma_wait3A_107, %dma_wait3A_108] : memref<10240x16xf32, #tpu.memory_space<vmem_shared>> -> memref<10240x16xf32, #tpu.memory_space<vmem_shared>>
      tpu.wait_indirect_dma semaphore(%run_scoped3A_97 : memref<!tpu.dma_semaphore, #tpu.memory_space<semaphore_mem>>) src(%arg10 : memref<128x16xf32, #tpu.memory_space<vmem>>) dst(%dma_wait3A_109 : memref<10240x16xf32, #tpu.memory_space<vmem_shared>>)
      tpu.yield
    }) : () -> ()
    %barrier3A_76 = arith.constant 0 : index
    tpu.barrier barrier_id(%barrier3A_76)
    %mul3A_77 = arith.constant 640 : i32
    %mul3A_78 = arith.muli %arg1, %mul3A_77 : i32
    %add3A_79 = arith.constant 0 : i32
    %add3A_80 = arith.addi %mul3A_78, %add3A_79 : i32
    "tpu.region"() ({
      %run_scoped3A_97 = tpu.sem_alloc : memref<!tpu.dma_semaphore, #tpu.memory_space<semaphore_mem>>
      %dma_start3A_98 = arith.constant 0 : i32
      %dma_start3A_99 = tpu.memref_slice %arg11[%add3A_80, %dma_start3A_98] : memref<10240x16xf32, #tpu.memory_space<vmem_shared>> -> memref<128x16xf32, #tpu.memory_space<vmem_shared>>
      %dma_start3A_100 = arith.constant 0 : i32
      %dma_start3A_101 = tpu.memref_slice %arg11[%add3A_80, %dma_start3A_100] : memref<10240x16xf32, #tpu.memory_space<vmem_shared>> -> memref<128x16xf32, #tpu.memory_space<vmem_shared>>
      tpu.enqueue_dma source(%dma_start3A_101 : memref<128x16xf32, #tpu.memory_space<vmem_shared>>) target(%arg8 : memref<128x16xf32, #tpu.memory_space<vmem>>) target_semaphore(%run_scoped3A_97 : memref<!tpu.dma_semaphore, #tpu.memory_space<semaphore_mem>>)
      %dma_wait3A_102 = arith.constant 0 : i32
      %dma_wait3A_103 = tpu.memref_slice %arg11[%add3A_80, %dma_wait3A_102] : memref<10240x16xf32, #tpu.memory_space<vmem_shared>> -> memref<128x16xf32, #tpu.memory_space<vmem_shared>>
      %dma_wait3A_104 = arith.constant 0 : i32
      %dma_wait3A_105 = tpu.memref_slice %arg11[%add3A_80, %dma_wait3A_104] : memref<10240x16xf32, #tpu.memory_space<vmem_shared>> -> memref<128x16xf32, #tpu.memory_space<vmem_shared>>
      tpu.wait_dma2 semaphore(%run_scoped3A_97 : memref<!tpu.dma_semaphore, #tpu.memory_space<semaphore_mem>>) src(%dma_wait3A_105 : memref<128x16xf32, #tpu.memory_space<vmem_shared>>) dst(%arg8 : memref<128x16xf32, #tpu.memory_space<vmem>>)
      tpu.yield
    }) : () -> ()
    "tpu.region"() ({
      %run_scoped3A_97 = tpu.sem_alloc : memref<!tpu.dma_semaphore, #tpu.memory_space<semaphore_mem>>
      %dma_start3A_98 = arith.constant 0 : i32
      %dma_start3A_99 = tpu.memref_slice %arg5[%arg0, %add3A_80, %dma_start3A_98] : memref<2x10240x16xf32, #tpu.memory_space<hbm>> -> memref<1x128x16xf32, #tpu.memory_space<hbm>>
      %dma_start3A_100 = tpu.memref_squeeze %dma_start3A_99 : memref<1x128x16xf32, #tpu.memory_space<hbm>> -> memref<128x16xf32, #tpu.memory_space<hbm>>
      %dma_start3A_101 = arith.constant 0 : i32
      %dma_start3A_102 = tpu.memref_slice %arg5[%arg0, %add3A_80, %dma_start3A_101] : memref<2x10240x16xf32, #tpu.memory_space<hbm>> -> memref<1x128x16xf32, #tpu.memory_space<hbm>>
      %dma_start3A_103 = tpu.memref_squeeze %dma_start3A_102 : memref<1x128x16xf32, #tpu.memory_space<hbm>> -> memref<128x16xf32, #tpu.memory_space<hbm>>
      tpu.enqueue_dma source(%arg8 : memref<128x16xf32, #tpu.memory_space<vmem>>) target(%dma_start3A_103 : memref<128x16xf32, #tpu.memory_space<hbm>>) target_semaphore(%run_scoped3A_97 : memref<!tpu.dma_semaphore, #tpu.memory_space<semaphore_mem>>)
      %dma_wait3A_104 = arith.constant 0 : i32
      %dma_wait3A_105 = tpu.memref_slice %arg5[%arg0, %add3A_80, %dma_wait3A_104] : memref<2x10240x16xf32, #tpu.memory_space<hbm>> -> memref<1x128x16xf32, #tpu.memory_space<hbm>>
      %dma_wait3A_106 = tpu.memref_squeeze %dma_wait3A_105 : memref<1x128x16xf32, #tpu.memory_space<hbm>> -> memref<128x16xf32, #tpu.memory_space<hbm>>
      %dma_wait3A_107 = arith.constant 0 : i32
      %dma_wait3A_108 = tpu.memref_slice %arg5[%arg0, %add3A_80, %dma_wait3A_107] : memref<2x10240x16xf32, #tpu.memory_space<hbm>> -> memref<1x128x16xf32, #tpu.memory_space<hbm>>
      %dma_wait3A_109 = tpu.memref_squeeze %dma_wait3A_108 : memref<1x128x16xf32, #tpu.memory_space<hbm>> -> memref<128x16xf32, #tpu.memory_space<hbm>>
      tpu.wait_dma2 semaphore(%run_scoped3A_97 : memref<!tpu.dma_semaphore, #tpu.memory_space<semaphore_mem>>) src(%arg8 : memref<128x16xf32, #tpu.memory_space<vmem>>) dst(%dma_wait3A_109 : memref<128x16xf32, #tpu.memory_space<hbm>>)
      tpu.yield
    }) : () -> ()
    %mul3A_81 = arith.constant 640 : i32
    %mul3A_82 = arith.muli %arg1, %mul3A_81 : i32
    %add3A_83 = arith.constant 128 : i32
    %add3A_84 = arith.addi %mul3A_82, %add3A_83 : i32
    "tpu.region"() ({
      %run_scoped3A_97 = tpu.sem_alloc : memref<!tpu.dma_semaphore, #tpu.memory_space<semaphore_mem>>
      %dma_start3A_98 = arith.constant 0 : i32
      %dma_start3A_99 = tpu.memref_slice %arg11[%add3A_84, %dma_start3A_98] : memref<10240x16xf32, #tpu.memory_space<vmem_shared>> -> memref<128x16xf32, #tpu.memory_space<vmem_shared>>
      %dma_start3A_100 = arith.constant 0 : i32
      %dma_start3A_101 = tpu.memref_slice %arg11[%add3A_84, %dma_start3A_100] : memref<10240x16xf32, #tpu.memory_space<vmem_shared>> -> memref<128x16xf32, #tpu.memory_space<vmem_shared>>
      tpu.enqueue_dma source(%dma_start3A_101 : memref<128x16xf32, #tpu.memory_space<vmem_shared>>) target(%arg8 : memref<128x16xf32, #tpu.memory_space<vmem>>) target_semaphore(%run_scoped3A_97 : memref<!tpu.dma_semaphore, #tpu.memory_space<semaphore_mem>>)
      %dma_wait3A_102 = arith.constant 0 : i32
      %dma_wait3A_103 = tpu.memref_slice %arg11[%add3A_84, %dma_wait3A_102] : memref<10240x16xf32, #tpu.memory_space<vmem_shared>> -> memref<128x16xf32, #tpu.memory_space<vmem_shared>>
      %dma_wait3A_104 = arith.constant 0 : i32
      %dma_wait3A_105 = tpu.memref_slice %arg11[%add3A_84, %dma_wait3A_104] : memref<10240x16xf32, #tpu.memory_space<vmem_shared>> -> memref<128x16xf32, #tpu.memory_space<vmem_shared>>
      tpu.wait_dma2 semaphore(%run_scoped3A_97 : memref<!tpu.dma_semaphore, #tpu.memory_space<semaphore_mem>>) src(%dma_wait3A_105 : memref<128x16xf32, #tpu.memory_space<vmem_shared>>) dst(%arg8 : memref<128x16xf32, #tpu.memory_space<vmem>>)
      tpu.yield
    }) : () -> ()
    "tpu.region"() ({
      %run_scoped3A_97 = tpu.sem_alloc : memref<!tpu.dma_semaphore, #tpu.memory_space<semaphore_mem>>
      %dma_start3A_98 = arith.constant 0 : i32
      %dma_start3A_99 = tpu.memref_slice %arg5[%arg0, %add3A_84, %dma_start3A_98] : memref<2x10240x16xf32, #tpu.memory_space<hbm>> -> memref<1x128x16xf32, #tpu.memory_space<hbm>>
      %dma_start3A_100 = tpu.memref_squeeze %dma_start3A_99 : memref<1x128x16xf32, #tpu.memory_space<hbm>> -> memref<128x16xf32, #tpu.memory_space<hbm>>
      %dma_start3A_101 = arith.constant 0 : i32
      %dma_start3A_102 = tpu.memref_slice %arg5[%arg0, %add3A_84, %dma_start3A_101] : memref<2x10240x16xf32, #tpu.memory_space<hbm>> -> memref<1x128x16xf32, #tpu.memory_space<hbm>>
      %dma_start3A_103 = tpu.memref_squeeze %dma_start3A_102 : memref<1x128x16xf32, #tpu.memory_space<hbm>> -> memref<128x16xf32, #tpu.memory_space<hbm>>
      tpu.enqueue_dma source(%arg8 : memref<128x16xf32, #tpu.memory_space<vmem>>) target(%dma_start3A_103 : memref<128x16xf32, #tpu.memory_space<hbm>>) target_semaphore(%run_scoped3A_97 : memref<!tpu.dma_semaphore, #tpu.memory_space<semaphore_mem>>)
      %dma_wait3A_104 = arith.constant 0 : i32
      %dma_wait3A_105 = tpu.memref_slice %arg5[%arg0, %add3A_84, %dma_wait3A_104] : memref<2x10240x16xf32, #tpu.memory_space<hbm>> -> memref<1x128x16xf32, #tpu.memory_space<hbm>>
      %dma_wait3A_106 = tpu.memref_squeeze %dma_wait3A_105 : memref<1x128x16xf32, #tpu.memory_space<hbm>> -> memref<128x16xf32, #tpu.memory_space<hbm>>
      %dma_wait3A_107 = arith.constant 0 : i32
      %dma_wait3A_108 = tpu.memref_slice %arg5[%arg0, %add3A_84, %dma_wait3A_107] : memref<2x10240x16xf32, #tpu.memory_space<hbm>> -> memref<1x128x16xf32, #tpu.memory_space<hbm>>
      %dma_wait3A_109 = tpu.memref_squeeze %dma_wait3A_108 : memref<1x128x16xf32, #tpu.memory_space<hbm>> -> memref<128x16xf32, #tpu.memory_space<hbm>>
      tpu.wait_dma2 semaphore(%run_scoped3A_97 : memref<!tpu.dma_semaphore, #tpu.memory_space<semaphore_mem>>) src(%arg8 : memref<128x16xf32, #tpu.memory_space<vmem>>) dst(%dma_wait3A_109 : memref<128x16xf32, #tpu.memory_space<hbm>>)
      tpu.yield
    }) : () -> ()
    %mul3A_85 = arith.constant 640 : i32
    %mul3A_86 = arith.muli %arg1, %mul3A_85 : i32
    %add3A_87 = arith.constant 256 : i32
    %add3A_88 = arith.addi %mul3A_86, %add3A_87 : i32
    "tpu.region"() ({
      %run_scoped3A_97 = tpu.sem_alloc : memref<!tpu.dma_semaphore, #tpu.memory_space<semaphore_mem>>
      %dma_start3A_98 = arith.constant 0 : i32
      %dma_start3A_99 = tpu.memref_slice %arg11[%add3A_88, %dma_start3A_98] : memref<10240x16xf32, #tpu.memory_space<vmem_shared>> -> memref<128x16xf32, #tpu.memory_space<vmem_shared>>
      %dma_start3A_100 = arith.constant 0 : i32
      %dma_start3A_101 = tpu.memref_slice %arg11[%add3A_88, %dma_start3A_100] : memref<10240x16xf32, #tpu.memory_space<vmem_shared>> -> memref<128x16xf32, #tpu.memory_space<vmem_shared>>
      tpu.enqueue_dma source(%dma_start3A_101 : memref<128x16xf32, #tpu.memory_space<vmem_shared>>) target(%arg8 : memref<128x16xf32, #tpu.memory_space<vmem>>) target_semaphore(%run_scoped3A_97 : memref<!tpu.dma_semaphore, #tpu.memory_space<semaphore_mem>>)
      %dma_wait3A_102 = arith.constant 0 : i32
      %dma_wait3A_103 = tpu.memref_slice %arg11[%add3A_88, %dma_wait3A_102] : memref<10240x16xf32, #tpu.memory_space<vmem_shared>> -> memref<128x16xf32, #tpu.memory_space<vmem_shared>>
      %dma_wait3A_104 = arith.constant 0 : i32
      %dma_wait3A_105 = tpu.memref_slice %arg11[%add3A_88, %dma_wait3A_104] : memref<10240x16xf32, #tpu.memory_space<vmem_shared>> -> memref<128x16xf32, #tpu.memory_space<vmem_shared>>
      tpu.wait_dma2 semaphore(%run_scoped3A_97 : memref<!tpu.dma_semaphore, #tpu.memory_space<semaphore_mem>>) src(%dma_wait3A_105 : memref<128x16xf32, #tpu.memory_space<vmem_shared>>) dst(%arg8 : memref<128x16xf32, #tpu.memory_space<vmem>>)
      tpu.yield
    }) : () -> ()
    "tpu.region"() ({
      %run_scoped3A_97 = tpu.sem_alloc : memref<!tpu.dma_semaphore, #tpu.memory_space<semaphore_mem>>
      %dma_start3A_98 = arith.constant 0 : i32
      %dma_start3A_99 = tpu.memref_slice %arg5[%arg0, %add3A_88, %dma_start3A_98] : memref<2x10240x16xf32, #tpu.memory_space<hbm>> -> memref<1x128x16xf32, #tpu.memory_space<hbm>>
      %dma_start3A_100 = tpu.memref_squeeze %dma_start3A_99 : memref<1x128x16xf32, #tpu.memory_space<hbm>> -> memref<128x16xf32, #tpu.memory_space<hbm>>
      %dma_start3A_101 = arith.constant 0 : i32
      %dma_start3A_102 = tpu.memref_slice %arg5[%arg0, %add3A_88, %dma_start3A_101] : memref<2x10240x16xf32, #tpu.memory_space<hbm>> -> memref<1x128x16xf32, #tpu.memory_space<hbm>>
      %dma_start3A_103 = tpu.memref_squeeze %dma_start3A_102 : memref<1x128x16xf32, #tpu.memory_space<hbm>> -> memref<128x16xf32, #tpu.memory_space<hbm>>
      tpu.enqueue_dma source(%arg8 : memref<128x16xf32, #tpu.memory_space<vmem>>) target(%dma_start3A_103 : memref<128x16xf32, #tpu.memory_space<hbm>>) target_semaphore(%run_scoped3A_97 : memref<!tpu.dma_semaphore, #tpu.memory_space<semaphore_mem>>)
      %dma_wait3A_104 = arith.constant 0 : i32
      %dma_wait3A_105 = tpu.memref_slice %arg5[%arg0, %add3A_88, %dma_wait3A_104] : memref<2x10240x16xf32, #tpu.memory_space<hbm>> -> memref<1x128x16xf32, #tpu.memory_space<hbm>>
      %dma_wait3A_106 = tpu.memref_squeeze %dma_wait3A_105 : memref<1x128x16xf32, #tpu.memory_space<hbm>> -> memref<128x16xf32, #tpu.memory_space<hbm>>
      %dma_wait3A_107 = arith.constant 0 : i32
      %dma_wait3A_108 = tpu.memref_slice %arg5[%arg0, %add3A_88, %dma_wait3A_107] : memref<2x10240x16xf32, #tpu.memory_space<hbm>> -> memref<1x128x16xf32, #tpu.memory_space<hbm>>
      %dma_wait3A_109 = tpu.memref_squeeze %dma_wait3A_108 : memref<1x128x16xf32, #tpu.memory_space<hbm>> -> memref<128x16xf32, #tpu.memory_space<hbm>>
      tpu.wait_dma2 semaphore(%run_scoped3A_97 : memref<!tpu.dma_semaphore, #tpu.memory_space<semaphore_mem>>) src(%arg8 : memref<128x16xf32, #tpu.memory_space<vmem>>) dst(%dma_wait3A_109 : memref<128x16xf32, #tpu.memory_space<hbm>>)
      tpu.yield
    }) : () -> ()
    %mul3A_89 = arith.constant 640 : i32
    %mul3A_90 = arith.muli %arg1, %mul3A_89 : i32
    %add3A_91 = arith.constant 384 : i32
    %add3A_92 = arith.addi %mul3A_90, %add3A_91 : i32
    "tpu.region"() ({
      %run_scoped3A_97 = tpu.sem_alloc : memref<!tpu.dma_semaphore, #tpu.memory_space<semaphore_mem>>
      %dma_start3A_98 = arith.constant 0 : i32
      %dma_start3A_99 = tpu.memref_slice %arg11[%add3A_92, %dma_start3A_98] : memref<10240x16xf32, #tpu.memory_space<vmem_shared>> -> memref<128x16xf32, #tpu.memory_space<vmem_shared>>
      %dma_start3A_100 = arith.constant 0 : i32
      %dma_start3A_101 = tpu.memref_slice %arg11[%add3A_92, %dma_start3A_100] : memref<10240x16xf32, #tpu.memory_space<vmem_shared>> -> memref<128x16xf32, #tpu.memory_space<vmem_shared>>
      tpu.enqueue_dma source(%dma_start3A_101 : memref<128x16xf32, #tpu.memory_space<vmem_shared>>) target(%arg8 : memref<128x16xf32, #tpu.memory_space<vmem>>) target_semaphore(%run_scoped3A_97 : memref<!tpu.dma_semaphore, #tpu.memory_space<semaphore_mem>>)
      %dma_wait3A_102 = arith.constant 0 : i32
      %dma_wait3A_103 = tpu.memref_slice %arg11[%add3A_92, %dma_wait3A_102] : memref<10240x16xf32, #tpu.memory_space<vmem_shared>> -> memref<128x16xf32, #tpu.memory_space<vmem_shared>>
      %dma_wait3A_104 = arith.constant 0 : i32
      %dma_wait3A_105 = tpu.memref_slice %arg11[%add3A_92, %dma_wait3A_104] : memref<10240x16xf32, #tpu.memory_space<vmem_shared>> -> memref<128x16xf32, #tpu.memory_space<vmem_shared>>
      tpu.wait_dma2 semaphore(%run_scoped3A_97 : memref<!tpu.dma_semaphore, #tpu.memory_space<semaphore_mem>>) src(%dma_wait3A_105 : memref<128x16xf32, #tpu.memory_space<vmem_shared>>) dst(%arg8 : memref<128x16xf32, #tpu.memory_space<vmem>>)
      tpu.yield
    }) : () -> ()
    "tpu.region"() ({
      %run_scoped3A_97 = tpu.sem_alloc : memref<!tpu.dma_semaphore, #tpu.memory_space<semaphore_mem>>
      %dma_start3A_98 = arith.constant 0 : i32
      %dma_start3A_99 = tpu.memref_slice %arg5[%arg0, %add3A_92, %dma_start3A_98] : memref<2x10240x16xf32, #tpu.memory_space<hbm>> -> memref<1x128x16xf32, #tpu.memory_space<hbm>>
      %dma_start3A_100 = tpu.memref_squeeze %dma_start3A_99 : memref<1x128x16xf32, #tpu.memory_space<hbm>> -> memref<128x16xf32, #tpu.memory_space<hbm>>
      %dma_start3A_101 = arith.constant 0 : i32
      %dma_start3A_102 = tpu.memref_slice %arg5[%arg0, %add3A_92, %dma_start3A_101] : memref<2x10240x16xf32, #tpu.memory_space<hbm>> -> memref<1x128x16xf32, #tpu.memory_space<hbm>>
      %dma_start3A_103 = tpu.memref_squeeze %dma_start3A_102 : memref<1x128x16xf32, #tpu.memory_space<hbm>> -> memref<128x16xf32, #tpu.memory_space<hbm>>
      tpu.enqueue_dma source(%arg8 : memref<128x16xf32, #tpu.memory_space<vmem>>) target(%dma_start3A_103 : memref<128x16xf32, #tpu.memory_space<hbm>>) target_semaphore(%run_scoped3A_97 : memref<!tpu.dma_semaphore, #tpu.memory_space<semaphore_mem>>)
      %dma_wait3A_104 = arith.constant 0 : i32
      %dma_wait3A_105 = tpu.memref_slice %arg5[%arg0, %add3A_92, %dma_wait3A_104] : memref<2x10240x16xf32, #tpu.memory_space<hbm>> -> memref<1x128x16xf32, #tpu.memory_space<hbm>>
      %dma_wait3A_106 = tpu.memref_squeeze %dma_wait3A_105 : memref<1x128x16xf32, #tpu.memory_space<hbm>> -> memref<128x16xf32, #tpu.memory_space<hbm>>
      %dma_wait3A_107 = arith.constant 0 : i32
      %dma_wait3A_108 = tpu.memref_slice %arg5[%arg0, %add3A_92, %dma_wait3A_107] : memref<2x10240x16xf32, #tpu.memory_space<hbm>> -> memref<1x128x16xf32, #tpu.memory_space<hbm>>
      %dma_wait3A_109 = tpu.memref_squeeze %dma_wait3A_108 : memref<1x128x16xf32, #tpu.memory_space<hbm>> -> memref<128x16xf32, #tpu.memory_space<hbm>>
      tpu.wait_dma2 semaphore(%run_scoped3A_97 : memref<!tpu.dma_semaphore, #tpu.memory_space<semaphore_mem>>) src(%arg8 : memref<128x16xf32, #tpu.memory_space<vmem>>) dst(%dma_wait3A_109 : memref<128x16xf32, #tpu.memory_space<hbm>>)
      tpu.yield
    }) : () -> ()
    %mul3A_93 = arith.constant 640 : i32
    %mul3A_94 = arith.muli %arg1, %mul3A_93 : i32
    %add3A_95 = arith.constant 512 : i32
    %add3A_96 = arith.addi %mul3A_94, %add3A_95 : i32
    "tpu.region"() ({
      %run_scoped3A_97 = tpu.sem_alloc : memref<!tpu.dma_semaphore, #tpu.memory_space<semaphore_mem>>
      %dma_start3A_98 = arith.constant 0 : i32
      %dma_start3A_99 = tpu.memref_slice %arg11[%add3A_96, %dma_start3A_98] : memref<10240x16xf32, #tpu.memory_space<vmem_shared>> -> memref<128x16xf32, #tpu.memory_space<vmem_shared>>
      %dma_start3A_100 = arith.constant 0 : i32
      %dma_start3A_101 = tpu.memref_slice %arg11[%add3A_96, %dma_start3A_100] : memref<10240x16xf32, #tpu.memory_space<vmem_shared>> -> memref<128x16xf32, #tpu.memory_space<vmem_shared>>
      tpu.enqueue_dma source(%dma_start3A_101 : memref<128x16xf32, #tpu.memory_space<vmem_shared>>) target(%arg8 : memref<128x16xf32, #tpu.memory_space<vmem>>) target_semaphore(%run_scoped3A_97 : memref<!tpu.dma_semaphore, #tpu.memory_space<semaphore_mem>>)
      %dma_wait3A_102 = arith.constant 0 : i32
      %dma_wait3A_103 = tpu.memref_slice %arg11[%add3A_96, %dma_wait3A_102] : memref<10240x16xf32, #tpu.memory_space<vmem_shared>> -> memref<128x16xf32, #tpu.memory_space<vmem_shared>>
      %dma_wait3A_104 = arith.constant 0 : i32
      %dma_wait3A_105 = tpu.memref_slice %arg11[%add3A_96, %dma_wait3A_104] : memref<10240x16xf32, #tpu.memory_space<vmem_shared>> -> memref<128x16xf32, #tpu.memory_space<vmem_shared>>
      tpu.wait_dma2 semaphore(%run_scoped3A_97 : memref<!tpu.dma_semaphore, #tpu.memory_space<semaphore_mem>>) src(%dma_wait3A_105 : memref<128x16xf32, #tpu.memory_space<vmem_shared>>) dst(%arg8 : memref<128x16xf32, #tpu.memory_space<vmem>>)
      tpu.yield
    }) : () -> ()
    "tpu.region"() ({
      %run_scoped3A_97 = tpu.sem_alloc : memref<!tpu.dma_semaphore, #tpu.memory_space<semaphore_mem>>
      %dma_start3A_98 = arith.constant 0 : i32
      %dma_start3A_99 = tpu.memref_slice %arg5[%arg0, %add3A_96, %dma_start3A_98] : memref<2x10240x16xf32, #tpu.memory_space<hbm>> -> memref<1x128x16xf32, #tpu.memory_space<hbm>>
      %dma_start3A_100 = tpu.memref_squeeze %dma_start3A_99 : memref<1x128x16xf32, #tpu.memory_space<hbm>> -> memref<128x16xf32, #tpu.memory_space<hbm>>
      %dma_start3A_101 = arith.constant 0 : i32
      %dma_start3A_102 = tpu.memref_slice %arg5[%arg0, %add3A_96, %dma_start3A_101] : memref<2x10240x16xf32, #tpu.memory_space<hbm>> -> memref<1x128x16xf32, #tpu.memory_space<hbm>>
      %dma_start3A_103 = tpu.memref_squeeze %dma_start3A_102 : memref<1x128x16xf32, #tpu.memory_space<hbm>> -> memref<128x16xf32, #tpu.memory_space<hbm>>
      tpu.enqueue_dma source(%arg8 : memref<128x16xf32, #tpu.memory_space<vmem>>) target(%dma_start3A_103 : memref<128x16xf32, #tpu.memory_space<hbm>>) target_semaphore(%run_scoped3A_97 : memref<!tpu.dma_semaphore, #tpu.memory_space<semaphore_mem>>)
      %dma_wait3A_104 = arith.constant 0 : i32
      %dma_wait3A_105 = tpu.memref_slice %arg5[%arg0, %add3A_96, %dma_wait3A_104] : memref<2x10240x16xf32, #tpu.memory_space<hbm>> -> memref<1x128x16xf32, #tpu.memory_space<hbm>>
      %dma_wait3A_106 = tpu.memref_squeeze %dma_wait3A_105 : memref<1x128x16xf32, #tpu.memory_space<hbm>> -> memref<128x16xf32, #tpu.memory_space<hbm>>
      %dma_wait3A_107 = arith.constant 0 : i32
      %dma_wait3A_108 = tpu.memref_slice %arg5[%arg0, %add3A_96, %dma_wait3A_107] : memref<2x10240x16xf32, #tpu.memory_space<hbm>> -> memref<1x128x16xf32, #tpu.memory_space<hbm>>
      %dma_wait3A_109 = tpu.memref_squeeze %dma_wait3A_108 : memref<1x128x16xf32, #tpu.memory_space<hbm>> -> memref<128x16xf32, #tpu.memory_space<hbm>>
      tpu.wait_dma2 semaphore(%run_scoped3A_97 : memref<!tpu.dma_semaphore, #tpu.memory_space<semaphore_mem>>) src(%arg8 : memref<128x16xf32, #tpu.memory_space<vmem>>) dst(%dma_wait3A_109 : memref<128x16xf32, #tpu.memory_space<hbm>>)
      tpu.yield
    }) : () -> ()
    return
  }
}

#map = affine_map<(d0, d1) -> (0, 0, 0)>
module attributes {stable_mosaic.version = 14 : i64} {
  func.func @_deg_count(%arg0: i32, %arg1: i32, %arg2: memref<32x81x128xi32, #tpu.memory_space<hbm>>, %arg3: memref<2x10240x16xf32, #tpu.memory_space<hbm>>, %arg4: memref<81x128xi32, #tpu.memory_space<vmem>>, %arg5: memref<128x16xf32, #tpu.memory_space<vmem>>, %arg6: memref<128x16xf32, #tpu.memory_space<vmem>>, %arg7: memref<10240x16xf32, #tpu.memory_space<vmem_shared>>, %arg8: memref<!tpu.dma_semaphore, #tpu.memory_space<semaphore_mem>>) attributes {dimension_semantics = [#tpu.dimension_semantics<core_parallel>, #tpu.dimension_semantics<subcore_parallel>], iteration_bounds = array<i64: 2, 16>, scalar_prefetch = 0 : i64, scratch_operands = 5 : i64, tpu.core_type = #tpu.core_type<sc_vector_subcore>, window_params = [{transform_indices = #map}, {transform_indices = #map}]} {
    %mul3A = arith.constant 2 : i32
    %mul3A_0 = arith.muli %arg1, %mul3A : i32
    %add3A = arith.addi %mul3A_0, %arg0 : i32
    "tpu.region"() ({
      %run_scoped3A_62 = tpu.sem_alloc : memref<!tpu.dma_semaphore, #tpu.memory_space<semaphore_mem>>
      %dma_start3A = arith.constant 0 : i32
      %dma_start3A_63 = arith.constant 0 : i32
      %dma_start3A_64 = tpu.memref_slice %arg2[%add3A, %dma_start3A, %dma_start3A_63] : memref<32x81x128xi32, #tpu.memory_space<hbm>> -> memref<1x81x128xi32, #tpu.memory_space<hbm>>
      %dma_start3A_65 = tpu.memref_squeeze %dma_start3A_64 : memref<1x81x128xi32, #tpu.memory_space<hbm>> -> memref<81x128xi32, #tpu.memory_space<hbm>>
      %dma_start3A_66 = arith.constant 0 : i32
      %dma_start3A_67 = arith.constant 0 : i32
      %dma_start3A_68 = tpu.memref_slice %arg2[%add3A, %dma_start3A_66, %dma_start3A_67] : memref<32x81x128xi32, #tpu.memory_space<hbm>> -> memref<1x81x128xi32, #tpu.memory_space<hbm>>
      %dma_start3A_69 = tpu.memref_squeeze %dma_start3A_68 : memref<1x81x128xi32, #tpu.memory_space<hbm>> -> memref<81x128xi32, #tpu.memory_space<hbm>>
      tpu.enqueue_dma source(%dma_start3A_69 : memref<81x128xi32, #tpu.memory_space<hbm>>) target(%arg4 : memref<81x128xi32, #tpu.memory_space<vmem>>) target_semaphore(%run_scoped3A_62 : memref<!tpu.dma_semaphore, #tpu.memory_space<semaphore_mem>>)
      %dma_wait3A = arith.constant 0 : i32
      %dma_wait3A_70 = arith.constant 0 : i32
      %dma_wait3A_71 = tpu.memref_slice %arg2[%add3A, %dma_wait3A, %dma_wait3A_70] : memref<32x81x128xi32, #tpu.memory_space<hbm>> -> memref<1x81x128xi32, #tpu.memory_space<hbm>>
      %dma_wait3A_72 = tpu.memref_squeeze %dma_wait3A_71 : memref<1x81x128xi32, #tpu.memory_space<hbm>> -> memref<81x128xi32, #tpu.memory_space<hbm>>
      %dma_wait3A_73 = arith.constant 0 : i32
      %dma_wait3A_74 = arith.constant 0 : i32
      %dma_wait3A_75 = tpu.memref_slice %arg2[%add3A, %dma_wait3A_73, %dma_wait3A_74] : memref<32x81x128xi32, #tpu.memory_space<hbm>> -> memref<1x81x128xi32, #tpu.memory_space<hbm>>
      %dma_wait3A_76 = tpu.memref_squeeze %dma_wait3A_75 : memref<1x81x128xi32, #tpu.memory_space<hbm>> -> memref<81x128xi32, #tpu.memory_space<hbm>>
      tpu.wait_dma2 semaphore(%run_scoped3A_62 : memref<!tpu.dma_semaphore, #tpu.memory_space<semaphore_mem>>) src(%dma_wait3A_76 : memref<81x128xi32, #tpu.memory_space<hbm>>) dst(%arg4 : memref<81x128xi32, #tpu.memory_space<vmem>>)
      tpu.yield
    }) : () -> ()
    %scan3A = arith.constant 0 : i32
    %scan3A_1 = arith.constant 0 : i32
    %scan3A_2 = arith.constant 128 : i32
    %scan3A_3 = arith.addi %scan3A_1, %scan3A_2 : i32
    %scan3A_4 = arith.constant 1 : i32
    %scan3A_5 = scf.for %scan3A_62 = %scan3A_1 to %scan3A_3 step %scan3A_4 iter_args(%scan3A_63 = %scan3A) -> (i32)  : i32 {
      %broadcast_in_dim3A = arith.constant 1.000000e+00 : f32
      %broadcast_in_dim3A_64 = vector.broadcast %broadcast_in_dim3A : f32 to vector<16xf32>
      %swap3A = arith.index_cast %scan3A_62 : i32 to index
      %swap3A_65 = arith.constant 0 : index
      %swap3A_66 = tpu.vector_load %arg5[%swap3A, %swap3A_65] {strides = array<i32>} : memref<128x16xf32, #tpu.memory_space<vmem>>, vector<1x16xf32>,
      %swap3A_67 = vector.shape_cast %swap3A_66 : vector<1x16xf32> to vector<16xf32>
      %swap3A_68 = vector.shape_cast %broadcast_in_dim3A_64 : vector<16xf32> to vector<1x16xf32>
      tpu.vector_store %arg5[%swap3A, %swap3A_65], %swap3A_68 {strides = array<i32>} : memref<128x16xf32, #tpu.memory_space<vmem>>, vector<1x16xf32>,
      %scan3A_69 = arith.constant 0 : i32
      scf.yield %scan3A_69 : i32
    }
    %scan3A_6 = arith.constant 128 : i32
    %scan3A_7 = arith.constant 0 : i32
    %scan3A_8 = arith.constant 0 : i32
    %scan3A_9 = arith.constant 128 : i32
    %scan3A_10 = arith.addi %scan3A_8, %scan3A_9 : i32
    %scan3A_11 = arith.constant 1 : i32
    %scan3A_12 = scf.for %scan3A_62 = %scan3A_8 to %scan3A_10 step %scan3A_11 iter_args(%scan3A_63 = %scan3A_7) -> (i32)  : i32 {
      %broadcast_in_dim3A = arith.constant 0.000000e+00 : f32
      %broadcast_in_dim3A_64 = vector.broadcast %broadcast_in_dim3A : f32 to vector<16xf32>
      %swap3A = arith.index_cast %scan3A_62 : i32 to index
      %swap3A_65 = arith.constant 0 : index
      %swap3A_66 = tpu.vector_load %arg6[%swap3A, %swap3A_65] {strides = array<i32>} : memref<128x16xf32, #tpu.memory_space<vmem>>, vector<1x16xf32>,
      %swap3A_67 = vector.shape_cast %swap3A_66 : vector<1x16xf32> to vector<16xf32>
      %swap3A_68 = vector.shape_cast %broadcast_in_dim3A_64 : vector<16xf32> to vector<1x16xf32>
      tpu.vector_store %arg6[%swap3A, %swap3A_65], %swap3A_68 {strides = array<i32>} : memref<128x16xf32, #tpu.memory_space<vmem>>, vector<1x16xf32>,
      %scan3A_69 = arith.constant 0 : i32
      scf.yield %scan3A_69 : i32
    }
    %scan3A_13 = arith.constant 128 : i32
    %mul3A_14 = arith.constant 640 : i32
    %mul3A_15 = arith.muli %arg1, %mul3A_14 : i32
    %add3A_16 = arith.constant 0 : i32
    %add3A_17 = arith.addi %mul3A_15, %add3A_16 : i32
    "tpu.region"() ({
      %run_scoped3A_62 = tpu.sem_alloc : memref<!tpu.dma_semaphore, #tpu.memory_space<semaphore_mem>>
      %dma_start3A = arith.constant 0 : i32
      %dma_start3A_63 = tpu.memref_slice %arg7[%add3A_17, %dma_start3A] : memref<10240x16xf32, #tpu.memory_space<vmem_shared>> -> memref<128x16xf32, #tpu.memory_space<vmem_shared>>
      %dma_start3A_64 = arith.constant 0 : i32
      %dma_start3A_65 = tpu.memref_slice %arg7[%add3A_17, %dma_start3A_64] : memref<10240x16xf32, #tpu.memory_space<vmem_shared>> -> memref<128x16xf32, #tpu.memory_space<vmem_shared>>
      tpu.enqueue_dma source(%arg6 : memref<128x16xf32, #tpu.memory_space<vmem>>) target(%dma_start3A_65 : memref<128x16xf32, #tpu.memory_space<vmem_shared>>) target_semaphore(%run_scoped3A_62 : memref<!tpu.dma_semaphore, #tpu.memory_space<semaphore_mem>>)
      %dma_wait3A = arith.constant 0 : i32
      %dma_wait3A_66 = tpu.memref_slice %arg7[%add3A_17, %dma_wait3A] : memref<10240x16xf32, #tpu.memory_space<vmem_shared>> -> memref<128x16xf32, #tpu.memory_space<vmem_shared>>
      %dma_wait3A_67 = arith.constant 0 : i32
      %dma_wait3A_68 = tpu.memref_slice %arg7[%add3A_17, %dma_wait3A_67] : memref<10240x16xf32, #tpu.memory_space<vmem_shared>> -> memref<128x16xf32, #tpu.memory_space<vmem_shared>>
      tpu.wait_dma2 semaphore(%run_scoped3A_62 : memref<!tpu.dma_semaphore, #tpu.memory_space<semaphore_mem>>) src(%arg6 : memref<128x16xf32, #tpu.memory_space<vmem>>) dst(%dma_wait3A_68 : memref<128x16xf32, #tpu.memory_space<vmem_shared>>)
      tpu.yield
    }) : () -> ()
    %mul3A_18 = arith.constant 640 : i32
    %mul3A_19 = arith.muli %arg1, %mul3A_18 : i32
    %add3A_20 = arith.constant 128 : i32
    %add3A_21 = arith.addi %mul3A_19, %add3A_20 : i32
    "tpu.region"() ({
      %run_scoped3A_62 = tpu.sem_alloc : memref<!tpu.dma_semaphore, #tpu.memory_space<semaphore_mem>>
      %dma_start3A = arith.constant 0 : i32
      %dma_start3A_63 = tpu.memref_slice %arg7[%add3A_21, %dma_start3A] : memref<10240x16xf32, #tpu.memory_space<vmem_shared>> -> memref<128x16xf32, #tpu.memory_space<vmem_shared>>
      %dma_start3A_64 = arith.constant 0 : i32
      %dma_start3A_65 = tpu.memref_slice %arg7[%add3A_21, %dma_start3A_64] : memref<10240x16xf32, #tpu.memory_space<vmem_shared>> -> memref<128x16xf32, #tpu.memory_space<vmem_shared>>
      tpu.enqueue_dma source(%arg6 : memref<128x16xf32, #tpu.memory_space<vmem>>) target(%dma_start3A_65 : memref<128x16xf32, #tpu.memory_space<vmem_shared>>) target_semaphore(%run_scoped3A_62 : memref<!tpu.dma_semaphore, #tpu.memory_space<semaphore_mem>>)
      %dma_wait3A = arith.constant 0 : i32
      %dma_wait3A_66 = tpu.memref_slice %arg7[%add3A_21, %dma_wait3A] : memref<10240x16xf32, #tpu.memory_space<vmem_shared>> -> memref<128x16xf32, #tpu.memory_space<vmem_shared>>
      %dma_wait3A_67 = arith.constant 0 : i32
      %dma_wait3A_68 = tpu.memref_slice %arg7[%add3A_21, %dma_wait3A_67] : memref<10240x16xf32, #tpu.memory_space<vmem_shared>> -> memref<128x16xf32, #tpu.memory_space<vmem_shared>>
      tpu.wait_dma2 semaphore(%run_scoped3A_62 : memref<!tpu.dma_semaphore, #tpu.memory_space<semaphore_mem>>) src(%arg6 : memref<128x16xf32, #tpu.memory_space<vmem>>) dst(%dma_wait3A_68 : memref<128x16xf32, #tpu.memory_space<vmem_shared>>)
      tpu.yield
    }) : () -> ()
    %mul3A_22 = arith.constant 640 : i32
    %mul3A_23 = arith.muli %arg1, %mul3A_22 : i32
    %add3A_24 = arith.constant 256 : i32
    %add3A_25 = arith.addi %mul3A_23, %add3A_24 : i32
    "tpu.region"() ({
      %run_scoped3A_62 = tpu.sem_alloc : memref<!tpu.dma_semaphore, #tpu.memory_space<semaphore_mem>>
      %dma_start3A = arith.constant 0 : i32
      %dma_start3A_63 = tpu.memref_slice %arg7[%add3A_25, %dma_start3A] : memref<10240x16xf32, #tpu.memory_space<vmem_shared>> -> memref<128x16xf32, #tpu.memory_space<vmem_shared>>
      %dma_start3A_64 = arith.constant 0 : i32
      %dma_start3A_65 = tpu.memref_slice %arg7[%add3A_25, %dma_start3A_64] : memref<10240x16xf32, #tpu.memory_space<vmem_shared>> -> memref<128x16xf32, #tpu.memory_space<vmem_shared>>
      tpu.enqueue_dma source(%arg6 : memref<128x16xf32, #tpu.memory_space<vmem>>) target(%dma_start3A_65 : memref<128x16xf32, #tpu.memory_space<vmem_shared>>) target_semaphore(%run_scoped3A_62 : memref<!tpu.dma_semaphore, #tpu.memory_space<semaphore_mem>>)
      %dma_wait3A = arith.constant 0 : i32
      %dma_wait3A_66 = tpu.memref_slice %arg7[%add3A_25, %dma_wait3A] : memref<10240x16xf32, #tpu.memory_space<vmem_shared>> -> memref<128x16xf32, #tpu.memory_space<vmem_shared>>
      %dma_wait3A_67 = arith.constant 0 : i32
      %dma_wait3A_68 = tpu.memref_slice %arg7[%add3A_25, %dma_wait3A_67] : memref<10240x16xf32, #tpu.memory_space<vmem_shared>> -> memref<128x16xf32, #tpu.memory_space<vmem_shared>>
      tpu.wait_dma2 semaphore(%run_scoped3A_62 : memref<!tpu.dma_semaphore, #tpu.memory_space<semaphore_mem>>) src(%arg6 : memref<128x16xf32, #tpu.memory_space<vmem>>) dst(%dma_wait3A_68 : memref<128x16xf32, #tpu.memory_space<vmem_shared>>)
      tpu.yield
    }) : () -> ()
    %mul3A_26 = arith.constant 640 : i32
    %mul3A_27 = arith.muli %arg1, %mul3A_26 : i32
    %add3A_28 = arith.constant 384 : i32
    %add3A_29 = arith.addi %mul3A_27, %add3A_28 : i32
    "tpu.region"() ({
      %run_scoped3A_62 = tpu.sem_alloc : memref<!tpu.dma_semaphore, #tpu.memory_space<semaphore_mem>>
      %dma_start3A = arith.constant 0 : i32
      %dma_start3A_63 = tpu.memref_slice %arg7[%add3A_29, %dma_start3A] : memref<10240x16xf32, #tpu.memory_space<vmem_shared>> -> memref<128x16xf32, #tpu.memory_space<vmem_shared>>
      %dma_start3A_64 = arith.constant 0 : i32
      %dma_start3A_65 = tpu.memref_slice %arg7[%add3A_29, %dma_start3A_64] : memref<10240x16xf32, #tpu.memory_space<vmem_shared>> -> memref<128x16xf32, #tpu.memory_space<vmem_shared>>
      tpu.enqueue_dma source(%arg6 : memref<128x16xf32, #tpu.memory_space<vmem>>) target(%dma_start3A_65 : memref<128x16xf32, #tpu.memory_space<vmem_shared>>) target_semaphore(%run_scoped3A_62 : memref<!tpu.dma_semaphore, #tpu.memory_space<semaphore_mem>>)
      %dma_wait3A = arith.constant 0 : i32
      %dma_wait3A_66 = tpu.memref_slice %arg7[%add3A_29, %dma_wait3A] : memref<10240x16xf32, #tpu.memory_space<vmem_shared>> -> memref<128x16xf32, #tpu.memory_space<vmem_shared>>
      %dma_wait3A_67 = arith.constant 0 : i32
      %dma_wait3A_68 = tpu.memref_slice %arg7[%add3A_29, %dma_wait3A_67] : memref<10240x16xf32, #tpu.memory_space<vmem_shared>> -> memref<128x16xf32, #tpu.memory_space<vmem_shared>>
      tpu.wait_dma2 semaphore(%run_scoped3A_62 : memref<!tpu.dma_semaphore, #tpu.memory_space<semaphore_mem>>) src(%arg6 : memref<128x16xf32, #tpu.memory_space<vmem>>) dst(%dma_wait3A_68 : memref<128x16xf32, #tpu.memory_space<vmem_shared>>)
      tpu.yield
    }) : () -> ()
    %mul3A_30 = arith.constant 640 : i32
    %mul3A_31 = arith.muli %arg1, %mul3A_30 : i32
    %add3A_32 = arith.constant 512 : i32
    %add3A_33 = arith.addi %mul3A_31, %add3A_32 : i32
    "tpu.region"() ({
      %run_scoped3A_62 = tpu.sem_alloc : memref<!tpu.dma_semaphore, #tpu.memory_space<semaphore_mem>>
      %dma_start3A = arith.constant 0 : i32
      %dma_start3A_63 = tpu.memref_slice %arg7[%add3A_33, %dma_start3A] : memref<10240x16xf32, #tpu.memory_space<vmem_shared>> -> memref<128x16xf32, #tpu.memory_space<vmem_shared>>
      %dma_start3A_64 = arith.constant 0 : i32
      %dma_start3A_65 = tpu.memref_slice %arg7[%add3A_33, %dma_start3A_64] : memref<10240x16xf32, #tpu.memory_space<vmem_shared>> -> memref<128x16xf32, #tpu.memory_space<vmem_shared>>
      tpu.enqueue_dma source(%arg6 : memref<128x16xf32, #tpu.memory_space<vmem>>) target(%dma_start3A_65 : memref<128x16xf32, #tpu.memory_space<vmem_shared>>) target_semaphore(%run_scoped3A_62 : memref<!tpu.dma_semaphore, #tpu.memory_space<semaphore_mem>>)
      %dma_wait3A = arith.constant 0 : i32
      %dma_wait3A_66 = tpu.memref_slice %arg7[%add3A_33, %dma_wait3A] : memref<10240x16xf32, #tpu.memory_space<vmem_shared>> -> memref<128x16xf32, #tpu.memory_space<vmem_shared>>
      %dma_wait3A_67 = arith.constant 0 : i32
      %dma_wait3A_68 = tpu.memref_slice %arg7[%add3A_33, %dma_wait3A_67] : memref<10240x16xf32, #tpu.memory_space<vmem_shared>> -> memref<128x16xf32, #tpu.memory_space<vmem_shared>>
      tpu.wait_dma2 semaphore(%run_scoped3A_62 : memref<!tpu.dma_semaphore, #tpu.memory_space<semaphore_mem>>) src(%arg6 : memref<128x16xf32, #tpu.memory_space<vmem>>) dst(%dma_wait3A_68 : memref<128x16xf32, #tpu.memory_space<vmem_shared>>)
      tpu.yield
    }) : () -> ()
    %barrier3A = arith.constant 0 : index
    tpu.barrier barrier_id(%barrier3A)
    %scan3A_34 = arith.constant 0 : i32
    %scan3A_35 = arith.constant 0 : i32
    %scan3A_36 = arith.constant 10 : i32
    %scan3A_37 = arith.addi %scan3A_35, %scan3A_36 : i32
    %scan3A_38 = arith.constant 1 : i32
    %scan3A_39 = scf.for %scan3A_62 = %scan3A_35 to %scan3A_37 step %scan3A_38 iter_args(%scan3A_63 = %scan3A_34) -> (i32)  : i32 {
      %mul3A_64 = arith.constant 8 : i32
      %mul3A_65 = arith.muli %mul3A_64, %scan3A_62 : i32
      %add3A_66 = arith.constant 0 : i32
      %add3A_67 = arith.addi %mul3A_65, %add3A_66 : i32
      %dma_start3A = arith.constant 0 : i32
      %dma_start3A_68 = tpu.memref_slice %arg4[%add3A_67, %dma_start3A] : memref<81x128xi32, #tpu.memory_space<vmem>> -> memref<1x128xi32, #tpu.memory_space<vmem>>
      %dma_start3A_69 = tpu.memref_squeeze %dma_start3A_68 : memref<1x128xi32, #tpu.memory_space<vmem>> -> memref<128xi32, #tpu.memory_space<vmem>>
      %dma_start3A_70 = arith.constant 0 : i32
      %dma_start3A_71 = arith.constant 0 : i32
      %dma_start3A_72 = tpu.memref_slice %arg7[%dma_start3A_70, %dma_start3A_71] : memref<10240x16xf32, #tpu.memory_space<vmem_shared>> -> memref<10240x16xf32, #tpu.memory_space<vmem_shared>>
      tpu.enqueue_indirect_dma source(%arg5 : memref<128x16xf32, #tpu.memory_space<vmem>>) target(%dma_start3A_72 : memref<10240x16xf32, #tpu.memory_space<vmem_shared>>) offsets(%dma_start3A_69 : memref<128xi32, #tpu.memory_space<vmem>>) semaphore(%arg8 : memref<!tpu.dma_semaphore, #tpu.memory_space<semaphore_mem>>) {add = true}
      %add3A_73 = arith.constant 1 : i32
      %add3A_74 = arith.addi %mul3A_65, %add3A_73 : i32
      %dma_start3A_75 = arith.constant 0 : i32
      %dma_start3A_76 = tpu.memref_slice %arg4[%add3A_74, %dma_start3A_75] : memref<81x128xi32, #tpu.memory_space<vmem>> -> memref<1x128xi32, #tpu.memory_space<vmem>>
      %dma_start3A_77 = tpu.memref_squeeze %dma_start3A_76 : memref<1x128xi32, #tpu.memory_space<vmem>> -> memref<128xi32, #tpu.memory_space<vmem>>
      %dma_start3A_78 = arith.constant 0 : i32
      %dma_start3A_79 = arith.constant 0 : i32
      %dma_start3A_80 = tpu.memref_slice %arg7[%dma_start3A_78, %dma_start3A_79] : memref<10240x16xf32, #tpu.memory_space<vmem_shared>> -> memref<10240x16xf32, #tpu.memory_space<vmem_shared>>
      tpu.enqueue_indirect_dma source(%arg5 : memref<128x16xf32, #tpu.memory_space<vmem>>) target(%dma_start3A_80 : memref<10240x16xf32, #tpu.memory_space<vmem_shared>>) offsets(%dma_start3A_77 : memref<128xi32, #tpu.memory_space<vmem>>) semaphore(%arg8 : memref<!tpu.dma_semaphore, #tpu.memory_space<semaphore_mem>>) {add = true}
      %add3A_81 = arith.constant 2 : i32
      %add3A_82 = arith.addi %mul3A_65, %add3A_81 : i32
      %dma_start3A_83 = arith.constant 0 : i32
      %dma_start3A_84 = tpu.memref_slice %arg4[%add3A_82, %dma_start3A_83] : memref<81x128xi32, #tpu.memory_space<vmem>> -> memref<1x128xi32, #tpu.memory_space<vmem>>
      %dma_start3A_85 = tpu.memref_squeeze %dma_start3A_84 : memref<1x128xi32, #tpu.memory_space<vmem>> -> memref<128xi32, #tpu.memory_space<vmem>>
      %dma_start3A_86 = arith.constant 0 : i32
      %dma_start3A_87 = arith.constant 0 : i32
      %dma_start3A_88 = tpu.memref_slice %arg7[%dma_start3A_86, %dma_start3A_87] : memref<10240x16xf32, #tpu.memory_space<vmem_shared>> -> memref<10240x16xf32, #tpu.memory_space<vmem_shared>>
      tpu.enqueue_indirect_dma source(%arg5 : memref<128x16xf32, #tpu.memory_space<vmem>>) target(%dma_start3A_88 : memref<10240x16xf32, #tpu.memory_space<vmem_shared>>) offsets(%dma_start3A_85 : memref<128xi32, #tpu.memory_space<vmem>>) semaphore(%arg8 : memref<!tpu.dma_semaphore, #tpu.memory_space<semaphore_mem>>) {add = true}
      %add3A_89 = arith.constant 3 : i32
      %add3A_90 = arith.addi %mul3A_65, %add3A_89 : i32
      %dma_start3A_91 = arith.constant 0 : i32
      %dma_start3A_92 = tpu.memref_slice %arg4[%add3A_90, %dma_start3A_91] : memref<81x128xi32, #tpu.memory_space<vmem>> -> memref<1x128xi32, #tpu.memory_space<vmem>>
      %dma_start3A_93 = tpu.memref_squeeze %dma_start3A_92 : memref<1x128xi32, #tpu.memory_space<vmem>> -> memref<128xi32, #tpu.memory_space<vmem>>
      %dma_start3A_94 = arith.constant 0 : i32
      %dma_start3A_95 = arith.constant 0 : i32
      %dma_start3A_96 = tpu.memref_slice %arg7[%dma_start3A_94, %dma_start3A_95] : memref<10240x16xf32, #tpu.memory_space<vmem_shared>> -> memref<10240x16xf32, #tpu.memory_space<vmem_shared>>
      tpu.enqueue_indirect_dma source(%arg5 : memref<128x16xf32, #tpu.memory_space<vmem>>) target(%dma_start3A_96 : memref<10240x16xf32, #tpu.memory_space<vmem_shared>>) offsets(%dma_start3A_93 : memref<128xi32, #tpu.memory_space<vmem>>) semaphore(%arg8 : memref<!tpu.dma_semaphore, #tpu.memory_space<semaphore_mem>>) {add = true}
      %add3A_97 = arith.constant 4 : i32
      %add3A_98 = arith.addi %mul3A_65, %add3A_97 : i32
      %dma_start3A_99 = arith.constant 0 : i32
      %dma_start3A_100 = tpu.memref_slice %arg4[%add3A_98, %dma_start3A_99] : memref<81x128xi32, #tpu.memory_space<vmem>> -> memref<1x128xi32, #tpu.memory_space<vmem>>
      %dma_start3A_101 = tpu.memref_squeeze %dma_start3A_100 : memref<1x128xi32, #tpu.memory_space<vmem>> -> memref<128xi32, #tpu.memory_space<vmem>>
      %dma_start3A_102 = arith.constant 0 : i32
      %dma_start3A_103 = arith.constant 0 : i32
      %dma_start3A_104 = tpu.memref_slice %arg7[%dma_start3A_102, %dma_start3A_103] : memref<10240x16xf32, #tpu.memory_space<vmem_shared>> -> memref<10240x16xf32, #tpu.memory_space<vmem_shared>>
      tpu.enqueue_indirect_dma source(%arg5 : memref<128x16xf32, #tpu.memory_space<vmem>>) target(%dma_start3A_104 : memref<10240x16xf32, #tpu.memory_space<vmem_shared>>) offsets(%dma_start3A_101 : memref<128xi32, #tpu.memory_space<vmem>>) semaphore(%arg8 : memref<!tpu.dma_semaphore, #tpu.memory_space<semaphore_mem>>) {add = true}
      %add3A_105 = arith.constant 5 : i32
      %add3A_106 = arith.addi %mul3A_65, %add3A_105 : i32
      %dma_start3A_107 = arith.constant 0 : i32
      %dma_start3A_108 = tpu.memref_slice %arg4[%add3A_106, %dma_start3A_107] : memref<81x128xi32, #tpu.memory_space<vmem>> -> memref<1x128xi32, #tpu.memory_space<vmem>>
      %dma_start3A_109 = tpu.memref_squeeze %dma_start3A_108 : memref<1x128xi32, #tpu.memory_space<vmem>> -> memref<128xi32, #tpu.memory_space<vmem>>
      %dma_start3A_110 = arith.constant 0 : i32
      %dma_start3A_111 = arith.constant 0 : i32
      %dma_start3A_112 = tpu.memref_slice %arg7[%dma_start3A_110, %dma_start3A_111] : memref<10240x16xf32, #tpu.memory_space<vmem_shared>> -> memref<10240x16xf32, #tpu.memory_space<vmem_shared>>
      tpu.enqueue_indirect_dma source(%arg5 : memref<128x16xf32, #tpu.memory_space<vmem>>) target(%dma_start3A_112 : memref<10240x16xf32, #tpu.memory_space<vmem_shared>>) offsets(%dma_start3A_109 : memref<128xi32, #tpu.memory_space<vmem>>) semaphore(%arg8 : memref<!tpu.dma_semaphore, #tpu.memory_space<semaphore_mem>>) {add = true}
      %add3A_113 = arith.constant 6 : i32
      %add3A_114 = arith.addi %mul3A_65, %add3A_113 : i32
      %dma_start3A_115 = arith.constant 0 : i32
      %dma_start3A_116 = tpu.memref_slice %arg4[%add3A_114, %dma_start3A_115] : memref<81x128xi32, #tpu.memory_space<vmem>> -> memref<1x128xi32, #tpu.memory_space<vmem>>
      %dma_start3A_117 = tpu.memref_squeeze %dma_start3A_116 : memref<1x128xi32, #tpu.memory_space<vmem>> -> memref<128xi32, #tpu.memory_space<vmem>>
      %dma_start3A_118 = arith.constant 0 : i32
      %dma_start3A_119 = arith.constant 0 : i32
      %dma_start3A_120 = tpu.memref_slice %arg7[%dma_start3A_118, %dma_start3A_119] : memref<10240x16xf32, #tpu.memory_space<vmem_shared>> -> memref<10240x16xf32, #tpu.memory_space<vmem_shared>>
      tpu.enqueue_indirect_dma source(%arg5 : memref<128x16xf32, #tpu.memory_space<vmem>>) target(%dma_start3A_120 : memref<10240x16xf32, #tpu.memory_space<vmem_shared>>) offsets(%dma_start3A_117 : memref<128xi32, #tpu.memory_space<vmem>>) semaphore(%arg8 : memref<!tpu.dma_semaphore, #tpu.memory_space<semaphore_mem>>) {add = true}
      %add3A_121 = arith.constant 7 : i32
      %add3A_122 = arith.addi %mul3A_65, %add3A_121 : i32
      %dma_start3A_123 = arith.constant 0 : i32
      %dma_start3A_124 = tpu.memref_slice %arg4[%add3A_122, %dma_start3A_123] : memref<81x128xi32, #tpu.memory_space<vmem>> -> memref<1x128xi32, #tpu.memory_space<vmem>>
      %dma_start3A_125 = tpu.memref_squeeze %dma_start3A_124 : memref<1x128xi32, #tpu.memory_space<vmem>> -> memref<128xi32, #tpu.memory_space<vmem>>
      %dma_start3A_126 = arith.constant 0 : i32
      %dma_start3A_127 = arith.constant 0 : i32
      %dma_start3A_128 = tpu.memref_slice %arg7[%dma_start3A_126, %dma_start3A_127] : memref<10240x16xf32, #tpu.memory_space<vmem_shared>> -> memref<10240x16xf32, #tpu.memory_space<vmem_shared>>
      tpu.enqueue_indirect_dma source(%arg5 : memref<128x16xf32, #tpu.memory_space<vmem>>) target(%dma_start3A_128 : memref<10240x16xf32, #tpu.memory_space<vmem_shared>>) offsets(%dma_start3A_125 : memref<128xi32, #tpu.memory_space<vmem>>) semaphore(%arg8 : memref<!tpu.dma_semaphore, #tpu.memory_space<semaphore_mem>>) {add = true}
      %add3A_129 = arith.constant 0 : i32
      %add3A_130 = arith.addi %mul3A_65, %add3A_129 : i32
      %dma_wait3A = arith.constant 0 : i32
      %dma_wait3A_131 = tpu.memref_slice %arg4[%add3A_130, %dma_wait3A] : memref<81x128xi32, #tpu.memory_space<vmem>> -> memref<1x128xi32, #tpu.memory_space<vmem>>
      %dma_wait3A_132 = tpu.memref_squeeze %dma_wait3A_131 : memref<1x128xi32, #tpu.memory_space<vmem>> -> memref<128xi32, #tpu.memory_space<vmem>>
      %dma_wait3A_133 = arith.constant 0 : i32
      %dma_wait3A_134 = arith.constant 0 : i32
      %dma_wait3A_135 = tpu.memref_slice %arg7[%dma_wait3A_133, %dma_wait3A_134] : memref<10240x16xf32, #tpu.memory_space<vmem_shared>> -> memref<10240x16xf32, #tpu.memory_space<vmem_shared>>
      tpu.wait_indirect_dma semaphore(%arg8 : memref<!tpu.dma_semaphore, #tpu.memory_space<semaphore_mem>>) src(%arg5 : memref<128x16xf32, #tpu.memory_space<vmem>>) dst(%dma_wait3A_135 : memref<10240x16xf32, #tpu.memory_space<vmem_shared>>)
      %add3A_136 = arith.constant 1 : i32
      %add3A_137 = arith.addi %mul3A_65, %add3A_136 : i32
      %dma_wait3A_138 = arith.constant 0 : i32
      %dma_wait3A_139 = tpu.memref_slice %arg4[%add3A_137, %dma_wait3A_138] : memref<81x128xi32, #tpu.memory_space<vmem>> -> memref<1x128xi32, #tpu.memory_space<vmem>>
      %dma_wait3A_140 = tpu.memref_squeeze %dma_wait3A_139 : memref<1x128xi32, #tpu.memory_space<vmem>> -> memref<128xi32, #tpu.memory_space<vmem>>
      %dma_wait3A_141 = arith.constant 0 : i32
      %dma_wait3A_142 = arith.constant 0 : i32
      %dma_wait3A_143 = tpu.memref_slice %arg7[%dma_wait3A_141, %dma_wait3A_142] : memref<10240x16xf32, #tpu.memory_space<vmem_shared>> -> memref<10240x16xf32, #tpu.memory_space<vmem_shared>>
      tpu.wait_indirect_dma semaphore(%arg8 : memref<!tpu.dma_semaphore, #tpu.memory_space<semaphore_mem>>) src(%arg5 : memref<128x16xf32, #tpu.memory_space<vmem>>) dst(%dma_wait3A_143 : memref<10240x16xf32, #tpu.memory_space<vmem_shared>>)
      %add3A_144 = arith.constant 2 : i32
      %add3A_145 = arith.addi %mul3A_65, %add3A_144 : i32
      %dma_wait3A_146 = arith.constant 0 : i32
      %dma_wait3A_147 = tpu.memref_slice %arg4[%add3A_145, %dma_wait3A_146] : memref<81x128xi32, #tpu.memory_space<vmem>> -> memref<1x128xi32, #tpu.memory_space<vmem>>
      %dma_wait3A_148 = tpu.memref_squeeze %dma_wait3A_147 : memref<1x128xi32, #tpu.memory_space<vmem>> -> memref<128xi32, #tpu.memory_space<vmem>>
      %dma_wait3A_149 = arith.constant 0 : i32
      %dma_wait3A_150 = arith.constant 0 : i32
      %dma_wait3A_151 = tpu.memref_slice %arg7[%dma_wait3A_149, %dma_wait3A_150] : memref<10240x16xf32, #tpu.memory_space<vmem_shared>> -> memref<10240x16xf32, #tpu.memory_space<vmem_shared>>
      tpu.wait_indirect_dma semaphore(%arg8 : memref<!tpu.dma_semaphore, #tpu.memory_space<semaphore_mem>>) src(%arg5 : memref<128x16xf32, #tpu.memory_space<vmem>>) dst(%dma_wait3A_151 : memref<10240x16xf32, #tpu.memory_space<vmem_shared>>)
      %add3A_152 = arith.constant 3 : i32
      %add3A_153 = arith.addi %mul3A_65, %add3A_152 : i32
      %dma_wait3A_154 = arith.constant 0 : i32
      %dma_wait3A_155 = tpu.memref_slice %arg4[%add3A_153, %dma_wait3A_154] : memref<81x128xi32, #tpu.memory_space<vmem>> -> memref<1x128xi32, #tpu.memory_space<vmem>>
      %dma_wait3A_156 = tpu.memref_squeeze %dma_wait3A_155 : memref<1x128xi32, #tpu.memory_space<vmem>> -> memref<128xi32, #tpu.memory_space<vmem>>
      %dma_wait3A_157 = arith.constant 0 : i32
      %dma_wait3A_158 = arith.constant 0 : i32
      %dma_wait3A_159 = tpu.memref_slice %arg7[%dma_wait3A_157, %dma_wait3A_158] : memref<10240x16xf32, #tpu.memory_space<vmem_shared>> -> memref<10240x16xf32, #tpu.memory_space<vmem_shared>>
      tpu.wait_indirect_dma semaphore(%arg8 : memref<!tpu.dma_semaphore, #tpu.memory_space<semaphore_mem>>) src(%arg5 : memref<128x16xf32, #tpu.memory_space<vmem>>) dst(%dma_wait3A_159 : memref<10240x16xf32, #tpu.memory_space<vmem_shared>>)
      %add3A_160 = arith.constant 4 : i32
      %add3A_161 = arith.addi %mul3A_65, %add3A_160 : i32
      %dma_wait3A_162 = arith.constant 0 : i32
      %dma_wait3A_163 = tpu.memref_slice %arg4[%add3A_161, %dma_wait3A_162] : memref<81x128xi32, #tpu.memory_space<vmem>> -> memref<1x128xi32, #tpu.memory_space<vmem>>
      %dma_wait3A_164 = tpu.memref_squeeze %dma_wait3A_163 : memref<1x128xi32, #tpu.memory_space<vmem>> -> memref<128xi32, #tpu.memory_space<vmem>>
      %dma_wait3A_165 = arith.constant 0 : i32
      %dma_wait3A_166 = arith.constant 0 : i32
      %dma_wait3A_167 = tpu.memref_slice %arg7[%dma_wait3A_165, %dma_wait3A_166] : memref<10240x16xf32, #tpu.memory_space<vmem_shared>> -> memref<10240x16xf32, #tpu.memory_space<vmem_shared>>
      tpu.wait_indirect_dma semaphore(%arg8 : memref<!tpu.dma_semaphore, #tpu.memory_space<semaphore_mem>>) src(%arg5 : memref<128x16xf32, #tpu.memory_space<vmem>>) dst(%dma_wait3A_167 : memref<10240x16xf32, #tpu.memory_space<vmem_shared>>)
      %add3A_168 = arith.constant 5 : i32
      %add3A_169 = arith.addi %mul3A_65, %add3A_168 : i32
      %dma_wait3A_170 = arith.constant 0 : i32
      %dma_wait3A_171 = tpu.memref_slice %arg4[%add3A_169, %dma_wait3A_170] : memref<81x128xi32, #tpu.memory_space<vmem>> -> memref<1x128xi32, #tpu.memory_space<vmem>>
      %dma_wait3A_172 = tpu.memref_squeeze %dma_wait3A_171 : memref<1x128xi32, #tpu.memory_space<vmem>> -> memref<128xi32, #tpu.memory_space<vmem>>
      %dma_wait3A_173 = arith.constant 0 : i32
      %dma_wait3A_174 = arith.constant 0 : i32
      %dma_wait3A_175 = tpu.memref_slice %arg7[%dma_wait3A_173, %dma_wait3A_174] : memref<10240x16xf32, #tpu.memory_space<vmem_shared>> -> memref<10240x16xf32, #tpu.memory_space<vmem_shared>>
      tpu.wait_indirect_dma semaphore(%arg8 : memref<!tpu.dma_semaphore, #tpu.memory_space<semaphore_mem>>) src(%arg5 : memref<128x16xf32, #tpu.memory_space<vmem>>) dst(%dma_wait3A_175 : memref<10240x16xf32, #tpu.memory_space<vmem_shared>>)
      %add3A_176 = arith.constant 6 : i32
      %add3A_177 = arith.addi %mul3A_65, %add3A_176 : i32
      %dma_wait3A_178 = arith.constant 0 : i32
      %dma_wait3A_179 = tpu.memref_slice %arg4[%add3A_177, %dma_wait3A_178] : memref<81x128xi32, #tpu.memory_space<vmem>> -> memref<1x128xi32, #tpu.memory_space<vmem>>
      %dma_wait3A_180 = tpu.memref_squeeze %dma_wait3A_179 : memref<1x128xi32, #tpu.memory_space<vmem>> -> memref<128xi32, #tpu.memory_space<vmem>>
      %dma_wait3A_181 = arith.constant 0 : i32
      %dma_wait3A_182 = arith.constant 0 : i32
      %dma_wait3A_183 = tpu.memref_slice %arg7[%dma_wait3A_181, %dma_wait3A_182] : memref<10240x16xf32, #tpu.memory_space<vmem_shared>> -> memref<10240x16xf32, #tpu.memory_space<vmem_shared>>
      tpu.wait_indirect_dma semaphore(%arg8 : memref<!tpu.dma_semaphore, #tpu.memory_space<semaphore_mem>>) src(%arg5 : memref<128x16xf32, #tpu.memory_space<vmem>>) dst(%dma_wait3A_183 : memref<10240x16xf32, #tpu.memory_space<vmem_shared>>)
      %add3A_184 = arith.constant 7 : i32
      %add3A_185 = arith.addi %mul3A_65, %add3A_184 : i32
      %dma_wait3A_186 = arith.constant 0 : i32
      %dma_wait3A_187 = tpu.memref_slice %arg4[%add3A_185, %dma_wait3A_186] : memref<81x128xi32, #tpu.memory_space<vmem>> -> memref<1x128xi32, #tpu.memory_space<vmem>>
      %dma_wait3A_188 = tpu.memref_squeeze %dma_wait3A_187 : memref<1x128xi32, #tpu.memory_space<vmem>> -> memref<128xi32, #tpu.memory_space<vmem>>
      %dma_wait3A_189 = arith.constant 0 : i32
      %dma_wait3A_190 = arith.constant 0 : i32
      %dma_wait3A_191 = tpu.memref_slice %arg7[%dma_wait3A_189, %dma_wait3A_190] : memref<10240x16xf32, #tpu.memory_space<vmem_shared>> -> memref<10240x16xf32, #tpu.memory_space<vmem_shared>>
      tpu.wait_indirect_dma semaphore(%arg8 : memref<!tpu.dma_semaphore, #tpu.memory_space<semaphore_mem>>) src(%arg5 : memref<128x16xf32, #tpu.memory_space<vmem>>) dst(%dma_wait3A_191 : memref<10240x16xf32, #tpu.memory_space<vmem_shared>>)
      %scan3A_192 = arith.constant 0 : i32
      scf.yield %scan3A_192 : i32
    }
    %scan3A_40 = arith.constant 10 : i32
    %run_scoped3A = arith.constant 80 : i32
    "tpu.region"() ({
      %run_scoped3A_62 = tpu.sem_alloc : memref<!tpu.dma_semaphore, #tpu.memory_space<semaphore_mem>>
      %dma_start3A = arith.constant 0 : i32
      %dma_start3A_63 = tpu.memref_slice %arg4[%run_scoped3A, %dma_start3A] : memref<81x128xi32, #tpu.memory_space<vmem>> -> memref<1x128xi32, #tpu.memory_space<vmem>>
      %dma_start3A_64 = tpu.memref_squeeze %dma_start3A_63 : memref<1x128xi32, #tpu.memory_space<vmem>> -> memref<128xi32, #tpu.memory_space<vmem>>
      %dma_start3A_65 = arith.constant 0 : i32
      %dma_start3A_66 = arith.constant 0 : i32
      %dma_start3A_67 = tpu.memref_slice %arg7[%dma_start3A_65, %dma_start3A_66] : memref<10240x16xf32, #tpu.memory_space<vmem_shared>> -> memref<10240x16xf32, #tpu.memory_space<vmem_shared>>
      tpu.enqueue_indirect_dma source(%arg5 : memref<128x16xf32, #tpu.memory_space<vmem>>) target(%dma_start3A_67 : memref<10240x16xf32, #tpu.memory_space<vmem_shared>>) offsets(%dma_start3A_64 : memref<128xi32, #tpu.memory_space<vmem>>) semaphore(%run_scoped3A_62 : memref<!tpu.dma_semaphore, #tpu.memory_space<semaphore_mem>>) {add = true}
      %dma_wait3A = arith.constant 0 : i32
      %dma_wait3A_68 = tpu.memref_slice %arg4[%run_scoped3A, %dma_wait3A] : memref<81x128xi32, #tpu.memory_space<vmem>> -> memref<1x128xi32, #tpu.memory_space<vmem>>
      %dma_wait3A_69 = tpu.memref_squeeze %dma_wait3A_68 : memref<1x128xi32, #tpu.memory_space<vmem>> -> memref<128xi32, #tpu.memory_space<vmem>>
      %dma_wait3A_70 = arith.constant 0 : i32
      %dma_wait3A_71 = arith.constant 0 : i32
      %dma_wait3A_72 = tpu.memref_slice %arg7[%dma_wait3A_70, %dma_wait3A_71] : memref<10240x16xf32, #tpu.memory_space<vmem_shared>> -> memref<10240x16xf32, #tpu.memory_space<vmem_shared>>
      tpu.wait_indirect_dma semaphore(%run_scoped3A_62 : memref<!tpu.dma_semaphore, #tpu.memory_space<semaphore_mem>>) src(%arg5 : memref<128x16xf32, #tpu.memory_space<vmem>>) dst(%dma_wait3A_72 : memref<10240x16xf32, #tpu.memory_space<vmem_shared>>)
      tpu.yield
    }) : () -> ()
    %barrier3A_41 = arith.constant 0 : index
    tpu.barrier barrier_id(%barrier3A_41)
    %mul3A_42 = arith.constant 640 : i32
    %mul3A_43 = arith.muli %arg1, %mul3A_42 : i32
    %add3A_44 = arith.constant 0 : i32
    %add3A_45 = arith.addi %mul3A_43, %add3A_44 : i32
    "tpu.region"() ({
      %run_scoped3A_62 = tpu.sem_alloc : memref<!tpu.dma_semaphore, #tpu.memory_space<semaphore_mem>>
      %dma_start3A = arith.constant 0 : i32
      %dma_start3A_63 = tpu.memref_slice %arg7[%add3A_45, %dma_start3A] : memref<10240x16xf32, #tpu.memory_space<vmem_shared>> -> memref<128x16xf32, #tpu.memory_space<vmem_shared>>
      %dma_start3A_64 = arith.constant 0 : i32
      %dma_start3A_65 = tpu.memref_slice %arg7[%add3A_45, %dma_start3A_64] : memref<10240x16xf32, #tpu.memory_space<vmem_shared>> -> memref<128x16xf32, #tpu.memory_space<vmem_shared>>
      tpu.enqueue_dma source(%dma_start3A_65 : memref<128x16xf32, #tpu.memory_space<vmem_shared>>) target(%arg6 : memref<128x16xf32, #tpu.memory_space<vmem>>) target_semaphore(%run_scoped3A_62 : memref<!tpu.dma_semaphore, #tpu.memory_space<semaphore_mem>>)
      %dma_wait3A = arith.constant 0 : i32
      %dma_wait3A_66 = tpu.memref_slice %arg7[%add3A_45, %dma_wait3A] : memref<10240x16xf32, #tpu.memory_space<vmem_shared>> -> memref<128x16xf32, #tpu.memory_space<vmem_shared>>
      %dma_wait3A_67 = arith.constant 0 : i32
      %dma_wait3A_68 = tpu.memref_slice %arg7[%add3A_45, %dma_wait3A_67] : memref<10240x16xf32, #tpu.memory_space<vmem_shared>> -> memref<128x16xf32, #tpu.memory_space<vmem_shared>>
      tpu.wait_dma2 semaphore(%run_scoped3A_62 : memref<!tpu.dma_semaphore, #tpu.memory_space<semaphore_mem>>) src(%dma_wait3A_68 : memref<128x16xf32, #tpu.memory_space<vmem_shared>>) dst(%arg6 : memref<128x16xf32, #tpu.memory_space<vmem>>)
      tpu.yield
    }) : () -> ()
    "tpu.region"() ({
      %run_scoped3A_62 = tpu.sem_alloc : memref<!tpu.dma_semaphore, #tpu.memory_space<semaphore_mem>>
      %dma_start3A = arith.constant 0 : i32
      %dma_start3A_63 = tpu.memref_slice %arg3[%arg0, %add3A_45, %dma_start3A] : memref<2x10240x16xf32, #tpu.memory_space<hbm>> -> memref<1x128x16xf32, #tpu.memory_space<hbm>>
      %dma_start3A_64 = tpu.memref_squeeze %dma_start3A_63 : memref<1x128x16xf32, #tpu.memory_space<hbm>> -> memref<128x16xf32, #tpu.memory_space<hbm>>
      %dma_start3A_65 = arith.constant 0 : i32
      %dma_start3A_66 = tpu.memref_slice %arg3[%arg0, %add3A_45, %dma_start3A_65] : memref<2x10240x16xf32, #tpu.memory_space<hbm>> -> memref<1x128x16xf32, #tpu.memory_space<hbm>>
      %dma_start3A_67 = tpu.memref_squeeze %dma_start3A_66 : memref<1x128x16xf32, #tpu.memory_space<hbm>> -> memref<128x16xf32, #tpu.memory_space<hbm>>
      tpu.enqueue_dma source(%arg6 : memref<128x16xf32, #tpu.memory_space<vmem>>) target(%dma_start3A_67 : memref<128x16xf32, #tpu.memory_space<hbm>>) target_semaphore(%run_scoped3A_62 : memref<!tpu.dma_semaphore, #tpu.memory_space<semaphore_mem>>)
      %dma_wait3A = arith.constant 0 : i32
      %dma_wait3A_68 = tpu.memref_slice %arg3[%arg0, %add3A_45, %dma_wait3A] : memref<2x10240x16xf32, #tpu.memory_space<hbm>> -> memref<1x128x16xf32, #tpu.memory_space<hbm>>
      %dma_wait3A_69 = tpu.memref_squeeze %dma_wait3A_68 : memref<1x128x16xf32, #tpu.memory_space<hbm>> -> memref<128x16xf32, #tpu.memory_space<hbm>>
      %dma_wait3A_70 = arith.constant 0 : i32
      %dma_wait3A_71 = tpu.memref_slice %arg3[%arg0, %add3A_45, %dma_wait3A_70] : memref<2x10240x16xf32, #tpu.memory_space<hbm>> -> memref<1x128x16xf32, #tpu.memory_space<hbm>>
      %dma_wait3A_72 = tpu.memref_squeeze %dma_wait3A_71 : memref<1x128x16xf32, #tpu.memory_space<hbm>> -> memref<128x16xf32, #tpu.memory_space<hbm>>
      tpu.wait_dma2 semaphore(%run_scoped3A_62 : memref<!tpu.dma_semaphore, #tpu.memory_space<semaphore_mem>>) src(%arg6 : memref<128x16xf32, #tpu.memory_space<vmem>>) dst(%dma_wait3A_72 : memref<128x16xf32, #tpu.memory_space<hbm>>)
      tpu.yield
    }) : () -> ()
    %mul3A_46 = arith.constant 640 : i32
    %mul3A_47 = arith.muli %arg1, %mul3A_46 : i32
    %add3A_48 = arith.constant 128 : i32
    %add3A_49 = arith.addi %mul3A_47, %add3A_48 : i32
    "tpu.region"() ({
      %run_scoped3A_62 = tpu.sem_alloc : memref<!tpu.dma_semaphore, #tpu.memory_space<semaphore_mem>>
      %dma_start3A = arith.constant 0 : i32
      %dma_start3A_63 = tpu.memref_slice %arg7[%add3A_49, %dma_start3A] : memref<10240x16xf32, #tpu.memory_space<vmem_shared>> -> memref<128x16xf32, #tpu.memory_space<vmem_shared>>
      %dma_start3A_64 = arith.constant 0 : i32
      %dma_start3A_65 = tpu.memref_slice %arg7[%add3A_49, %dma_start3A_64] : memref<10240x16xf32, #tpu.memory_space<vmem_shared>> -> memref<128x16xf32, #tpu.memory_space<vmem_shared>>
      tpu.enqueue_dma source(%dma_start3A_65 : memref<128x16xf32, #tpu.memory_space<vmem_shared>>) target(%arg6 : memref<128x16xf32, #tpu.memory_space<vmem>>) target_semaphore(%run_scoped3A_62 : memref<!tpu.dma_semaphore, #tpu.memory_space<semaphore_mem>>)
      %dma_wait3A = arith.constant 0 : i32
      %dma_wait3A_66 = tpu.memref_slice %arg7[%add3A_49, %dma_wait3A] : memref<10240x16xf32, #tpu.memory_space<vmem_shared>> -> memref<128x16xf32, #tpu.memory_space<vmem_shared>>
      %dma_wait3A_67 = arith.constant 0 : i32
      %dma_wait3A_68 = tpu.memref_slice %arg7[%add3A_49, %dma_wait3A_67] : memref<10240x16xf32, #tpu.memory_space<vmem_shared>> -> memref<128x16xf32, #tpu.memory_space<vmem_shared>>
      tpu.wait_dma2 semaphore(%run_scoped3A_62 : memref<!tpu.dma_semaphore, #tpu.memory_space<semaphore_mem>>) src(%dma_wait3A_68 : memref<128x16xf32, #tpu.memory_space<vmem_shared>>) dst(%arg6 : memref<128x16xf32, #tpu.memory_space<vmem>>)
      tpu.yield
    }) : () -> ()
    "tpu.region"() ({
      %run_scoped3A_62 = tpu.sem_alloc : memref<!tpu.dma_semaphore, #tpu.memory_space<semaphore_mem>>
      %dma_start3A = arith.constant 0 : i32
      %dma_start3A_63 = tpu.memref_slice %arg3[%arg0, %add3A_49, %dma_start3A] : memref<2x10240x16xf32, #tpu.memory_space<hbm>> -> memref<1x128x16xf32, #tpu.memory_space<hbm>>
      %dma_start3A_64 = tpu.memref_squeeze %dma_start3A_63 : memref<1x128x16xf32, #tpu.memory_space<hbm>> -> memref<128x16xf32, #tpu.memory_space<hbm>>
      %dma_start3A_65 = arith.constant 0 : i32
      %dma_start3A_66 = tpu.memref_slice %arg3[%arg0, %add3A_49, %dma_start3A_65] : memref<2x10240x16xf32, #tpu.memory_space<hbm>> -> memref<1x128x16xf32, #tpu.memory_space<hbm>>
      %dma_start3A_67 = tpu.memref_squeeze %dma_start3A_66 : memref<1x128x16xf32, #tpu.memory_space<hbm>> -> memref<128x16xf32, #tpu.memory_space<hbm>>
      tpu.enqueue_dma source(%arg6 : memref<128x16xf32, #tpu.memory_space<vmem>>) target(%dma_start3A_67 : memref<128x16xf32, #tpu.memory_space<hbm>>) target_semaphore(%run_scoped3A_62 : memref<!tpu.dma_semaphore, #tpu.memory_space<semaphore_mem>>)
      %dma_wait3A = arith.constant 0 : i32
      %dma_wait3A_68 = tpu.memref_slice %arg3[%arg0, %add3A_49, %dma_wait3A] : memref<2x10240x16xf32, #tpu.memory_space<hbm>> -> memref<1x128x16xf32, #tpu.memory_space<hbm>>
      %dma_wait3A_69 = tpu.memref_squeeze %dma_wait3A_68 : memref<1x128x16xf32, #tpu.memory_space<hbm>> -> memref<128x16xf32, #tpu.memory_space<hbm>>
      %dma_wait3A_70 = arith.constant 0 : i32
      %dma_wait3A_71 = tpu.memref_slice %arg3[%arg0, %add3A_49, %dma_wait3A_70] : memref<2x10240x16xf32, #tpu.memory_space<hbm>> -> memref<1x128x16xf32, #tpu.memory_space<hbm>>
      %dma_wait3A_72 = tpu.memref_squeeze %dma_wait3A_71 : memref<1x128x16xf32, #tpu.memory_space<hbm>> -> memref<128x16xf32, #tpu.memory_space<hbm>>
      tpu.wait_dma2 semaphore(%run_scoped3A_62 : memref<!tpu.dma_semaphore, #tpu.memory_space<semaphore_mem>>) src(%arg6 : memref<128x16xf32, #tpu.memory_space<vmem>>) dst(%dma_wait3A_72 : memref<128x16xf32, #tpu.memory_space<hbm>>)
      tpu.yield
    }) : () -> ()
    %mul3A_50 = arith.constant 640 : i32
    %mul3A_51 = arith.muli %arg1, %mul3A_50 : i32
    %add3A_52 = arith.constant 256 : i32
    %add3A_53 = arith.addi %mul3A_51, %add3A_52 : i32
    "tpu.region"() ({
      %run_scoped3A_62 = tpu.sem_alloc : memref<!tpu.dma_semaphore, #tpu.memory_space<semaphore_mem>>
      %dma_start3A = arith.constant 0 : i32
      %dma_start3A_63 = tpu.memref_slice %arg7[%add3A_53, %dma_start3A] : memref<10240x16xf32, #tpu.memory_space<vmem_shared>> -> memref<128x16xf32, #tpu.memory_space<vmem_shared>>
      %dma_start3A_64 = arith.constant 0 : i32
      %dma_start3A_65 = tpu.memref_slice %arg7[%add3A_53, %dma_start3A_64] : memref<10240x16xf32, #tpu.memory_space<vmem_shared>> -> memref<128x16xf32, #tpu.memory_space<vmem_shared>>
      tpu.enqueue_dma source(%dma_start3A_65 : memref<128x16xf32, #tpu.memory_space<vmem_shared>>) target(%arg6 : memref<128x16xf32, #tpu.memory_space<vmem>>) target_semaphore(%run_scoped3A_62 : memref<!tpu.dma_semaphore, #tpu.memory_space<semaphore_mem>>)
      %dma_wait3A = arith.constant 0 : i32
      %dma_wait3A_66 = tpu.memref_slice %arg7[%add3A_53, %dma_wait3A] : memref<10240x16xf32, #tpu.memory_space<vmem_shared>> -> memref<128x16xf32, #tpu.memory_space<vmem_shared>>
      %dma_wait3A_67 = arith.constant 0 : i32
      %dma_wait3A_68 = tpu.memref_slice %arg7[%add3A_53, %dma_wait3A_67] : memref<10240x16xf32, #tpu.memory_space<vmem_shared>> -> memref<128x16xf32, #tpu.memory_space<vmem_shared>>
      tpu.wait_dma2 semaphore(%run_scoped3A_62 : memref<!tpu.dma_semaphore, #tpu.memory_space<semaphore_mem>>) src(%dma_wait3A_68 : memref<128x16xf32, #tpu.memory_space<vmem_shared>>) dst(%arg6 : memref<128x16xf32, #tpu.memory_space<vmem>>)
      tpu.yield
    }) : () -> ()
    "tpu.region"() ({
      %run_scoped3A_62 = tpu.sem_alloc : memref<!tpu.dma_semaphore, #tpu.memory_space<semaphore_mem>>
      %dma_start3A = arith.constant 0 : i32
      %dma_start3A_63 = tpu.memref_slice %arg3[%arg0, %add3A_53, %dma_start3A] : memref<2x10240x16xf32, #tpu.memory_space<hbm>> -> memref<1x128x16xf32, #tpu.memory_space<hbm>>
      %dma_start3A_64 = tpu.memref_squeeze %dma_start3A_63 : memref<1x128x16xf32, #tpu.memory_space<hbm>> -> memref<128x16xf32, #tpu.memory_space<hbm>>
      %dma_start3A_65 = arith.constant 0 : i32
      %dma_start3A_66 = tpu.memref_slice %arg3[%arg0, %add3A_53, %dma_start3A_65] : memref<2x10240x16xf32, #tpu.memory_space<hbm>> -> memref<1x128x16xf32, #tpu.memory_space<hbm>>
      %dma_start3A_67 = tpu.memref_squeeze %dma_start3A_66 : memref<1x128x16xf32, #tpu.memory_space<hbm>> -> memref<128x16xf32, #tpu.memory_space<hbm>>
      tpu.enqueue_dma source(%arg6 : memref<128x16xf32, #tpu.memory_space<vmem>>) target(%dma_start3A_67 : memref<128x16xf32, #tpu.memory_space<hbm>>) target_semaphore(%run_scoped3A_62 : memref<!tpu.dma_semaphore, #tpu.memory_space<semaphore_mem>>)
      %dma_wait3A = arith.constant 0 : i32
      %dma_wait3A_68 = tpu.memref_slice %arg3[%arg0, %add3A_53, %dma_wait3A] : memref<2x10240x16xf32, #tpu.memory_space<hbm>> -> memref<1x128x16xf32, #tpu.memory_space<hbm>>
      %dma_wait3A_69 = tpu.memref_squeeze %dma_wait3A_68 : memref<1x128x16xf32, #tpu.memory_space<hbm>> -> memref<128x16xf32, #tpu.memory_space<hbm>>
      %dma_wait3A_70 = arith.constant 0 : i32
      %dma_wait3A_71 = tpu.memref_slice %arg3[%arg0, %add3A_53, %dma_wait3A_70] : memref<2x10240x16xf32, #tpu.memory_space<hbm>> -> memref<1x128x16xf32, #tpu.memory_space<hbm>>
      %dma_wait3A_72 = tpu.memref_squeeze %dma_wait3A_71 : memref<1x128x16xf32, #tpu.memory_space<hbm>> -> memref<128x16xf32, #tpu.memory_space<hbm>>
      tpu.wait_dma2 semaphore(%run_scoped3A_62 : memref<!tpu.dma_semaphore, #tpu.memory_space<semaphore_mem>>) src(%arg6 : memref<128x16xf32, #tpu.memory_space<vmem>>) dst(%dma_wait3A_72 : memref<128x16xf32, #tpu.memory_space<hbm>>)
      tpu.yield
    }) : () -> ()
    %mul3A_54 = arith.constant 640 : i32
    %mul3A_55 = arith.muli %arg1, %mul3A_54 : i32
    %add3A_56 = arith.constant 384 : i32
    %add3A_57 = arith.addi %mul3A_55, %add3A_56 : i32
    "tpu.region"() ({
      %run_scoped3A_62 = tpu.sem_alloc : memref<!tpu.dma_semaphore, #tpu.memory_space<semaphore_mem>>
      %dma_start3A = arith.constant 0 : i32
      %dma_start3A_63 = tpu.memref_slice %arg7[%add3A_57, %dma_start3A] : memref<10240x16xf32, #tpu.memory_space<vmem_shared>> -> memref<128x16xf32, #tpu.memory_space<vmem_shared>>
      %dma_start3A_64 = arith.constant 0 : i32
      %dma_start3A_65 = tpu.memref_slice %arg7[%add3A_57, %dma_start3A_64] : memref<10240x16xf32, #tpu.memory_space<vmem_shared>> -> memref<128x16xf32, #tpu.memory_space<vmem_shared>>
      tpu.enqueue_dma source(%dma_start3A_65 : memref<128x16xf32, #tpu.memory_space<vmem_shared>>) target(%arg6 : memref<128x16xf32, #tpu.memory_space<vmem>>) target_semaphore(%run_scoped3A_62 : memref<!tpu.dma_semaphore, #tpu.memory_space<semaphore_mem>>)
      %dma_wait3A = arith.constant 0 : i32
      %dma_wait3A_66 = tpu.memref_slice %arg7[%add3A_57, %dma_wait3A] : memref<10240x16xf32, #tpu.memory_space<vmem_shared>> -> memref<128x16xf32, #tpu.memory_space<vmem_shared>>
      %dma_wait3A_67 = arith.constant 0 : i32
      %dma_wait3A_68 = tpu.memref_slice %arg7[%add3A_57, %dma_wait3A_67] : memref<10240x16xf32, #tpu.memory_space<vmem_shared>> -> memref<128x16xf32, #tpu.memory_space<vmem_shared>>
      tpu.wait_dma2 semaphore(%run_scoped3A_62 : memref<!tpu.dma_semaphore, #tpu.memory_space<semaphore_mem>>) src(%dma_wait3A_68 : memref<128x16xf32, #tpu.memory_space<vmem_shared>>) dst(%arg6 : memref<128x16xf32, #tpu.memory_space<vmem>>)
      tpu.yield
    }) : () -> ()
    "tpu.region"() ({
      %run_scoped3A_62 = tpu.sem_alloc : memref<!tpu.dma_semaphore, #tpu.memory_space<semaphore_mem>>
      %dma_start3A = arith.constant 0 : i32
      %dma_start3A_63 = tpu.memref_slice %arg3[%arg0, %add3A_57, %dma_start3A] : memref<2x10240x16xf32, #tpu.memory_space<hbm>> -> memref<1x128x16xf32, #tpu.memory_space<hbm>>
      %dma_start3A_64 = tpu.memref_squeeze %dma_start3A_63 : memref<1x128x16xf32, #tpu.memory_space<hbm>> -> memref<128x16xf32, #tpu.memory_space<hbm>>
      %dma_start3A_65 = arith.constant 0 : i32
      %dma_start3A_66 = tpu.memref_slice %arg3[%arg0, %add3A_57, %dma_start3A_65] : memref<2x10240x16xf32, #tpu.memory_space<hbm>> -> memref<1x128x16xf32, #tpu.memory_space<hbm>>
      %dma_start3A_67 = tpu.memref_squeeze %dma_start3A_66 : memref<1x128x16xf32, #tpu.memory_space<hbm>> -> memref<128x16xf32, #tpu.memory_space<hbm>>
      tpu.enqueue_dma source(%arg6 : memref<128x16xf32, #tpu.memory_space<vmem>>) target(%dma_start3A_67 : memref<128x16xf32, #tpu.memory_space<hbm>>) target_semaphore(%run_scoped3A_62 : memref<!tpu.dma_semaphore, #tpu.memory_space<semaphore_mem>>)
      %dma_wait3A = arith.constant 0 : i32
      %dma_wait3A_68 = tpu.memref_slice %arg3[%arg0, %add3A_57, %dma_wait3A] : memref<2x10240x16xf32, #tpu.memory_space<hbm>> -> memref<1x128x16xf32, #tpu.memory_space<hbm>>
      %dma_wait3A_69 = tpu.memref_squeeze %dma_wait3A_68 : memref<1x128x16xf32, #tpu.memory_space<hbm>> -> memref<128x16xf32, #tpu.memory_space<hbm>>
      %dma_wait3A_70 = arith.constant 0 : i32
      %dma_wait3A_71 = tpu.memref_slice %arg3[%arg0, %add3A_57, %dma_wait3A_70] : memref<2x10240x16xf32, #tpu.memory_space<hbm>> -> memref<1x128x16xf32, #tpu.memory_space<hbm>>
      %dma_wait3A_72 = tpu.memref_squeeze %dma_wait3A_71 : memref<1x128x16xf32, #tpu.memory_space<hbm>> -> memref<128x16xf32, #tpu.memory_space<hbm>>
      tpu.wait_dma2 semaphore(%run_scoped3A_62 : memref<!tpu.dma_semaphore, #tpu.memory_space<semaphore_mem>>) src(%arg6 : memref<128x16xf32, #tpu.memory_space<vmem>>) dst(%dma_wait3A_72 : memref<128x16xf32, #tpu.memory_space<hbm>>)
      tpu.yield
    }) : () -> ()
    %mul3A_58 = arith.constant 640 : i32
    %mul3A_59 = arith.muli %arg1, %mul3A_58 : i32
    %add3A_60 = arith.constant 512 : i32
    %add3A_61 = arith.addi %mul3A_59, %add3A_60 : i32
    "tpu.region"() ({
      %run_scoped3A_62 = tpu.sem_alloc : memref<!tpu.dma_semaphore, #tpu.memory_space<semaphore_mem>>
      %dma_start3A = arith.constant 0 : i32
      %dma_start3A_63 = tpu.memref_slice %arg7[%add3A_61, %dma_start3A] : memref<10240x16xf32, #tpu.memory_space<vmem_shared>> -> memref<128x16xf32, #tpu.memory_space<vmem_shared>>
      %dma_start3A_64 = arith.constant 0 : i32
      %dma_start3A_65 = tpu.memref_slice %arg7[%add3A_61, %dma_start3A_64] : memref<10240x16xf32, #tpu.memory_space<vmem_shared>> -> memref<128x16xf32, #tpu.memory_space<vmem_shared>>
      tpu.enqueue_dma source(%dma_start3A_65 : memref<128x16xf32, #tpu.memory_space<vmem_shared>>) target(%arg6 : memref<128x16xf32, #tpu.memory_space<vmem>>) target_semaphore(%run_scoped3A_62 : memref<!tpu.dma_semaphore, #tpu.memory_space<semaphore_mem>>)
      %dma_wait3A = arith.constant 0 : i32
      %dma_wait3A_66 = tpu.memref_slice %arg7[%add3A_61, %dma_wait3A] : memref<10240x16xf32, #tpu.memory_space<vmem_shared>> -> memref<128x16xf32, #tpu.memory_space<vmem_shared>>
      %dma_wait3A_67 = arith.constant 0 : i32
      %dma_wait3A_68 = tpu.memref_slice %arg7[%add3A_61, %dma_wait3A_67] : memref<10240x16xf32, #tpu.memory_space<vmem_shared>> -> memref<128x16xf32, #tpu.memory_space<vmem_shared>>
      tpu.wait_dma2 semaphore(%run_scoped3A_62 : memref<!tpu.dma_semaphore, #tpu.memory_space<semaphore_mem>>) src(%dma_wait3A_68 : memref<128x16xf32, #tpu.memory_space<vmem_shared>>) dst(%arg6 : memref<128x16xf32, #tpu.memory_space<vmem>>)
      tpu.yield
    }) : () -> ()
    "tpu.region"() ({
      %run_scoped3A_62 = tpu.sem_alloc : memref<!tpu.dma_semaphore, #tpu.memory_space<semaphore_mem>>
      %dma_start3A = arith.constant 0 : i32
      %dma_start3A_63 = tpu.memref_slice %arg3[%arg0, %add3A_61, %dma_start3A] : memref<2x10240x16xf32, #tpu.memory_space<hbm>> -> memref<1x128x16xf32, #tpu.memory_space<hbm>>
      %dma_start3A_64 = tpu.memref_squeeze %dma_start3A_63 : memref<1x128x16xf32, #tpu.memory_space<hbm>> -> memref<128x16xf32, #tpu.memory_space<hbm>>
      %dma_start3A_65 = arith.constant 0 : i32
      %dma_start3A_66 = tpu.memref_slice %arg3[%arg0, %add3A_61, %dma_start3A_65] : memref<2x10240x16xf32, #tpu.memory_space<hbm>> -> memref<1x128x16xf32, #tpu.memory_space<hbm>>
      %dma_start3A_67 = tpu.memref_squeeze %dma_start3A_66 : memref<1x128x16xf32, #tpu.memory_space<hbm>> -> memref<128x16xf32, #tpu.memory_space<hbm>>
      tpu.enqueue_dma source(%arg6 : memref<128x16xf32, #tpu.memory_space<vmem>>) target(%dma_start3A_67 : memref<128x16xf32, #tpu.memory_space<hbm>>) target_semaphore(%run_scoped3A_62 : memref<!tpu.dma_semaphore, #tpu.memory_space<semaphore_mem>>)
      %dma_wait3A = arith.constant 0 : i32
      %dma_wait3A_68 = tpu.memref_slice %arg3[%arg0, %add3A_61, %dma_wait3A] : memref<2x10240x16xf32, #tpu.memory_space<hbm>> -> memref<1x128x16xf32, #tpu.memory_space<hbm>>
      %dma_wait3A_69 = tpu.memref_squeeze %dma_wait3A_68 : memref<1x128x16xf32, #tpu.memory_space<hbm>> -> memref<128x16xf32, #tpu.memory_space<hbm>>
      %dma_wait3A_70 = arith.constant 0 : i32
      %dma_wait3A_71 = tpu.memref_slice %arg3[%arg0, %add3A_61, %dma_wait3A_70] : memref<2x10240x16xf32, #tpu.memory_space<hbm>> -> memref<1x128x16xf32, #tpu.memory_space<hbm>>
      %dma_wait3A_72 = tpu.memref_squeeze %dma_wait3A_71 : memref<1x128x16xf32, #tpu.memory_space<hbm>> -> memref<128x16xf32, #tpu.memory_space<hbm>>
      tpu.wait_dma2 semaphore(%run_scoped3A_62 : memref<!tpu.dma_semaphore, #tpu.memory_space<semaphore_mem>>) src(%arg6 : memref<128x16xf32, #tpu.memory_space<vmem>>) dst(%dma_wait3A_72 : memref<128x16xf32, #tpu.memory_space<hbm>>)
      tpu.yield
    }) : () -> ()
    return
  }
}

#map = affine_map<(d0, d1) -> (0, 0)>
#map1 = affine_map<(d0, d1) -> (0, 0, 0)>
module attributes {stable_mosaic.version = 14 : i64} {
  func.func @agg(%arg0: i32, %arg1: i32, %arg2: memref<10000x128xf32, #tpu.memory_space<hbm>>, %arg3: memref<32x159x64xi32, #tpu.memory_space<hbm>>, %arg4: memref<32x159x64xi32, #tpu.memory_space<hbm>>, %arg5: memref<2x10240x128xf32, #tpu.memory_space<hbm>>, %arg6: memref<159x64xi32, #tpu.memory_space<vmem>>, %arg7: memref<159x64xi32, #tpu.memory_space<vmem>>, %arg8: memref<64x128xf32, #tpu.memory_space<vmem>>, %arg9: memref<64x128xf32, #tpu.memory_space<vmem>>, %arg10: memref<64x128xf32, #tpu.memory_space<vmem>>, %arg11: memref<10240x128xf32, #tpu.memory_space<vmem_shared>>, %arg12: memref<!tpu.dma_semaphore, #tpu.memory_space<semaphore_mem>>, %arg13: memref<!tpu.dma_semaphore, #tpu.memory_space<semaphore_mem>>, %arg14: memref<!tpu.dma_semaphore, #tpu.memory_space<semaphore_mem>>, %arg15: memref<!tpu.dma_semaphore, #tpu.memory_space<semaphore_mem>>, %arg16: memref<!tpu.dma_semaphore, #tpu.memory_space<semaphore_mem>>, %arg17: memref<!tpu.dma_semaphore, #tpu.memory_space<semaphore_mem>>) attributes {dimension_semantics = [#tpu.dimension_semantics<core_parallel>, #tpu.dimension_semantics<subcore_parallel>], iteration_bounds = array<i64: 2, 16>, scalar_prefetch = 0 : i64, scratch_operands = 12 : i64, tpu.core_type = #tpu.core_type<sc_vector_subcore>, window_params = [{transform_indices = #map}, {transform_indices = #map1}, {transform_indices = #map1}, {transform_indices = #map1}]} {
    %mul3A = arith.constant 2 : i32
    %mul3A_0 = arith.muli %arg1, %mul3A : i32
    %add3A = arith.addi %mul3A_0, %arg0 : i32
    "tpu.region"() ({
      %run_scoped3A_137 = tpu.sem_alloc : memref<!tpu.dma_semaphore, #tpu.memory_space<semaphore_mem>>
      %dma_start3A_138 = arith.constant 0 : i32
      %dma_start3A_139 = arith.constant 0 : i32
      %dma_start3A_140 = tpu.memref_slice %arg3[%add3A, %dma_start3A_138, %dma_start3A_139] : memref<32x159x64xi32, #tpu.memory_space<hbm>> -> memref<1x159x64xi32, #tpu.memory_space<hbm>>
      %dma_start3A_141 = tpu.memref_squeeze %dma_start3A_140 : memref<1x159x64xi32, #tpu.memory_space<hbm>> -> memref<159x64xi32, #tpu.memory_space<hbm>>
      %dma_start3A_142 = arith.constant 0 : i32
      %dma_start3A_143 = arith.constant 0 : i32
      %dma_start3A_144 = tpu.memref_slice %arg3[%add3A, %dma_start3A_142, %dma_start3A_143] : memref<32x159x64xi32, #tpu.memory_space<hbm>> -> memref<1x159x64xi32, #tpu.memory_space<hbm>>
      %dma_start3A_145 = tpu.memref_squeeze %dma_start3A_144 : memref<1x159x64xi32, #tpu.memory_space<hbm>> -> memref<159x64xi32, #tpu.memory_space<hbm>>
      tpu.enqueue_dma source(%dma_start3A_145 : memref<159x64xi32, #tpu.memory_space<hbm>>) target(%arg6 : memref<159x64xi32, #tpu.memory_space<vmem>>) target_semaphore(%run_scoped3A_137 : memref<!tpu.dma_semaphore, #tpu.memory_space<semaphore_mem>>)
      %dma_wait3A_146 = arith.constant 0 : i32
      %dma_wait3A_147 = arith.constant 0 : i32
      %dma_wait3A_148 = tpu.memref_slice %arg3[%add3A, %dma_wait3A_146, %dma_wait3A_147] : memref<32x159x64xi32, #tpu.memory_space<hbm>> -> memref<1x159x64xi32, #tpu.memory_space<hbm>>
      %dma_wait3A_149 = tpu.memref_squeeze %dma_wait3A_148 : memref<1x159x64xi32, #tpu.memory_space<hbm>> -> memref<159x64xi32, #tpu.memory_space<hbm>>
      %dma_wait3A_150 = arith.constant 0 : i32
      %dma_wait3A_151 = arith.constant 0 : i32
      %dma_wait3A_152 = tpu.memref_slice %arg3[%add3A, %dma_wait3A_150, %dma_wait3A_151] : memref<32x159x64xi32, #tpu.memory_space<hbm>> -> memref<1x159x64xi32, #tpu.memory_space<hbm>>
      %dma_wait3A_153 = tpu.memref_squeeze %dma_wait3A_152 : memref<1x159x64xi32, #tpu.memory_space<hbm>> -> memref<159x64xi32, #tpu.memory_space<hbm>>
      tpu.wait_dma2 semaphore(%run_scoped3A_137 : memref<!tpu.dma_semaphore, #tpu.memory_space<semaphore_mem>>) src(%dma_wait3A_153 : memref<159x64xi32, #tpu.memory_space<hbm>>) dst(%arg6 : memref<159x64xi32, #tpu.memory_space<vmem>>)
      tpu.yield
    }) : () -> ()
    "tpu.region"() ({
      %run_scoped3A_137 = tpu.sem_alloc : memref<!tpu.dma_semaphore, #tpu.memory_space<semaphore_mem>>
      %dma_start3A_138 = arith.constant 0 : i32
      %dma_start3A_139 = arith.constant 0 : i32
      %dma_start3A_140 = tpu.memref_slice %arg4[%add3A, %dma_start3A_138, %dma_start3A_139] : memref<32x159x64xi32, #tpu.memory_space<hbm>> -> memref<1x159x64xi32, #tpu.memory_space<hbm>>
      %dma_start3A_141 = tpu.memref_squeeze %dma_start3A_140 : memref<1x159x64xi32, #tpu.memory_space<hbm>> -> memref<159x64xi32, #tpu.memory_space<hbm>>
      %dma_start3A_142 = arith.constant 0 : i32
      %dma_start3A_143 = arith.constant 0 : i32
      %dma_start3A_144 = tpu.memref_slice %arg4[%add3A, %dma_start3A_142, %dma_start3A_143] : memref<32x159x64xi32, #tpu.memory_space<hbm>> -> memref<1x159x64xi32, #tpu.memory_space<hbm>>
      %dma_start3A_145 = tpu.memref_squeeze %dma_start3A_144 : memref<1x159x64xi32, #tpu.memory_space<hbm>> -> memref<159x64xi32, #tpu.memory_space<hbm>>
      tpu.enqueue_dma source(%dma_start3A_145 : memref<159x64xi32, #tpu.memory_space<hbm>>) target(%arg7 : memref<159x64xi32, #tpu.memory_space<vmem>>) target_semaphore(%run_scoped3A_137 : memref<!tpu.dma_semaphore, #tpu.memory_space<semaphore_mem>>)
      %dma_wait3A_146 = arith.constant 0 : i32
      %dma_wait3A_147 = arith.constant 0 : i32
      %dma_wait3A_148 = tpu.memref_slice %arg4[%add3A, %dma_wait3A_146, %dma_wait3A_147] : memref<32x159x64xi32, #tpu.memory_space<hbm>> -> memref<1x159x64xi32, #tpu.memory_space<hbm>>
      %dma_wait3A_149 = tpu.memref_squeeze %dma_wait3A_148 : memref<1x159x64xi32, #tpu.memory_space<hbm>> -> memref<159x64xi32, #tpu.memory_space<hbm>>
      %dma_wait3A_150 = arith.constant 0 : i32
      %dma_wait3A_151 = arith.constant 0 : i32
      %dma_wait3A_152 = tpu.memref_slice %arg4[%add3A, %dma_wait3A_150, %dma_wait3A_151] : memref<32x159x64xi32, #tpu.memory_space<hbm>> -> memref<1x159x64xi32, #tpu.memory_space<hbm>>
      %dma_wait3A_153 = tpu.memref_squeeze %dma_wait3A_152 : memref<1x159x64xi32, #tpu.memory_space<hbm>> -> memref<159x64xi32, #tpu.memory_space<hbm>>
      tpu.wait_dma2 semaphore(%run_scoped3A_137 : memref<!tpu.dma_semaphore, #tpu.memory_space<semaphore_mem>>) src(%dma_wait3A_153 : memref<159x64xi32, #tpu.memory_space<hbm>>) dst(%arg7 : memref<159x64xi32, #tpu.memory_space<vmem>>)
      tpu.yield
    }) : () -> ()
    %scan3A = arith.constant 0 : i32
    %scan3A_1 = arith.constant 0 : i32
    %scan3A_2 = arith.constant 64 : i32
    %scan3A_3 = arith.addi %scan3A_1, %scan3A_2 : i32
    %scan3A_4 = arith.constant 1 : i32
    %scan3A_5 = scf.for %scan3A_137 = %scan3A_1 to %scan3A_3 step %scan3A_4 iter_args(%scan3A_138 = %scan3A) -> (i32)  : i32 {
      %broadcast_in_dim3A = arith.constant 0.000000e+00 : f32
      %broadcast_in_dim3A_139 = vector.broadcast %broadcast_in_dim3A : f32 to vector<16xf32>
      %swap3A = arith.index_cast %scan3A_137 : i32 to index
      %swap3A_140 = arith.constant 0 : index
      %swap3A_141 = tpu.vector_load %arg8[%swap3A, %swap3A_140] {strides = array<i32>} : memref<64x128xf32, #tpu.memory_space<vmem>>, vector<1x16xf32>,
      %swap3A_142 = vector.shape_cast %swap3A_141 : vector<1x16xf32> to vector<16xf32>
      %swap3A_143 = vector.shape_cast %broadcast_in_dim3A_139 : vector<16xf32> to vector<1x16xf32>
      tpu.vector_store %arg8[%swap3A, %swap3A_140], %swap3A_143 {strides = array<i32>} : memref<64x128xf32, #tpu.memory_space<vmem>>, vector<1x16xf32>,
      %broadcast_in_dim3A_144 = arith.constant 0.000000e+00 : f32
      %broadcast_in_dim3A_145 = vector.broadcast %broadcast_in_dim3A_144 : f32 to vector<16xf32>
      %swap3A_146 = arith.index_cast %scan3A_137 : i32 to index
      %swap3A_147 = arith.constant 16 : index
      %swap3A_148 = tpu.vector_load %arg8[%swap3A_146, %swap3A_147] {strides = array<i32>} : memref<64x128xf32, #tpu.memory_space<vmem>>, vector<1x16xf32>,
      %swap3A_149 = vector.shape_cast %swap3A_148 : vector<1x16xf32> to vector<16xf32>
      %swap3A_150 = vector.shape_cast %broadcast_in_dim3A_145 : vector<16xf32> to vector<1x16xf32>
      tpu.vector_store %arg8[%swap3A_146, %swap3A_147], %swap3A_150 {strides = array<i32>} : memref<64x128xf32, #tpu.memory_space<vmem>>, vector<1x16xf32>,
      %broadcast_in_dim3A_151 = arith.constant 0.000000e+00 : f32
      %broadcast_in_dim3A_152 = vector.broadcast %broadcast_in_dim3A_151 : f32 to vector<16xf32>
      %swap3A_153 = arith.index_cast %scan3A_137 : i32 to index
      %swap3A_154 = arith.constant 32 : index
      %swap3A_155 = tpu.vector_load %arg8[%swap3A_153, %swap3A_154] {strides = array<i32>} : memref<64x128xf32, #tpu.memory_space<vmem>>, vector<1x16xf32>,
      %swap3A_156 = vector.shape_cast %swap3A_155 : vector<1x16xf32> to vector<16xf32>
      %swap3A_157 = vector.shape_cast %broadcast_in_dim3A_152 : vector<16xf32> to vector<1x16xf32>
      tpu.vector_store %arg8[%swap3A_153, %swap3A_154], %swap3A_157 {strides = array<i32>} : memref<64x128xf32, #tpu.memory_space<vmem>>, vector<1x16xf32>,
      %broadcast_in_dim3A_158 = arith.constant 0.000000e+00 : f32
      %broadcast_in_dim3A_159 = vector.broadcast %broadcast_in_dim3A_158 : f32 to vector<16xf32>
      %swap3A_160 = arith.index_cast %scan3A_137 : i32 to index
      %swap3A_161 = arith.constant 48 : index
      %swap3A_162 = tpu.vector_load %arg8[%swap3A_160, %swap3A_161] {strides = array<i32>} : memref<64x128xf32, #tpu.memory_space<vmem>>, vector<1x16xf32>,
      %swap3A_163 = vector.shape_cast %swap3A_162 : vector<1x16xf32> to vector<16xf32>
      %swap3A_164 = vector.shape_cast %broadcast_in_dim3A_159 : vector<16xf32> to vector<1x16xf32>
      tpu.vector_store %arg8[%swap3A_160, %swap3A_161], %swap3A_164 {strides = array<i32>} : memref<64x128xf32, #tpu.memory_space<vmem>>, vector<1x16xf32>,
      %broadcast_in_dim3A_165 = arith.constant 0.000000e+00 : f32
      %broadcast_in_dim3A_166 = vector.broadcast %broadcast_in_dim3A_165 : f32 to vector<16xf32>
      %swap3A_167 = arith.index_cast %scan3A_137 : i32 to index
      %swap3A_168 = arith.constant 64 : index
      %swap3A_169 = tpu.vector_load %arg8[%swap3A_167, %swap3A_168] {strides = array<i32>} : memref<64x128xf32, #tpu.memory_space<vmem>>, vector<1x16xf32>,
      %swap3A_170 = vector.shape_cast %swap3A_169 : vector<1x16xf32> to vector<16xf32>
      %swap3A_171 = vector.shape_cast %broadcast_in_dim3A_166 : vector<16xf32> to vector<1x16xf32>
      tpu.vector_store %arg8[%swap3A_167, %swap3A_168], %swap3A_171 {strides = array<i32>} : memref<64x128xf32, #tpu.memory_space<vmem>>, vector<1x16xf32>,
      %broadcast_in_dim3A_172 = arith.constant 0.000000e+00 : f32
      %broadcast_in_dim3A_173 = vector.broadcast %broadcast_in_dim3A_172 : f32 to vector<16xf32>
      %swap3A_174 = arith.index_cast %scan3A_137 : i32 to index
      %swap3A_175 = arith.constant 80 : index
      %swap3A_176 = tpu.vector_load %arg8[%swap3A_174, %swap3A_175] {strides = array<i32>} : memref<64x128xf32, #tpu.memory_space<vmem>>, vector<1x16xf32>,
      %swap3A_177 = vector.shape_cast %swap3A_176 : vector<1x16xf32> to vector<16xf32>
      %swap3A_178 = vector.shape_cast %broadcast_in_dim3A_173 : vector<16xf32> to vector<1x16xf32>
      tpu.vector_store %arg8[%swap3A_174, %swap3A_175], %swap3A_178 {strides = array<i32>} : memref<64x128xf32, #tpu.memory_space<vmem>>, vector<1x16xf32>,
      %broadcast_in_dim3A_179 = arith.constant 0.000000e+00 : f32
      %broadcast_in_dim3A_180 = vector.broadcast %broadcast_in_dim3A_179 : f32 to vector<16xf32>
      %swap3A_181 = arith.index_cast %scan3A_137 : i32 to index
      %swap3A_182 = arith.constant 96 : index
      %swap3A_183 = tpu.vector_load %arg8[%swap3A_181, %swap3A_182] {strides = array<i32>} : memref<64x128xf32, #tpu.memory_space<vmem>>, vector<1x16xf32>,
      %swap3A_184 = vector.shape_cast %swap3A_183 : vector<1x16xf32> to vector<16xf32>
      %swap3A_185 = vector.shape_cast %broadcast_in_dim3A_180 : vector<16xf32> to vector<1x16xf32>
      tpu.vector_store %arg8[%swap3A_181, %swap3A_182], %swap3A_185 {strides = array<i32>} : memref<64x128xf32, #tpu.memory_space<vmem>>, vector<1x16xf32>,
      %broadcast_in_dim3A_186 = arith.constant 0.000000e+00 : f32
      %broadcast_in_dim3A_187 = vector.broadcast %broadcast_in_dim3A_186 : f32 to vector<16xf32>
      %swap3A_188 = arith.index_cast %scan3A_137 : i32 to index
      %swap3A_189 = arith.constant 112 : index
      %swap3A_190 = tpu.vector_load %arg8[%swap3A_188, %swap3A_189] {strides = array<i32>} : memref<64x128xf32, #tpu.memory_space<vmem>>, vector<1x16xf32>,
      %swap3A_191 = vector.shape_cast %swap3A_190 : vector<1x16xf32> to vector<16xf32>
      %swap3A_192 = vector.shape_cast %broadcast_in_dim3A_187 : vector<16xf32> to vector<1x16xf32>
      tpu.vector_store %arg8[%swap3A_188, %swap3A_189], %swap3A_192 {strides = array<i32>} : memref<64x128xf32, #tpu.memory_space<vmem>>, vector<1x16xf32>,
      %scan3A_193 = arith.constant 0 : i32
      scf.yield %scan3A_193 : i32
    }
    %scan3A_6 = arith.constant 64 : i32
    %mul3A_7 = arith.constant 640 : i32
    %mul3A_8 = arith.muli %arg1, %mul3A_7 : i32
    %add3A_9 = arith.constant 0 : i32
    %add3A_10 = arith.addi %mul3A_8, %add3A_9 : i32
    "tpu.region"() ({
      %run_scoped3A_137 = tpu.sem_alloc : memref<!tpu.dma_semaphore, #tpu.memory_space<semaphore_mem>>
      %dma_start3A_138 = arith.constant 0 : i32
      %dma_start3A_139 = tpu.memref_slice %arg11[%add3A_10, %dma_start3A_138] : memref<10240x128xf32, #tpu.memory_space<vmem_shared>> -> memref<64x128xf32, #tpu.memory_space<vmem_shared>>
      %dma_start3A_140 = arith.constant 0 : i32
      %dma_start3A_141 = tpu.memref_slice %arg11[%add3A_10, %dma_start3A_140] : memref<10240x128xf32, #tpu.memory_space<vmem_shared>> -> memref<64x128xf32, #tpu.memory_space<vmem_shared>>
      tpu.enqueue_dma source(%arg8 : memref<64x128xf32, #tpu.memory_space<vmem>>) target(%dma_start3A_141 : memref<64x128xf32, #tpu.memory_space<vmem_shared>>) target_semaphore(%run_scoped3A_137 : memref<!tpu.dma_semaphore, #tpu.memory_space<semaphore_mem>>)
      %dma_wait3A_142 = arith.constant 0 : i32
      %dma_wait3A_143 = tpu.memref_slice %arg11[%add3A_10, %dma_wait3A_142] : memref<10240x128xf32, #tpu.memory_space<vmem_shared>> -> memref<64x128xf32, #tpu.memory_space<vmem_shared>>
      %dma_wait3A_144 = arith.constant 0 : i32
      %dma_wait3A_145 = tpu.memref_slice %arg11[%add3A_10, %dma_wait3A_144] : memref<10240x128xf32, #tpu.memory_space<vmem_shared>> -> memref<64x128xf32, #tpu.memory_space<vmem_shared>>
      tpu.wait_dma2 semaphore(%run_scoped3A_137 : memref<!tpu.dma_semaphore, #tpu.memory_space<semaphore_mem>>) src(%arg8 : memref<64x128xf32, #tpu.memory_space<vmem>>) dst(%dma_wait3A_145 : memref<64x128xf32, #tpu.memory_space<vmem_shared>>)
      tpu.yield
    }) : () -> ()
    %mul3A_11 = arith.constant 640 : i32
    %mul3A_12 = arith.muli %arg1, %mul3A_11 : i32
    %add3A_13 = arith.constant 64 : i32
    %add3A_14 = arith.addi %mul3A_12, %add3A_13 : i32
    "tpu.region"() ({
      %run_scoped3A_137 = tpu.sem_alloc : memref<!tpu.dma_semaphore, #tpu.memory_space<semaphore_mem>>
      %dma_start3A_138 = arith.constant 0 : i32
      %dma_start3A_139 = tpu.memref_slice %arg11[%add3A_14, %dma_start3A_138] : memref<10240x128xf32, #tpu.memory_space<vmem_shared>> -> memref<64x128xf32, #tpu.memory_space<vmem_shared>>
      %dma_start3A_140 = arith.constant 0 : i32
      %dma_start3A_141 = tpu.memref_slice %arg11[%add3A_14, %dma_start3A_140] : memref<10240x128xf32, #tpu.memory_space<vmem_shared>> -> memref<64x128xf32, #tpu.memory_space<vmem_shared>>
      tpu.enqueue_dma source(%arg8 : memref<64x128xf32, #tpu.memory_space<vmem>>) target(%dma_start3A_141 : memref<64x128xf32, #tpu.memory_space<vmem_shared>>) target_semaphore(%run_scoped3A_137 : memref<!tpu.dma_semaphore, #tpu.memory_space<semaphore_mem>>)
      %dma_wait3A_142 = arith.constant 0 : i32
      %dma_wait3A_143 = tpu.memref_slice %arg11[%add3A_14, %dma_wait3A_142] : memref<10240x128xf32, #tpu.memory_space<vmem_shared>> -> memref<64x128xf32, #tpu.memory_space<vmem_shared>>
      %dma_wait3A_144 = arith.constant 0 : i32
      %dma_wait3A_145 = tpu.memref_slice %arg11[%add3A_14, %dma_wait3A_144] : memref<10240x128xf32, #tpu.memory_space<vmem_shared>> -> memref<64x128xf32, #tpu.memory_space<vmem_shared>>
      tpu.wait_dma2 semaphore(%run_scoped3A_137 : memref<!tpu.dma_semaphore, #tpu.memory_space<semaphore_mem>>) src(%arg8 : memref<64x128xf32, #tpu.memory_space<vmem>>) dst(%dma_wait3A_145 : memref<64x128xf32, #tpu.memory_space<vmem_shared>>)
      tpu.yield
    }) : () -> ()
    %mul3A_15 = arith.constant 640 : i32
    %mul3A_16 = arith.muli %arg1, %mul3A_15 : i32
    %add3A_17 = arith.constant 128 : i32
    %add3A_18 = arith.addi %mul3A_16, %add3A_17 : i32
    "tpu.region"() ({
      %run_scoped3A_137 = tpu.sem_alloc : memref<!tpu.dma_semaphore, #tpu.memory_space<semaphore_mem>>
      %dma_start3A_138 = arith.constant 0 : i32
      %dma_start3A_139 = tpu.memref_slice %arg11[%add3A_18, %dma_start3A_138] : memref<10240x128xf32, #tpu.memory_space<vmem_shared>> -> memref<64x128xf32, #tpu.memory_space<vmem_shared>>
      %dma_start3A_140 = arith.constant 0 : i32
      %dma_start3A_141 = tpu.memref_slice %arg11[%add3A_18, %dma_start3A_140] : memref<10240x128xf32, #tpu.memory_space<vmem_shared>> -> memref<64x128xf32, #tpu.memory_space<vmem_shared>>
      tpu.enqueue_dma source(%arg8 : memref<64x128xf32, #tpu.memory_space<vmem>>) target(%dma_start3A_141 : memref<64x128xf32, #tpu.memory_space<vmem_shared>>) target_semaphore(%run_scoped3A_137 : memref<!tpu.dma_semaphore, #tpu.memory_space<semaphore_mem>>)
      %dma_wait3A_142 = arith.constant 0 : i32
      %dma_wait3A_143 = tpu.memref_slice %arg11[%add3A_18, %dma_wait3A_142] : memref<10240x128xf32, #tpu.memory_space<vmem_shared>> -> memref<64x128xf32, #tpu.memory_space<vmem_shared>>
      %dma_wait3A_144 = arith.constant 0 : i32
      %dma_wait3A_145 = tpu.memref_slice %arg11[%add3A_18, %dma_wait3A_144] : memref<10240x128xf32, #tpu.memory_space<vmem_shared>> -> memref<64x128xf32, #tpu.memory_space<vmem_shared>>
      tpu.wait_dma2 semaphore(%run_scoped3A_137 : memref<!tpu.dma_semaphore, #tpu.memory_space<semaphore_mem>>) src(%arg8 : memref<64x128xf32, #tpu.memory_space<vmem>>) dst(%dma_wait3A_145 : memref<64x128xf32, #tpu.memory_space<vmem_shared>>)
      tpu.yield
    }) : () -> ()
    %mul3A_19 = arith.constant 640 : i32
    %mul3A_20 = arith.muli %arg1, %mul3A_19 : i32
    %add3A_21 = arith.constant 192 : i32
    %add3A_22 = arith.addi %mul3A_20, %add3A_21 : i32
    "tpu.region"() ({
      %run_scoped3A_137 = tpu.sem_alloc : memref<!tpu.dma_semaphore, #tpu.memory_space<semaphore_mem>>
      %dma_start3A_138 = arith.constant 0 : i32
      %dma_start3A_139 = tpu.memref_slice %arg11[%add3A_22, %dma_start3A_138] : memref<10240x128xf32, #tpu.memory_space<vmem_shared>> -> memref<64x128xf32, #tpu.memory_space<vmem_shared>>
      %dma_start3A_140 = arith.constant 0 : i32
      %dma_start3A_141 = tpu.memref_slice %arg11[%add3A_22, %dma_start3A_140] : memref<10240x128xf32, #tpu.memory_space<vmem_shared>> -> memref<64x128xf32, #tpu.memory_space<vmem_shared>>
      tpu.enqueue_dma source(%arg8 : memref<64x128xf32, #tpu.memory_space<vmem>>) target(%dma_start3A_141 : memref<64x128xf32, #tpu.memory_space<vmem_shared>>) target_semaphore(%run_scoped3A_137 : memref<!tpu.dma_semaphore, #tpu.memory_space<semaphore_mem>>)
      %dma_wait3A_142 = arith.constant 0 : i32
      %dma_wait3A_143 = tpu.memref_slice %arg11[%add3A_22, %dma_wait3A_142] : memref<10240x128xf32, #tpu.memory_space<vmem_shared>> -> memref<64x128xf32, #tpu.memory_space<vmem_shared>>
      %dma_wait3A_144 = arith.constant 0 : i32
      %dma_wait3A_145 = tpu.memref_slice %arg11[%add3A_22, %dma_wait3A_144] : memref<10240x128xf32, #tpu.memory_space<vmem_shared>> -> memref<64x128xf32, #tpu.memory_space<vmem_shared>>
      tpu.wait_dma2 semaphore(%run_scoped3A_137 : memref<!tpu.dma_semaphore, #tpu.memory_space<semaphore_mem>>) src(%arg8 : memref<64x128xf32, #tpu.memory_space<vmem>>) dst(%dma_wait3A_145 : memref<64x128xf32, #tpu.memory_space<vmem_shared>>)
      tpu.yield
    }) : () -> ()
    %mul3A_23 = arith.constant 640 : i32
    %mul3A_24 = arith.muli %arg1, %mul3A_23 : i32
    %add3A_25 = arith.constant 256 : i32
    %add3A_26 = arith.addi %mul3A_24, %add3A_25 : i32
    "tpu.region"() ({
      %run_scoped3A_137 = tpu.sem_alloc : memref<!tpu.dma_semaphore, #tpu.memory_space<semaphore_mem>>
      %dma_start3A_138 = arith.constant 0 : i32
      %dma_start3A_139 = tpu.memref_slice %arg11[%add3A_26, %dma_start3A_138] : memref<10240x128xf32, #tpu.memory_space<vmem_shared>> -> memref<64x128xf32, #tpu.memory_space<vmem_shared>>
      %dma_start3A_140 = arith.constant 0 : i32
      %dma_start3A_141 = tpu.memref_slice %arg11[%add3A_26, %dma_start3A_140] : memref<10240x128xf32, #tpu.memory_space<vmem_shared>> -> memref<64x128xf32, #tpu.memory_space<vmem_shared>>
      tpu.enqueue_dma source(%arg8 : memref<64x128xf32, #tpu.memory_space<vmem>>) target(%dma_start3A_141 : memref<64x128xf32, #tpu.memory_space<vmem_shared>>) target_semaphore(%run_scoped3A_137 : memref<!tpu.dma_semaphore, #tpu.memory_space<semaphore_mem>>)
      %dma_wait3A_142 = arith.constant 0 : i32
      %dma_wait3A_143 = tpu.memref_slice %arg11[%add3A_26, %dma_wait3A_142] : memref<10240x128xf32, #tpu.memory_space<vmem_shared>> -> memref<64x128xf32, #tpu.memory_space<vmem_shared>>
      %dma_wait3A_144 = arith.constant 0 : i32
      %dma_wait3A_145 = tpu.memref_slice %arg11[%add3A_26, %dma_wait3A_144] : memref<10240x128xf32, #tpu.memory_space<vmem_shared>> -> memref<64x128xf32, #tpu.memory_space<vmem_shared>>
      tpu.wait_dma2 semaphore(%run_scoped3A_137 : memref<!tpu.dma_semaphore, #tpu.memory_space<semaphore_mem>>) src(%arg8 : memref<64x128xf32, #tpu.memory_space<vmem>>) dst(%dma_wait3A_145 : memref<64x128xf32, #tpu.memory_space<vmem_shared>>)
      tpu.yield
    }) : () -> ()
    %mul3A_27 = arith.constant 640 : i32
    %mul3A_28 = arith.muli %arg1, %mul3A_27 : i32
    %add3A_29 = arith.constant 320 : i32
    %add3A_30 = arith.addi %mul3A_28, %add3A_29 : i32
    "tpu.region"() ({
      %run_scoped3A_137 = tpu.sem_alloc : memref<!tpu.dma_semaphore, #tpu.memory_space<semaphore_mem>>
      %dma_start3A_138 = arith.constant 0 : i32
      %dma_start3A_139 = tpu.memref_slice %arg11[%add3A_30, %dma_start3A_138] : memref<10240x128xf32, #tpu.memory_space<vmem_shared>> -> memref<64x128xf32, #tpu.memory_space<vmem_shared>>
      %dma_start3A_140 = arith.constant 0 : i32
      %dma_start3A_141 = tpu.memref_slice %arg11[%add3A_30, %dma_start3A_140] : memref<10240x128xf32, #tpu.memory_space<vmem_shared>> -> memref<64x128xf32, #tpu.memory_space<vmem_shared>>
      tpu.enqueue_dma source(%arg8 : memref<64x128xf32, #tpu.memory_space<vmem>>) target(%dma_start3A_141 : memref<64x128xf32, #tpu.memory_space<vmem_shared>>) target_semaphore(%run_scoped3A_137 : memref<!tpu.dma_semaphore, #tpu.memory_space<semaphore_mem>>)
      %dma_wait3A_142 = arith.constant 0 : i32
      %dma_wait3A_143 = tpu.memref_slice %arg11[%add3A_30, %dma_wait3A_142] : memref<10240x128xf32, #tpu.memory_space<vmem_shared>> -> memref<64x128xf32, #tpu.memory_space<vmem_shared>>
      %dma_wait3A_144 = arith.constant 0 : i32
      %dma_wait3A_145 = tpu.memref_slice %arg11[%add3A_30, %dma_wait3A_144] : memref<10240x128xf32, #tpu.memory_space<vmem_shared>> -> memref<64x128xf32, #tpu.memory_space<vmem_shared>>
      tpu.wait_dma2 semaphore(%run_scoped3A_137 : memref<!tpu.dma_semaphore, #tpu.memory_space<semaphore_mem>>) src(%arg8 : memref<64x128xf32, #tpu.memory_space<vmem>>) dst(%dma_wait3A_145 : memref<64x128xf32, #tpu.memory_space<vmem_shared>>)
      tpu.yield
    }) : () -> ()
    %mul3A_31 = arith.constant 640 : i32
    %mul3A_32 = arith.muli %arg1, %mul3A_31 : i32
    %add3A_33 = arith.constant 384 : i32
    %add3A_34 = arith.addi %mul3A_32, %add3A_33 : i32
    "tpu.region"() ({
      %run_scoped3A_137 = tpu.sem_alloc : memref<!tpu.dma_semaphore, #tpu.memory_space<semaphore_mem>>
      %dma_start3A_138 = arith.constant 0 : i32
      %dma_start3A_139 = tpu.memref_slice %arg11[%add3A_34, %dma_start3A_138] : memref<10240x128xf32, #tpu.memory_space<vmem_shared>> -> memref<64x128xf32, #tpu.memory_space<vmem_shared>>
      %dma_start3A_140 = arith.constant 0 : i32
      %dma_start3A_141 = tpu.memref_slice %arg11[%add3A_34, %dma_start3A_140] : memref<10240x128xf32, #tpu.memory_space<vmem_shared>> -> memref<64x128xf32, #tpu.memory_space<vmem_shared>>
      tpu.enqueue_dma source(%arg8 : memref<64x128xf32, #tpu.memory_space<vmem>>) target(%dma_start3A_141 : memref<64x128xf32, #tpu.memory_space<vmem_shared>>) target_semaphore(%run_scoped3A_137 : memref<!tpu.dma_semaphore, #tpu.memory_space<semaphore_mem>>)
      %dma_wait3A_142 = arith.constant 0 : i32
      %dma_wait3A_143 = tpu.memref_slice %arg11[%add3A_34, %dma_wait3A_142] : memref<10240x128xf32, #tpu.memory_space<vmem_shared>> -> memref<64x128xf32, #tpu.memory_space<vmem_shared>>
      %dma_wait3A_144 = arith.constant 0 : i32
      %dma_wait3A_145 = tpu.memref_slice %arg11[%add3A_34, %dma_wait3A_144] : memref<10240x128xf32, #tpu.memory_space<vmem_shared>> -> memref<64x128xf32, #tpu.memory_space<vmem_shared>>
      tpu.wait_dma2 semaphore(%run_scoped3A_137 : memref<!tpu.dma_semaphore, #tpu.memory_space<semaphore_mem>>) src(%arg8 : memref<64x128xf32, #tpu.memory_space<vmem>>) dst(%dma_wait3A_145 : memref<64x128xf32, #tpu.memory_space<vmem_shared>>)
      tpu.yield
    }) : () -> ()
    %mul3A_35 = arith.constant 640 : i32
    %mul3A_36 = arith.muli %arg1, %mul3A_35 : i32
    %add3A_37 = arith.constant 448 : i32
    %add3A_38 = arith.addi %mul3A_36, %add3A_37 : i32
    "tpu.region"() ({
      %run_scoped3A_137 = tpu.sem_alloc : memref<!tpu.dma_semaphore, #tpu.memory_space<semaphore_mem>>
      %dma_start3A_138 = arith.constant 0 : i32
      %dma_start3A_139 = tpu.memref_slice %arg11[%add3A_38, %dma_start3A_138] : memref<10240x128xf32, #tpu.memory_space<vmem_shared>> -> memref<64x128xf32, #tpu.memory_space<vmem_shared>>
      %dma_start3A_140 = arith.constant 0 : i32
      %dma_start3A_141 = tpu.memref_slice %arg11[%add3A_38, %dma_start3A_140] : memref<10240x128xf32, #tpu.memory_space<vmem_shared>> -> memref<64x128xf32, #tpu.memory_space<vmem_shared>>
      tpu.enqueue_dma source(%arg8 : memref<64x128xf32, #tpu.memory_space<vmem>>) target(%dma_start3A_141 : memref<64x128xf32, #tpu.memory_space<vmem_shared>>) target_semaphore(%run_scoped3A_137 : memref<!tpu.dma_semaphore, #tpu.memory_space<semaphore_mem>>)
      %dma_wait3A_142 = arith.constant 0 : i32
      %dma_wait3A_143 = tpu.memref_slice %arg11[%add3A_38, %dma_wait3A_142] : memref<10240x128xf32, #tpu.memory_space<vmem_shared>> -> memref<64x128xf32, #tpu.memory_space<vmem_shared>>
      %dma_wait3A_144 = arith.constant 0 : i32
      %dma_wait3A_145 = tpu.memref_slice %arg11[%add3A_38, %dma_wait3A_144] : memref<10240x128xf32, #tpu.memory_space<vmem_shared>> -> memref<64x128xf32, #tpu.memory_space<vmem_shared>>
      tpu.wait_dma2 semaphore(%run_scoped3A_137 : memref<!tpu.dma_semaphore, #tpu.memory_space<semaphore_mem>>) src(%arg8 : memref<64x128xf32, #tpu.memory_space<vmem>>) dst(%dma_wait3A_145 : memref<64x128xf32, #tpu.memory_space<vmem_shared>>)
      tpu.yield
    }) : () -> ()
    %mul3A_39 = arith.constant 640 : i32
    %mul3A_40 = arith.muli %arg1, %mul3A_39 : i32
    %add3A_41 = arith.constant 512 : i32
    %add3A_42 = arith.addi %mul3A_40, %add3A_41 : i32
    "tpu.region"() ({
      %run_scoped3A_137 = tpu.sem_alloc : memref<!tpu.dma_semaphore, #tpu.memory_space<semaphore_mem>>
      %dma_start3A_138 = arith.constant 0 : i32
      %dma_start3A_139 = tpu.memref_slice %arg11[%add3A_42, %dma_start3A_138] : memref<10240x128xf32, #tpu.memory_space<vmem_shared>> -> memref<64x128xf32, #tpu.memory_space<vmem_shared>>
      %dma_start3A_140 = arith.constant 0 : i32
      %dma_start3A_141 = tpu.memref_slice %arg11[%add3A_42, %dma_start3A_140] : memref<10240x128xf32, #tpu.memory_space<vmem_shared>> -> memref<64x128xf32, #tpu.memory_space<vmem_shared>>
      tpu.enqueue_dma source(%arg8 : memref<64x128xf32, #tpu.memory_space<vmem>>) target(%dma_start3A_141 : memref<64x128xf32, #tpu.memory_space<vmem_shared>>) target_semaphore(%run_scoped3A_137 : memref<!tpu.dma_semaphore, #tpu.memory_space<semaphore_mem>>)
      %dma_wait3A_142 = arith.constant 0 : i32
      %dma_wait3A_143 = tpu.memref_slice %arg11[%add3A_42, %dma_wait3A_142] : memref<10240x128xf32, #tpu.memory_space<vmem_shared>> -> memref<64x128xf32, #tpu.memory_space<vmem_shared>>
      %dma_wait3A_144 = arith.constant 0 : i32
      %dma_wait3A_145 = tpu.memref_slice %arg11[%add3A_42, %dma_wait3A_144] : memref<10240x128xf32, #tpu.memory_space<vmem_shared>> -> memref<64x128xf32, #tpu.memory_space<vmem_shared>>
      tpu.wait_dma2 semaphore(%run_scoped3A_137 : memref<!tpu.dma_semaphore, #tpu.memory_space<semaphore_mem>>) src(%arg8 : memref<64x128xf32, #tpu.memory_space<vmem>>) dst(%dma_wait3A_145 : memref<64x128xf32, #tpu.memory_space<vmem_shared>>)
      tpu.yield
    }) : () -> ()
    %mul3A_43 = arith.constant 640 : i32
    %mul3A_44 = arith.muli %arg1, %mul3A_43 : i32
    %add3A_45 = arith.constant 576 : i32
    %add3A_46 = arith.addi %mul3A_44, %add3A_45 : i32
    "tpu.region"() ({
      %run_scoped3A_137 = tpu.sem_alloc : memref<!tpu.dma_semaphore, #tpu.memory_space<semaphore_mem>>
      %dma_start3A_138 = arith.constant 0 : i32
      %dma_start3A_139 = tpu.memref_slice %arg11[%add3A_46, %dma_start3A_138] : memref<10240x128xf32, #tpu.memory_space<vmem_shared>> -> memref<64x128xf32, #tpu.memory_space<vmem_shared>>
      %dma_start3A_140 = arith.constant 0 : i32
      %dma_start3A_141 = tpu.memref_slice %arg11[%add3A_46, %dma_start3A_140] : memref<10240x128xf32, #tpu.memory_space<vmem_shared>> -> memref<64x128xf32, #tpu.memory_space<vmem_shared>>
      tpu.enqueue_dma source(%arg8 : memref<64x128xf32, #tpu.memory_space<vmem>>) target(%dma_start3A_141 : memref<64x128xf32, #tpu.memory_space<vmem_shared>>) target_semaphore(%run_scoped3A_137 : memref<!tpu.dma_semaphore, #tpu.memory_space<semaphore_mem>>)
      %dma_wait3A_142 = arith.constant 0 : i32
      %dma_wait3A_143 = tpu.memref_slice %arg11[%add3A_46, %dma_wait3A_142] : memref<10240x128xf32, #tpu.memory_space<vmem_shared>> -> memref<64x128xf32, #tpu.memory_space<vmem_shared>>
      %dma_wait3A_144 = arith.constant 0 : i32
      %dma_wait3A_145 = tpu.memref_slice %arg11[%add3A_46, %dma_wait3A_144] : memref<10240x128xf32, #tpu.memory_space<vmem_shared>> -> memref<64x128xf32, #tpu.memory_space<vmem_shared>>
      tpu.wait_dma2 semaphore(%run_scoped3A_137 : memref<!tpu.dma_semaphore, #tpu.memory_space<semaphore_mem>>) src(%arg8 : memref<64x128xf32, #tpu.memory_space<vmem>>) dst(%dma_wait3A_145 : memref<64x128xf32, #tpu.memory_space<vmem_shared>>)
      tpu.yield
    }) : () -> ()
    %barrier3A = arith.constant 0 : index
    tpu.barrier barrier_id(%barrier3A)
    %dma_start3A = arith.constant 0 : i32
    %dma_start3A_47 = arith.constant 0 : i32
    %dma_start3A_48 = tpu.memref_slice %arg6[%dma_start3A, %dma_start3A_47] : memref<159x64xi32, #tpu.memory_space<vmem>> -> memref<1x64xi32, #tpu.memory_space<vmem>>
    %dma_start3A_49 = tpu.memref_squeeze %dma_start3A_48 : memref<1x64xi32, #tpu.memory_space<vmem>> -> memref<64xi32, #tpu.memory_space<vmem>>
    %dma_start3A_50 = arith.constant 0 : i32
    %dma_start3A_51 = arith.constant 0 : i32
    %dma_start3A_52 = tpu.memref_slice %arg2[%dma_start3A_50, %dma_start3A_51] : memref<10000x128xf32, #tpu.memory_space<hbm>> -> memref<10000x128xf32, #tpu.memory_space<hbm>>
    tpu.enqueue_indirect_dma source(%dma_start3A_52 : memref<10000x128xf32, #tpu.memory_space<hbm>>) target(%arg8 : memref<64x128xf32, #tpu.memory_space<vmem>>) offsets(%dma_start3A_49 : memref<64xi32, #tpu.memory_space<vmem>>) semaphore(%arg12 : memref<!tpu.dma_semaphore, #tpu.memory_space<semaphore_mem>>)
    %dma_start3A_53 = arith.constant 1 : i32
    %dma_start3A_54 = arith.constant 0 : i32
    %dma_start3A_55 = tpu.memref_slice %arg6[%dma_start3A_53, %dma_start3A_54] : memref<159x64xi32, #tpu.memory_space<vmem>> -> memref<1x64xi32, #tpu.memory_space<vmem>>
    %dma_start3A_56 = tpu.memref_squeeze %dma_start3A_55 : memref<1x64xi32, #tpu.memory_space<vmem>> -> memref<64xi32, #tpu.memory_space<vmem>>
    %dma_start3A_57 = arith.constant 0 : i32
    %dma_start3A_58 = arith.constant 0 : i32
    %dma_start3A_59 = tpu.memref_slice %arg2[%dma_start3A_57, %dma_start3A_58] : memref<10000x128xf32, #tpu.memory_space<hbm>> -> memref<10000x128xf32, #tpu.memory_space<hbm>>
    tpu.enqueue_indirect_dma source(%dma_start3A_59 : memref<10000x128xf32, #tpu.memory_space<hbm>>) target(%arg9 : memref<64x128xf32, #tpu.memory_space<vmem>>) offsets(%dma_start3A_56 : memref<64xi32, #tpu.memory_space<vmem>>) semaphore(%arg13 : memref<!tpu.dma_semaphore, #tpu.memory_space<semaphore_mem>>)
    %dma_start3A_60 = arith.constant 2 : i32
    %dma_start3A_61 = arith.constant 0 : i32
    %dma_start3A_62 = tpu.memref_slice %arg6[%dma_start3A_60, %dma_start3A_61] : memref<159x64xi32, #tpu.memory_space<vmem>> -> memref<1x64xi32, #tpu.memory_space<vmem>>
    %dma_start3A_63 = tpu.memref_squeeze %dma_start3A_62 : memref<1x64xi32, #tpu.memory_space<vmem>> -> memref<64xi32, #tpu.memory_space<vmem>>
    %dma_start3A_64 = arith.constant 0 : i32
    %dma_start3A_65 = arith.constant 0 : i32
    %dma_start3A_66 = tpu.memref_slice %arg2[%dma_start3A_64, %dma_start3A_65] : memref<10000x128xf32, #tpu.memory_space<hbm>> -> memref<10000x128xf32, #tpu.memory_space<hbm>>
    tpu.enqueue_indirect_dma source(%dma_start3A_66 : memref<10000x128xf32, #tpu.memory_space<hbm>>) target(%arg10 : memref<64x128xf32, #tpu.memory_space<vmem>>) offsets(%dma_start3A_63 : memref<64xi32, #tpu.memory_space<vmem>>) semaphore(%arg14 : memref<!tpu.dma_semaphore, #tpu.memory_space<semaphore_mem>>)
    %scan3A_67 = arith.constant 0 : i32
    %scan3A_68 = arith.constant 0 : i32
    %scan3A_69 = arith.constant 52 : i32
    %scan3A_70 = arith.addi %scan3A_68, %scan3A_69 : i32
    %scan3A_71 = arith.constant 1 : i32
    %scan3A_72 = scf.for %scan3A_137 = %scan3A_68 to %scan3A_70 step %scan3A_71 iter_args(%scan3A_138 = %scan3A_67) -> (i32)  : i32 {
      %mul3A_139 = arith.constant 3 : i32
      %mul3A_140 = arith.muli %mul3A_139, %scan3A_137 : i32
      %add3A_141 = arith.constant 0 : i32
      %add3A_142 = arith.addi %mul3A_140, %add3A_141 : i32
      %dma_wait3A_143 = arith.constant 0 : i32
      %dma_wait3A_144 = tpu.memref_slice %arg6[%add3A_142, %dma_wait3A_143] : memref<159x64xi32, #tpu.memory_space<vmem>> -> memref<1x64xi32, #tpu.memory_space<vmem>>
      %dma_wait3A_145 = tpu.memref_squeeze %dma_wait3A_144 : memref<1x64xi32, #tpu.memory_space<vmem>> -> memref<64xi32, #tpu.memory_space<vmem>>
      %dma_wait3A_146 = arith.constant 0 : i32
      %dma_wait3A_147 = arith.constant 0 : i32
      %dma_wait3A_148 = tpu.memref_slice %arg2[%dma_wait3A_146, %dma_wait3A_147] : memref<10000x128xf32, #tpu.memory_space<hbm>> -> memref<10000x128xf32, #tpu.memory_space<hbm>>
      tpu.wait_indirect_dma semaphore(%arg12 : memref<!tpu.dma_semaphore, #tpu.memory_space<semaphore_mem>>) src(%dma_wait3A_148 : memref<10000x128xf32, #tpu.memory_space<hbm>>) dst(%arg8 : memref<64x128xf32, #tpu.memory_space<vmem>>)
      %add3A_149 = arith.constant 0 : i32
      %add3A_150 = arith.addi %mul3A_140, %add3A_149 : i32
      %dma_start3A_151 = arith.constant 0 : i32
      %dma_start3A_152 = tpu.memref_slice %arg7[%add3A_150, %dma_start3A_151] : memref<159x64xi32, #tpu.memory_space<vmem>> -> memref<1x64xi32, #tpu.memory_space<vmem>>
      %dma_start3A_153 = tpu.memref_squeeze %dma_start3A_152 : memref<1x64xi32, #tpu.memory_space<vmem>> -> memref<64xi32, #tpu.memory_space<vmem>>
      %dma_start3A_154 = arith.constant 0 : i32
      %dma_start3A_155 = arith.constant 0 : i32
      %dma_start3A_156 = tpu.memref_slice %arg11[%dma_start3A_154, %dma_start3A_155] : memref<10240x128xf32, #tpu.memory_space<vmem_shared>> -> memref<10240x128xf32, #tpu.memory_space<vmem_shared>>
      tpu.enqueue_indirect_dma source(%arg8 : memref<64x128xf32, #tpu.memory_space<vmem>>) target(%dma_start3A_156 : memref<10240x128xf32, #tpu.memory_space<vmem_shared>>) offsets(%dma_start3A_153 : memref<64xi32, #tpu.memory_space<vmem>>) semaphore(%arg15 : memref<!tpu.dma_semaphore, #tpu.memory_space<semaphore_mem>>) {add = true}
      %add3A_157 = arith.constant 1 : i32
      %add3A_158 = arith.addi %mul3A_140, %add3A_157 : i32
      %dma_wait3A_159 = arith.constant 0 : i32
      %dma_wait3A_160 = tpu.memref_slice %arg6[%add3A_158, %dma_wait3A_159] : memref<159x64xi32, #tpu.memory_space<vmem>> -> memref<1x64xi32, #tpu.memory_space<vmem>>
      %dma_wait3A_161 = tpu.memref_squeeze %dma_wait3A_160 : memref<1x64xi32, #tpu.memory_space<vmem>> -> memref<64xi32, #tpu.memory_space<vmem>>
      %dma_wait3A_162 = arith.constant 0 : i32
      %dma_wait3A_163 = arith.constant 0 : i32
      %dma_wait3A_164 = tpu.memref_slice %arg2[%dma_wait3A_162, %dma_wait3A_163] : memref<10000x128xf32, #tpu.memory_space<hbm>> -> memref<10000x128xf32, #tpu.memory_space<hbm>>
      tpu.wait_indirect_dma semaphore(%arg13 : memref<!tpu.dma_semaphore, #tpu.memory_space<semaphore_mem>>) src(%dma_wait3A_164 : memref<10000x128xf32, #tpu.memory_space<hbm>>) dst(%arg9 : memref<64x128xf32, #tpu.memory_space<vmem>>)
      %add3A_165 = arith.constant 1 : i32
      %add3A_166 = arith.addi %mul3A_140, %add3A_165 : i32
      %dma_start3A_167 = arith.constant 0 : i32
      %dma_start3A_168 = tpu.memref_slice %arg7[%add3A_166, %dma_start3A_167] : memref<159x64xi32, #tpu.memory_space<vmem>> -> memref<1x64xi32, #tpu.memory_space<vmem>>
      %dma_start3A_169 = tpu.memref_squeeze %dma_start3A_168 : memref<1x64xi32, #tpu.memory_space<vmem>> -> memref<64xi32, #tpu.memory_space<vmem>>
      %dma_start3A_170 = arith.constant 0 : i32
      %dma_start3A_171 = arith.constant 0 : i32
      %dma_start3A_172 = tpu.memref_slice %arg11[%dma_start3A_170, %dma_start3A_171] : memref<10240x128xf32, #tpu.memory_space<vmem_shared>> -> memref<10240x128xf32, #tpu.memory_space<vmem_shared>>
      tpu.enqueue_indirect_dma source(%arg9 : memref<64x128xf32, #tpu.memory_space<vmem>>) target(%dma_start3A_172 : memref<10240x128xf32, #tpu.memory_space<vmem_shared>>) offsets(%dma_start3A_169 : memref<64xi32, #tpu.memory_space<vmem>>) semaphore(%arg16 : memref<!tpu.dma_semaphore, #tpu.memory_space<semaphore_mem>>) {add = true}
      %add3A_173 = arith.constant 2 : i32
      %add3A_174 = arith.addi %mul3A_140, %add3A_173 : i32
      %dma_wait3A_175 = arith.constant 0 : i32
      %dma_wait3A_176 = tpu.memref_slice %arg6[%add3A_174, %dma_wait3A_175] : memref<159x64xi32, #tpu.memory_space<vmem>> -> memref<1x64xi32, #tpu.memory_space<vmem>>
      %dma_wait3A_177 = tpu.memref_squeeze %dma_wait3A_176 : memref<1x64xi32, #tpu.memory_space<vmem>> -> memref<64xi32, #tpu.memory_space<vmem>>
      %dma_wait3A_178 = arith.constant 0 : i32
      %dma_wait3A_179 = arith.constant 0 : i32
      %dma_wait3A_180 = tpu.memref_slice %arg2[%dma_wait3A_178, %dma_wait3A_179] : memref<10000x128xf32, #tpu.memory_space<hbm>> -> memref<10000x128xf32, #tpu.memory_space<hbm>>
      tpu.wait_indirect_dma semaphore(%arg14 : memref<!tpu.dma_semaphore, #tpu.memory_space<semaphore_mem>>) src(%dma_wait3A_180 : memref<10000x128xf32, #tpu.memory_space<hbm>>) dst(%arg10 : memref<64x128xf32, #tpu.memory_space<vmem>>)
      %add3A_181 = arith.constant 2 : i32
      %add3A_182 = arith.addi %mul3A_140, %add3A_181 : i32
      %dma_start3A_183 = arith.constant 0 : i32
      %dma_start3A_184 = tpu.memref_slice %arg7[%add3A_182, %dma_start3A_183] : memref<159x64xi32, #tpu.memory_space<vmem>> -> memref<1x64xi32, #tpu.memory_space<vmem>>
      %dma_start3A_185 = tpu.memref_squeeze %dma_start3A_184 : memref<1x64xi32, #tpu.memory_space<vmem>> -> memref<64xi32, #tpu.memory_space<vmem>>
      %dma_start3A_186 = arith.constant 0 : i32
      %dma_start3A_187 = arith.constant 0 : i32
      %dma_start3A_188 = tpu.memref_slice %arg11[%dma_start3A_186, %dma_start3A_187] : memref<10240x128xf32, #tpu.memory_space<vmem_shared>> -> memref<10240x128xf32, #tpu.memory_space<vmem_shared>>
      tpu.enqueue_indirect_dma source(%arg10 : memref<64x128xf32, #tpu.memory_space<vmem>>) target(%dma_start3A_188 : memref<10240x128xf32, #tpu.memory_space<vmem_shared>>) offsets(%dma_start3A_185 : memref<64xi32, #tpu.memory_space<vmem>>) semaphore(%arg17 : memref<!tpu.dma_semaphore, #tpu.memory_space<semaphore_mem>>) {add = true}
      %add3A_189 = arith.constant 0 : i32
      %add3A_190 = arith.addi %mul3A_140, %add3A_189 : i32
      %dma_wait3A_191 = arith.constant 0 : i32
      %dma_wait3A_192 = tpu.memref_slice %arg7[%add3A_190, %dma_wait3A_191] : memref<159x64xi32, #tpu.memory_space<vmem>> -> memref<1x64xi32, #tpu.memory_space<vmem>>
      %dma_wait3A_193 = tpu.memref_squeeze %dma_wait3A_192 : memref<1x64xi32, #tpu.memory_space<vmem>> -> memref<64xi32, #tpu.memory_space<vmem>>
      %dma_wait3A_194 = arith.constant 0 : i32
      %dma_wait3A_195 = arith.constant 0 : i32
      %dma_wait3A_196 = tpu.memref_slice %arg11[%dma_wait3A_194, %dma_wait3A_195] : memref<10240x128xf32, #tpu.memory_space<vmem_shared>> -> memref<10240x128xf32, #tpu.memory_space<vmem_shared>>
      tpu.wait_indirect_dma semaphore(%arg15 : memref<!tpu.dma_semaphore, #tpu.memory_space<semaphore_mem>>) src(%arg8 : memref<64x128xf32, #tpu.memory_space<vmem>>) dst(%dma_wait3A_196 : memref<10240x128xf32, #tpu.memory_space<vmem_shared>>)
      %add3A_197 = arith.constant 3 : i32
      %add3A_198 = arith.addi %mul3A_140, %add3A_197 : i32
      %add3A_199 = arith.constant 0 : i32
      %add3A_200 = arith.addi %add3A_198, %add3A_199 : i32
      %dma_start3A_201 = arith.constant 0 : i32
      %dma_start3A_202 = tpu.memref_slice %arg6[%add3A_200, %dma_start3A_201] : memref<159x64xi32, #tpu.memory_space<vmem>> -> memref<1x64xi32, #tpu.memory_space<vmem>>
      %dma_start3A_203 = tpu.memref_squeeze %dma_start3A_202 : memref<1x64xi32, #tpu.memory_space<vmem>> -> memref<64xi32, #tpu.memory_space<vmem>>
      %dma_start3A_204 = arith.constant 0 : i32
      %dma_start3A_205 = arith.constant 0 : i32
      %dma_start3A_206 = tpu.memref_slice %arg2[%dma_start3A_204, %dma_start3A_205] : memref<10000x128xf32, #tpu.memory_space<hbm>> -> memref<10000x128xf32, #tpu.memory_space<hbm>>
      tpu.enqueue_indirect_dma source(%dma_start3A_206 : memref<10000x128xf32, #tpu.memory_space<hbm>>) target(%arg8 : memref<64x128xf32, #tpu.memory_space<vmem>>) offsets(%dma_start3A_203 : memref<64xi32, #tpu.memory_space<vmem>>) semaphore(%arg12 : memref<!tpu.dma_semaphore, #tpu.memory_space<semaphore_mem>>)
      %add3A_207 = arith.constant 1 : i32
      %add3A_208 = arith.addi %mul3A_140, %add3A_207 : i32
      %dma_wait3A_209 = arith.constant 0 : i32
      %dma_wait3A_210 = tpu.memref_slice %arg7[%add3A_208, %dma_wait3A_209] : memref<159x64xi32, #tpu.memory_space<vmem>> -> memref<1x64xi32, #tpu.memory_space<vmem>>
      %dma_wait3A_211 = tpu.memref_squeeze %dma_wait3A_210 : memref<1x64xi32, #tpu.memory_space<vmem>> -> memref<64xi32, #tpu.memory_space<vmem>>
      %dma_wait3A_212 = arith.constant 0 : i32
      %dma_wait3A_213 = arith.constant 0 : i32
      %dma_wait3A_214 = tpu.memref_slice %arg11[%dma_wait3A_212, %dma_wait3A_213] : memref<10240x128xf32, #tpu.memory_space<vmem_shared>> -> memref<10240x128xf32, #tpu.memory_space<vmem_shared>>
      tpu.wait_indirect_dma semaphore(%arg16 : memref<!tpu.dma_semaphore, #tpu.memory_space<semaphore_mem>>) src(%arg9 : memref<64x128xf32, #tpu.memory_space<vmem>>) dst(%dma_wait3A_214 : memref<10240x128xf32, #tpu.memory_space<vmem_shared>>)
      %add3A_215 = arith.constant 3 : i32
      %add3A_216 = arith.addi %mul3A_140, %add3A_215 : i32
      %add3A_217 = arith.constant 1 : i32
      %add3A_218 = arith.addi %add3A_216, %add3A_217 : i32
      %dma_start3A_219 = arith.constant 0 : i32
      %dma_start3A_220 = tpu.memref_slice %arg6[%add3A_218, %dma_start3A_219] : memref<159x64xi32, #tpu.memory_space<vmem>> -> memref<1x64xi32, #tpu.memory_space<vmem>>
      %dma_start3A_221 = tpu.memref_squeeze %dma_start3A_220 : memref<1x64xi32, #tpu.memory_space<vmem>> -> memref<64xi32, #tpu.memory_space<vmem>>
      %dma_start3A_222 = arith.constant 0 : i32
      %dma_start3A_223 = arith.constant 0 : i32
      %dma_start3A_224 = tpu.memref_slice %arg2[%dma_start3A_222, %dma_start3A_223] : memref<10000x128xf32, #tpu.memory_space<hbm>> -> memref<10000x128xf32, #tpu.memory_space<hbm>>
      tpu.enqueue_indirect_dma source(%dma_start3A_224 : memref<10000x128xf32, #tpu.memory_space<hbm>>) target(%arg9 : memref<64x128xf32, #tpu.memory_space<vmem>>) offsets(%dma_start3A_221 : memref<64xi32, #tpu.memory_space<vmem>>) semaphore(%arg13 : memref<!tpu.dma_semaphore, #tpu.memory_space<semaphore_mem>>)
      %add3A_225 = arith.constant 2 : i32
      %add3A_226 = arith.addi %mul3A_140, %add3A_225 : i32
      %dma_wait3A_227 = arith.constant 0 : i32
      %dma_wait3A_228 = tpu.memref_slice %arg7[%add3A_226, %dma_wait3A_227] : memref<159x64xi32, #tpu.memory_space<vmem>> -> memref<1x64xi32, #tpu.memory_space<vmem>>
      %dma_wait3A_229 = tpu.memref_squeeze %dma_wait3A_228 : memref<1x64xi32, #tpu.memory_space<vmem>> -> memref<64xi32, #tpu.memory_space<vmem>>
      %dma_wait3A_230 = arith.constant 0 : i32
      %dma_wait3A_231 = arith.constant 0 : i32
      %dma_wait3A_232 = tpu.memref_slice %arg11[%dma_wait3A_230, %dma_wait3A_231] : memref<10240x128xf32, #tpu.memory_space<vmem_shared>> -> memref<10240x128xf32, #tpu.memory_space<vmem_shared>>
      tpu.wait_indirect_dma semaphore(%arg17 : memref<!tpu.dma_semaphore, #tpu.memory_space<semaphore_mem>>) src(%arg10 : memref<64x128xf32, #tpu.memory_space<vmem>>) dst(%dma_wait3A_232 : memref<10240x128xf32, #tpu.memory_space<vmem_shared>>)
      %add3A_233 = arith.constant 3 : i32
      %add3A_234 = arith.addi %mul3A_140, %add3A_233 : i32
      %add3A_235 = arith.constant 2 : i32
      %add3A_236 = arith.addi %add3A_234, %add3A_235 : i32
      %dma_start3A_237 = arith.constant 0 : i32
      %dma_start3A_238 = tpu.memref_slice %arg6[%add3A_236, %dma_start3A_237] : memref<159x64xi32, #tpu.memory_space<vmem>> -> memref<1x64xi32, #tpu.memory_space<vmem>>
      %dma_start3A_239 = tpu.memref_squeeze %dma_start3A_238 : memref<1x64xi32, #tpu.memory_space<vmem>> -> memref<64xi32, #tpu.memory_space<vmem>>
      %dma_start3A_240 = arith.constant 0 : i32
      %dma_start3A_241 = arith.constant 0 : i32
      %dma_start3A_242 = tpu.memref_slice %arg2[%dma_start3A_240, %dma_start3A_241] : memref<10000x128xf32, #tpu.memory_space<hbm>> -> memref<10000x128xf32, #tpu.memory_space<hbm>>
      tpu.enqueue_indirect_dma source(%dma_start3A_242 : memref<10000x128xf32, #tpu.memory_space<hbm>>) target(%arg10 : memref<64x128xf32, #tpu.memory_space<vmem>>) offsets(%dma_start3A_239 : memref<64xi32, #tpu.memory_space<vmem>>) semaphore(%arg14 : memref<!tpu.dma_semaphore, #tpu.memory_space<semaphore_mem>>)
      %scan3A_243 = arith.constant 0 : i32
      scf.yield %scan3A_243 : i32
    }
    %scan3A_73 = arith.constant 52 : i32
    %dma_wait3A = arith.constant 156 : i32
    %dma_wait3A_74 = arith.constant 0 : i32
    %dma_wait3A_75 = tpu.memref_slice %arg6[%dma_wait3A, %dma_wait3A_74] : memref<159x64xi32, #tpu.memory_space<vmem>> -> memref<1x64xi32, #tpu.memory_space<vmem>>
    %dma_wait3A_76 = tpu.memref_squeeze %dma_wait3A_75 : memref<1x64xi32, #tpu.memory_space<vmem>> -> memref<64xi32, #tpu.memory_space<vmem>>
    %dma_wait3A_77 = arith.constant 0 : i32
    %dma_wait3A_78 = arith.constant 0 : i32
    %dma_wait3A_79 = tpu.memref_slice %arg2[%dma_wait3A_77, %dma_wait3A_78] : memref<10000x128xf32, #tpu.memory_space<hbm>> -> memref<10000x128xf32, #tpu.memory_space<hbm>>
    tpu.wait_indirect_dma semaphore(%arg12 : memref<!tpu.dma_semaphore, #tpu.memory_space<semaphore_mem>>) src(%dma_wait3A_79 : memref<10000x128xf32, #tpu.memory_space<hbm>>) dst(%arg8 : memref<64x128xf32, #tpu.memory_space<vmem>>)
    %run_scoped3A = arith.constant 156 : i32
    "tpu.region"() ({
      %run_scoped3A_137 = tpu.sem_alloc : memref<!tpu.dma_semaphore, #tpu.memory_space<semaphore_mem>>
      %dma_start3A_138 = arith.constant 0 : i32
      %dma_start3A_139 = tpu.memref_slice %arg7[%run_scoped3A, %dma_start3A_138] : memref<159x64xi32, #tpu.memory_space<vmem>> -> memref<1x64xi32, #tpu.memory_space<vmem>>
      %dma_start3A_140 = tpu.memref_squeeze %dma_start3A_139 : memref<1x64xi32, #tpu.memory_space<vmem>> -> memref<64xi32, #tpu.memory_space<vmem>>
      %dma_start3A_141 = arith.constant 0 : i32
      %dma_start3A_142 = arith.constant 0 : i32
      %dma_start3A_143 = tpu.memref_slice %arg11[%dma_start3A_141, %dma_start3A_142] : memref<10240x128xf32, #tpu.memory_space<vmem_shared>> -> memref<10240x128xf32, #tpu.memory_space<vmem_shared>>
      tpu.enqueue_indirect_dma source(%arg8 : memref<64x128xf32, #tpu.memory_space<vmem>>) target(%dma_start3A_143 : memref<10240x128xf32, #tpu.memory_space<vmem_shared>>) offsets(%dma_start3A_140 : memref<64xi32, #tpu.memory_space<vmem>>) semaphore(%run_scoped3A_137 : memref<!tpu.dma_semaphore, #tpu.memory_space<semaphore_mem>>) {add = true}
      %dma_wait3A_144 = arith.constant 0 : i32
      %dma_wait3A_145 = tpu.memref_slice %arg7[%run_scoped3A, %dma_wait3A_144] : memref<159x64xi32, #tpu.memory_space<vmem>> -> memref<1x64xi32, #tpu.memory_space<vmem>>
      %dma_wait3A_146 = tpu.memref_squeeze %dma_wait3A_145 : memref<1x64xi32, #tpu.memory_space<vmem>> -> memref<64xi32, #tpu.memory_space<vmem>>
      %dma_wait3A_147 = arith.constant 0 : i32
      %dma_wait3A_148 = arith.constant 0 : i32
      %dma_wait3A_149 = tpu.memref_slice %arg11[%dma_wait3A_147, %dma_wait3A_148] : memref<10240x128xf32, #tpu.memory_space<vmem_shared>> -> memref<10240x128xf32, #tpu.memory_space<vmem_shared>>
      tpu.wait_indirect_dma semaphore(%run_scoped3A_137 : memref<!tpu.dma_semaphore, #tpu.memory_space<semaphore_mem>>) src(%arg8 : memref<64x128xf32, #tpu.memory_space<vmem>>) dst(%dma_wait3A_149 : memref<10240x128xf32, #tpu.memory_space<vmem_shared>>)
      tpu.yield
    }) : () -> ()
    %dma_wait3A_80 = arith.constant 157 : i32
    %dma_wait3A_81 = arith.constant 0 : i32
    %dma_wait3A_82 = tpu.memref_slice %arg6[%dma_wait3A_80, %dma_wait3A_81] : memref<159x64xi32, #tpu.memory_space<vmem>> -> memref<1x64xi32, #tpu.memory_space<vmem>>
    %dma_wait3A_83 = tpu.memref_squeeze %dma_wait3A_82 : memref<1x64xi32, #tpu.memory_space<vmem>> -> memref<64xi32, #tpu.memory_space<vmem>>
    %dma_wait3A_84 = arith.constant 0 : i32
    %dma_wait3A_85 = arith.constant 0 : i32
    %dma_wait3A_86 = tpu.memref_slice %arg2[%dma_wait3A_84, %dma_wait3A_85] : memref<10000x128xf32, #tpu.memory_space<hbm>> -> memref<10000x128xf32, #tpu.memory_space<hbm>>
    tpu.wait_indirect_dma semaphore(%arg13 : memref<!tpu.dma_semaphore, #tpu.memory_space<semaphore_mem>>) src(%dma_wait3A_86 : memref<10000x128xf32, #tpu.memory_space<hbm>>) dst(%arg9 : memref<64x128xf32, #tpu.memory_space<vmem>>)
    %run_scoped3A_87 = arith.constant 157 : i32
    "tpu.region"() ({
      %run_scoped3A_137 = tpu.sem_alloc : memref<!tpu.dma_semaphore, #tpu.memory_space<semaphore_mem>>
      %dma_start3A_138 = arith.constant 0 : i32
      %dma_start3A_139 = tpu.memref_slice %arg7[%run_scoped3A_87, %dma_start3A_138] : memref<159x64xi32, #tpu.memory_space<vmem>> -> memref<1x64xi32, #tpu.memory_space<vmem>>
      %dma_start3A_140 = tpu.memref_squeeze %dma_start3A_139 : memref<1x64xi32, #tpu.memory_space<vmem>> -> memref<64xi32, #tpu.memory_space<vmem>>
      %dma_start3A_141 = arith.constant 0 : i32
      %dma_start3A_142 = arith.constant 0 : i32
      %dma_start3A_143 = tpu.memref_slice %arg11[%dma_start3A_141, %dma_start3A_142] : memref<10240x128xf32, #tpu.memory_space<vmem_shared>> -> memref<10240x128xf32, #tpu.memory_space<vmem_shared>>
      tpu.enqueue_indirect_dma source(%arg9 : memref<64x128xf32, #tpu.memory_space<vmem>>) target(%dma_start3A_143 : memref<10240x128xf32, #tpu.memory_space<vmem_shared>>) offsets(%dma_start3A_140 : memref<64xi32, #tpu.memory_space<vmem>>) semaphore(%run_scoped3A_137 : memref<!tpu.dma_semaphore, #tpu.memory_space<semaphore_mem>>) {add = true}
      %dma_wait3A_144 = arith.constant 0 : i32
      %dma_wait3A_145 = tpu.memref_slice %arg7[%run_scoped3A_87, %dma_wait3A_144] : memref<159x64xi32, #tpu.memory_space<vmem>> -> memref<1x64xi32, #tpu.memory_space<vmem>>
      %dma_wait3A_146 = tpu.memref_squeeze %dma_wait3A_145 : memref<1x64xi32, #tpu.memory_space<vmem>> -> memref<64xi32, #tpu.memory_space<vmem>>
      %dma_wait3A_147 = arith.constant 0 : i32
      %dma_wait3A_148 = arith.constant 0 : i32
      %dma_wait3A_149 = tpu.memref_slice %arg11[%dma_wait3A_147, %dma_wait3A_148] : memref<10240x128xf32, #tpu.memory_space<vmem_shared>> -> memref<10240x128xf32, #tpu.memory_space<vmem_shared>>
      tpu.wait_indirect_dma semaphore(%run_scoped3A_137 : memref<!tpu.dma_semaphore, #tpu.memory_space<semaphore_mem>>) src(%arg9 : memref<64x128xf32, #tpu.memory_space<vmem>>) dst(%dma_wait3A_149 : memref<10240x128xf32, #tpu.memory_space<vmem_shared>>)
      tpu.yield
    }) : () -> ()
    %dma_wait3A_88 = arith.constant 158 : i32
    %dma_wait3A_89 = arith.constant 0 : i32
    %dma_wait3A_90 = tpu.memref_slice %arg6[%dma_wait3A_88, %dma_wait3A_89] : memref<159x64xi32, #tpu.memory_space<vmem>> -> memref<1x64xi32, #tpu.memory_space<vmem>>
    %dma_wait3A_91 = tpu.memref_squeeze %dma_wait3A_90 : memref<1x64xi32, #tpu.memory_space<vmem>> -> memref<64xi32, #tpu.memory_space<vmem>>
    %dma_wait3A_92 = arith.constant 0 : i32
    %dma_wait3A_93 = arith.constant 0 : i32
    %dma_wait3A_94 = tpu.memref_slice %arg2[%dma_wait3A_92, %dma_wait3A_93] : memref<10000x128xf32, #tpu.memory_space<hbm>> -> memref<10000x128xf32, #tpu.memory_space<hbm>>
    tpu.wait_indirect_dma semaphore(%arg14 : memref<!tpu.dma_semaphore, #tpu.memory_space<semaphore_mem>>) src(%dma_wait3A_94 : memref<10000x128xf32, #tpu.memory_space<hbm>>) dst(%arg10 : memref<64x128xf32, #tpu.memory_space<vmem>>)
    %run_scoped3A_95 = arith.constant 158 : i32
    "tpu.region"() ({
      %run_scoped3A_137 = tpu.sem_alloc : memref<!tpu.dma_semaphore, #tpu.memory_space<semaphore_mem>>
      %dma_start3A_138 = arith.constant 0 : i32
      %dma_start3A_139 = tpu.memref_slice %arg7[%run_scoped3A_95, %dma_start3A_138] : memref<159x64xi32, #tpu.memory_space<vmem>> -> memref<1x64xi32, #tpu.memory_space<vmem>>
      %dma_start3A_140 = tpu.memref_squeeze %dma_start3A_139 : memref<1x64xi32, #tpu.memory_space<vmem>> -> memref<64xi32, #tpu.memory_space<vmem>>
      %dma_start3A_141 = arith.constant 0 : i32
      %dma_start3A_142 = arith.constant 0 : i32
      %dma_start3A_143 = tpu.memref_slice %arg11[%dma_start3A_141, %dma_start3A_142] : memref<10240x128xf32, #tpu.memory_space<vmem_shared>> -> memref<10240x128xf32, #tpu.memory_space<vmem_shared>>
      tpu.enqueue_indirect_dma source(%arg10 : memref<64x128xf32, #tpu.memory_space<vmem>>) target(%dma_start3A_143 : memref<10240x128xf32, #tpu.memory_space<vmem_shared>>) offsets(%dma_start3A_140 : memref<64xi32, #tpu.memory_space<vmem>>) semaphore(%run_scoped3A_137 : memref<!tpu.dma_semaphore, #tpu.memory_space<semaphore_mem>>) {add = true}
      %dma_wait3A_144 = arith.constant 0 : i32
      %dma_wait3A_145 = tpu.memref_slice %arg7[%run_scoped3A_95, %dma_wait3A_144] : memref<159x64xi32, #tpu.memory_space<vmem>> -> memref<1x64xi32, #tpu.memory_space<vmem>>
      %dma_wait3A_146 = tpu.memref_squeeze %dma_wait3A_145 : memref<1x64xi32, #tpu.memory_space<vmem>> -> memref<64xi32, #tpu.memory_space<vmem>>
      %dma_wait3A_147 = arith.constant 0 : i32
      %dma_wait3A_148 = arith.constant 0 : i32
      %dma_wait3A_149 = tpu.memref_slice %arg11[%dma_wait3A_147, %dma_wait3A_148] : memref<10240x128xf32, #tpu.memory_space<vmem_shared>> -> memref<10240x128xf32, #tpu.memory_space<vmem_shared>>
      tpu.wait_indirect_dma semaphore(%run_scoped3A_137 : memref<!tpu.dma_semaphore, #tpu.memory_space<semaphore_mem>>) src(%arg10 : memref<64x128xf32, #tpu.memory_space<vmem>>) dst(%dma_wait3A_149 : memref<10240x128xf32, #tpu.memory_space<vmem_shared>>)
      tpu.yield
    }) : () -> ()
    %barrier3A_96 = arith.constant 0 : index
    tpu.barrier barrier_id(%barrier3A_96)
    %mul3A_97 = arith.constant 640 : i32
    %mul3A_98 = arith.muli %arg1, %mul3A_97 : i32
    %add3A_99 = arith.constant 0 : i32
    %add3A_100 = arith.addi %mul3A_98, %add3A_99 : i32
    "tpu.region"() ({
      %run_scoped3A_137 = tpu.sem_alloc : memref<!tpu.dma_semaphore, #tpu.memory_space<semaphore_mem>>
      %dma_start3A_138 = arith.constant 0 : i32
      %dma_start3A_139 = tpu.memref_slice %arg11[%add3A_100, %dma_start3A_138] : memref<10240x128xf32, #tpu.memory_space<vmem_shared>> -> memref<64x128xf32, #tpu.memory_space<vmem_shared>>
      %dma_start3A_140 = arith.constant 0 : i32
      %dma_start3A_141 = tpu.memref_slice %arg11[%add3A_100, %dma_start3A_140] : memref<10240x128xf32, #tpu.memory_space<vmem_shared>> -> memref<64x128xf32, #tpu.memory_space<vmem_shared>>
      tpu.enqueue_dma source(%dma_start3A_141 : memref<64x128xf32, #tpu.memory_space<vmem_shared>>) target(%arg8 : memref<64x128xf32, #tpu.memory_space<vmem>>) target_semaphore(%run_scoped3A_137 : memref<!tpu.dma_semaphore, #tpu.memory_space<semaphore_mem>>)
      %dma_wait3A_142 = arith.constant 0 : i32
      %dma_wait3A_143 = tpu.memref_slice %arg11[%add3A_100, %dma_wait3A_142] : memref<10240x128xf32, #tpu.memory_space<vmem_shared>> -> memref<64x128xf32, #tpu.memory_space<vmem_shared>>
      %dma_wait3A_144 = arith.constant 0 : i32
      %dma_wait3A_145 = tpu.memref_slice %arg11[%add3A_100, %dma_wait3A_144] : memref<10240x128xf32, #tpu.memory_space<vmem_shared>> -> memref<64x128xf32, #tpu.memory_space<vmem_shared>>
      tpu.wait_dma2 semaphore(%run_scoped3A_137 : memref<!tpu.dma_semaphore, #tpu.memory_space<semaphore_mem>>) src(%dma_wait3A_145 : memref<64x128xf32, #tpu.memory_space<vmem_shared>>) dst(%arg8 : memref<64x128xf32, #tpu.memory_space<vmem>>)
      tpu.yield
    }) : () -> ()
    "tpu.region"() ({
      %run_scoped3A_137 = tpu.sem_alloc : memref<!tpu.dma_semaphore, #tpu.memory_space<semaphore_mem>>
      %dma_start3A_138 = arith.constant 0 : i32
      %dma_start3A_139 = tpu.memref_slice %arg5[%arg0, %add3A_100, %dma_start3A_138] : memref<2x10240x128xf32, #tpu.memory_space<hbm>> -> memref<1x64x128xf32, #tpu.memory_space<hbm>>
      %dma_start3A_140 = tpu.memref_squeeze %dma_start3A_139 : memref<1x64x128xf32, #tpu.memory_space<hbm>> -> memref<64x128xf32, #tpu.memory_space<hbm>>
      %dma_start3A_141 = arith.constant 0 : i32
      %dma_start3A_142 = tpu.memref_slice %arg5[%arg0, %add3A_100, %dma_start3A_141] : memref<2x10240x128xf32, #tpu.memory_space<hbm>> -> memref<1x64x128xf32, #tpu.memory_space<hbm>>
      %dma_start3A_143 = tpu.memref_squeeze %dma_start3A_142 : memref<1x64x128xf32, #tpu.memory_space<hbm>> -> memref<64x128xf32, #tpu.memory_space<hbm>>
      tpu.enqueue_dma source(%arg8 : memref<64x128xf32, #tpu.memory_space<vmem>>) target(%dma_start3A_143 : memref<64x128xf32, #tpu.memory_space<hbm>>) target_semaphore(%run_scoped3A_137 : memref<!tpu.dma_semaphore, #tpu.memory_space<semaphore_mem>>)
      %dma_wait3A_144 = arith.constant 0 : i32
      %dma_wait3A_145 = tpu.memref_slice %arg5[%arg0, %add3A_100, %dma_wait3A_144] : memref<2x10240x128xf32, #tpu.memory_space<hbm>> -> memref<1x64x128xf32, #tpu.memory_space<hbm>>
      %dma_wait3A_146 = tpu.memref_squeeze %dma_wait3A_145 : memref<1x64x128xf32, #tpu.memory_space<hbm>> -> memref<64x128xf32, #tpu.memory_space<hbm>>
      %dma_wait3A_147 = arith.constant 0 : i32
      %dma_wait3A_148 = tpu.memref_slice %arg5[%arg0, %add3A_100, %dma_wait3A_147] : memref<2x10240x128xf32, #tpu.memory_space<hbm>> -> memref<1x64x128xf32, #tpu.memory_space<hbm>>
      %dma_wait3A_149 = tpu.memref_squeeze %dma_wait3A_148 : memref<1x64x128xf32, #tpu.memory_space<hbm>> -> memref<64x128xf32, #tpu.memory_space<hbm>>
      tpu.wait_dma2 semaphore(%run_scoped3A_137 : memref<!tpu.dma_semaphore, #tpu.memory_space<semaphore_mem>>) src(%arg8 : memref<64x128xf32, #tpu.memory_space<vmem>>) dst(%dma_wait3A_149 : memref<64x128xf32, #tpu.memory_space<hbm>>)
      tpu.yield
    }) : () -> ()
    %mul3A_101 = arith.constant 640 : i32
    %mul3A_102 = arith.muli %arg1, %mul3A_101 : i32
    %add3A_103 = arith.constant 64 : i32
    %add3A_104 = arith.addi %mul3A_102, %add3A_103 : i32
    "tpu.region"() ({
      %run_scoped3A_137 = tpu.sem_alloc : memref<!tpu.dma_semaphore, #tpu.memory_space<semaphore_mem>>
      %dma_start3A_138 = arith.constant 0 : i32
      %dma_start3A_139 = tpu.memref_slice %arg11[%add3A_104, %dma_start3A_138] : memref<10240x128xf32, #tpu.memory_space<vmem_shared>> -> memref<64x128xf32, #tpu.memory_space<vmem_shared>>
      %dma_start3A_140 = arith.constant 0 : i32
      %dma_start3A_141 = tpu.memref_slice %arg11[%add3A_104, %dma_start3A_140] : memref<10240x128xf32, #tpu.memory_space<vmem_shared>> -> memref<64x128xf32, #tpu.memory_space<vmem_shared>>
      tpu.enqueue_dma source(%dma_start3A_141 : memref<64x128xf32, #tpu.memory_space<vmem_shared>>) target(%arg8 : memref<64x128xf32, #tpu.memory_space<vmem>>) target_semaphore(%run_scoped3A_137 : memref<!tpu.dma_semaphore, #tpu.memory_space<semaphore_mem>>)
      %dma_wait3A_142 = arith.constant 0 : i32
      %dma_wait3A_143 = tpu.memref_slice %arg11[%add3A_104, %dma_wait3A_142] : memref<10240x128xf32, #tpu.memory_space<vmem_shared>> -> memref<64x128xf32, #tpu.memory_space<vmem_shared>>
      %dma_wait3A_144 = arith.constant 0 : i32
      %dma_wait3A_145 = tpu.memref_slice %arg11[%add3A_104, %dma_wait3A_144] : memref<10240x128xf32, #tpu.memory_space<vmem_shared>> -> memref<64x128xf32, #tpu.memory_space<vmem_shared>>
      tpu.wait_dma2 semaphore(%run_scoped3A_137 : memref<!tpu.dma_semaphore, #tpu.memory_space<semaphore_mem>>) src(%dma_wait3A_145 : memref<64x128xf32, #tpu.memory_space<vmem_shared>>) dst(%arg8 : memref<64x128xf32, #tpu.memory_space<vmem>>)
      tpu.yield
    }) : () -> ()
    "tpu.region"() ({
      %run_scoped3A_137 = tpu.sem_alloc : memref<!tpu.dma_semaphore, #tpu.memory_space<semaphore_mem>>
      %dma_start3A_138 = arith.constant 0 : i32
      %dma_start3A_139 = tpu.memref_slice %arg5[%arg0, %add3A_104, %dma_start3A_138] : memref<2x10240x128xf32, #tpu.memory_space<hbm>> -> memref<1x64x128xf32, #tpu.memory_space<hbm>>
      %dma_start3A_140 = tpu.memref_squeeze %dma_start3A_139 : memref<1x64x128xf32, #tpu.memory_space<hbm>> -> memref<64x128xf32, #tpu.memory_space<hbm>>
      %dma_start3A_141 = arith.constant 0 : i32
      %dma_start3A_142 = tpu.memref_slice %arg5[%arg0, %add3A_104, %dma_start3A_141] : memref<2x10240x128xf32, #tpu.memory_space<hbm>> -> memref<1x64x128xf32, #tpu.memory_space<hbm>>
      %dma_start3A_143 = tpu.memref_squeeze %dma_start3A_142 : memref<1x64x128xf32, #tpu.memory_space<hbm>> -> memref<64x128xf32, #tpu.memory_space<hbm>>
      tpu.enqueue_dma source(%arg8 : memref<64x128xf32, #tpu.memory_space<vmem>>) target(%dma_start3A_143 : memref<64x128xf32, #tpu.memory_space<hbm>>) target_semaphore(%run_scoped3A_137 : memref<!tpu.dma_semaphore, #tpu.memory_space<semaphore_mem>>)
      %dma_wait3A_144 = arith.constant 0 : i32
      %dma_wait3A_145 = tpu.memref_slice %arg5[%arg0, %add3A_104, %dma_wait3A_144] : memref<2x10240x128xf32, #tpu.memory_space<hbm>> -> memref<1x64x128xf32, #tpu.memory_space<hbm>>
      %dma_wait3A_146 = tpu.memref_squeeze %dma_wait3A_145 : memref<1x64x128xf32, #tpu.memory_space<hbm>> -> memref<64x128xf32, #tpu.memory_space<hbm>>
      %dma_wait3A_147 = arith.constant 0 : i32
      %dma_wait3A_148 = tpu.memref_slice %arg5[%arg0, %add3A_104, %dma_wait3A_147] : memref<2x10240x128xf32, #tpu.memory_space<hbm>> -> memref<1x64x128xf32, #tpu.memory_space<hbm>>
      %dma_wait3A_149 = tpu.memref_squeeze %dma_wait3A_148 : memref<1x64x128xf32, #tpu.memory_space<hbm>> -> memref<64x128xf32, #tpu.memory_space<hbm>>
      tpu.wait_dma2 semaphore(%run_scoped3A_137 : memref<!tpu.dma_semaphore, #tpu.memory_space<semaphore_mem>>) src(%arg8 : memref<64x128xf32, #tpu.memory_space<vmem>>) dst(%dma_wait3A_149 : memref<64x128xf32, #tpu.memory_space<hbm>>)
      tpu.yield
    }) : () -> ()
    %mul3A_105 = arith.constant 640 : i32
    %mul3A_106 = arith.muli %arg1, %mul3A_105 : i32
    %add3A_107 = arith.constant 128 : i32
    %add3A_108 = arith.addi %mul3A_106, %add3A_107 : i32
    "tpu.region"() ({
      %run_scoped3A_137 = tpu.sem_alloc : memref<!tpu.dma_semaphore, #tpu.memory_space<semaphore_mem>>
      %dma_start3A_138 = arith.constant 0 : i32
      %dma_start3A_139 = tpu.memref_slice %arg11[%add3A_108, %dma_start3A_138] : memref<10240x128xf32, #tpu.memory_space<vmem_shared>> -> memref<64x128xf32, #tpu.memory_space<vmem_shared>>
      %dma_start3A_140 = arith.constant 0 : i32
      %dma_start3A_141 = tpu.memref_slice %arg11[%add3A_108, %dma_start3A_140] : memref<10240x128xf32, #tpu.memory_space<vmem_shared>> -> memref<64x128xf32, #tpu.memory_space<vmem_shared>>
      tpu.enqueue_dma source(%dma_start3A_141 : memref<64x128xf32, #tpu.memory_space<vmem_shared>>) target(%arg8 : memref<64x128xf32, #tpu.memory_space<vmem>>) target_semaphore(%run_scoped3A_137 : memref<!tpu.dma_semaphore, #tpu.memory_space<semaphore_mem>>)
      %dma_wait3A_142 = arith.constant 0 : i32
      %dma_wait3A_143 = tpu.memref_slice %arg11[%add3A_108, %dma_wait3A_142] : memref<10240x128xf32, #tpu.memory_space<vmem_shared>> -> memref<64x128xf32, #tpu.memory_space<vmem_shared>>
      %dma_wait3A_144 = arith.constant 0 : i32
      %dma_wait3A_145 = tpu.memref_slice %arg11[%add3A_108, %dma_wait3A_144] : memref<10240x128xf32, #tpu.memory_space<vmem_shared>> -> memref<64x128xf32, #tpu.memory_space<vmem_shared>>
      tpu.wait_dma2 semaphore(%run_scoped3A_137 : memref<!tpu.dma_semaphore, #tpu.memory_space<semaphore_mem>>) src(%dma_wait3A_145 : memref<64x128xf32, #tpu.memory_space<vmem_shared>>) dst(%arg8 : memref<64x128xf32, #tpu.memory_space<vmem>>)
      tpu.yield
    }) : () -> ()
    "tpu.region"() ({
      %run_scoped3A_137 = tpu.sem_alloc : memref<!tpu.dma_semaphore, #tpu.memory_space<semaphore_mem>>
      %dma_start3A_138 = arith.constant 0 : i32
      %dma_start3A_139 = tpu.memref_slice %arg5[%arg0, %add3A_108, %dma_start3A_138] : memref<2x10240x128xf32, #tpu.memory_space<hbm>> -> memref<1x64x128xf32, #tpu.memory_space<hbm>>
      %dma_start3A_140 = tpu.memref_squeeze %dma_start3A_139 : memref<1x64x128xf32, #tpu.memory_space<hbm>> -> memref<64x128xf32, #tpu.memory_space<hbm>>
      %dma_start3A_141 = arith.constant 0 : i32
      %dma_start3A_142 = tpu.memref_slice %arg5[%arg0, %add3A_108, %dma_start3A_141] : memref<2x10240x128xf32, #tpu.memory_space<hbm>> -> memref<1x64x128xf32, #tpu.memory_space<hbm>>
      %dma_start3A_143 = tpu.memref_squeeze %dma_start3A_142 : memref<1x64x128xf32, #tpu.memory_space<hbm>> -> memref<64x128xf32, #tpu.memory_space<hbm>>
      tpu.enqueue_dma source(%arg8 : memref<64x128xf32, #tpu.memory_space<vmem>>) target(%dma_start3A_143 : memref<64x128xf32, #tpu.memory_space<hbm>>) target_semaphore(%run_scoped3A_137 : memref<!tpu.dma_semaphore, #tpu.memory_space<semaphore_mem>>)
      %dma_wait3A_144 = arith.constant 0 : i32
      %dma_wait3A_145 = tpu.memref_slice %arg5[%arg0, %add3A_108, %dma_wait3A_144] : memref<2x10240x128xf32, #tpu.memory_space<hbm>> -> memref<1x64x128xf32, #tpu.memory_space<hbm>>
      %dma_wait3A_146 = tpu.memref_squeeze %dma_wait3A_145 : memref<1x64x128xf32, #tpu.memory_space<hbm>> -> memref<64x128xf32, #tpu.memory_space<hbm>>
      %dma_wait3A_147 = arith.constant 0 : i32
      %dma_wait3A_148 = tpu.memref_slice %arg5[%arg0, %add3A_108, %dma_wait3A_147] : memref<2x10240x128xf32, #tpu.memory_space<hbm>> -> memref<1x64x128xf32, #tpu.memory_space<hbm>>
      %dma_wait3A_149 = tpu.memref_squeeze %dma_wait3A_148 : memref<1x64x128xf32, #tpu.memory_space<hbm>> -> memref<64x128xf32, #tpu.memory_space<hbm>>
      tpu.wait_dma2 semaphore(%run_scoped3A_137 : memref<!tpu.dma_semaphore, #tpu.memory_space<semaphore_mem>>) src(%arg8 : memref<64x128xf32, #tpu.memory_space<vmem>>) dst(%dma_wait3A_149 : memref<64x128xf32, #tpu.memory_space<hbm>>)
      tpu.yield
    }) : () -> ()
    %mul3A_109 = arith.constant 640 : i32
    %mul3A_110 = arith.muli %arg1, %mul3A_109 : i32
    %add3A_111 = arith.constant 192 : i32
    %add3A_112 = arith.addi %mul3A_110, %add3A_111 : i32
    "tpu.region"() ({
      %run_scoped3A_137 = tpu.sem_alloc : memref<!tpu.dma_semaphore, #tpu.memory_space<semaphore_mem>>
      %dma_start3A_138 = arith.constant 0 : i32
      %dma_start3A_139 = tpu.memref_slice %arg11[%add3A_112, %dma_start3A_138] : memref<10240x128xf32, #tpu.memory_space<vmem_shared>> -> memref<64x128xf32, #tpu.memory_space<vmem_shared>>
      %dma_start3A_140 = arith.constant 0 : i32
      %dma_start3A_141 = tpu.memref_slice %arg11[%add3A_112, %dma_start3A_140] : memref<10240x128xf32, #tpu.memory_space<vmem_shared>> -> memref<64x128xf32, #tpu.memory_space<vmem_shared>>
      tpu.enqueue_dma source(%dma_start3A_141 : memref<64x128xf32, #tpu.memory_space<vmem_shared>>) target(%arg8 : memref<64x128xf32, #tpu.memory_space<vmem>>) target_semaphore(%run_scoped3A_137 : memref<!tpu.dma_semaphore, #tpu.memory_space<semaphore_mem>>)
      %dma_wait3A_142 = arith.constant 0 : i32
      %dma_wait3A_143 = tpu.memref_slice %arg11[%add3A_112, %dma_wait3A_142] : memref<10240x128xf32, #tpu.memory_space<vmem_shared>> -> memref<64x128xf32, #tpu.memory_space<vmem_shared>>
      %dma_wait3A_144 = arith.constant 0 : i32
      %dma_wait3A_145 = tpu.memref_slice %arg11[%add3A_112, %dma_wait3A_144] : memref<10240x128xf32, #tpu.memory_space<vmem_shared>> -> memref<64x128xf32, #tpu.memory_space<vmem_shared>>
      tpu.wait_dma2 semaphore(%run_scoped3A_137 : memref<!tpu.dma_semaphore, #tpu.memory_space<semaphore_mem>>) src(%dma_wait3A_145 : memref<64x128xf32, #tpu.memory_space<vmem_shared>>) dst(%arg8 : memref<64x128xf32, #tpu.memory_space<vmem>>)
      tpu.yield
    }) : () -> ()
    "tpu.region"() ({
      %run_scoped3A_137 = tpu.sem_alloc : memref<!tpu.dma_semaphore, #tpu.memory_space<semaphore_mem>>
      %dma_start3A_138 = arith.constant 0 : i32
      %dma_start3A_139 = tpu.memref_slice %arg5[%arg0, %add3A_112, %dma_start3A_138] : memref<2x10240x128xf32, #tpu.memory_space<hbm>> -> memref<1x64x128xf32, #tpu.memory_space<hbm>>
      %dma_start3A_140 = tpu.memref_squeeze %dma_start3A_139 : memref<1x64x128xf32, #tpu.memory_space<hbm>> -> memref<64x128xf32, #tpu.memory_space<hbm>>
      %dma_start3A_141 = arith.constant 0 : i32
      %dma_start3A_142 = tpu.memref_slice %arg5[%arg0, %add3A_112, %dma_start3A_141] : memref<2x10240x128xf32, #tpu.memory_space<hbm>> -> memref<1x64x128xf32, #tpu.memory_space<hbm>>
      %dma_start3A_143 = tpu.memref_squeeze %dma_start3A_142 : memref<1x64x128xf32, #tpu.memory_space<hbm>> -> memref<64x128xf32, #tpu.memory_space<hbm>>
      tpu.enqueue_dma source(%arg8 : memref<64x128xf32, #tpu.memory_space<vmem>>) target(%dma_start3A_143 : memref<64x128xf32, #tpu.memory_space<hbm>>) target_semaphore(%run_scoped3A_137 : memref<!tpu.dma_semaphore, #tpu.memory_space<semaphore_mem>>)
      %dma_wait3A_144 = arith.constant 0 : i32
      %dma_wait3A_145 = tpu.memref_slice %arg5[%arg0, %add3A_112, %dma_wait3A_144] : memref<2x10240x128xf32, #tpu.memory_space<hbm>> -> memref<1x64x128xf32, #tpu.memory_space<hbm>>
      %dma_wait3A_146 = tpu.memref_squeeze %dma_wait3A_145 : memref<1x64x128xf32, #tpu.memory_space<hbm>> -> memref<64x128xf32, #tpu.memory_space<hbm>>
      %dma_wait3A_147 = arith.constant 0 : i32
      %dma_wait3A_148 = tpu.memref_slice %arg5[%arg0, %add3A_112, %dma_wait3A_147] : memref<2x10240x128xf32, #tpu.memory_space<hbm>> -> memref<1x64x128xf32, #tpu.memory_space<hbm>>
      %dma_wait3A_149 = tpu.memref_squeeze %dma_wait3A_148 : memref<1x64x128xf32, #tpu.memory_space<hbm>> -> memref<64x128xf32, #tpu.memory_space<hbm>>
      tpu.wait_dma2 semaphore(%run_scoped3A_137 : memref<!tpu.dma_semaphore, #tpu.memory_space<semaphore_mem>>) src(%arg8 : memref<64x128xf32, #tpu.memory_space<vmem>>) dst(%dma_wait3A_149 : memref<64x128xf32, #tpu.memory_space<hbm>>)
      tpu.yield
    }) : () -> ()
    %mul3A_113 = arith.constant 640 : i32
    %mul3A_114 = arith.muli %arg1, %mul3A_113 : i32
    %add3A_115 = arith.constant 256 : i32
    %add3A_116 = arith.addi %mul3A_114, %add3A_115 : i32
    "tpu.region"() ({
      %run_scoped3A_137 = tpu.sem_alloc : memref<!tpu.dma_semaphore, #tpu.memory_space<semaphore_mem>>
      %dma_start3A_138 = arith.constant 0 : i32
      %dma_start3A_139 = tpu.memref_slice %arg11[%add3A_116, %dma_start3A_138] : memref<10240x128xf32, #tpu.memory_space<vmem_shared>> -> memref<64x128xf32, #tpu.memory_space<vmem_shared>>
      %dma_start3A_140 = arith.constant 0 : i32
      %dma_start3A_141 = tpu.memref_slice %arg11[%add3A_116, %dma_start3A_140] : memref<10240x128xf32, #tpu.memory_space<vmem_shared>> -> memref<64x128xf32, #tpu.memory_space<vmem_shared>>
      tpu.enqueue_dma source(%dma_start3A_141 : memref<64x128xf32, #tpu.memory_space<vmem_shared>>) target(%arg8 : memref<64x128xf32, #tpu.memory_space<vmem>>) target_semaphore(%run_scoped3A_137 : memref<!tpu.dma_semaphore, #tpu.memory_space<semaphore_mem>>)
      %dma_wait3A_142 = arith.constant 0 : i32
      %dma_wait3A_143 = tpu.memref_slice %arg11[%add3A_116, %dma_wait3A_142] : memref<10240x128xf32, #tpu.memory_space<vmem_shared>> -> memref<64x128xf32, #tpu.memory_space<vmem_shared>>
      %dma_wait3A_144 = arith.constant 0 : i32
      %dma_wait3A_145 = tpu.memref_slice %arg11[%add3A_116, %dma_wait3A_144] : memref<10240x128xf32, #tpu.memory_space<vmem_shared>> -> memref<64x128xf32, #tpu.memory_space<vmem_shared>>
      tpu.wait_dma2 semaphore(%run_scoped3A_137 : memref<!tpu.dma_semaphore, #tpu.memory_space<semaphore_mem>>) src(%dma_wait3A_145 : memref<64x128xf32, #tpu.memory_space<vmem_shared>>) dst(%arg8 : memref<64x128xf32, #tpu.memory_space<vmem>>)
      tpu.yield
    }) : () -> ()
    "tpu.region"() ({
      %run_scoped3A_137 = tpu.sem_alloc : memref<!tpu.dma_semaphore, #tpu.memory_space<semaphore_mem>>
      %dma_start3A_138 = arith.constant 0 : i32
      %dma_start3A_139 = tpu.memref_slice %arg5[%arg0, %add3A_116, %dma_start3A_138] : memref<2x10240x128xf32, #tpu.memory_space<hbm>> -> memref<1x64x128xf32, #tpu.memory_space<hbm>>
      %dma_start3A_140 = tpu.memref_squeeze %dma_start3A_139 : memref<1x64x128xf32, #tpu.memory_space<hbm>> -> memref<64x128xf32, #tpu.memory_space<hbm>>
      %dma_start3A_141 = arith.constant 0 : i32
      %dma_start3A_142 = tpu.memref_slice %arg5[%arg0, %add3A_116, %dma_start3A_141] : memref<2x10240x128xf32, #tpu.memory_space<hbm>> -> memref<1x64x128xf32, #tpu.memory_space<hbm>>
      %dma_start3A_143 = tpu.memref_squeeze %dma_start3A_142 : memref<1x64x128xf32, #tpu.memory_space<hbm>> -> memref<64x128xf32, #tpu.memory_space<hbm>>
      tpu.enqueue_dma source(%arg8 : memref<64x128xf32, #tpu.memory_space<vmem>>) target(%dma_start3A_143 : memref<64x128xf32, #tpu.memory_space<hbm>>) target_semaphore(%run_scoped3A_137 : memref<!tpu.dma_semaphore, #tpu.memory_space<semaphore_mem>>)
      %dma_wait3A_144 = arith.constant 0 : i32
      %dma_wait3A_145 = tpu.memref_slice %arg5[%arg0, %add3A_116, %dma_wait3A_144] : memref<2x10240x128xf32, #tpu.memory_space<hbm>> -> memref<1x64x128xf32, #tpu.memory_space<hbm>>
      %dma_wait3A_146 = tpu.memref_squeeze %dma_wait3A_145 : memref<1x64x128xf32, #tpu.memory_space<hbm>> -> memref<64x128xf32, #tpu.memory_space<hbm>>
      %dma_wait3A_147 = arith.constant 0 : i32
      %dma_wait3A_148 = tpu.memref_slice %arg5[%arg0, %add3A_116, %dma_wait3A_147] : memref<2x10240x128xf32, #tpu.memory_space<hbm>> -> memref<1x64x128xf32, #tpu.memory_space<hbm>>
      %dma_wait3A_149 = tpu.memref_squeeze %dma_wait3A_148 : memref<1x64x128xf32, #tpu.memory_space<hbm>> -> memref<64x128xf32, #tpu.memory_space<hbm>>
      tpu.wait_dma2 semaphore(%run_scoped3A_137 : memref<!tpu.dma_semaphore, #tpu.memory_space<semaphore_mem>>) src(%arg8 : memref<64x128xf32, #tpu.memory_space<vmem>>) dst(%dma_wait3A_149 : memref<64x128xf32, #tpu.memory_space<hbm>>)
      tpu.yield
    }) : () -> ()
    %mul3A_117 = arith.constant 640 : i32
    %mul3A_118 = arith.muli %arg1, %mul3A_117 : i32
    %add3A_119 = arith.constant 320 : i32
    %add3A_120 = arith.addi %mul3A_118, %add3A_119 : i32
    "tpu.region"() ({
      %run_scoped3A_137 = tpu.sem_alloc : memref<!tpu.dma_semaphore, #tpu.memory_space<semaphore_mem>>
      %dma_start3A_138 = arith.constant 0 : i32
      %dma_start3A_139 = tpu.memref_slice %arg11[%add3A_120, %dma_start3A_138] : memref<10240x128xf32, #tpu.memory_space<vmem_shared>> -> memref<64x128xf32, #tpu.memory_space<vmem_shared>>
      %dma_start3A_140 = arith.constant 0 : i32
      %dma_start3A_141 = tpu.memref_slice %arg11[%add3A_120, %dma_start3A_140] : memref<10240x128xf32, #tpu.memory_space<vmem_shared>> -> memref<64x128xf32, #tpu.memory_space<vmem_shared>>
      tpu.enqueue_dma source(%dma_start3A_141 : memref<64x128xf32, #tpu.memory_space<vmem_shared>>) target(%arg8 : memref<64x128xf32, #tpu.memory_space<vmem>>) target_semaphore(%run_scoped3A_137 : memref<!tpu.dma_semaphore, #tpu.memory_space<semaphore_mem>>)
      %dma_wait3A_142 = arith.constant 0 : i32
      %dma_wait3A_143 = tpu.memref_slice %arg11[%add3A_120, %dma_wait3A_142] : memref<10240x128xf32, #tpu.memory_space<vmem_shared>> -> memref<64x128xf32, #tpu.memory_space<vmem_shared>>
      %dma_wait3A_144 = arith.constant 0 : i32
      %dma_wait3A_145 = tpu.memref_slice %arg11[%add3A_120, %dma_wait3A_144] : memref<10240x128xf32, #tpu.memory_space<vmem_shared>> -> memref<64x128xf32, #tpu.memory_space<vmem_shared>>
      tpu.wait_dma2 semaphore(%run_scoped3A_137 : memref<!tpu.dma_semaphore, #tpu.memory_space<semaphore_mem>>) src(%dma_wait3A_145 : memref<64x128xf32, #tpu.memory_space<vmem_shared>>) dst(%arg8 : memref<64x128xf32, #tpu.memory_space<vmem>>)
      tpu.yield
    }) : () -> ()
    "tpu.region"() ({
      %run_scoped3A_137 = tpu.sem_alloc : memref<!tpu.dma_semaphore, #tpu.memory_space<semaphore_mem>>
      %dma_start3A_138 = arith.constant 0 : i32
      %dma_start3A_139 = tpu.memref_slice %arg5[%arg0, %add3A_120, %dma_start3A_138] : memref<2x10240x128xf32, #tpu.memory_space<hbm>> -> memref<1x64x128xf32, #tpu.memory_space<hbm>>
      %dma_start3A_140 = tpu.memref_squeeze %dma_start3A_139 : memref<1x64x128xf32, #tpu.memory_space<hbm>> -> memref<64x128xf32, #tpu.memory_space<hbm>>
      %dma_start3A_141 = arith.constant 0 : i32
      %dma_start3A_142 = tpu.memref_slice %arg5[%arg0, %add3A_120, %dma_start3A_141] : memref<2x10240x128xf32, #tpu.memory_space<hbm>> -> memref<1x64x128xf32, #tpu.memory_space<hbm>>
      %dma_start3A_143 = tpu.memref_squeeze %dma_start3A_142 : memref<1x64x128xf32, #tpu.memory_space<hbm>> -> memref<64x128xf32, #tpu.memory_space<hbm>>
      tpu.enqueue_dma source(%arg8 : memref<64x128xf32, #tpu.memory_space<vmem>>) target(%dma_start3A_143 : memref<64x128xf32, #tpu.memory_space<hbm>>) target_semaphore(%run_scoped3A_137 : memref<!tpu.dma_semaphore, #tpu.memory_space<semaphore_mem>>)
      %dma_wait3A_144 = arith.constant 0 : i32
      %dma_wait3A_145 = tpu.memref_slice %arg5[%arg0, %add3A_120, %dma_wait3A_144] : memref<2x10240x128xf32, #tpu.memory_space<hbm>> -> memref<1x64x128xf32, #tpu.memory_space<hbm>>
      %dma_wait3A_146 = tpu.memref_squeeze %dma_wait3A_145 : memref<1x64x128xf32, #tpu.memory_space<hbm>> -> memref<64x128xf32, #tpu.memory_space<hbm>>
      %dma_wait3A_147 = arith.constant 0 : i32
      %dma_wait3A_148 = tpu.memref_slice %arg5[%arg0, %add3A_120, %dma_wait3A_147] : memref<2x10240x128xf32, #tpu.memory_space<hbm>> -> memref<1x64x128xf32, #tpu.memory_space<hbm>>
      %dma_wait3A_149 = tpu.memref_squeeze %dma_wait3A_148 : memref<1x64x128xf32, #tpu.memory_space<hbm>> -> memref<64x128xf32, #tpu.memory_space<hbm>>
      tpu.wait_dma2 semaphore(%run_scoped3A_137 : memref<!tpu.dma_semaphore, #tpu.memory_space<semaphore_mem>>) src(%arg8 : memref<64x128xf32, #tpu.memory_space<vmem>>) dst(%dma_wait3A_149 : memref<64x128xf32, #tpu.memory_space<hbm>>)
      tpu.yield
    }) : () -> ()
    %mul3A_121 = arith.constant 640 : i32
    %mul3A_122 = arith.muli %arg1, %mul3A_121 : i32
    %add3A_123 = arith.constant 384 : i32
    %add3A_124 = arith.addi %mul3A_122, %add3A_123 : i32
    "tpu.region"() ({
      %run_scoped3A_137 = tpu.sem_alloc : memref<!tpu.dma_semaphore, #tpu.memory_space<semaphore_mem>>
      %dma_start3A_138 = arith.constant 0 : i32
      %dma_start3A_139 = tpu.memref_slice %arg11[%add3A_124, %dma_start3A_138] : memref<10240x128xf32, #tpu.memory_space<vmem_shared>> -> memref<64x128xf32, #tpu.memory_space<vmem_shared>>
      %dma_start3A_140 = arith.constant 0 : i32
      %dma_start3A_141 = tpu.memref_slice %arg11[%add3A_124, %dma_start3A_140] : memref<10240x128xf32, #tpu.memory_space<vmem_shared>> -> memref<64x128xf32, #tpu.memory_space<vmem_shared>>
      tpu.enqueue_dma source(%dma_start3A_141 : memref<64x128xf32, #tpu.memory_space<vmem_shared>>) target(%arg8 : memref<64x128xf32, #tpu.memory_space<vmem>>) target_semaphore(%run_scoped3A_137 : memref<!tpu.dma_semaphore, #tpu.memory_space<semaphore_mem>>)
      %dma_wait3A_142 = arith.constant 0 : i32
      %dma_wait3A_143 = tpu.memref_slice %arg11[%add3A_124, %dma_wait3A_142] : memref<10240x128xf32, #tpu.memory_space<vmem_shared>> -> memref<64x128xf32, #tpu.memory_space<vmem_shared>>
      %dma_wait3A_144 = arith.constant 0 : i32
      %dma_wait3A_145 = tpu.memref_slice %arg11[%add3A_124, %dma_wait3A_144] : memref<10240x128xf32, #tpu.memory_space<vmem_shared>> -> memref<64x128xf32, #tpu.memory_space<vmem_shared>>
      tpu.wait_dma2 semaphore(%run_scoped3A_137 : memref<!tpu.dma_semaphore, #tpu.memory_space<semaphore_mem>>) src(%dma_wait3A_145 : memref<64x128xf32, #tpu.memory_space<vmem_shared>>) dst(%arg8 : memref<64x128xf32, #tpu.memory_space<vmem>>)
      tpu.yield
    }) : () -> ()
    "tpu.region"() ({
      %run_scoped3A_137 = tpu.sem_alloc : memref<!tpu.dma_semaphore, #tpu.memory_space<semaphore_mem>>
      %dma_start3A_138 = arith.constant 0 : i32
      %dma_start3A_139 = tpu.memref_slice %arg5[%arg0, %add3A_124, %dma_start3A_138] : memref<2x10240x128xf32, #tpu.memory_space<hbm>> -> memref<1x64x128xf32, #tpu.memory_space<hbm>>
      %dma_start3A_140 = tpu.memref_squeeze %dma_start3A_139 : memref<1x64x128xf32, #tpu.memory_space<hbm>> -> memref<64x128xf32, #tpu.memory_space<hbm>>
      %dma_start3A_141 = arith.constant 0 : i32
      %dma_start3A_142 = tpu.memref_slice %arg5[%arg0, %add3A_124, %dma_start3A_141] : memref<2x10240x128xf32, #tpu.memory_space<hbm>> -> memref<1x64x128xf32, #tpu.memory_space<hbm>>
      %dma_start3A_143 = tpu.memref_squeeze %dma_start3A_142 : memref<1x64x128xf32, #tpu.memory_space<hbm>> -> memref<64x128xf32, #tpu.memory_space<hbm>>
      tpu.enqueue_dma source(%arg8 : memref<64x128xf32, #tpu.memory_space<vmem>>) target(%dma_start3A_143 : memref<64x128xf32, #tpu.memory_space<hbm>>) target_semaphore(%run_scoped3A_137 : memref<!tpu.dma_semaphore, #tpu.memory_space<semaphore_mem>>)
      %dma_wait3A_144 = arith.constant 0 : i32
      %dma_wait3A_145 = tpu.memref_slice %arg5[%arg0, %add3A_124, %dma_wait3A_144] : memref<2x10240x128xf32, #tpu.memory_space<hbm>> -> memref<1x64x128xf32, #tpu.memory_space<hbm>>
      %dma_wait3A_146 = tpu.memref_squeeze %dma_wait3A_145 : memref<1x64x128xf32, #tpu.memory_space<hbm>> -> memref<64x128xf32, #tpu.memory_space<hbm>>
      %dma_wait3A_147 = arith.constant 0 : i32
      %dma_wait3A_148 = tpu.memref_slice %arg5[%arg0, %add3A_124, %dma_wait3A_147] : memref<2x10240x128xf32, #tpu.memory_space<hbm>> -> memref<1x64x128xf32, #tpu.memory_space<hbm>>
      %dma_wait3A_149 = tpu.memref_squeeze %dma_wait3A_148 : memref<1x64x128xf32, #tpu.memory_space<hbm>> -> memref<64x128xf32, #tpu.memory_space<hbm>>
      tpu.wait_dma2 semaphore(%run_scoped3A_137 : memref<!tpu.dma_semaphore, #tpu.memory_space<semaphore_mem>>) src(%arg8 : memref<64x128xf32, #tpu.memory_space<vmem>>) dst(%dma_wait3A_149 : memref<64x128xf32, #tpu.memory_space<hbm>>)
      tpu.yield
    }) : () -> ()
    %mul3A_125 = arith.constant 640 : i32
    %mul3A_126 = arith.muli %arg1, %mul3A_125 : i32
    %add3A_127 = arith.constant 448 : i32
    %add3A_128 = arith.addi %mul3A_126, %add3A_127 : i32
    "tpu.region"() ({
      %run_scoped3A_137 = tpu.sem_alloc : memref<!tpu.dma_semaphore, #tpu.memory_space<semaphore_mem>>
      %dma_start3A_138 = arith.constant 0 : i32
      %dma_start3A_139 = tpu.memref_slice %arg11[%add3A_128, %dma_start3A_138] : memref<10240x128xf32, #tpu.memory_space<vmem_shared>> -> memref<64x128xf32, #tpu.memory_space<vmem_shared>>
      %dma_start3A_140 = arith.constant 0 : i32
      %dma_start3A_141 = tpu.memref_slice %arg11[%add3A_128, %dma_start3A_140] : memref<10240x128xf32, #tpu.memory_space<vmem_shared>> -> memref<64x128xf32, #tpu.memory_space<vmem_shared>>
      tpu.enqueue_dma source(%dma_start3A_141 : memref<64x128xf32, #tpu.memory_space<vmem_shared>>) target(%arg8 : memref<64x128xf32, #tpu.memory_space<vmem>>) target_semaphore(%run_scoped3A_137 : memref<!tpu.dma_semaphore, #tpu.memory_space<semaphore_mem>>)
      %dma_wait3A_142 = arith.constant 0 : i32
      %dma_wait3A_143 = tpu.memref_slice %arg11[%add3A_128, %dma_wait3A_142] : memref<10240x128xf32, #tpu.memory_space<vmem_shared>> -> memref<64x128xf32, #tpu.memory_space<vmem_shared>>
      %dma_wait3A_144 = arith.constant 0 : i32
      %dma_wait3A_145 = tpu.memref_slice %arg11[%add3A_128, %dma_wait3A_144] : memref<10240x128xf32, #tpu.memory_space<vmem_shared>> -> memref<64x128xf32, #tpu.memory_space<vmem_shared>>
      tpu.wait_dma2 semaphore(%run_scoped3A_137 : memref<!tpu.dma_semaphore, #tpu.memory_space<semaphore_mem>>) src(%dma_wait3A_145 : memref<64x128xf32, #tpu.memory_space<vmem_shared>>) dst(%arg8 : memref<64x128xf32, #tpu.memory_space<vmem>>)
      tpu.yield
    }) : () -> ()
    "tpu.region"() ({
      %run_scoped3A_137 = tpu.sem_alloc : memref<!tpu.dma_semaphore, #tpu.memory_space<semaphore_mem>>
      %dma_start3A_138 = arith.constant 0 : i32
      %dma_start3A_139 = tpu.memref_slice %arg5[%arg0, %add3A_128, %dma_start3A_138] : memref<2x10240x128xf32, #tpu.memory_space<hbm>> -> memref<1x64x128xf32, #tpu.memory_space<hbm>>
      %dma_start3A_140 = tpu.memref_squeeze %dma_start3A_139 : memref<1x64x128xf32, #tpu.memory_space<hbm>> -> memref<64x128xf32, #tpu.memory_space<hbm>>
      %dma_start3A_141 = arith.constant 0 : i32
      %dma_start3A_142 = tpu.memref_slice %arg5[%arg0, %add3A_128, %dma_start3A_141] : memref<2x10240x128xf32, #tpu.memory_space<hbm>> -> memref<1x64x128xf32, #tpu.memory_space<hbm>>
      %dma_start3A_143 = tpu.memref_squeeze %dma_start3A_142 : memref<1x64x128xf32, #tpu.memory_space<hbm>> -> memref<64x128xf32, #tpu.memory_space<hbm>>
      tpu.enqueue_dma source(%arg8 : memref<64x128xf32, #tpu.memory_space<vmem>>) target(%dma_start3A_143 : memref<64x128xf32, #tpu.memory_space<hbm>>) target_semaphore(%run_scoped3A_137 : memref<!tpu.dma_semaphore, #tpu.memory_space<semaphore_mem>>)
      %dma_wait3A_144 = arith.constant 0 : i32
      %dma_wait3A_145 = tpu.memref_slice %arg5[%arg0, %add3A_128, %dma_wait3A_144] : memref<2x10240x128xf32, #tpu.memory_space<hbm>> -> memref<1x64x128xf32, #tpu.memory_space<hbm>>
      %dma_wait3A_146 = tpu.memref_squeeze %dma_wait3A_145 : memref<1x64x128xf32, #tpu.memory_space<hbm>> -> memref<64x128xf32, #tpu.memory_space<hbm>>
      %dma_wait3A_147 = arith.constant 0 : i32
      %dma_wait3A_148 = tpu.memref_slice %arg5[%arg0, %add3A_128, %dma_wait3A_147] : memref<2x10240x128xf32, #tpu.memory_space<hbm>> -> memref<1x64x128xf32, #tpu.memory_space<hbm>>
      %dma_wait3A_149 = tpu.memref_squeeze %dma_wait3A_148 : memref<1x64x128xf32, #tpu.memory_space<hbm>> -> memref<64x128xf32, #tpu.memory_space<hbm>>
      tpu.wait_dma2 semaphore(%run_scoped3A_137 : memref<!tpu.dma_semaphore, #tpu.memory_space<semaphore_mem>>) src(%arg8 : memref<64x128xf32, #tpu.memory_space<vmem>>) dst(%dma_wait3A_149 : memref<64x128xf32, #tpu.memory_space<hbm>>)
      tpu.yield
    }) : () -> ()
    %mul3A_129 = arith.constant 640 : i32
    %mul3A_130 = arith.muli %arg1, %mul3A_129 : i32
    %add3A_131 = arith.constant 512 : i32
    %add3A_132 = arith.addi %mul3A_130, %add3A_131 : i32
    "tpu.region"() ({
      %run_scoped3A_137 = tpu.sem_alloc : memref<!tpu.dma_semaphore, #tpu.memory_space<semaphore_mem>>
      %dma_start3A_138 = arith.constant 0 : i32
      %dma_start3A_139 = tpu.memref_slice %arg11[%add3A_132, %dma_start3A_138] : memref<10240x128xf32, #tpu.memory_space<vmem_shared>> -> memref<64x128xf32, #tpu.memory_space<vmem_shared>>
      %dma_start3A_140 = arith.constant 0 : i32
      %dma_start3A_141 = tpu.memref_slice %arg11[%add3A_132, %dma_start3A_140] : memref<10240x128xf32, #tpu.memory_space<vmem_shared>> -> memref<64x128xf32, #tpu.memory_space<vmem_shared>>
      tpu.enqueue_dma source(%dma_start3A_141 : memref<64x128xf32, #tpu.memory_space<vmem_shared>>) target(%arg8 : memref<64x128xf32, #tpu.memory_space<vmem>>) target_semaphore(%run_scoped3A_137 : memref<!tpu.dma_semaphore, #tpu.memory_space<semaphore_mem>>)
      %dma_wait3A_142 = arith.constant 0 : i32
      %dma_wait3A_143 = tpu.memref_slice %arg11[%add3A_132, %dma_wait3A_142] : memref<10240x128xf32, #tpu.memory_space<vmem_shared>> -> memref<64x128xf32, #tpu.memory_space<vmem_shared>>
      %dma_wait3A_144 = arith.constant 0 : i32
      %dma_wait3A_145 = tpu.memref_slice %arg11[%add3A_132, %dma_wait3A_144] : memref<10240x128xf32, #tpu.memory_space<vmem_shared>> -> memref<64x128xf32, #tpu.memory_space<vmem_shared>>
      tpu.wait_dma2 semaphore(%run_scoped3A_137 : memref<!tpu.dma_semaphore, #tpu.memory_space<semaphore_mem>>) src(%dma_wait3A_145 : memref<64x128xf32, #tpu.memory_space<vmem_shared>>) dst(%arg8 : memref<64x128xf32, #tpu.memory_space<vmem>>)
      tpu.yield
    }) : () -> ()
    "tpu.region"() ({
      %run_scoped3A_137 = tpu.sem_alloc : memref<!tpu.dma_semaphore, #tpu.memory_space<semaphore_mem>>
      %dma_start3A_138 = arith.constant 0 : i32
      %dma_start3A_139 = tpu.memref_slice %arg5[%arg0, %add3A_132, %dma_start3A_138] : memref<2x10240x128xf32, #tpu.memory_space<hbm>> -> memref<1x64x128xf32, #tpu.memory_space<hbm>>
      %dma_start3A_140 = tpu.memref_squeeze %dma_start3A_139 : memref<1x64x128xf32, #tpu.memory_space<hbm>> -> memref<64x128xf32, #tpu.memory_space<hbm>>
      %dma_start3A_141 = arith.constant 0 : i32
      %dma_start3A_142 = tpu.memref_slice %arg5[%arg0, %add3A_132, %dma_start3A_141] : memref<2x10240x128xf32, #tpu.memory_space<hbm>> -> memref<1x64x128xf32, #tpu.memory_space<hbm>>
      %dma_start3A_143 = tpu.memref_squeeze %dma_start3A_142 : memref<1x64x128xf32, #tpu.memory_space<hbm>> -> memref<64x128xf32, #tpu.memory_space<hbm>>
      tpu.enqueue_dma source(%arg8 : memref<64x128xf32, #tpu.memory_space<vmem>>) target(%dma_start3A_143 : memref<64x128xf32, #tpu.memory_space<hbm>>) target_semaphore(%run_scoped3A_137 : memref<!tpu.dma_semaphore, #tpu.memory_space<semaphore_mem>>)
      %dma_wait3A_144 = arith.constant 0 : i32
      %dma_wait3A_145 = tpu.memref_slice %arg5[%arg0, %add3A_132, %dma_wait3A_144] : memref<2x10240x128xf32, #tpu.memory_space<hbm>> -> memref<1x64x128xf32, #tpu.memory_space<hbm>>
      %dma_wait3A_146 = tpu.memref_squeeze %dma_wait3A_145 : memref<1x64x128xf32, #tpu.memory_space<hbm>> -> memref<64x128xf32, #tpu.memory_space<hbm>>
      %dma_wait3A_147 = arith.constant 0 : i32
      %dma_wait3A_148 = tpu.memref_slice %arg5[%arg0, %add3A_132, %dma_wait3A_147] : memref<2x10240x128xf32, #tpu.memory_space<hbm>> -> memref<1x64x128xf32, #tpu.memory_space<hbm>>
      %dma_wait3A_149 = tpu.memref_squeeze %dma_wait3A_148 : memref<1x64x128xf32, #tpu.memory_space<hbm>> -> memref<64x128xf32, #tpu.memory_space<hbm>>
      tpu.wait_dma2 semaphore(%run_scoped3A_137 : memref<!tpu.dma_semaphore, #tpu.memory_space<semaphore_mem>>) src(%arg8 : memref<64x128xf32, #tpu.memory_space<vmem>>) dst(%dma_wait3A_149 : memref<64x128xf32, #tpu.memory_space<hbm>>)
      tpu.yield
    }) : () -> ()
    %mul3A_133 = arith.constant 640 : i32
    %mul3A_134 = arith.muli %arg1, %mul3A_133 : i32
    %add3A_135 = arith.constant 576 : i32
    %add3A_136 = arith.addi %mul3A_134, %add3A_135 : i32
    "tpu.region"() ({
      %run_scoped3A_137 = tpu.sem_alloc : memref<!tpu.dma_semaphore, #tpu.memory_space<semaphore_mem>>
      %dma_start3A_138 = arith.constant 0 : i32
      %dma_start3A_139 = tpu.memref_slice %arg11[%add3A_136, %dma_start3A_138] : memref<10240x128xf32, #tpu.memory_space<vmem_shared>> -> memref<64x128xf32, #tpu.memory_space<vmem_shared>>
      %dma_start3A_140 = arith.constant 0 : i32
      %dma_start3A_141 = tpu.memref_slice %arg11[%add3A_136, %dma_start3A_140] : memref<10240x128xf32, #tpu.memory_space<vmem_shared>> -> memref<64x128xf32, #tpu.memory_space<vmem_shared>>
      tpu.enqueue_dma source(%dma_start3A_141 : memref<64x128xf32, #tpu.memory_space<vmem_shared>>) target(%arg8 : memref<64x128xf32, #tpu.memory_space<vmem>>) target_semaphore(%run_scoped3A_137 : memref<!tpu.dma_semaphore, #tpu.memory_space<semaphore_mem>>)
      %dma_wait3A_142 = arith.constant 0 : i32
      %dma_wait3A_143 = tpu.memref_slice %arg11[%add3A_136, %dma_wait3A_142] : memref<10240x128xf32, #tpu.memory_space<vmem_shared>> -> memref<64x128xf32, #tpu.memory_space<vmem_shared>>
      %dma_wait3A_144 = arith.constant 0 : i32
      %dma_wait3A_145 = tpu.memref_slice %arg11[%add3A_136, %dma_wait3A_144] : memref<10240x128xf32, #tpu.memory_space<vmem_shared>> -> memref<64x128xf32, #tpu.memory_space<vmem_shared>>
      tpu.wait_dma2 semaphore(%run_scoped3A_137 : memref<!tpu.dma_semaphore, #tpu.memory_space<semaphore_mem>>) src(%dma_wait3A_145 : memref<64x128xf32, #tpu.memory_space<vmem_shared>>) dst(%arg8 : memref<64x128xf32, #tpu.memory_space<vmem>>)
      tpu.yield
    }) : () -> ()
    "tpu.region"() ({
      %run_scoped3A_137 = tpu.sem_alloc : memref<!tpu.dma_semaphore, #tpu.memory_space<semaphore_mem>>
      %dma_start3A_138 = arith.constant 0 : i32
      %dma_start3A_139 = tpu.memref_slice %arg5[%arg0, %add3A_136, %dma_start3A_138] : memref<2x10240x128xf32, #tpu.memory_space<hbm>> -> memref<1x64x128xf32, #tpu.memory_space<hbm>>
      %dma_start3A_140 = tpu.memref_squeeze %dma_start3A_139 : memref<1x64x128xf32, #tpu.memory_space<hbm>> -> memref<64x128xf32, #tpu.memory_space<hbm>>
      %dma_start3A_141 = arith.constant 0 : i32
      %dma_start3A_142 = tpu.memref_slice %arg5[%arg0, %add3A_136, %dma_start3A_141] : memref<2x10240x128xf32, #tpu.memory_space<hbm>> -> memref<1x64x128xf32, #tpu.memory_space<hbm>>
      %dma_start3A_143 = tpu.memref_squeeze %dma_start3A_142 : memref<1x64x128xf32, #tpu.memory_space<hbm>> -> memref<64x128xf32, #tpu.memory_space<hbm>>
      tpu.enqueue_dma source(%arg8 : memref<64x128xf32, #tpu.memory_space<vmem>>) target(%dma_start3A_143 : memref<64x128xf32, #tpu.memory_space<hbm>>) target_semaphore(%run_scoped3A_137 : memref<!tpu.dma_semaphore, #tpu.memory_space<semaphore_mem>>)
      %dma_wait3A_144 = arith.constant 0 : i32
      %dma_wait3A_145 = tpu.memref_slice %arg5[%arg0, %add3A_136, %dma_wait3A_144] : memref<2x10240x128xf32, #tpu.memory_space<hbm>> -> memref<1x64x128xf32, #tpu.memory_space<hbm>>
      %dma_wait3A_146 = tpu.memref_squeeze %dma_wait3A_145 : memref<1x64x128xf32, #tpu.memory_space<hbm>> -> memref<64x128xf32, #tpu.memory_space<hbm>>
      %dma_wait3A_147 = arith.constant 0 : i32
      %dma_wait3A_148 = tpu.memref_slice %arg5[%arg0, %add3A_136, %dma_wait3A_147] : memref<2x10240x128xf32, #tpu.memory_space<hbm>> -> memref<1x64x128xf32, #tpu.memory_space<hbm>>
      %dma_wait3A_149 = tpu.memref_squeeze %dma_wait3A_148 : memref<1x64x128xf32, #tpu.memory_space<hbm>> -> memref<64x128xf32, #tpu.memory_space<hbm>>
      tpu.wait_dma2 semaphore(%run_scoped3A_137 : memref<!tpu.dma_semaphore, #tpu.memory_space<semaphore_mem>>) src(%arg8 : memref<64x128xf32, #tpu.memory_space<vmem>>) dst(%dma_wait3A_149 : memref<64x128xf32, #tpu.memory_space<hbm>>)
      tpu.yield
    }) : () -> ()
    return
  }
}

#map = affine_map<(d0, d1) -> (0, 0)>
#map1 = affine_map<(d0, d1) -> (0, 0, 0)>
module attributes {stable_mosaic.version = 14 : i64} {
  func.func @agg(%arg0: i32, %arg1: i32, %arg2: memref<10000x128xf32, #tpu.memory_space<hbm>>, %arg3: memref<32x159x64xi32, #tpu.memory_space<hbm>>, %arg4: memref<32x159x64xi32, #tpu.memory_space<hbm>>, %arg5: memref<2x10240x128xf32, #tpu.memory_space<hbm>>, %arg6: memref<159x64xi32, #tpu.memory_space<vmem>>, %arg7: memref<159x64xi32, #tpu.memory_space<vmem>>, %arg8: memref<64x128xf32, #tpu.memory_space<vmem>>, %arg9: memref<64x128xf32, #tpu.memory_space<vmem>>, %arg10: memref<64x128xf32, #tpu.memory_space<vmem>>, %arg11: memref<10240x128xf32, #tpu.memory_space<vmem_shared>>, %arg12: memref<!tpu.dma_semaphore, #tpu.memory_space<semaphore_mem>>, %arg13: memref<!tpu.dma_semaphore, #tpu.memory_space<semaphore_mem>>, %arg14: memref<!tpu.dma_semaphore, #tpu.memory_space<semaphore_mem>>, %arg15: memref<!tpu.dma_semaphore, #tpu.memory_space<semaphore_mem>>, %arg16: memref<!tpu.dma_semaphore, #tpu.memory_space<semaphore_mem>>, %arg17: memref<!tpu.dma_semaphore, #tpu.memory_space<semaphore_mem>>) attributes {dimension_semantics = [#tpu.dimension_semantics<core_parallel>, #tpu.dimension_semantics<subcore_parallel>], iteration_bounds = array<i64: 2, 16>, scalar_prefetch = 0 : i64, scratch_operands = 12 : i64, tpu.core_type = #tpu.core_type<sc_vector_subcore>, window_params = [{transform_indices = #map}, {transform_indices = #map1}, {transform_indices = #map1}, {transform_indices = #map1}]} {
    %mul3A = arith.constant 2 : i32
    %mul3A_0 = arith.muli %arg1, %mul3A : i32
    %add3A = arith.addi %mul3A_0, %arg0 : i32
    "tpu.region"() ({
      %run_scoped3A_137 = tpu.sem_alloc : memref<!tpu.dma_semaphore, #tpu.memory_space<semaphore_mem>>
      %dma_start3A_138 = arith.constant 0 : i32
      %dma_start3A_139 = arith.constant 0 : i32
      %dma_start3A_140 = tpu.memref_slice %arg3[%add3A, %dma_start3A_138, %dma_start3A_139] : memref<32x159x64xi32, #tpu.memory_space<hbm>> -> memref<1x159x64xi32, #tpu.memory_space<hbm>>
      %dma_start3A_141 = tpu.memref_squeeze %dma_start3A_140 : memref<1x159x64xi32, #tpu.memory_space<hbm>> -> memref<159x64xi32, #tpu.memory_space<hbm>>
      %dma_start3A_142 = arith.constant 0 : i32
      %dma_start3A_143 = arith.constant 0 : i32
      %dma_start3A_144 = tpu.memref_slice %arg3[%add3A, %dma_start3A_142, %dma_start3A_143] : memref<32x159x64xi32, #tpu.memory_space<hbm>> -> memref<1x159x64xi32, #tpu.memory_space<hbm>>
      %dma_start3A_145 = tpu.memref_squeeze %dma_start3A_144 : memref<1x159x64xi32, #tpu.memory_space<hbm>> -> memref<159x64xi32, #tpu.memory_space<hbm>>
      tpu.enqueue_dma source(%dma_start3A_145 : memref<159x64xi32, #tpu.memory_space<hbm>>) target(%arg6 : memref<159x64xi32, #tpu.memory_space<vmem>>) target_semaphore(%run_scoped3A_137 : memref<!tpu.dma_semaphore, #tpu.memory_space<semaphore_mem>>)
      %dma_wait3A_146 = arith.constant 0 : i32
      %dma_wait3A_147 = arith.constant 0 : i32
      %dma_wait3A_148 = tpu.memref_slice %arg3[%add3A, %dma_wait3A_146, %dma_wait3A_147] : memref<32x159x64xi32, #tpu.memory_space<hbm>> -> memref<1x159x64xi32, #tpu.memory_space<hbm>>
      %dma_wait3A_149 = tpu.memref_squeeze %dma_wait3A_148 : memref<1x159x64xi32, #tpu.memory_space<hbm>> -> memref<159x64xi32, #tpu.memory_space<hbm>>
      %dma_wait3A_150 = arith.constant 0 : i32
      %dma_wait3A_151 = arith.constant 0 : i32
      %dma_wait3A_152 = tpu.memref_slice %arg3[%add3A, %dma_wait3A_150, %dma_wait3A_151] : memref<32x159x64xi32, #tpu.memory_space<hbm>> -> memref<1x159x64xi32, #tpu.memory_space<hbm>>
      %dma_wait3A_153 = tpu.memref_squeeze %dma_wait3A_152 : memref<1x159x64xi32, #tpu.memory_space<hbm>> -> memref<159x64xi32, #tpu.memory_space<hbm>>
      tpu.wait_dma2 semaphore(%run_scoped3A_137 : memref<!tpu.dma_semaphore, #tpu.memory_space<semaphore_mem>>) src(%dma_wait3A_153 : memref<159x64xi32, #tpu.memory_space<hbm>>) dst(%arg6 : memref<159x64xi32, #tpu.memory_space<vmem>>)
      tpu.yield
    }) : () -> ()
    "tpu.region"() ({
      %run_scoped3A_137 = tpu.sem_alloc : memref<!tpu.dma_semaphore, #tpu.memory_space<semaphore_mem>>
      %dma_start3A_138 = arith.constant 0 : i32
      %dma_start3A_139 = arith.constant 0 : i32
      %dma_start3A_140 = tpu.memref_slice %arg4[%add3A, %dma_start3A_138, %dma_start3A_139] : memref<32x159x64xi32, #tpu.memory_space<hbm>> -> memref<1x159x64xi32, #tpu.memory_space<hbm>>
      %dma_start3A_141 = tpu.memref_squeeze %dma_start3A_140 : memref<1x159x64xi32, #tpu.memory_space<hbm>> -> memref<159x64xi32, #tpu.memory_space<hbm>>
      %dma_start3A_142 = arith.constant 0 : i32
      %dma_start3A_143 = arith.constant 0 : i32
      %dma_start3A_144 = tpu.memref_slice %arg4[%add3A, %dma_start3A_142, %dma_start3A_143] : memref<32x159x64xi32, #tpu.memory_space<hbm>> -> memref<1x159x64xi32, #tpu.memory_space<hbm>>
      %dma_start3A_145 = tpu.memref_squeeze %dma_start3A_144 : memref<1x159x64xi32, #tpu.memory_space<hbm>> -> memref<159x64xi32, #tpu.memory_space<hbm>>
      tpu.enqueue_dma source(%dma_start3A_145 : memref<159x64xi32, #tpu.memory_space<hbm>>) target(%arg7 : memref<159x64xi32, #tpu.memory_space<vmem>>) target_semaphore(%run_scoped3A_137 : memref<!tpu.dma_semaphore, #tpu.memory_space<semaphore_mem>>)
      %dma_wait3A_146 = arith.constant 0 : i32
      %dma_wait3A_147 = arith.constant 0 : i32
      %dma_wait3A_148 = tpu.memref_slice %arg4[%add3A, %dma_wait3A_146, %dma_wait3A_147] : memref<32x159x64xi32, #tpu.memory_space<hbm>> -> memref<1x159x64xi32, #tpu.memory_space<hbm>>
      %dma_wait3A_149 = tpu.memref_squeeze %dma_wait3A_148 : memref<1x159x64xi32, #tpu.memory_space<hbm>> -> memref<159x64xi32, #tpu.memory_space<hbm>>
      %dma_wait3A_150 = arith.constant 0 : i32
      %dma_wait3A_151 = arith.constant 0 : i32
      %dma_wait3A_152 = tpu.memref_slice %arg4[%add3A, %dma_wait3A_150, %dma_wait3A_151] : memref<32x159x64xi32, #tpu.memory_space<hbm>> -> memref<1x159x64xi32, #tpu.memory_space<hbm>>
      %dma_wait3A_153 = tpu.memref_squeeze %dma_wait3A_152 : memref<1x159x64xi32, #tpu.memory_space<hbm>> -> memref<159x64xi32, #tpu.memory_space<hbm>>
      tpu.wait_dma2 semaphore(%run_scoped3A_137 : memref<!tpu.dma_semaphore, #tpu.memory_space<semaphore_mem>>) src(%dma_wait3A_153 : memref<159x64xi32, #tpu.memory_space<hbm>>) dst(%arg7 : memref<159x64xi32, #tpu.memory_space<vmem>>)
      tpu.yield
    }) : () -> ()
    %scan3A = arith.constant 0 : i32
    %scan3A_1 = arith.constant 0 : i32
    %scan3A_2 = arith.constant 64 : i32
    %scan3A_3 = arith.addi %scan3A_1, %scan3A_2 : i32
    %scan3A_4 = arith.constant 1 : i32
    %scan3A_5 = scf.for %scan3A_137 = %scan3A_1 to %scan3A_3 step %scan3A_4 iter_args(%scan3A_138 = %scan3A) -> (i32)  : i32 {
      %broadcast_in_dim3A = arith.constant 0.000000e+00 : f32
      %broadcast_in_dim3A_139 = vector.broadcast %broadcast_in_dim3A : f32 to vector<16xf32>
      %swap3A = arith.index_cast %scan3A_137 : i32 to index
      %swap3A_140 = arith.constant 0 : index
      %swap3A_141 = tpu.vector_load %arg8[%swap3A, %swap3A_140] {strides = array<i32>} : memref<64x128xf32, #tpu.memory_space<vmem>>, vector<1x16xf32>,
      %swap3A_142 = vector.shape_cast %swap3A_141 : vector<1x16xf32> to vector<16xf32>
      %swap3A_143 = vector.shape_cast %broadcast_in_dim3A_139 : vector<16xf32> to vector<1x16xf32>
      tpu.vector_store %arg8[%swap3A, %swap3A_140], %swap3A_143 {strides = array<i32>} : memref<64x128xf32, #tpu.memory_space<vmem>>, vector<1x16xf32>,
      %broadcast_in_dim3A_144 = arith.constant 0.000000e+00 : f32
      %broadcast_in_dim3A_145 = vector.broadcast %broadcast_in_dim3A_144 : f32 to vector<16xf32>
      %swap3A_146 = arith.index_cast %scan3A_137 : i32 to index
      %swap3A_147 = arith.constant 16 : index
      %swap3A_148 = tpu.vector_load %arg8[%swap3A_146, %swap3A_147] {strides = array<i32>} : memref<64x128xf32, #tpu.memory_space<vmem>>, vector<1x16xf32>,
      %swap3A_149 = vector.shape_cast %swap3A_148 : vector<1x16xf32> to vector<16xf32>
      %swap3A_150 = vector.shape_cast %broadcast_in_dim3A_145 : vector<16xf32> to vector<1x16xf32>
      tpu.vector_store %arg8[%swap3A_146, %swap3A_147], %swap3A_150 {strides = array<i32>} : memref<64x128xf32, #tpu.memory_space<vmem>>, vector<1x16xf32>,
      %broadcast_in_dim3A_151 = arith.constant 0.000000e+00 : f32
      %broadcast_in_dim3A_152 = vector.broadcast %broadcast_in_dim3A_151 : f32 to vector<16xf32>
      %swap3A_153 = arith.index_cast %scan3A_137 : i32 to index
      %swap3A_154 = arith.constant 32 : index
      %swap3A_155 = tpu.vector_load %arg8[%swap3A_153, %swap3A_154] {strides = array<i32>} : memref<64x128xf32, #tpu.memory_space<vmem>>, vector<1x16xf32>,
      %swap3A_156 = vector.shape_cast %swap3A_155 : vector<1x16xf32> to vector<16xf32>
      %swap3A_157 = vector.shape_cast %broadcast_in_dim3A_152 : vector<16xf32> to vector<1x16xf32>
      tpu.vector_store %arg8[%swap3A_153, %swap3A_154], %swap3A_157 {strides = array<i32>} : memref<64x128xf32, #tpu.memory_space<vmem>>, vector<1x16xf32>,
      %broadcast_in_dim3A_158 = arith.constant 0.000000e+00 : f32
      %broadcast_in_dim3A_159 = vector.broadcast %broadcast_in_dim3A_158 : f32 to vector<16xf32>
      %swap3A_160 = arith.index_cast %scan3A_137 : i32 to index
      %swap3A_161 = arith.constant 48 : index
      %swap3A_162 = tpu.vector_load %arg8[%swap3A_160, %swap3A_161] {strides = array<i32>} : memref<64x128xf32, #tpu.memory_space<vmem>>, vector<1x16xf32>,
      %swap3A_163 = vector.shape_cast %swap3A_162 : vector<1x16xf32> to vector<16xf32>
      %swap3A_164 = vector.shape_cast %broadcast_in_dim3A_159 : vector<16xf32> to vector<1x16xf32>
      tpu.vector_store %arg8[%swap3A_160, %swap3A_161], %swap3A_164 {strides = array<i32>} : memref<64x128xf32, #tpu.memory_space<vmem>>, vector<1x16xf32>,
      %broadcast_in_dim3A_165 = arith.constant 0.000000e+00 : f32
      %broadcast_in_dim3A_166 = vector.broadcast %broadcast_in_dim3A_165 : f32 to vector<16xf32>
      %swap3A_167 = arith.index_cast %scan3A_137 : i32 to index
      %swap3A_168 = arith.constant 64 : index
      %swap3A_169 = tpu.vector_load %arg8[%swap3A_167, %swap3A_168] {strides = array<i32>} : memref<64x128xf32, #tpu.memory_space<vmem>>, vector<1x16xf32>,
      %swap3A_170 = vector.shape_cast %swap3A_169 : vector<1x16xf32> to vector<16xf32>
      %swap3A_171 = vector.shape_cast %broadcast_in_dim3A_166 : vector<16xf32> to vector<1x16xf32>
      tpu.vector_store %arg8[%swap3A_167, %swap3A_168], %swap3A_171 {strides = array<i32>} : memref<64x128xf32, #tpu.memory_space<vmem>>, vector<1x16xf32>,
      %broadcast_in_dim3A_172 = arith.constant 0.000000e+00 : f32
      %broadcast_in_dim3A_173 = vector.broadcast %broadcast_in_dim3A_172 : f32 to vector<16xf32>
      %swap3A_174 = arith.index_cast %scan3A_137 : i32 to index
      %swap3A_175 = arith.constant 80 : index
      %swap3A_176 = tpu.vector_load %arg8[%swap3A_174, %swap3A_175] {strides = array<i32>} : memref<64x128xf32, #tpu.memory_space<vmem>>, vector<1x16xf32>,
      %swap3A_177 = vector.shape_cast %swap3A_176 : vector<1x16xf32> to vector<16xf32>
      %swap3A_178 = vector.shape_cast %broadcast_in_dim3A_173 : vector<16xf32> to vector<1x16xf32>
      tpu.vector_store %arg8[%swap3A_174, %swap3A_175], %swap3A_178 {strides = array<i32>} : memref<64x128xf32, #tpu.memory_space<vmem>>, vector<1x16xf32>,
      %broadcast_in_dim3A_179 = arith.constant 0.000000e+00 : f32
      %broadcast_in_dim3A_180 = vector.broadcast %broadcast_in_dim3A_179 : f32 to vector<16xf32>
      %swap3A_181 = arith.index_cast %scan3A_137 : i32 to index
      %swap3A_182 = arith.constant 96 : index
      %swap3A_183 = tpu.vector_load %arg8[%swap3A_181, %swap3A_182] {strides = array<i32>} : memref<64x128xf32, #tpu.memory_space<vmem>>, vector<1x16xf32>,
      %swap3A_184 = vector.shape_cast %swap3A_183 : vector<1x16xf32> to vector<16xf32>
      %swap3A_185 = vector.shape_cast %broadcast_in_dim3A_180 : vector<16xf32> to vector<1x16xf32>
      tpu.vector_store %arg8[%swap3A_181, %swap3A_182], %swap3A_185 {strides = array<i32>} : memref<64x128xf32, #tpu.memory_space<vmem>>, vector<1x16xf32>,
      %broadcast_in_dim3A_186 = arith.constant 0.000000e+00 : f32
      %broadcast_in_dim3A_187 = vector.broadcast %broadcast_in_dim3A_186 : f32 to vector<16xf32>
      %swap3A_188 = arith.index_cast %scan3A_137 : i32 to index
      %swap3A_189 = arith.constant 112 : index
      %swap3A_190 = tpu.vector_load %arg8[%swap3A_188, %swap3A_189] {strides = array<i32>} : memref<64x128xf32, #tpu.memory_space<vmem>>, vector<1x16xf32>,
      %swap3A_191 = vector.shape_cast %swap3A_190 : vector<1x16xf32> to vector<16xf32>
      %swap3A_192 = vector.shape_cast %broadcast_in_dim3A_187 : vector<16xf32> to vector<1x16xf32>
      tpu.vector_store %arg8[%swap3A_188, %swap3A_189], %swap3A_192 {strides = array<i32>} : memref<64x128xf32, #tpu.memory_space<vmem>>, vector<1x16xf32>,
      %scan3A_193 = arith.constant 0 : i32
      scf.yield %scan3A_193 : i32
    }
    %scan3A_6 = arith.constant 64 : i32
    %mul3A_7 = arith.constant 640 : i32
    %mul3A_8 = arith.muli %arg1, %mul3A_7 : i32
    %add3A_9 = arith.constant 0 : i32
    %add3A_10 = arith.addi %mul3A_8, %add3A_9 : i32
    "tpu.region"() ({
      %run_scoped3A_137 = tpu.sem_alloc : memref<!tpu.dma_semaphore, #tpu.memory_space<semaphore_mem>>
      %dma_start3A_138 = arith.constant 0 : i32
      %dma_start3A_139 = tpu.memref_slice %arg11[%add3A_10, %dma_start3A_138] : memref<10240x128xf32, #tpu.memory_space<vmem_shared>> -> memref<64x128xf32, #tpu.memory_space<vmem_shared>>
      %dma_start3A_140 = arith.constant 0 : i32
      %dma_start3A_141 = tpu.memref_slice %arg11[%add3A_10, %dma_start3A_140] : memref<10240x128xf32, #tpu.memory_space<vmem_shared>> -> memref<64x128xf32, #tpu.memory_space<vmem_shared>>
      tpu.enqueue_dma source(%arg8 : memref<64x128xf32, #tpu.memory_space<vmem>>) target(%dma_start3A_141 : memref<64x128xf32, #tpu.memory_space<vmem_shared>>) target_semaphore(%run_scoped3A_137 : memref<!tpu.dma_semaphore, #tpu.memory_space<semaphore_mem>>)
      %dma_wait3A_142 = arith.constant 0 : i32
      %dma_wait3A_143 = tpu.memref_slice %arg11[%add3A_10, %dma_wait3A_142] : memref<10240x128xf32, #tpu.memory_space<vmem_shared>> -> memref<64x128xf32, #tpu.memory_space<vmem_shared>>
      %dma_wait3A_144 = arith.constant 0 : i32
      %dma_wait3A_145 = tpu.memref_slice %arg11[%add3A_10, %dma_wait3A_144] : memref<10240x128xf32, #tpu.memory_space<vmem_shared>> -> memref<64x128xf32, #tpu.memory_space<vmem_shared>>
      tpu.wait_dma2 semaphore(%run_scoped3A_137 : memref<!tpu.dma_semaphore, #tpu.memory_space<semaphore_mem>>) src(%arg8 : memref<64x128xf32, #tpu.memory_space<vmem>>) dst(%dma_wait3A_145 : memref<64x128xf32, #tpu.memory_space<vmem_shared>>)
      tpu.yield
    }) : () -> ()
    %mul3A_11 = arith.constant 640 : i32
    %mul3A_12 = arith.muli %arg1, %mul3A_11 : i32
    %add3A_13 = arith.constant 64 : i32
    %add3A_14 = arith.addi %mul3A_12, %add3A_13 : i32
    "tpu.region"() ({
      %run_scoped3A_137 = tpu.sem_alloc : memref<!tpu.dma_semaphore, #tpu.memory_space<semaphore_mem>>
      %dma_start3A_138 = arith.constant 0 : i32
      %dma_start3A_139 = tpu.memref_slice %arg11[%add3A_14, %dma_start3A_138] : memref<10240x128xf32, #tpu.memory_space<vmem_shared>> -> memref<64x128xf32, #tpu.memory_space<vmem_shared>>
      %dma_start3A_140 = arith.constant 0 : i32
      %dma_start3A_141 = tpu.memref_slice %arg11[%add3A_14, %dma_start3A_140] : memref<10240x128xf32, #tpu.memory_space<vmem_shared>> -> memref<64x128xf32, #tpu.memory_space<vmem_shared>>
      tpu.enqueue_dma source(%arg8 : memref<64x128xf32, #tpu.memory_space<vmem>>) target(%dma_start3A_141 : memref<64x128xf32, #tpu.memory_space<vmem_shared>>) target_semaphore(%run_scoped3A_137 : memref<!tpu.dma_semaphore, #tpu.memory_space<semaphore_mem>>)
      %dma_wait3A_142 = arith.constant 0 : i32
      %dma_wait3A_143 = tpu.memref_slice %arg11[%add3A_14, %dma_wait3A_142] : memref<10240x128xf32, #tpu.memory_space<vmem_shared>> -> memref<64x128xf32, #tpu.memory_space<vmem_shared>>
      %dma_wait3A_144 = arith.constant 0 : i32
      %dma_wait3A_145 = tpu.memref_slice %arg11[%add3A_14, %dma_wait3A_144] : memref<10240x128xf32, #tpu.memory_space<vmem_shared>> -> memref<64x128xf32, #tpu.memory_space<vmem_shared>>
      tpu.wait_dma2 semaphore(%run_scoped3A_137 : memref<!tpu.dma_semaphore, #tpu.memory_space<semaphore_mem>>) src(%arg8 : memref<64x128xf32, #tpu.memory_space<vmem>>) dst(%dma_wait3A_145 : memref<64x128xf32, #tpu.memory_space<vmem_shared>>)
      tpu.yield
    }) : () -> ()
    %mul3A_15 = arith.constant 640 : i32
    %mul3A_16 = arith.muli %arg1, %mul3A_15 : i32
    %add3A_17 = arith.constant 128 : i32
    %add3A_18 = arith.addi %mul3A_16, %add3A_17 : i32
    "tpu.region"() ({
      %run_scoped3A_137 = tpu.sem_alloc : memref<!tpu.dma_semaphore, #tpu.memory_space<semaphore_mem>>
      %dma_start3A_138 = arith.constant 0 : i32
      %dma_start3A_139 = tpu.memref_slice %arg11[%add3A_18, %dma_start3A_138] : memref<10240x128xf32, #tpu.memory_space<vmem_shared>> -> memref<64x128xf32, #tpu.memory_space<vmem_shared>>
      %dma_start3A_140 = arith.constant 0 : i32
      %dma_start3A_141 = tpu.memref_slice %arg11[%add3A_18, %dma_start3A_140] : memref<10240x128xf32, #tpu.memory_space<vmem_shared>> -> memref<64x128xf32, #tpu.memory_space<vmem_shared>>
      tpu.enqueue_dma source(%arg8 : memref<64x128xf32, #tpu.memory_space<vmem>>) target(%dma_start3A_141 : memref<64x128xf32, #tpu.memory_space<vmem_shared>>) target_semaphore(%run_scoped3A_137 : memref<!tpu.dma_semaphore, #tpu.memory_space<semaphore_mem>>)
      %dma_wait3A_142 = arith.constant 0 : i32
      %dma_wait3A_143 = tpu.memref_slice %arg11[%add3A_18, %dma_wait3A_142] : memref<10240x128xf32, #tpu.memory_space<vmem_shared>> -> memref<64x128xf32, #tpu.memory_space<vmem_shared>>
      %dma_wait3A_144 = arith.constant 0 : i32
      %dma_wait3A_145 = tpu.memref_slice %arg11[%add3A_18, %dma_wait3A_144] : memref<10240x128xf32, #tpu.memory_space<vmem_shared>> -> memref<64x128xf32, #tpu.memory_space<vmem_shared>>
      tpu.wait_dma2 semaphore(%run_scoped3A_137 : memref<!tpu.dma_semaphore, #tpu.memory_space<semaphore_mem>>) src(%arg8 : memref<64x128xf32, #tpu.memory_space<vmem>>) dst(%dma_wait3A_145 : memref<64x128xf32, #tpu.memory_space<vmem_shared>>)
      tpu.yield
    }) : () -> ()
    %mul3A_19 = arith.constant 640 : i32
    %mul3A_20 = arith.muli %arg1, %mul3A_19 : i32
    %add3A_21 = arith.constant 192 : i32
    %add3A_22 = arith.addi %mul3A_20, %add3A_21 : i32
    "tpu.region"() ({
      %run_scoped3A_137 = tpu.sem_alloc : memref<!tpu.dma_semaphore, #tpu.memory_space<semaphore_mem>>
      %dma_start3A_138 = arith.constant 0 : i32
      %dma_start3A_139 = tpu.memref_slice %arg11[%add3A_22, %dma_start3A_138] : memref<10240x128xf32, #tpu.memory_space<vmem_shared>> -> memref<64x128xf32, #tpu.memory_space<vmem_shared>>
      %dma_start3A_140 = arith.constant 0 : i32
      %dma_start3A_141 = tpu.memref_slice %arg11[%add3A_22, %dma_start3A_140] : memref<10240x128xf32, #tpu.memory_space<vmem_shared>> -> memref<64x128xf32, #tpu.memory_space<vmem_shared>>
      tpu.enqueue_dma source(%arg8 : memref<64x128xf32, #tpu.memory_space<vmem>>) target(%dma_start3A_141 : memref<64x128xf32, #tpu.memory_space<vmem_shared>>) target_semaphore(%run_scoped3A_137 : memref<!tpu.dma_semaphore, #tpu.memory_space<semaphore_mem>>)
      %dma_wait3A_142 = arith.constant 0 : i32
      %dma_wait3A_143 = tpu.memref_slice %arg11[%add3A_22, %dma_wait3A_142] : memref<10240x128xf32, #tpu.memory_space<vmem_shared>> -> memref<64x128xf32, #tpu.memory_space<vmem_shared>>
      %dma_wait3A_144 = arith.constant 0 : i32
      %dma_wait3A_145 = tpu.memref_slice %arg11[%add3A_22, %dma_wait3A_144] : memref<10240x128xf32, #tpu.memory_space<vmem_shared>> -> memref<64x128xf32, #tpu.memory_space<vmem_shared>>
      tpu.wait_dma2 semaphore(%run_scoped3A_137 : memref<!tpu.dma_semaphore, #tpu.memory_space<semaphore_mem>>) src(%arg8 : memref<64x128xf32, #tpu.memory_space<vmem>>) dst(%dma_wait3A_145 : memref<64x128xf32, #tpu.memory_space<vmem_shared>>)
      tpu.yield
    }) : () -> ()
    %mul3A_23 = arith.constant 640 : i32
    %mul3A_24 = arith.muli %arg1, %mul3A_23 : i32
    %add3A_25 = arith.constant 256 : i32
    %add3A_26 = arith.addi %mul3A_24, %add3A_25 : i32
    "tpu.region"() ({
      %run_scoped3A_137 = tpu.sem_alloc : memref<!tpu.dma_semaphore, #tpu.memory_space<semaphore_mem>>
      %dma_start3A_138 = arith.constant 0 : i32
      %dma_start3A_139 = tpu.memref_slice %arg11[%add3A_26, %dma_start3A_138] : memref<10240x128xf32, #tpu.memory_space<vmem_shared>> -> memref<64x128xf32, #tpu.memory_space<vmem_shared>>
      %dma_start3A_140 = arith.constant 0 : i32
      %dma_start3A_141 = tpu.memref_slice %arg11[%add3A_26, %dma_start3A_140] : memref<10240x128xf32, #tpu.memory_space<vmem_shared>> -> memref<64x128xf32, #tpu.memory_space<vmem_shared>>
      tpu.enqueue_dma source(%arg8 : memref<64x128xf32, #tpu.memory_space<vmem>>) target(%dma_start3A_141 : memref<64x128xf32, #tpu.memory_space<vmem_shared>>) target_semaphore(%run_scoped3A_137 : memref<!tpu.dma_semaphore, #tpu.memory_space<semaphore_mem>>)
      %dma_wait3A_142 = arith.constant 0 : i32
      %dma_wait3A_143 = tpu.memref_slice %arg11[%add3A_26, %dma_wait3A_142] : memref<10240x128xf32, #tpu.memory_space<vmem_shared>> -> memref<64x128xf32, #tpu.memory_space<vmem_shared>>
      %dma_wait3A_144 = arith.constant 0 : i32
      %dma_wait3A_145 = tpu.memref_slice %arg11[%add3A_26, %dma_wait3A_144] : memref<10240x128xf32, #tpu.memory_space<vmem_shared>> -> memref<64x128xf32, #tpu.memory_space<vmem_shared>>
      tpu.wait_dma2 semaphore(%run_scoped3A_137 : memref<!tpu.dma_semaphore, #tpu.memory_space<semaphore_mem>>) src(%arg8 : memref<64x128xf32, #tpu.memory_space<vmem>>) dst(%dma_wait3A_145 : memref<64x128xf32, #tpu.memory_space<vmem_shared>>)
      tpu.yield
    }) : () -> ()
    %mul3A_27 = arith.constant 640 : i32
    %mul3A_28 = arith.muli %arg1, %mul3A_27 : i32
    %add3A_29 = arith.constant 320 : i32
    %add3A_30 = arith.addi %mul3A_28, %add3A_29 : i32
    "tpu.region"() ({
      %run_scoped3A_137 = tpu.sem_alloc : memref<!tpu.dma_semaphore, #tpu.memory_space<semaphore_mem>>
      %dma_start3A_138 = arith.constant 0 : i32
      %dma_start3A_139 = tpu.memref_slice %arg11[%add3A_30, %dma_start3A_138] : memref<10240x128xf32, #tpu.memory_space<vmem_shared>> -> memref<64x128xf32, #tpu.memory_space<vmem_shared>>
      %dma_start3A_140 = arith.constant 0 : i32
      %dma_start3A_141 = tpu.memref_slice %arg11[%add3A_30, %dma_start3A_140] : memref<10240x128xf32, #tpu.memory_space<vmem_shared>> -> memref<64x128xf32, #tpu.memory_space<vmem_shared>>
      tpu.enqueue_dma source(%arg8 : memref<64x128xf32, #tpu.memory_space<vmem>>) target(%dma_start3A_141 : memref<64x128xf32, #tpu.memory_space<vmem_shared>>) target_semaphore(%run_scoped3A_137 : memref<!tpu.dma_semaphore, #tpu.memory_space<semaphore_mem>>)
      %dma_wait3A_142 = arith.constant 0 : i32
      %dma_wait3A_143 = tpu.memref_slice %arg11[%add3A_30, %dma_wait3A_142] : memref<10240x128xf32, #tpu.memory_space<vmem_shared>> -> memref<64x128xf32, #tpu.memory_space<vmem_shared>>
      %dma_wait3A_144 = arith.constant 0 : i32
      %dma_wait3A_145 = tpu.memref_slice %arg11[%add3A_30, %dma_wait3A_144] : memref<10240x128xf32, #tpu.memory_space<vmem_shared>> -> memref<64x128xf32, #tpu.memory_space<vmem_shared>>
      tpu.wait_dma2 semaphore(%run_scoped3A_137 : memref<!tpu.dma_semaphore, #tpu.memory_space<semaphore_mem>>) src(%arg8 : memref<64x128xf32, #tpu.memory_space<vmem>>) dst(%dma_wait3A_145 : memref<64x128xf32, #tpu.memory_space<vmem_shared>>)
      tpu.yield
    }) : () -> ()
    %mul3A_31 = arith.constant 640 : i32
    %mul3A_32 = arith.muli %arg1, %mul3A_31 : i32
    %add3A_33 = arith.constant 384 : i32
    %add3A_34 = arith.addi %mul3A_32, %add3A_33 : i32
    "tpu.region"() ({
      %run_scoped3A_137 = tpu.sem_alloc : memref<!tpu.dma_semaphore, #tpu.memory_space<semaphore_mem>>
      %dma_start3A_138 = arith.constant 0 : i32
      %dma_start3A_139 = tpu.memref_slice %arg11[%add3A_34, %dma_start3A_138] : memref<10240x128xf32, #tpu.memory_space<vmem_shared>> -> memref<64x128xf32, #tpu.memory_space<vmem_shared>>
      %dma_start3A_140 = arith.constant 0 : i32
      %dma_start3A_141 = tpu.memref_slice %arg11[%add3A_34, %dma_start3A_140] : memref<10240x128xf32, #tpu.memory_space<vmem_shared>> -> memref<64x128xf32, #tpu.memory_space<vmem_shared>>
      tpu.enqueue_dma source(%arg8 : memref<64x128xf32, #tpu.memory_space<vmem>>) target(%dma_start3A_141 : memref<64x128xf32, #tpu.memory_space<vmem_shared>>) target_semaphore(%run_scoped3A_137 : memref<!tpu.dma_semaphore, #tpu.memory_space<semaphore_mem>>)
      %dma_wait3A_142 = arith.constant 0 : i32
      %dma_wait3A_143 = tpu.memref_slice %arg11[%add3A_34, %dma_wait3A_142] : memref<10240x128xf32, #tpu.memory_space<vmem_shared>> -> memref<64x128xf32, #tpu.memory_space<vmem_shared>>
      %dma_wait3A_144 = arith.constant 0 : i32
      %dma_wait3A_145 = tpu.memref_slice %arg11[%add3A_34, %dma_wait3A_144] : memref<10240x128xf32, #tpu.memory_space<vmem_shared>> -> memref<64x128xf32, #tpu.memory_space<vmem_shared>>
      tpu.wait_dma2 semaphore(%run_scoped3A_137 : memref<!tpu.dma_semaphore, #tpu.memory_space<semaphore_mem>>) src(%arg8 : memref<64x128xf32, #tpu.memory_space<vmem>>) dst(%dma_wait3A_145 : memref<64x128xf32, #tpu.memory_space<vmem_shared>>)
      tpu.yield
    }) : () -> ()
    %mul3A_35 = arith.constant 640 : i32
    %mul3A_36 = arith.muli %arg1, %mul3A_35 : i32
    %add3A_37 = arith.constant 448 : i32
    %add3A_38 = arith.addi %mul3A_36, %add3A_37 : i32
    "tpu.region"() ({
      %run_scoped3A_137 = tpu.sem_alloc : memref<!tpu.dma_semaphore, #tpu.memory_space<semaphore_mem>>
      %dma_start3A_138 = arith.constant 0 : i32
      %dma_start3A_139 = tpu.memref_slice %arg11[%add3A_38, %dma_start3A_138] : memref<10240x128xf32, #tpu.memory_space<vmem_shared>> -> memref<64x128xf32, #tpu.memory_space<vmem_shared>>
      %dma_start3A_140 = arith.constant 0 : i32
      %dma_start3A_141 = tpu.memref_slice %arg11[%add3A_38, %dma_start3A_140] : memref<10240x128xf32, #tpu.memory_space<vmem_shared>> -> memref<64x128xf32, #tpu.memory_space<vmem_shared>>
      tpu.enqueue_dma source(%arg8 : memref<64x128xf32, #tpu.memory_space<vmem>>) target(%dma_start3A_141 : memref<64x128xf32, #tpu.memory_space<vmem_shared>>) target_semaphore(%run_scoped3A_137 : memref<!tpu.dma_semaphore, #tpu.memory_space<semaphore_mem>>)
      %dma_wait3A_142 = arith.constant 0 : i32
      %dma_wait3A_143 = tpu.memref_slice %arg11[%add3A_38, %dma_wait3A_142] : memref<10240x128xf32, #tpu.memory_space<vmem_shared>> -> memref<64x128xf32, #tpu.memory_space<vmem_shared>>
      %dma_wait3A_144 = arith.constant 0 : i32
      %dma_wait3A_145 = tpu.memref_slice %arg11[%add3A_38, %dma_wait3A_144] : memref<10240x128xf32, #tpu.memory_space<vmem_shared>> -> memref<64x128xf32, #tpu.memory_space<vmem_shared>>
      tpu.wait_dma2 semaphore(%run_scoped3A_137 : memref<!tpu.dma_semaphore, #tpu.memory_space<semaphore_mem>>) src(%arg8 : memref<64x128xf32, #tpu.memory_space<vmem>>) dst(%dma_wait3A_145 : memref<64x128xf32, #tpu.memory_space<vmem_shared>>)
      tpu.yield
    }) : () -> ()
    %mul3A_39 = arith.constant 640 : i32
    %mul3A_40 = arith.muli %arg1, %mul3A_39 : i32
    %add3A_41 = arith.constant 512 : i32
    %add3A_42 = arith.addi %mul3A_40, %add3A_41 : i32
    "tpu.region"() ({
      %run_scoped3A_137 = tpu.sem_alloc : memref<!tpu.dma_semaphore, #tpu.memory_space<semaphore_mem>>
      %dma_start3A_138 = arith.constant 0 : i32
      %dma_start3A_139 = tpu.memref_slice %arg11[%add3A_42, %dma_start3A_138] : memref<10240x128xf32, #tpu.memory_space<vmem_shared>> -> memref<64x128xf32, #tpu.memory_space<vmem_shared>>
      %dma_start3A_140 = arith.constant 0 : i32
      %dma_start3A_141 = tpu.memref_slice %arg11[%add3A_42, %dma_start3A_140] : memref<10240x128xf32, #tpu.memory_space<vmem_shared>> -> memref<64x128xf32, #tpu.memory_space<vmem_shared>>
      tpu.enqueue_dma source(%arg8 : memref<64x128xf32, #tpu.memory_space<vmem>>) target(%dma_start3A_141 : memref<64x128xf32, #tpu.memory_space<vmem_shared>>) target_semaphore(%run_scoped3A_137 : memref<!tpu.dma_semaphore, #tpu.memory_space<semaphore_mem>>)
      %dma_wait3A_142 = arith.constant 0 : i32
      %dma_wait3A_143 = tpu.memref_slice %arg11[%add3A_42, %dma_wait3A_142] : memref<10240x128xf32, #tpu.memory_space<vmem_shared>> -> memref<64x128xf32, #tpu.memory_space<vmem_shared>>
      %dma_wait3A_144 = arith.constant 0 : i32
      %dma_wait3A_145 = tpu.memref_slice %arg11[%add3A_42, %dma_wait3A_144] : memref<10240x128xf32, #tpu.memory_space<vmem_shared>> -> memref<64x128xf32, #tpu.memory_space<vmem_shared>>
      tpu.wait_dma2 semaphore(%run_scoped3A_137 : memref<!tpu.dma_semaphore, #tpu.memory_space<semaphore_mem>>) src(%arg8 : memref<64x128xf32, #tpu.memory_space<vmem>>) dst(%dma_wait3A_145 : memref<64x128xf32, #tpu.memory_space<vmem_shared>>)
      tpu.yield
    }) : () -> ()
    %mul3A_43 = arith.constant 640 : i32
    %mul3A_44 = arith.muli %arg1, %mul3A_43 : i32
    %add3A_45 = arith.constant 576 : i32
    %add3A_46 = arith.addi %mul3A_44, %add3A_45 : i32
    "tpu.region"() ({
      %run_scoped3A_137 = tpu.sem_alloc : memref<!tpu.dma_semaphore, #tpu.memory_space<semaphore_mem>>
      %dma_start3A_138 = arith.constant 0 : i32
      %dma_start3A_139 = tpu.memref_slice %arg11[%add3A_46, %dma_start3A_138] : memref<10240x128xf32, #tpu.memory_space<vmem_shared>> -> memref<64x128xf32, #tpu.memory_space<vmem_shared>>
      %dma_start3A_140 = arith.constant 0 : i32
      %dma_start3A_141 = tpu.memref_slice %arg11[%add3A_46, %dma_start3A_140] : memref<10240x128xf32, #tpu.memory_space<vmem_shared>> -> memref<64x128xf32, #tpu.memory_space<vmem_shared>>
      tpu.enqueue_dma source(%arg8 : memref<64x128xf32, #tpu.memory_space<vmem>>) target(%dma_start3A_141 : memref<64x128xf32, #tpu.memory_space<vmem_shared>>) target_semaphore(%run_scoped3A_137 : memref<!tpu.dma_semaphore, #tpu.memory_space<semaphore_mem>>)
      %dma_wait3A_142 = arith.constant 0 : i32
      %dma_wait3A_143 = tpu.memref_slice %arg11[%add3A_46, %dma_wait3A_142] : memref<10240x128xf32, #tpu.memory_space<vmem_shared>> -> memref<64x128xf32, #tpu.memory_space<vmem_shared>>
      %dma_wait3A_144 = arith.constant 0 : i32
      %dma_wait3A_145 = tpu.memref_slice %arg11[%add3A_46, %dma_wait3A_144] : memref<10240x128xf32, #tpu.memory_space<vmem_shared>> -> memref<64x128xf32, #tpu.memory_space<vmem_shared>>
      tpu.wait_dma2 semaphore(%run_scoped3A_137 : memref<!tpu.dma_semaphore, #tpu.memory_space<semaphore_mem>>) src(%arg8 : memref<64x128xf32, #tpu.memory_space<vmem>>) dst(%dma_wait3A_145 : memref<64x128xf32, #tpu.memory_space<vmem_shared>>)
      tpu.yield
    }) : () -> ()
    %barrier3A = arith.constant 0 : index
    tpu.barrier barrier_id(%barrier3A)
    %dma_start3A = arith.constant 0 : i32
    %dma_start3A_47 = arith.constant 0 : i32
    %dma_start3A_48 = tpu.memref_slice %arg6[%dma_start3A, %dma_start3A_47] : memref<159x64xi32, #tpu.memory_space<vmem>> -> memref<1x64xi32, #tpu.memory_space<vmem>>
    %dma_start3A_49 = tpu.memref_squeeze %dma_start3A_48 : memref<1x64xi32, #tpu.memory_space<vmem>> -> memref<64xi32, #tpu.memory_space<vmem>>
    %dma_start3A_50 = arith.constant 0 : i32
    %dma_start3A_51 = arith.constant 0 : i32
    %dma_start3A_52 = tpu.memref_slice %arg2[%dma_start3A_50, %dma_start3A_51] : memref<10000x128xf32, #tpu.memory_space<hbm>> -> memref<10000x128xf32, #tpu.memory_space<hbm>>
    tpu.enqueue_indirect_dma source(%dma_start3A_52 : memref<10000x128xf32, #tpu.memory_space<hbm>>) target(%arg8 : memref<64x128xf32, #tpu.memory_space<vmem>>) offsets(%dma_start3A_49 : memref<64xi32, #tpu.memory_space<vmem>>) semaphore(%arg12 : memref<!tpu.dma_semaphore, #tpu.memory_space<semaphore_mem>>)
    %dma_start3A_53 = arith.constant 1 : i32
    %dma_start3A_54 = arith.constant 0 : i32
    %dma_start3A_55 = tpu.memref_slice %arg6[%dma_start3A_53, %dma_start3A_54] : memref<159x64xi32, #tpu.memory_space<vmem>> -> memref<1x64xi32, #tpu.memory_space<vmem>>
    %dma_start3A_56 = tpu.memref_squeeze %dma_start3A_55 : memref<1x64xi32, #tpu.memory_space<vmem>> -> memref<64xi32, #tpu.memory_space<vmem>>
    %dma_start3A_57 = arith.constant 0 : i32
    %dma_start3A_58 = arith.constant 0 : i32
    %dma_start3A_59 = tpu.memref_slice %arg2[%dma_start3A_57, %dma_start3A_58] : memref<10000x128xf32, #tpu.memory_space<hbm>> -> memref<10000x128xf32, #tpu.memory_space<hbm>>
    tpu.enqueue_indirect_dma source(%dma_start3A_59 : memref<10000x128xf32, #tpu.memory_space<hbm>>) target(%arg9 : memref<64x128xf32, #tpu.memory_space<vmem>>) offsets(%dma_start3A_56 : memref<64xi32, #tpu.memory_space<vmem>>) semaphore(%arg13 : memref<!tpu.dma_semaphore, #tpu.memory_space<semaphore_mem>>)
    %dma_start3A_60 = arith.constant 2 : i32
    %dma_start3A_61 = arith.constant 0 : i32
    %dma_start3A_62 = tpu.memref_slice %arg6[%dma_start3A_60, %dma_start3A_61] : memref<159x64xi32, #tpu.memory_space<vmem>> -> memref<1x64xi32, #tpu.memory_space<vmem>>
    %dma_start3A_63 = tpu.memref_squeeze %dma_start3A_62 : memref<1x64xi32, #tpu.memory_space<vmem>> -> memref<64xi32, #tpu.memory_space<vmem>>
    %dma_start3A_64 = arith.constant 0 : i32
    %dma_start3A_65 = arith.constant 0 : i32
    %dma_start3A_66 = tpu.memref_slice %arg2[%dma_start3A_64, %dma_start3A_65] : memref<10000x128xf32, #tpu.memory_space<hbm>> -> memref<10000x128xf32, #tpu.memory_space<hbm>>
    tpu.enqueue_indirect_dma source(%dma_start3A_66 : memref<10000x128xf32, #tpu.memory_space<hbm>>) target(%arg10 : memref<64x128xf32, #tpu.memory_space<vmem>>) offsets(%dma_start3A_63 : memref<64xi32, #tpu.memory_space<vmem>>) semaphore(%arg14 : memref<!tpu.dma_semaphore, #tpu.memory_space<semaphore_mem>>)
    %scan3A_67 = arith.constant 0 : i32
    %scan3A_68 = arith.constant 0 : i32
    %scan3A_69 = arith.constant 52 : i32
    %scan3A_70 = arith.addi %scan3A_68, %scan3A_69 : i32
    %scan3A_71 = arith.constant 1 : i32
    %scan3A_72 = scf.for %scan3A_137 = %scan3A_68 to %scan3A_70 step %scan3A_71 iter_args(%scan3A_138 = %scan3A_67) -> (i32)  : i32 {
      %mul3A_139 = arith.constant 3 : i32
      %mul3A_140 = arith.muli %mul3A_139, %scan3A_137 : i32
      %add3A_141 = arith.constant 0 : i32
      %add3A_142 = arith.addi %mul3A_140, %add3A_141 : i32
      %dma_wait3A_143 = arith.constant 0 : i32
      %dma_wait3A_144 = tpu.memref_slice %arg6[%add3A_142, %dma_wait3A_143] : memref<159x64xi32, #tpu.memory_space<vmem>> -> memref<1x64xi32, #tpu.memory_space<vmem>>
      %dma_wait3A_145 = tpu.memref_squeeze %dma_wait3A_144 : memref<1x64xi32, #tpu.memory_space<vmem>> -> memref<64xi32, #tpu.memory_space<vmem>>
      %dma_wait3A_146 = arith.constant 0 : i32
      %dma_wait3A_147 = arith.constant 0 : i32
      %dma_wait3A_148 = tpu.memref_slice %arg2[%dma_wait3A_146, %dma_wait3A_147] : memref<10000x128xf32, #tpu.memory_space<hbm>> -> memref<10000x128xf32, #tpu.memory_space<hbm>>
      tpu.wait_indirect_dma semaphore(%arg12 : memref<!tpu.dma_semaphore, #tpu.memory_space<semaphore_mem>>) src(%dma_wait3A_148 : memref<10000x128xf32, #tpu.memory_space<hbm>>) dst(%arg8 : memref<64x128xf32, #tpu.memory_space<vmem>>)
      %add3A_149 = arith.constant 0 : i32
      %add3A_150 = arith.addi %mul3A_140, %add3A_149 : i32
      %dma_start3A_151 = arith.constant 0 : i32
      %dma_start3A_152 = tpu.memref_slice %arg7[%add3A_150, %dma_start3A_151] : memref<159x64xi32, #tpu.memory_space<vmem>> -> memref<1x64xi32, #tpu.memory_space<vmem>>
      %dma_start3A_153 = tpu.memref_squeeze %dma_start3A_152 : memref<1x64xi32, #tpu.memory_space<vmem>> -> memref<64xi32, #tpu.memory_space<vmem>>
      %dma_start3A_154 = arith.constant 0 : i32
      %dma_start3A_155 = arith.constant 0 : i32
      %dma_start3A_156 = tpu.memref_slice %arg11[%dma_start3A_154, %dma_start3A_155] : memref<10240x128xf32, #tpu.memory_space<vmem_shared>> -> memref<10240x128xf32, #tpu.memory_space<vmem_shared>>
      tpu.enqueue_indirect_dma source(%arg8 : memref<64x128xf32, #tpu.memory_space<vmem>>) target(%dma_start3A_156 : memref<10240x128xf32, #tpu.memory_space<vmem_shared>>) offsets(%dma_start3A_153 : memref<64xi32, #tpu.memory_space<vmem>>) semaphore(%arg15 : memref<!tpu.dma_semaphore, #tpu.memory_space<semaphore_mem>>) {add = true}
      %add3A_157 = arith.constant 1 : i32
      %add3A_158 = arith.addi %mul3A_140, %add3A_157 : i32
      %dma_wait3A_159 = arith.constant 0 : i32
      %dma_wait3A_160 = tpu.memref_slice %arg6[%add3A_158, %dma_wait3A_159] : memref<159x64xi32, #tpu.memory_space<vmem>> -> memref<1x64xi32, #tpu.memory_space<vmem>>
      %dma_wait3A_161 = tpu.memref_squeeze %dma_wait3A_160 : memref<1x64xi32, #tpu.memory_space<vmem>> -> memref<64xi32, #tpu.memory_space<vmem>>
      %dma_wait3A_162 = arith.constant 0 : i32
      %dma_wait3A_163 = arith.constant 0 : i32
      %dma_wait3A_164 = tpu.memref_slice %arg2[%dma_wait3A_162, %dma_wait3A_163] : memref<10000x128xf32, #tpu.memory_space<hbm>> -> memref<10000x128xf32, #tpu.memory_space<hbm>>
      tpu.wait_indirect_dma semaphore(%arg13 : memref<!tpu.dma_semaphore, #tpu.memory_space<semaphore_mem>>) src(%dma_wait3A_164 : memref<10000x128xf32, #tpu.memory_space<hbm>>) dst(%arg9 : memref<64x128xf32, #tpu.memory_space<vmem>>)
      %add3A_165 = arith.constant 1 : i32
      %add3A_166 = arith.addi %mul3A_140, %add3A_165 : i32
      %dma_start3A_167 = arith.constant 0 : i32
      %dma_start3A_168 = tpu.memref_slice %arg7[%add3A_166, %dma_start3A_167] : memref<159x64xi32, #tpu.memory_space<vmem>> -> memref<1x64xi32, #tpu.memory_space<vmem>>
      %dma_start3A_169 = tpu.memref_squeeze %dma_start3A_168 : memref<1x64xi32, #tpu.memory_space<vmem>> -> memref<64xi32, #tpu.memory_space<vmem>>
      %dma_start3A_170 = arith.constant 0 : i32
      %dma_start3A_171 = arith.constant 0 : i32
      %dma_start3A_172 = tpu.memref_slice %arg11[%dma_start3A_170, %dma_start3A_171] : memref<10240x128xf32, #tpu.memory_space<vmem_shared>> -> memref<10240x128xf32, #tpu.memory_space<vmem_shared>>
      tpu.enqueue_indirect_dma source(%arg9 : memref<64x128xf32, #tpu.memory_space<vmem>>) target(%dma_start3A_172 : memref<10240x128xf32, #tpu.memory_space<vmem_shared>>) offsets(%dma_start3A_169 : memref<64xi32, #tpu.memory_space<vmem>>) semaphore(%arg16 : memref<!tpu.dma_semaphore, #tpu.memory_space<semaphore_mem>>) {add = true}
      %add3A_173 = arith.constant 2 : i32
      %add3A_174 = arith.addi %mul3A_140, %add3A_173 : i32
      %dma_wait3A_175 = arith.constant 0 : i32
      %dma_wait3A_176 = tpu.memref_slice %arg6[%add3A_174, %dma_wait3A_175] : memref<159x64xi32, #tpu.memory_space<vmem>> -> memref<1x64xi32, #tpu.memory_space<vmem>>
      %dma_wait3A_177 = tpu.memref_squeeze %dma_wait3A_176 : memref<1x64xi32, #tpu.memory_space<vmem>> -> memref<64xi32, #tpu.memory_space<vmem>>
      %dma_wait3A_178 = arith.constant 0 : i32
      %dma_wait3A_179 = arith.constant 0 : i32
      %dma_wait3A_180 = tpu.memref_slice %arg2[%dma_wait3A_178, %dma_wait3A_179] : memref<10000x128xf32, #tpu.memory_space<hbm>> -> memref<10000x128xf32, #tpu.memory_space<hbm>>
      tpu.wait_indirect_dma semaphore(%arg14 : memref<!tpu.dma_semaphore, #tpu.memory_space<semaphore_mem>>) src(%dma_wait3A_180 : memref<10000x128xf32, #tpu.memory_space<hbm>>) dst(%arg10 : memref<64x128xf32, #tpu.memory_space<vmem>>)
      %add3A_181 = arith.constant 2 : i32
      %add3A_182 = arith.addi %mul3A_140, %add3A_181 : i32
      %dma_start3A_183 = arith.constant 0 : i32
      %dma_start3A_184 = tpu.memref_slice %arg7[%add3A_182, %dma_start3A_183] : memref<159x64xi32, #tpu.memory_space<vmem>> -> memref<1x64xi32, #tpu.memory_space<vmem>>
      %dma_start3A_185 = tpu.memref_squeeze %dma_start3A_184 : memref<1x64xi32, #tpu.memory_space<vmem>> -> memref<64xi32, #tpu.memory_space<vmem>>
      %dma_start3A_186 = arith.constant 0 : i32
      %dma_start3A_187 = arith.constant 0 : i32
      %dma_start3A_188 = tpu.memref_slice %arg11[%dma_start3A_186, %dma_start3A_187] : memref<10240x128xf32, #tpu.memory_space<vmem_shared>> -> memref<10240x128xf32, #tpu.memory_space<vmem_shared>>
      tpu.enqueue_indirect_dma source(%arg10 : memref<64x128xf32, #tpu.memory_space<vmem>>) target(%dma_start3A_188 : memref<10240x128xf32, #tpu.memory_space<vmem_shared>>) offsets(%dma_start3A_185 : memref<64xi32, #tpu.memory_space<vmem>>) semaphore(%arg17 : memref<!tpu.dma_semaphore, #tpu.memory_space<semaphore_mem>>) {add = true}
      %add3A_189 = arith.constant 0 : i32
      %add3A_190 = arith.addi %mul3A_140, %add3A_189 : i32
      %dma_wait3A_191 = arith.constant 0 : i32
      %dma_wait3A_192 = tpu.memref_slice %arg7[%add3A_190, %dma_wait3A_191] : memref<159x64xi32, #tpu.memory_space<vmem>> -> memref<1x64xi32, #tpu.memory_space<vmem>>
      %dma_wait3A_193 = tpu.memref_squeeze %dma_wait3A_192 : memref<1x64xi32, #tpu.memory_space<vmem>> -> memref<64xi32, #tpu.memory_space<vmem>>
      %dma_wait3A_194 = arith.constant 0 : i32
      %dma_wait3A_195 = arith.constant 0 : i32
      %dma_wait3A_196 = tpu.memref_slice %arg11[%dma_wait3A_194, %dma_wait3A_195] : memref<10240x128xf32, #tpu.memory_space<vmem_shared>> -> memref<10240x128xf32, #tpu.memory_space<vmem_shared>>
      tpu.wait_indirect_dma semaphore(%arg15 : memref<!tpu.dma_semaphore, #tpu.memory_space<semaphore_mem>>) src(%arg8 : memref<64x128xf32, #tpu.memory_space<vmem>>) dst(%dma_wait3A_196 : memref<10240x128xf32, #tpu.memory_space<vmem_shared>>)
      %add3A_197 = arith.constant 3 : i32
      %add3A_198 = arith.addi %mul3A_140, %add3A_197 : i32
      %add3A_199 = arith.constant 0 : i32
      %add3A_200 = arith.addi %add3A_198, %add3A_199 : i32
      %dma_start3A_201 = arith.constant 0 : i32
      %dma_start3A_202 = tpu.memref_slice %arg6[%add3A_200, %dma_start3A_201] : memref<159x64xi32, #tpu.memory_space<vmem>> -> memref<1x64xi32, #tpu.memory_space<vmem>>
      %dma_start3A_203 = tpu.memref_squeeze %dma_start3A_202 : memref<1x64xi32, #tpu.memory_space<vmem>> -> memref<64xi32, #tpu.memory_space<vmem>>
      %dma_start3A_204 = arith.constant 0 : i32
      %dma_start3A_205 = arith.constant 0 : i32
      %dma_start3A_206 = tpu.memref_slice %arg2[%dma_start3A_204, %dma_start3A_205] : memref<10000x128xf32, #tpu.memory_space<hbm>> -> memref<10000x128xf32, #tpu.memory_space<hbm>>
      tpu.enqueue_indirect_dma source(%dma_start3A_206 : memref<10000x128xf32, #tpu.memory_space<hbm>>) target(%arg8 : memref<64x128xf32, #tpu.memory_space<vmem>>) offsets(%dma_start3A_203 : memref<64xi32, #tpu.memory_space<vmem>>) semaphore(%arg12 : memref<!tpu.dma_semaphore, #tpu.memory_space<semaphore_mem>>)
      %add3A_207 = arith.constant 1 : i32
      %add3A_208 = arith.addi %mul3A_140, %add3A_207 : i32
      %dma_wait3A_209 = arith.constant 0 : i32
      %dma_wait3A_210 = tpu.memref_slice %arg7[%add3A_208, %dma_wait3A_209] : memref<159x64xi32, #tpu.memory_space<vmem>> -> memref<1x64xi32, #tpu.memory_space<vmem>>
      %dma_wait3A_211 = tpu.memref_squeeze %dma_wait3A_210 : memref<1x64xi32, #tpu.memory_space<vmem>> -> memref<64xi32, #tpu.memory_space<vmem>>
      %dma_wait3A_212 = arith.constant 0 : i32
      %dma_wait3A_213 = arith.constant 0 : i32
      %dma_wait3A_214 = tpu.memref_slice %arg11[%dma_wait3A_212, %dma_wait3A_213] : memref<10240x128xf32, #tpu.memory_space<vmem_shared>> -> memref<10240x128xf32, #tpu.memory_space<vmem_shared>>
      tpu.wait_indirect_dma semaphore(%arg16 : memref<!tpu.dma_semaphore, #tpu.memory_space<semaphore_mem>>) src(%arg9 : memref<64x128xf32, #tpu.memory_space<vmem>>) dst(%dma_wait3A_214 : memref<10240x128xf32, #tpu.memory_space<vmem_shared>>)
      %add3A_215 = arith.constant 3 : i32
      %add3A_216 = arith.addi %mul3A_140, %add3A_215 : i32
      %add3A_217 = arith.constant 1 : i32
      %add3A_218 = arith.addi %add3A_216, %add3A_217 : i32
      %dma_start3A_219 = arith.constant 0 : i32
      %dma_start3A_220 = tpu.memref_slice %arg6[%add3A_218, %dma_start3A_219] : memref<159x64xi32, #tpu.memory_space<vmem>> -> memref<1x64xi32, #tpu.memory_space<vmem>>
      %dma_start3A_221 = tpu.memref_squeeze %dma_start3A_220 : memref<1x64xi32, #tpu.memory_space<vmem>> -> memref<64xi32, #tpu.memory_space<vmem>>
      %dma_start3A_222 = arith.constant 0 : i32
      %dma_start3A_223 = arith.constant 0 : i32
      %dma_start3A_224 = tpu.memref_slice %arg2[%dma_start3A_222, %dma_start3A_223] : memref<10000x128xf32, #tpu.memory_space<hbm>> -> memref<10000x128xf32, #tpu.memory_space<hbm>>
      tpu.enqueue_indirect_dma source(%dma_start3A_224 : memref<10000x128xf32, #tpu.memory_space<hbm>>) target(%arg9 : memref<64x128xf32, #tpu.memory_space<vmem>>) offsets(%dma_start3A_221 : memref<64xi32, #tpu.memory_space<vmem>>) semaphore(%arg13 : memref<!tpu.dma_semaphore, #tpu.memory_space<semaphore_mem>>)
      %add3A_225 = arith.constant 2 : i32
      %add3A_226 = arith.addi %mul3A_140, %add3A_225 : i32
      %dma_wait3A_227 = arith.constant 0 : i32
      %dma_wait3A_228 = tpu.memref_slice %arg7[%add3A_226, %dma_wait3A_227] : memref<159x64xi32, #tpu.memory_space<vmem>> -> memref<1x64xi32, #tpu.memory_space<vmem>>
      %dma_wait3A_229 = tpu.memref_squeeze %dma_wait3A_228 : memref<1x64xi32, #tpu.memory_space<vmem>> -> memref<64xi32, #tpu.memory_space<vmem>>
      %dma_wait3A_230 = arith.constant 0 : i32
      %dma_wait3A_231 = arith.constant 0 : i32
      %dma_wait3A_232 = tpu.memref_slice %arg11[%dma_wait3A_230, %dma_wait3A_231] : memref<10240x128xf32, #tpu.memory_space<vmem_shared>> -> memref<10240x128xf32, #tpu.memory_space<vmem_shared>>
      tpu.wait_indirect_dma semaphore(%arg17 : memref<!tpu.dma_semaphore, #tpu.memory_space<semaphore_mem>>) src(%arg10 : memref<64x128xf32, #tpu.memory_space<vmem>>) dst(%dma_wait3A_232 : memref<10240x128xf32, #tpu.memory_space<vmem_shared>>)
      %add3A_233 = arith.constant 3 : i32
      %add3A_234 = arith.addi %mul3A_140, %add3A_233 : i32
      %add3A_235 = arith.constant 2 : i32
      %add3A_236 = arith.addi %add3A_234, %add3A_235 : i32
      %dma_start3A_237 = arith.constant 0 : i32
      %dma_start3A_238 = tpu.memref_slice %arg6[%add3A_236, %dma_start3A_237] : memref<159x64xi32, #tpu.memory_space<vmem>> -> memref<1x64xi32, #tpu.memory_space<vmem>>
      %dma_start3A_239 = tpu.memref_squeeze %dma_start3A_238 : memref<1x64xi32, #tpu.memory_space<vmem>> -> memref<64xi32, #tpu.memory_space<vmem>>
      %dma_start3A_240 = arith.constant 0 : i32
      %dma_start3A_241 = arith.constant 0 : i32
      %dma_start3A_242 = tpu.memref_slice %arg2[%dma_start3A_240, %dma_start3A_241] : memref<10000x128xf32, #tpu.memory_space<hbm>> -> memref<10000x128xf32, #tpu.memory_space<hbm>>
      tpu.enqueue_indirect_dma source(%dma_start3A_242 : memref<10000x128xf32, #tpu.memory_space<hbm>>) target(%arg10 : memref<64x128xf32, #tpu.memory_space<vmem>>) offsets(%dma_start3A_239 : memref<64xi32, #tpu.memory_space<vmem>>) semaphore(%arg14 : memref<!tpu.dma_semaphore, #tpu.memory_space<semaphore_mem>>)
      %scan3A_243 = arith.constant 0 : i32
      scf.yield %scan3A_243 : i32
    }
    %scan3A_73 = arith.constant 52 : i32
    %dma_wait3A = arith.constant 156 : i32
    %dma_wait3A_74 = arith.constant 0 : i32
    %dma_wait3A_75 = tpu.memref_slice %arg6[%dma_wait3A, %dma_wait3A_74] : memref<159x64xi32, #tpu.memory_space<vmem>> -> memref<1x64xi32, #tpu.memory_space<vmem>>
    %dma_wait3A_76 = tpu.memref_squeeze %dma_wait3A_75 : memref<1x64xi32, #tpu.memory_space<vmem>> -> memref<64xi32, #tpu.memory_space<vmem>>
    %dma_wait3A_77 = arith.constant 0 : i32
    %dma_wait3A_78 = arith.constant 0 : i32
    %dma_wait3A_79 = tpu.memref_slice %arg2[%dma_wait3A_77, %dma_wait3A_78] : memref<10000x128xf32, #tpu.memory_space<hbm>> -> memref<10000x128xf32, #tpu.memory_space<hbm>>
    tpu.wait_indirect_dma semaphore(%arg12 : memref<!tpu.dma_semaphore, #tpu.memory_space<semaphore_mem>>) src(%dma_wait3A_79 : memref<10000x128xf32, #tpu.memory_space<hbm>>) dst(%arg8 : memref<64x128xf32, #tpu.memory_space<vmem>>)
    %run_scoped3A = arith.constant 156 : i32
    "tpu.region"() ({
      %run_scoped3A_137 = tpu.sem_alloc : memref<!tpu.dma_semaphore, #tpu.memory_space<semaphore_mem>>
      %dma_start3A_138 = arith.constant 0 : i32
      %dma_start3A_139 = tpu.memref_slice %arg7[%run_scoped3A, %dma_start3A_138] : memref<159x64xi32, #tpu.memory_space<vmem>> -> memref<1x64xi32, #tpu.memory_space<vmem>>
      %dma_start3A_140 = tpu.memref_squeeze %dma_start3A_139 : memref<1x64xi32, #tpu.memory_space<vmem>> -> memref<64xi32, #tpu.memory_space<vmem>>
      %dma_start3A_141 = arith.constant 0 : i32
      %dma_start3A_142 = arith.constant 0 : i32
      %dma_start3A_143 = tpu.memref_slice %arg11[%dma_start3A_141, %dma_start3A_142] : memref<10240x128xf32, #tpu.memory_space<vmem_shared>> -> memref<10240x128xf32, #tpu.memory_space<vmem_shared>>
      tpu.enqueue_indirect_dma source(%arg8 : memref<64x128xf32, #tpu.memory_space<vmem>>) target(%dma_start3A_143 : memref<10240x128xf32, #tpu.memory_space<vmem_shared>>) offsets(%dma_start3A_140 : memref<64xi32, #tpu.memory_space<vmem>>) semaphore(%run_scoped3A_137 : memref<!tpu.dma_semaphore, #tpu.memory_space<semaphore_mem>>) {add = true}
      %dma_wait3A_144 = arith.constant 0 : i32
      %dma_wait3A_145 = tpu.memref_slice %arg7[%run_scoped3A, %dma_wait3A_144] : memref<159x64xi32, #tpu.memory_space<vmem>> -> memref<1x64xi32, #tpu.memory_space<vmem>>
      %dma_wait3A_146 = tpu.memref_squeeze %dma_wait3A_145 : memref<1x64xi32, #tpu.memory_space<vmem>> -> memref<64xi32, #tpu.memory_space<vmem>>
      %dma_wait3A_147 = arith.constant 0 : i32
      %dma_wait3A_148 = arith.constant 0 : i32
      %dma_wait3A_149 = tpu.memref_slice %arg11[%dma_wait3A_147, %dma_wait3A_148] : memref<10240x128xf32, #tpu.memory_space<vmem_shared>> -> memref<10240x128xf32, #tpu.memory_space<vmem_shared>>
      tpu.wait_indirect_dma semaphore(%run_scoped3A_137 : memref<!tpu.dma_semaphore, #tpu.memory_space<semaphore_mem>>) src(%arg8 : memref<64x128xf32, #tpu.memory_space<vmem>>) dst(%dma_wait3A_149 : memref<10240x128xf32, #tpu.memory_space<vmem_shared>>)
      tpu.yield
    }) : () -> ()
    %dma_wait3A_80 = arith.constant 157 : i32
    %dma_wait3A_81 = arith.constant 0 : i32
    %dma_wait3A_82 = tpu.memref_slice %arg6[%dma_wait3A_80, %dma_wait3A_81] : memref<159x64xi32, #tpu.memory_space<vmem>> -> memref<1x64xi32, #tpu.memory_space<vmem>>
    %dma_wait3A_83 = tpu.memref_squeeze %dma_wait3A_82 : memref<1x64xi32, #tpu.memory_space<vmem>> -> memref<64xi32, #tpu.memory_space<vmem>>
    %dma_wait3A_84 = arith.constant 0 : i32
    %dma_wait3A_85 = arith.constant 0 : i32
    %dma_wait3A_86 = tpu.memref_slice %arg2[%dma_wait3A_84, %dma_wait3A_85] : memref<10000x128xf32, #tpu.memory_space<hbm>> -> memref<10000x128xf32, #tpu.memory_space<hbm>>
    tpu.wait_indirect_dma semaphore(%arg13 : memref<!tpu.dma_semaphore, #tpu.memory_space<semaphore_mem>>) src(%dma_wait3A_86 : memref<10000x128xf32, #tpu.memory_space<hbm>>) dst(%arg9 : memref<64x128xf32, #tpu.memory_space<vmem>>)
    %run_scoped3A_87 = arith.constant 157 : i32
    "tpu.region"() ({
      %run_scoped3A_137 = tpu.sem_alloc : memref<!tpu.dma_semaphore, #tpu.memory_space<semaphore_mem>>
      %dma_start3A_138 = arith.constant 0 : i32
      %dma_start3A_139 = tpu.memref_slice %arg7[%run_scoped3A_87, %dma_start3A_138] : memref<159x64xi32, #tpu.memory_space<vmem>> -> memref<1x64xi32, #tpu.memory_space<vmem>>
      %dma_start3A_140 = tpu.memref_squeeze %dma_start3A_139 : memref<1x64xi32, #tpu.memory_space<vmem>> -> memref<64xi32, #tpu.memory_space<vmem>>
      %dma_start3A_141 = arith.constant 0 : i32
      %dma_start3A_142 = arith.constant 0 : i32
      %dma_start3A_143 = tpu.memref_slice %arg11[%dma_start3A_141, %dma_start3A_142] : memref<10240x128xf32, #tpu.memory_space<vmem_shared>> -> memref<10240x128xf32, #tpu.memory_space<vmem_shared>>
      tpu.enqueue_indirect_dma source(%arg9 : memref<64x128xf32, #tpu.memory_space<vmem>>) target(%dma_start3A_143 : memref<10240x128xf32, #tpu.memory_space<vmem_shared>>) offsets(%dma_start3A_140 : memref<64xi32, #tpu.memory_space<vmem>>) semaphore(%run_scoped3A_137 : memref<!tpu.dma_semaphore, #tpu.memory_space<semaphore_mem>>) {add = true}
      %dma_wait3A_144 = arith.constant 0 : i32
      %dma_wait3A_145 = tpu.memref_slice %arg7[%run_scoped3A_87, %dma_wait3A_144] : memref<159x64xi32, #tpu.memory_space<vmem>> -> memref<1x64xi32, #tpu.memory_space<vmem>>
      %dma_wait3A_146 = tpu.memref_squeeze %dma_wait3A_145 : memref<1x64xi32, #tpu.memory_space<vmem>> -> memref<64xi32, #tpu.memory_space<vmem>>
      %dma_wait3A_147 = arith.constant 0 : i32
      %dma_wait3A_148 = arith.constant 0 : i32
      %dma_wait3A_149 = tpu.memref_slice %arg11[%dma_wait3A_147, %dma_wait3A_148] : memref<10240x128xf32, #tpu.memory_space<vmem_shared>> -> memref<10240x128xf32, #tpu.memory_space<vmem_shared>>
      tpu.wait_indirect_dma semaphore(%run_scoped3A_137 : memref<!tpu.dma_semaphore, #tpu.memory_space<semaphore_mem>>) src(%arg9 : memref<64x128xf32, #tpu.memory_space<vmem>>) dst(%dma_wait3A_149 : memref<10240x128xf32, #tpu.memory_space<vmem_shared>>)
      tpu.yield
    }) : () -> ()
    %dma_wait3A_88 = arith.constant 158 : i32
    %dma_wait3A_89 = arith.constant 0 : i32
    %dma_wait3A_90 = tpu.memref_slice %arg6[%dma_wait3A_88, %dma_wait3A_89] : memref<159x64xi32, #tpu.memory_space<vmem>> -> memref<1x64xi32, #tpu.memory_space<vmem>>
    %dma_wait3A_91 = tpu.memref_squeeze %dma_wait3A_90 : memref<1x64xi32, #tpu.memory_space<vmem>> -> memref<64xi32, #tpu.memory_space<vmem>>
    %dma_wait3A_92 = arith.constant 0 : i32
    %dma_wait3A_93 = arith.constant 0 : i32
    %dma_wait3A_94 = tpu.memref_slice %arg2[%dma_wait3A_92, %dma_wait3A_93] : memref<10000x128xf32, #tpu.memory_space<hbm>> -> memref<10000x128xf32, #tpu.memory_space<hbm>>
    tpu.wait_indirect_dma semaphore(%arg14 : memref<!tpu.dma_semaphore, #tpu.memory_space<semaphore_mem>>) src(%dma_wait3A_94 : memref<10000x128xf32, #tpu.memory_space<hbm>>) dst(%arg10 : memref<64x128xf32, #tpu.memory_space<vmem>>)
    %run_scoped3A_95 = arith.constant 158 : i32
    "tpu.region"() ({
      %run_scoped3A_137 = tpu.sem_alloc : memref<!tpu.dma_semaphore, #tpu.memory_space<semaphore_mem>>
      %dma_start3A_138 = arith.constant 0 : i32
      %dma_start3A_139 = tpu.memref_slice %arg7[%run_scoped3A_95, %dma_start3A_138] : memref<159x64xi32, #tpu.memory_space<vmem>> -> memref<1x64xi32, #tpu.memory_space<vmem>>
      %dma_start3A_140 = tpu.memref_squeeze %dma_start3A_139 : memref<1x64xi32, #tpu.memory_space<vmem>> -> memref<64xi32, #tpu.memory_space<vmem>>
      %dma_start3A_141 = arith.constant 0 : i32
      %dma_start3A_142 = arith.constant 0 : i32
      %dma_start3A_143 = tpu.memref_slice %arg11[%dma_start3A_141, %dma_start3A_142] : memref<10240x128xf32, #tpu.memory_space<vmem_shared>> -> memref<10240x128xf32, #tpu.memory_space<vmem_shared>>
      tpu.enqueue_indirect_dma source(%arg10 : memref<64x128xf32, #tpu.memory_space<vmem>>) target(%dma_start3A_143 : memref<10240x128xf32, #tpu.memory_space<vmem_shared>>) offsets(%dma_start3A_140 : memref<64xi32, #tpu.memory_space<vmem>>) semaphore(%run_scoped3A_137 : memref<!tpu.dma_semaphore, #tpu.memory_space<semaphore_mem>>) {add = true}
      %dma_wait3A_144 = arith.constant 0 : i32
      %dma_wait3A_145 = tpu.memref_slice %arg7[%run_scoped3A_95, %dma_wait3A_144] : memref<159x64xi32, #tpu.memory_space<vmem>> -> memref<1x64xi32, #tpu.memory_space<vmem>>
      %dma_wait3A_146 = tpu.memref_squeeze %dma_wait3A_145 : memref<1x64xi32, #tpu.memory_space<vmem>> -> memref<64xi32, #tpu.memory_space<vmem>>
      %dma_wait3A_147 = arith.constant 0 : i32
      %dma_wait3A_148 = arith.constant 0 : i32
      %dma_wait3A_149 = tpu.memref_slice %arg11[%dma_wait3A_147, %dma_wait3A_148] : memref<10240x128xf32, #tpu.memory_space<vmem_shared>> -> memref<10240x128xf32, #tpu.memory_space<vmem_shared>>
      tpu.wait_indirect_dma semaphore(%run_scoped3A_137 : memref<!tpu.dma_semaphore, #tpu.memory_space<semaphore_mem>>) src(%arg10 : memref<64x128xf32, #tpu.memory_space<vmem>>) dst(%dma_wait3A_149 : memref<10240x128xf32, #tpu.memory_space<vmem_shared>>)
      tpu.yield
    }) : () -> ()
    %barrier3A_96 = arith.constant 0 : index
    tpu.barrier barrier_id(%barrier3A_96)
    %mul3A_97 = arith.constant 640 : i32
    %mul3A_98 = arith.muli %arg1, %mul3A_97 : i32
    %add3A_99 = arith.constant 0 : i32
    %add3A_100 = arith.addi %mul3A_98, %add3A_99 : i32
    "tpu.region"() ({
      %run_scoped3A_137 = tpu.sem_alloc : memref<!tpu.dma_semaphore, #tpu.memory_space<semaphore_mem>>
      %dma_start3A_138 = arith.constant 0 : i32
      %dma_start3A_139 = tpu.memref_slice %arg11[%add3A_100, %dma_start3A_138] : memref<10240x128xf32, #tpu.memory_space<vmem_shared>> -> memref<64x128xf32, #tpu.memory_space<vmem_shared>>
      %dma_start3A_140 = arith.constant 0 : i32
      %dma_start3A_141 = tpu.memref_slice %arg11[%add3A_100, %dma_start3A_140] : memref<10240x128xf32, #tpu.memory_space<vmem_shared>> -> memref<64x128xf32, #tpu.memory_space<vmem_shared>>
      tpu.enqueue_dma source(%dma_start3A_141 : memref<64x128xf32, #tpu.memory_space<vmem_shared>>) target(%arg8 : memref<64x128xf32, #tpu.memory_space<vmem>>) target_semaphore(%run_scoped3A_137 : memref<!tpu.dma_semaphore, #tpu.memory_space<semaphore_mem>>)
      %dma_wait3A_142 = arith.constant 0 : i32
      %dma_wait3A_143 = tpu.memref_slice %arg11[%add3A_100, %dma_wait3A_142] : memref<10240x128xf32, #tpu.memory_space<vmem_shared>> -> memref<64x128xf32, #tpu.memory_space<vmem_shared>>
      %dma_wait3A_144 = arith.constant 0 : i32
      %dma_wait3A_145 = tpu.memref_slice %arg11[%add3A_100, %dma_wait3A_144] : memref<10240x128xf32, #tpu.memory_space<vmem_shared>> -> memref<64x128xf32, #tpu.memory_space<vmem_shared>>
      tpu.wait_dma2 semaphore(%run_scoped3A_137 : memref<!tpu.dma_semaphore, #tpu.memory_space<semaphore_mem>>) src(%dma_wait3A_145 : memref<64x128xf32, #tpu.memory_space<vmem_shared>>) dst(%arg8 : memref<64x128xf32, #tpu.memory_space<vmem>>)
      tpu.yield
    }) : () -> ()
    "tpu.region"() ({
      %run_scoped3A_137 = tpu.sem_alloc : memref<!tpu.dma_semaphore, #tpu.memory_space<semaphore_mem>>
      %dma_start3A_138 = arith.constant 0 : i32
      %dma_start3A_139 = tpu.memref_slice %arg5[%arg0, %add3A_100, %dma_start3A_138] : memref<2x10240x128xf32, #tpu.memory_space<hbm>> -> memref<1x64x128xf32, #tpu.memory_space<hbm>>
      %dma_start3A_140 = tpu.memref_squeeze %dma_start3A_139 : memref<1x64x128xf32, #tpu.memory_space<hbm>> -> memref<64x128xf32, #tpu.memory_space<hbm>>
      %dma_start3A_141 = arith.constant 0 : i32
      %dma_start3A_142 = tpu.memref_slice %arg5[%arg0, %add3A_100, %dma_start3A_141] : memref<2x10240x128xf32, #tpu.memory_space<hbm>> -> memref<1x64x128xf32, #tpu.memory_space<hbm>>
      %dma_start3A_143 = tpu.memref_squeeze %dma_start3A_142 : memref<1x64x128xf32, #tpu.memory_space<hbm>> -> memref<64x128xf32, #tpu.memory_space<hbm>>
      tpu.enqueue_dma source(%arg8 : memref<64x128xf32, #tpu.memory_space<vmem>>) target(%dma_start3A_143 : memref<64x128xf32, #tpu.memory_space<hbm>>) target_semaphore(%run_scoped3A_137 : memref<!tpu.dma_semaphore, #tpu.memory_space<semaphore_mem>>)
      %dma_wait3A_144 = arith.constant 0 : i32
      %dma_wait3A_145 = tpu.memref_slice %arg5[%arg0, %add3A_100, %dma_wait3A_144] : memref<2x10240x128xf32, #tpu.memory_space<hbm>> -> memref<1x64x128xf32, #tpu.memory_space<hbm>>
      %dma_wait3A_146 = tpu.memref_squeeze %dma_wait3A_145 : memref<1x64x128xf32, #tpu.memory_space<hbm>> -> memref<64x128xf32, #tpu.memory_space<hbm>>
      %dma_wait3A_147 = arith.constant 0 : i32
      %dma_wait3A_148 = tpu.memref_slice %arg5[%arg0, %add3A_100, %dma_wait3A_147] : memref<2x10240x128xf32, #tpu.memory_space<hbm>> -> memref<1x64x128xf32, #tpu.memory_space<hbm>>
      %dma_wait3A_149 = tpu.memref_squeeze %dma_wait3A_148 : memref<1x64x128xf32, #tpu.memory_space<hbm>> -> memref<64x128xf32, #tpu.memory_space<hbm>>
      tpu.wait_dma2 semaphore(%run_scoped3A_137 : memref<!tpu.dma_semaphore, #tpu.memory_space<semaphore_mem>>) src(%arg8 : memref<64x128xf32, #tpu.memory_space<vmem>>) dst(%dma_wait3A_149 : memref<64x128xf32, #tpu.memory_space<hbm>>)
      tpu.yield
    }) : () -> ()
    %mul3A_101 = arith.constant 640 : i32
    %mul3A_102 = arith.muli %arg1, %mul3A_101 : i32
    %add3A_103 = arith.constant 64 : i32
    %add3A_104 = arith.addi %mul3A_102, %add3A_103 : i32
    "tpu.region"() ({
      %run_scoped3A_137 = tpu.sem_alloc : memref<!tpu.dma_semaphore, #tpu.memory_space<semaphore_mem>>
      %dma_start3A_138 = arith.constant 0 : i32
      %dma_start3A_139 = tpu.memref_slice %arg11[%add3A_104, %dma_start3A_138] : memref<10240x128xf32, #tpu.memory_space<vmem_shared>> -> memref<64x128xf32, #tpu.memory_space<vmem_shared>>
      %dma_start3A_140 = arith.constant 0 : i32
      %dma_start3A_141 = tpu.memref_slice %arg11[%add3A_104, %dma_start3A_140] : memref<10240x128xf32, #tpu.memory_space<vmem_shared>> -> memref<64x128xf32, #tpu.memory_space<vmem_shared>>
      tpu.enqueue_dma source(%dma_start3A_141 : memref<64x128xf32, #tpu.memory_space<vmem_shared>>) target(%arg8 : memref<64x128xf32, #tpu.memory_space<vmem>>) target_semaphore(%run_scoped3A_137 : memref<!tpu.dma_semaphore, #tpu.memory_space<semaphore_mem>>)
      %dma_wait3A_142 = arith.constant 0 : i32
      %dma_wait3A_143 = tpu.memref_slice %arg11[%add3A_104, %dma_wait3A_142] : memref<10240x128xf32, #tpu.memory_space<vmem_shared>> -> memref<64x128xf32, #tpu.memory_space<vmem_shared>>
      %dma_wait3A_144 = arith.constant 0 : i32
      %dma_wait3A_145 = tpu.memref_slice %arg11[%add3A_104, %dma_wait3A_144] : memref<10240x128xf32, #tpu.memory_space<vmem_shared>> -> memref<64x128xf32, #tpu.memory_space<vmem_shared>>
      tpu.wait_dma2 semaphore(%run_scoped3A_137 : memref<!tpu.dma_semaphore, #tpu.memory_space<semaphore_mem>>) src(%dma_wait3A_145 : memref<64x128xf32, #tpu.memory_space<vmem_shared>>) dst(%arg8 : memref<64x128xf32, #tpu.memory_space<vmem>>)
      tpu.yield
    }) : () -> ()
    "tpu.region"() ({
      %run_scoped3A_137 = tpu.sem_alloc : memref<!tpu.dma_semaphore, #tpu.memory_space<semaphore_mem>>
      %dma_start3A_138 = arith.constant 0 : i32
      %dma_start3A_139 = tpu.memref_slice %arg5[%arg0, %add3A_104, %dma_start3A_138] : memref<2x10240x128xf32, #tpu.memory_space<hbm>> -> memref<1x64x128xf32, #tpu.memory_space<hbm>>
      %dma_start3A_140 = tpu.memref_squeeze %dma_start3A_139 : memref<1x64x128xf32, #tpu.memory_space<hbm>> -> memref<64x128xf32, #tpu.memory_space<hbm>>
      %dma_start3A_141 = arith.constant 0 : i32
      %dma_start3A_142 = tpu.memref_slice %arg5[%arg0, %add3A_104, %dma_start3A_141] : memref<2x10240x128xf32, #tpu.memory_space<hbm>> -> memref<1x64x128xf32, #tpu.memory_space<hbm>>
      %dma_start3A_143 = tpu.memref_squeeze %dma_start3A_142 : memref<1x64x128xf32, #tpu.memory_space<hbm>> -> memref<64x128xf32, #tpu.memory_space<hbm>>
      tpu.enqueue_dma source(%arg8 : memref<64x128xf32, #tpu.memory_space<vmem>>) target(%dma_start3A_143 : memref<64x128xf32, #tpu.memory_space<hbm>>) target_semaphore(%run_scoped3A_137 : memref<!tpu.dma_semaphore, #tpu.memory_space<semaphore_mem>>)
      %dma_wait3A_144 = arith.constant 0 : i32
      %dma_wait3A_145 = tpu.memref_slice %arg5[%arg0, %add3A_104, %dma_wait3A_144] : memref<2x10240x128xf32, #tpu.memory_space<hbm>> -> memref<1x64x128xf32, #tpu.memory_space<hbm>>
      %dma_wait3A_146 = tpu.memref_squeeze %dma_wait3A_145 : memref<1x64x128xf32, #tpu.memory_space<hbm>> -> memref<64x128xf32, #tpu.memory_space<hbm>>
      %dma_wait3A_147 = arith.constant 0 : i32
      %dma_wait3A_148 = tpu.memref_slice %arg5[%arg0, %add3A_104, %dma_wait3A_147] : memref<2x10240x128xf32, #tpu.memory_space<hbm>> -> memref<1x64x128xf32, #tpu.memory_space<hbm>>
      %dma_wait3A_149 = tpu.memref_squeeze %dma_wait3A_148 : memref<1x64x128xf32, #tpu.memory_space<hbm>> -> memref<64x128xf32, #tpu.memory_space<hbm>>
      tpu.wait_dma2 semaphore(%run_scoped3A_137 : memref<!tpu.dma_semaphore, #tpu.memory_space<semaphore_mem>>) src(%arg8 : memref<64x128xf32, #tpu.memory_space<vmem>>) dst(%dma_wait3A_149 : memref<64x128xf32, #tpu.memory_space<hbm>>)
      tpu.yield
    }) : () -> ()
    %mul3A_105 = arith.constant 640 : i32
    %mul3A_106 = arith.muli %arg1, %mul3A_105 : i32
    %add3A_107 = arith.constant 128 : i32
    %add3A_108 = arith.addi %mul3A_106, %add3A_107 : i32
    "tpu.region"() ({
      %run_scoped3A_137 = tpu.sem_alloc : memref<!tpu.dma_semaphore, #tpu.memory_space<semaphore_mem>>
      %dma_start3A_138 = arith.constant 0 : i32
      %dma_start3A_139 = tpu.memref_slice %arg11[%add3A_108, %dma_start3A_138] : memref<10240x128xf32, #tpu.memory_space<vmem_shared>> -> memref<64x128xf32, #tpu.memory_space<vmem_shared>>
      %dma_start3A_140 = arith.constant 0 : i32
      %dma_start3A_141 = tpu.memref_slice %arg11[%add3A_108, %dma_start3A_140] : memref<10240x128xf32, #tpu.memory_space<vmem_shared>> -> memref<64x128xf32, #tpu.memory_space<vmem_shared>>
      tpu.enqueue_dma source(%dma_start3A_141 : memref<64x128xf32, #tpu.memory_space<vmem_shared>>) target(%arg8 : memref<64x128xf32, #tpu.memory_space<vmem>>) target_semaphore(%run_scoped3A_137 : memref<!tpu.dma_semaphore, #tpu.memory_space<semaphore_mem>>)
      %dma_wait3A_142 = arith.constant 0 : i32
      %dma_wait3A_143 = tpu.memref_slice %arg11[%add3A_108, %dma_wait3A_142] : memref<10240x128xf32, #tpu.memory_space<vmem_shared>> -> memref<64x128xf32, #tpu.memory_space<vmem_shared>>
      %dma_wait3A_144 = arith.constant 0 : i32
      %dma_wait3A_145 = tpu.memref_slice %arg11[%add3A_108, %dma_wait3A_144] : memref<10240x128xf32, #tpu.memory_space<vmem_shared>> -> memref<64x128xf32, #tpu.memory_space<vmem_shared>>
      tpu.wait_dma2 semaphore(%run_scoped3A_137 : memref<!tpu.dma_semaphore, #tpu.memory_space<semaphore_mem>>) src(%dma_wait3A_145 : memref<64x128xf32, #tpu.memory_space<vmem_shared>>) dst(%arg8 : memref<64x128xf32, #tpu.memory_space<vmem>>)
      tpu.yield
    }) : () -> ()
    "tpu.region"() ({
      %run_scoped3A_137 = tpu.sem_alloc : memref<!tpu.dma_semaphore, #tpu.memory_space<semaphore_mem>>
      %dma_start3A_138 = arith.constant 0 : i32
      %dma_start3A_139 = tpu.memref_slice %arg5[%arg0, %add3A_108, %dma_start3A_138] : memref<2x10240x128xf32, #tpu.memory_space<hbm>> -> memref<1x64x128xf32, #tpu.memory_space<hbm>>
      %dma_start3A_140 = tpu.memref_squeeze %dma_start3A_139 : memref<1x64x128xf32, #tpu.memory_space<hbm>> -> memref<64x128xf32, #tpu.memory_space<hbm>>
      %dma_start3A_141 = arith.constant 0 : i32
      %dma_start3A_142 = tpu.memref_slice %arg5[%arg0, %add3A_108, %dma_start3A_141] : memref<2x10240x128xf32, #tpu.memory_space<hbm>> -> memref<1x64x128xf32, #tpu.memory_space<hbm>>
      %dma_start3A_143 = tpu.memref_squeeze %dma_start3A_142 : memref<1x64x128xf32, #tpu.memory_space<hbm>> -> memref<64x128xf32, #tpu.memory_space<hbm>>
      tpu.enqueue_dma source(%arg8 : memref<64x128xf32, #tpu.memory_space<vmem>>) target(%dma_start3A_143 : memref<64x128xf32, #tpu.memory_space<hbm>>) target_semaphore(%run_scoped3A_137 : memref<!tpu.dma_semaphore, #tpu.memory_space<semaphore_mem>>)
      %dma_wait3A_144 = arith.constant 0 : i32
      %dma_wait3A_145 = tpu.memref_slice %arg5[%arg0, %add3A_108, %dma_wait3A_144] : memref<2x10240x128xf32, #tpu.memory_space<hbm>> -> memref<1x64x128xf32, #tpu.memory_space<hbm>>
      %dma_wait3A_146 = tpu.memref_squeeze %dma_wait3A_145 : memref<1x64x128xf32, #tpu.memory_space<hbm>> -> memref<64x128xf32, #tpu.memory_space<hbm>>
      %dma_wait3A_147 = arith.constant 0 : i32
      %dma_wait3A_148 = tpu.memref_slice %arg5[%arg0, %add3A_108, %dma_wait3A_147] : memref<2x10240x128xf32, #tpu.memory_space<hbm>> -> memref<1x64x128xf32, #tpu.memory_space<hbm>>
      %dma_wait3A_149 = tpu.memref_squeeze %dma_wait3A_148 : memref<1x64x128xf32, #tpu.memory_space<hbm>> -> memref<64x128xf32, #tpu.memory_space<hbm>>
      tpu.wait_dma2 semaphore(%run_scoped3A_137 : memref<!tpu.dma_semaphore, #tpu.memory_space<semaphore_mem>>) src(%arg8 : memref<64x128xf32, #tpu.memory_space<vmem>>) dst(%dma_wait3A_149 : memref<64x128xf32, #tpu.memory_space<hbm>>)
      tpu.yield
    }) : () -> ()
    %mul3A_109 = arith.constant 640 : i32
    %mul3A_110 = arith.muli %arg1, %mul3A_109 : i32
    %add3A_111 = arith.constant 192 : i32
    %add3A_112 = arith.addi %mul3A_110, %add3A_111 : i32
    "tpu.region"() ({
      %run_scoped3A_137 = tpu.sem_alloc : memref<!tpu.dma_semaphore, #tpu.memory_space<semaphore_mem>>
      %dma_start3A_138 = arith.constant 0 : i32
      %dma_start3A_139 = tpu.memref_slice %arg11[%add3A_112, %dma_start3A_138] : memref<10240x128xf32, #tpu.memory_space<vmem_shared>> -> memref<64x128xf32, #tpu.memory_space<vmem_shared>>
      %dma_start3A_140 = arith.constant 0 : i32
      %dma_start3A_141 = tpu.memref_slice %arg11[%add3A_112, %dma_start3A_140] : memref<10240x128xf32, #tpu.memory_space<vmem_shared>> -> memref<64x128xf32, #tpu.memory_space<vmem_shared>>
      tpu.enqueue_dma source(%dma_start3A_141 : memref<64x128xf32, #tpu.memory_space<vmem_shared>>) target(%arg8 : memref<64x128xf32, #tpu.memory_space<vmem>>) target_semaphore(%run_scoped3A_137 : memref<!tpu.dma_semaphore, #tpu.memory_space<semaphore_mem>>)
      %dma_wait3A_142 = arith.constant 0 : i32
      %dma_wait3A_143 = tpu.memref_slice %arg11[%add3A_112, %dma_wait3A_142] : memref<10240x128xf32, #tpu.memory_space<vmem_shared>> -> memref<64x128xf32, #tpu.memory_space<vmem_shared>>
      %dma_wait3A_144 = arith.constant 0 : i32
      %dma_wait3A_145 = tpu.memref_slice %arg11[%add3A_112, %dma_wait3A_144] : memref<10240x128xf32, #tpu.memory_space<vmem_shared>> -> memref<64x128xf32, #tpu.memory_space<vmem_shared>>
      tpu.wait_dma2 semaphore(%run_scoped3A_137 : memref<!tpu.dma_semaphore, #tpu.memory_space<semaphore_mem>>) src(%dma_wait3A_145 : memref<64x128xf32, #tpu.memory_space<vmem_shared>>) dst(%arg8 : memref<64x128xf32, #tpu.memory_space<vmem>>)
      tpu.yield
    }) : () -> ()
    "tpu.region"() ({
      %run_scoped3A_137 = tpu.sem_alloc : memref<!tpu.dma_semaphore, #tpu.memory_space<semaphore_mem>>
      %dma_start3A_138 = arith.constant 0 : i32
      %dma_start3A_139 = tpu.memref_slice %arg5[%arg0, %add3A_112, %dma_start3A_138] : memref<2x10240x128xf32, #tpu.memory_space<hbm>> -> memref<1x64x128xf32, #tpu.memory_space<hbm>>
      %dma_start3A_140 = tpu.memref_squeeze %dma_start3A_139 : memref<1x64x128xf32, #tpu.memory_space<hbm>> -> memref<64x128xf32, #tpu.memory_space<hbm>>
      %dma_start3A_141 = arith.constant 0 : i32
      %dma_start3A_142 = tpu.memref_slice %arg5[%arg0, %add3A_112, %dma_start3A_141] : memref<2x10240x128xf32, #tpu.memory_space<hbm>> -> memref<1x64x128xf32, #tpu.memory_space<hbm>>
      %dma_start3A_143 = tpu.memref_squeeze %dma_start3A_142 : memref<1x64x128xf32, #tpu.memory_space<hbm>> -> memref<64x128xf32, #tpu.memory_space<hbm>>
      tpu.enqueue_dma source(%arg8 : memref<64x128xf32, #tpu.memory_space<vmem>>) target(%dma_start3A_143 : memref<64x128xf32, #tpu.memory_space<hbm>>) target_semaphore(%run_scoped3A_137 : memref<!tpu.dma_semaphore, #tpu.memory_space<semaphore_mem>>)
      %dma_wait3A_144 = arith.constant 0 : i32
      %dma_wait3A_145 = tpu.memref_slice %arg5[%arg0, %add3A_112, %dma_wait3A_144] : memref<2x10240x128xf32, #tpu.memory_space<hbm>> -> memref<1x64x128xf32, #tpu.memory_space<hbm>>
      %dma_wait3A_146 = tpu.memref_squeeze %dma_wait3A_145 : memref<1x64x128xf32, #tpu.memory_space<hbm>> -> memref<64x128xf32, #tpu.memory_space<hbm>>
      %dma_wait3A_147 = arith.constant 0 : i32
      %dma_wait3A_148 = tpu.memref_slice %arg5[%arg0, %add3A_112, %dma_wait3A_147] : memref<2x10240x128xf32, #tpu.memory_space<hbm>> -> memref<1x64x128xf32, #tpu.memory_space<hbm>>
      %dma_wait3A_149 = tpu.memref_squeeze %dma_wait3A_148 : memref<1x64x128xf32, #tpu.memory_space<hbm>> -> memref<64x128xf32, #tpu.memory_space<hbm>>
      tpu.wait_dma2 semaphore(%run_scoped3A_137 : memref<!tpu.dma_semaphore, #tpu.memory_space<semaphore_mem>>) src(%arg8 : memref<64x128xf32, #tpu.memory_space<vmem>>) dst(%dma_wait3A_149 : memref<64x128xf32, #tpu.memory_space<hbm>>)
      tpu.yield
    }) : () -> ()
    %mul3A_113 = arith.constant 640 : i32
    %mul3A_114 = arith.muli %arg1, %mul3A_113 : i32
    %add3A_115 = arith.constant 256 : i32
    %add3A_116 = arith.addi %mul3A_114, %add3A_115 : i32
    "tpu.region"() ({
      %run_scoped3A_137 = tpu.sem_alloc : memref<!tpu.dma_semaphore, #tpu.memory_space<semaphore_mem>>
      %dma_start3A_138 = arith.constant 0 : i32
      %dma_start3A_139 = tpu.memref_slice %arg11[%add3A_116, %dma_start3A_138] : memref<10240x128xf32, #tpu.memory_space<vmem_shared>> -> memref<64x128xf32, #tpu.memory_space<vmem_shared>>
      %dma_start3A_140 = arith.constant 0 : i32
      %dma_start3A_141 = tpu.memref_slice %arg11[%add3A_116, %dma_start3A_140] : memref<10240x128xf32, #tpu.memory_space<vmem_shared>> -> memref<64x128xf32, #tpu.memory_space<vmem_shared>>
      tpu.enqueue_dma source(%dma_start3A_141 : memref<64x128xf32, #tpu.memory_space<vmem_shared>>) target(%arg8 : memref<64x128xf32, #tpu.memory_space<vmem>>) target_semaphore(%run_scoped3A_137 : memref<!tpu.dma_semaphore, #tpu.memory_space<semaphore_mem>>)
      %dma_wait3A_142 = arith.constant 0 : i32
      %dma_wait3A_143 = tpu.memref_slice %arg11[%add3A_116, %dma_wait3A_142] : memref<10240x128xf32, #tpu.memory_space<vmem_shared>> -> memref<64x128xf32, #tpu.memory_space<vmem_shared>>
      %dma_wait3A_144 = arith.constant 0 : i32
      %dma_wait3A_145 = tpu.memref_slice %arg11[%add3A_116, %dma_wait3A_144] : memref<10240x128xf32, #tpu.memory_space<vmem_shared>> -> memref<64x128xf32, #tpu.memory_space<vmem_shared>>
      tpu.wait_dma2 semaphore(%run_scoped3A_137 : memref<!tpu.dma_semaphore, #tpu.memory_space<semaphore_mem>>) src(%dma_wait3A_145 : memref<64x128xf32, #tpu.memory_space<vmem_shared>>) dst(%arg8 : memref<64x128xf32, #tpu.memory_space<vmem>>)
      tpu.yield
    }) : () -> ()
    "tpu.region"() ({
      %run_scoped3A_137 = tpu.sem_alloc : memref<!tpu.dma_semaphore, #tpu.memory_space<semaphore_mem>>
      %dma_start3A_138 = arith.constant 0 : i32
      %dma_start3A_139 = tpu.memref_slice %arg5[%arg0, %add3A_116, %dma_start3A_138] : memref<2x10240x128xf32, #tpu.memory_space<hbm>> -> memref<1x64x128xf32, #tpu.memory_space<hbm>>
      %dma_start3A_140 = tpu.memref_squeeze %dma_start3A_139 : memref<1x64x128xf32, #tpu.memory_space<hbm>> -> memref<64x128xf32, #tpu.memory_space<hbm>>
      %dma_start3A_141 = arith.constant 0 : i32
      %dma_start3A_142 = tpu.memref_slice %arg5[%arg0, %add3A_116, %dma_start3A_141] : memref<2x10240x128xf32, #tpu.memory_space<hbm>> -> memref<1x64x128xf32, #tpu.memory_space<hbm>>
      %dma_start3A_143 = tpu.memref_squeeze %dma_start3A_142 : memref<1x64x128xf32, #tpu.memory_space<hbm>> -> memref<64x128xf32, #tpu.memory_space<hbm>>
      tpu.enqueue_dma source(%arg8 : memref<64x128xf32, #tpu.memory_space<vmem>>) target(%dma_start3A_143 : memref<64x128xf32, #tpu.memory_space<hbm>>) target_semaphore(%run_scoped3A_137 : memref<!tpu.dma_semaphore, #tpu.memory_space<semaphore_mem>>)
      %dma_wait3A_144 = arith.constant 0 : i32
      %dma_wait3A_145 = tpu.memref_slice %arg5[%arg0, %add3A_116, %dma_wait3A_144] : memref<2x10240x128xf32, #tpu.memory_space<hbm>> -> memref<1x64x128xf32, #tpu.memory_space<hbm>>
      %dma_wait3A_146 = tpu.memref_squeeze %dma_wait3A_145 : memref<1x64x128xf32, #tpu.memory_space<hbm>> -> memref<64x128xf32, #tpu.memory_space<hbm>>
      %dma_wait3A_147 = arith.constant 0 : i32
      %dma_wait3A_148 = tpu.memref_slice %arg5[%arg0, %add3A_116, %dma_wait3A_147] : memref<2x10240x128xf32, #tpu.memory_space<hbm>> -> memref<1x64x128xf32, #tpu.memory_space<hbm>>
      %dma_wait3A_149 = tpu.memref_squeeze %dma_wait3A_148 : memref<1x64x128xf32, #tpu.memory_space<hbm>> -> memref<64x128xf32, #tpu.memory_space<hbm>>
      tpu.wait_dma2 semaphore(%run_scoped3A_137 : memref<!tpu.dma_semaphore, #tpu.memory_space<semaphore_mem>>) src(%arg8 : memref<64x128xf32, #tpu.memory_space<vmem>>) dst(%dma_wait3A_149 : memref<64x128xf32, #tpu.memory_space<hbm>>)
      tpu.yield
    }) : () -> ()
    %mul3A_117 = arith.constant 640 : i32
    %mul3A_118 = arith.muli %arg1, %mul3A_117 : i32
    %add3A_119 = arith.constant 320 : i32
    %add3A_120 = arith.addi %mul3A_118, %add3A_119 : i32
    "tpu.region"() ({
      %run_scoped3A_137 = tpu.sem_alloc : memref<!tpu.dma_semaphore, #tpu.memory_space<semaphore_mem>>
      %dma_start3A_138 = arith.constant 0 : i32
      %dma_start3A_139 = tpu.memref_slice %arg11[%add3A_120, %dma_start3A_138] : memref<10240x128xf32, #tpu.memory_space<vmem_shared>> -> memref<64x128xf32, #tpu.memory_space<vmem_shared>>
      %dma_start3A_140 = arith.constant 0 : i32
      %dma_start3A_141 = tpu.memref_slice %arg11[%add3A_120, %dma_start3A_140] : memref<10240x128xf32, #tpu.memory_space<vmem_shared>> -> memref<64x128xf32, #tpu.memory_space<vmem_shared>>
      tpu.enqueue_dma source(%dma_start3A_141 : memref<64x128xf32, #tpu.memory_space<vmem_shared>>) target(%arg8 : memref<64x128xf32, #tpu.memory_space<vmem>>) target_semaphore(%run_scoped3A_137 : memref<!tpu.dma_semaphore, #tpu.memory_space<semaphore_mem>>)
      %dma_wait3A_142 = arith.constant 0 : i32
      %dma_wait3A_143 = tpu.memref_slice %arg11[%add3A_120, %dma_wait3A_142] : memref<10240x128xf32, #tpu.memory_space<vmem_shared>> -> memref<64x128xf32, #tpu.memory_space<vmem_shared>>
      %dma_wait3A_144 = arith.constant 0 : i32
      %dma_wait3A_145 = tpu.memref_slice %arg11[%add3A_120, %dma_wait3A_144] : memref<10240x128xf32, #tpu.memory_space<vmem_shared>> -> memref<64x128xf32, #tpu.memory_space<vmem_shared>>
      tpu.wait_dma2 semaphore(%run_scoped3A_137 : memref<!tpu.dma_semaphore, #tpu.memory_space<semaphore_mem>>) src(%dma_wait3A_145 : memref<64x128xf32, #tpu.memory_space<vmem_shared>>) dst(%arg8 : memref<64x128xf32, #tpu.memory_space<vmem>>)
      tpu.yield
    }) : () -> ()
    "tpu.region"() ({
      %run_scoped3A_137 = tpu.sem_alloc : memref<!tpu.dma_semaphore, #tpu.memory_space<semaphore_mem>>
      %dma_start3A_138 = arith.constant 0 : i32
      %dma_start3A_139 = tpu.memref_slice %arg5[%arg0, %add3A_120, %dma_start3A_138] : memref<2x10240x128xf32, #tpu.memory_space<hbm>> -> memref<1x64x128xf32, #tpu.memory_space<hbm>>
      %dma_start3A_140 = tpu.memref_squeeze %dma_start3A_139 : memref<1x64x128xf32, #tpu.memory_space<hbm>> -> memref<64x128xf32, #tpu.memory_space<hbm>>
      %dma_start3A_141 = arith.constant 0 : i32
      %dma_start3A_142 = tpu.memref_slice %arg5[%arg0, %add3A_120, %dma_start3A_141] : memref<2x10240x128xf32, #tpu.memory_space<hbm>> -> memref<1x64x128xf32, #tpu.memory_space<hbm>>
      %dma_start3A_143 = tpu.memref_squeeze %dma_start3A_142 : memref<1x64x128xf32, #tpu.memory_space<hbm>> -> memref<64x128xf32, #tpu.memory_space<hbm>>
      tpu.enqueue_dma source(%arg8 : memref<64x128xf32, #tpu.memory_space<vmem>>) target(%dma_start3A_143 : memref<64x128xf32, #tpu.memory_space<hbm>>) target_semaphore(%run_scoped3A_137 : memref<!tpu.dma_semaphore, #tpu.memory_space<semaphore_mem>>)
      %dma_wait3A_144 = arith.constant 0 : i32
      %dma_wait3A_145 = tpu.memref_slice %arg5[%arg0, %add3A_120, %dma_wait3A_144] : memref<2x10240x128xf32, #tpu.memory_space<hbm>> -> memref<1x64x128xf32, #tpu.memory_space<hbm>>
      %dma_wait3A_146 = tpu.memref_squeeze %dma_wait3A_145 : memref<1x64x128xf32, #tpu.memory_space<hbm>> -> memref<64x128xf32, #tpu.memory_space<hbm>>
      %dma_wait3A_147 = arith.constant 0 : i32
      %dma_wait3A_148 = tpu.memref_slice %arg5[%arg0, %add3A_120, %dma_wait3A_147] : memref<2x10240x128xf32, #tpu.memory_space<hbm>> -> memref<1x64x128xf32, #tpu.memory_space<hbm>>
      %dma_wait3A_149 = tpu.memref_squeeze %dma_wait3A_148 : memref<1x64x128xf32, #tpu.memory_space<hbm>> -> memref<64x128xf32, #tpu.memory_space<hbm>>
      tpu.wait_dma2 semaphore(%run_scoped3A_137 : memref<!tpu.dma_semaphore, #tpu.memory_space<semaphore_mem>>) src(%arg8 : memref<64x128xf32, #tpu.memory_space<vmem>>) dst(%dma_wait3A_149 : memref<64x128xf32, #tpu.memory_space<hbm>>)
      tpu.yield
    }) : () -> ()
    %mul3A_121 = arith.constant 640 : i32
    %mul3A_122 = arith.muli %arg1, %mul3A_121 : i32
    %add3A_123 = arith.constant 384 : i32
    %add3A_124 = arith.addi %mul3A_122, %add3A_123 : i32
    "tpu.region"() ({
      %run_scoped3A_137 = tpu.sem_alloc : memref<!tpu.dma_semaphore, #tpu.memory_space<semaphore_mem>>
      %dma_start3A_138 = arith.constant 0 : i32
      %dma_start3A_139 = tpu.memref_slice %arg11[%add3A_124, %dma_start3A_138] : memref<10240x128xf32, #tpu.memory_space<vmem_shared>> -> memref<64x128xf32, #tpu.memory_space<vmem_shared>>
      %dma_start3A_140 = arith.constant 0 : i32
      %dma_start3A_141 = tpu.memref_slice %arg11[%add3A_124, %dma_start3A_140] : memref<10240x128xf32, #tpu.memory_space<vmem_shared>> -> memref<64x128xf32, #tpu.memory_space<vmem_shared>>
      tpu.enqueue_dma source(%dma_start3A_141 : memref<64x128xf32, #tpu.memory_space<vmem_shared>>) target(%arg8 : memref<64x128xf32, #tpu.memory_space<vmem>>) target_semaphore(%run_scoped3A_137 : memref<!tpu.dma_semaphore, #tpu.memory_space<semaphore_mem>>)
      %dma_wait3A_142 = arith.constant 0 : i32
      %dma_wait3A_143 = tpu.memref_slice %arg11[%add3A_124, %dma_wait3A_142] : memref<10240x128xf32, #tpu.memory_space<vmem_shared>> -> memref<64x128xf32, #tpu.memory_space<vmem_shared>>
      %dma_wait3A_144 = arith.constant 0 : i32
      %dma_wait3A_145 = tpu.memref_slice %arg11[%add3A_124, %dma_wait3A_144] : memref<10240x128xf32, #tpu.memory_space<vmem_shared>> -> memref<64x128xf32, #tpu.memory_space<vmem_shared>>
      tpu.wait_dma2 semaphore(%run_scoped3A_137 : memref<!tpu.dma_semaphore, #tpu.memory_space<semaphore_mem>>) src(%dma_wait3A_145 : memref<64x128xf32, #tpu.memory_space<vmem_shared>>) dst(%arg8 : memref<64x128xf32, #tpu.memory_space<vmem>>)
      tpu.yield
    }) : () -> ()
    "tpu.region"() ({
      %run_scoped3A_137 = tpu.sem_alloc : memref<!tpu.dma_semaphore, #tpu.memory_space<semaphore_mem>>
      %dma_start3A_138 = arith.constant 0 : i32
      %dma_start3A_139 = tpu.memref_slice %arg5[%arg0, %add3A_124, %dma_start3A_138] : memref<2x10240x128xf32, #tpu.memory_space<hbm>> -> memref<1x64x128xf32, #tpu.memory_space<hbm>>
      %dma_start3A_140 = tpu.memref_squeeze %dma_start3A_139 : memref<1x64x128xf32, #tpu.memory_space<hbm>> -> memref<64x128xf32, #tpu.memory_space<hbm>>
      %dma_start3A_141 = arith.constant 0 : i32
      %dma_start3A_142 = tpu.memref_slice %arg5[%arg0, %add3A_124, %dma_start3A_141] : memref<2x10240x128xf32, #tpu.memory_space<hbm>> -> memref<1x64x128xf32, #tpu.memory_space<hbm>>
      %dma_start3A_143 = tpu.memref_squeeze %dma_start3A_142 : memref<1x64x128xf32, #tpu.memory_space<hbm>> -> memref<64x128xf32, #tpu.memory_space<hbm>>
      tpu.enqueue_dma source(%arg8 : memref<64x128xf32, #tpu.memory_space<vmem>>) target(%dma_start3A_143 : memref<64x128xf32, #tpu.memory_space<hbm>>) target_semaphore(%run_scoped3A_137 : memref<!tpu.dma_semaphore, #tpu.memory_space<semaphore_mem>>)
      %dma_wait3A_144 = arith.constant 0 : i32
      %dma_wait3A_145 = tpu.memref_slice %arg5[%arg0, %add3A_124, %dma_wait3A_144] : memref<2x10240x128xf32, #tpu.memory_space<hbm>> -> memref<1x64x128xf32, #tpu.memory_space<hbm>>
      %dma_wait3A_146 = tpu.memref_squeeze %dma_wait3A_145 : memref<1x64x128xf32, #tpu.memory_space<hbm>> -> memref<64x128xf32, #tpu.memory_space<hbm>>
      %dma_wait3A_147 = arith.constant 0 : i32
      %dma_wait3A_148 = tpu.memref_slice %arg5[%arg0, %add3A_124, %dma_wait3A_147] : memref<2x10240x128xf32, #tpu.memory_space<hbm>> -> memref<1x64x128xf32, #tpu.memory_space<hbm>>
      %dma_wait3A_149 = tpu.memref_squeeze %dma_wait3A_148 : memref<1x64x128xf32, #tpu.memory_space<hbm>> -> memref<64x128xf32, #tpu.memory_space<hbm>>
      tpu.wait_dma2 semaphore(%run_scoped3A_137 : memref<!tpu.dma_semaphore, #tpu.memory_space<semaphore_mem>>) src(%arg8 : memref<64x128xf32, #tpu.memory_space<vmem>>) dst(%dma_wait3A_149 : memref<64x128xf32, #tpu.memory_space<hbm>>)
      tpu.yield
    }) : () -> ()
    %mul3A_125 = arith.constant 640 : i32
    %mul3A_126 = arith.muli %arg1, %mul3A_125 : i32
    %add3A_127 = arith.constant 448 : i32
    %add3A_128 = arith.addi %mul3A_126, %add3A_127 : i32
    "tpu.region"() ({
      %run_scoped3A_137 = tpu.sem_alloc : memref<!tpu.dma_semaphore, #tpu.memory_space<semaphore_mem>>
      %dma_start3A_138 = arith.constant 0 : i32
      %dma_start3A_139 = tpu.memref_slice %arg11[%add3A_128, %dma_start3A_138] : memref<10240x128xf32, #tpu.memory_space<vmem_shared>> -> memref<64x128xf32, #tpu.memory_space<vmem_shared>>
      %dma_start3A_140 = arith.constant 0 : i32
      %dma_start3A_141 = tpu.memref_slice %arg11[%add3A_128, %dma_start3A_140] : memref<10240x128xf32, #tpu.memory_space<vmem_shared>> -> memref<64x128xf32, #tpu.memory_space<vmem_shared>>
      tpu.enqueue_dma source(%dma_start3A_141 : memref<64x128xf32, #tpu.memory_space<vmem_shared>>) target(%arg8 : memref<64x128xf32, #tpu.memory_space<vmem>>) target_semaphore(%run_scoped3A_137 : memref<!tpu.dma_semaphore, #tpu.memory_space<semaphore_mem>>)
      %dma_wait3A_142 = arith.constant 0 : i32
      %dma_wait3A_143 = tpu.memref_slice %arg11[%add3A_128, %dma_wait3A_142] : memref<10240x128xf32, #tpu.memory_space<vmem_shared>> -> memref<64x128xf32, #tpu.memory_space<vmem_shared>>
      %dma_wait3A_144 = arith.constant 0 : i32
      %dma_wait3A_145 = tpu.memref_slice %arg11[%add3A_128, %dma_wait3A_144] : memref<10240x128xf32, #tpu.memory_space<vmem_shared>> -> memref<64x128xf32, #tpu.memory_space<vmem_shared>>
      tpu.wait_dma2 semaphore(%run_scoped3A_137 : memref<!tpu.dma_semaphore, #tpu.memory_space<semaphore_mem>>) src(%dma_wait3A_145 : memref<64x128xf32, #tpu.memory_space<vmem_shared>>) dst(%arg8 : memref<64x128xf32, #tpu.memory_space<vmem>>)
      tpu.yield
    }) : () -> ()
    "tpu.region"() ({
      %run_scoped3A_137 = tpu.sem_alloc : memref<!tpu.dma_semaphore, #tpu.memory_space<semaphore_mem>>
      %dma_start3A_138 = arith.constant 0 : i32
      %dma_start3A_139 = tpu.memref_slice %arg5[%arg0, %add3A_128, %dma_start3A_138] : memref<2x10240x128xf32, #tpu.memory_space<hbm>> -> memref<1x64x128xf32, #tpu.memory_space<hbm>>
      %dma_start3A_140 = tpu.memref_squeeze %dma_start3A_139 : memref<1x64x128xf32, #tpu.memory_space<hbm>> -> memref<64x128xf32, #tpu.memory_space<hbm>>
      %dma_start3A_141 = arith.constant 0 : i32
      %dma_start3A_142 = tpu.memref_slice %arg5[%arg0, %add3A_128, %dma_start3A_141] : memref<2x10240x128xf32, #tpu.memory_space<hbm>> -> memref<1x64x128xf32, #tpu.memory_space<hbm>>
      %dma_start3A_143 = tpu.memref_squeeze %dma_start3A_142 : memref<1x64x128xf32, #tpu.memory_space<hbm>> -> memref<64x128xf32, #tpu.memory_space<hbm>>
      tpu.enqueue_dma source(%arg8 : memref<64x128xf32, #tpu.memory_space<vmem>>) target(%dma_start3A_143 : memref<64x128xf32, #tpu.memory_space<hbm>>) target_semaphore(%run_scoped3A_137 : memref<!tpu.dma_semaphore, #tpu.memory_space<semaphore_mem>>)
      %dma_wait3A_144 = arith.constant 0 : i32
      %dma_wait3A_145 = tpu.memref_slice %arg5[%arg0, %add3A_128, %dma_wait3A_144] : memref<2x10240x128xf32, #tpu.memory_space<hbm>> -> memref<1x64x128xf32, #tpu.memory_space<hbm>>
      %dma_wait3A_146 = tpu.memref_squeeze %dma_wait3A_145 : memref<1x64x128xf32, #tpu.memory_space<hbm>> -> memref<64x128xf32, #tpu.memory_space<hbm>>
      %dma_wait3A_147 = arith.constant 0 : i32
      %dma_wait3A_148 = tpu.memref_slice %arg5[%arg0, %add3A_128, %dma_wait3A_147] : memref<2x10240x128xf32, #tpu.memory_space<hbm>> -> memref<1x64x128xf32, #tpu.memory_space<hbm>>
      %dma_wait3A_149 = tpu.memref_squeeze %dma_wait3A_148 : memref<1x64x128xf32, #tpu.memory_space<hbm>> -> memref<64x128xf32, #tpu.memory_space<hbm>>
      tpu.wait_dma2 semaphore(%run_scoped3A_137 : memref<!tpu.dma_semaphore, #tpu.memory_space<semaphore_mem>>) src(%arg8 : memref<64x128xf32, #tpu.memory_space<vmem>>) dst(%dma_wait3A_149 : memref<64x128xf32, #tpu.memory_space<hbm>>)
      tpu.yield
    }) : () -> ()
    %mul3A_129 = arith.constant 640 : i32
    %mul3A_130 = arith.muli %arg1, %mul3A_129 : i32
    %add3A_131 = arith.constant 512 : i32
    %add3A_132 = arith.addi %mul3A_130, %add3A_131 : i32
    "tpu.region"() ({
      %run_scoped3A_137 = tpu.sem_alloc : memref<!tpu.dma_semaphore, #tpu.memory_space<semaphore_mem>>
      %dma_start3A_138 = arith.constant 0 : i32
      %dma_start3A_139 = tpu.memref_slice %arg11[%add3A_132, %dma_start3A_138] : memref<10240x128xf32, #tpu.memory_space<vmem_shared>> -> memref<64x128xf32, #tpu.memory_space<vmem_shared>>
      %dma_start3A_140 = arith.constant 0 : i32
      %dma_start3A_141 = tpu.memref_slice %arg11[%add3A_132, %dma_start3A_140] : memref<10240x128xf32, #tpu.memory_space<vmem_shared>> -> memref<64x128xf32, #tpu.memory_space<vmem_shared>>
      tpu.enqueue_dma source(%dma_start3A_141 : memref<64x128xf32, #tpu.memory_space<vmem_shared>>) target(%arg8 : memref<64x128xf32, #tpu.memory_space<vmem>>) target_semaphore(%run_scoped3A_137 : memref<!tpu.dma_semaphore, #tpu.memory_space<semaphore_mem>>)
      %dma_wait3A_142 = arith.constant 0 : i32
      %dma_wait3A_143 = tpu.memref_slice %arg11[%add3A_132, %dma_wait3A_142] : memref<10240x128xf32, #tpu.memory_space<vmem_shared>> -> memref<64x128xf32, #tpu.memory_space<vmem_shared>>
      %dma_wait3A_144 = arith.constant 0 : i32
      %dma_wait3A_145 = tpu.memref_slice %arg11[%add3A_132, %dma_wait3A_144] : memref<10240x128xf32, #tpu.memory_space<vmem_shared>> -> memref<64x128xf32, #tpu.memory_space<vmem_shared>>
      tpu.wait_dma2 semaphore(%run_scoped3A_137 : memref<!tpu.dma_semaphore, #tpu.memory_space<semaphore_mem>>) src(%dma_wait3A_145 : memref<64x128xf32, #tpu.memory_space<vmem_shared>>) dst(%arg8 : memref<64x128xf32, #tpu.memory_space<vmem>>)
      tpu.yield
    }) : () -> ()
    "tpu.region"() ({
      %run_scoped3A_137 = tpu.sem_alloc : memref<!tpu.dma_semaphore, #tpu.memory_space<semaphore_mem>>
      %dma_start3A_138 = arith.constant 0 : i32
      %dma_start3A_139 = tpu.memref_slice %arg5[%arg0, %add3A_132, %dma_start3A_138] : memref<2x10240x128xf32, #tpu.memory_space<hbm>> -> memref<1x64x128xf32, #tpu.memory_space<hbm>>
      %dma_start3A_140 = tpu.memref_squeeze %dma_start3A_139 : memref<1x64x128xf32, #tpu.memory_space<hbm>> -> memref<64x128xf32, #tpu.memory_space<hbm>>
      %dma_start3A_141 = arith.constant 0 : i32
      %dma_start3A_142 = tpu.memref_slice %arg5[%arg0, %add3A_132, %dma_start3A_141] : memref<2x10240x128xf32, #tpu.memory_space<hbm>> -> memref<1x64x128xf32, #tpu.memory_space<hbm>>
      %dma_start3A_143 = tpu.memref_squeeze %dma_start3A_142 : memref<1x64x128xf32, #tpu.memory_space<hbm>> -> memref<64x128xf32, #tpu.memory_space<hbm>>
      tpu.enqueue_dma source(%arg8 : memref<64x128xf32, #tpu.memory_space<vmem>>) target(%dma_start3A_143 : memref<64x128xf32, #tpu.memory_space<hbm>>) target_semaphore(%run_scoped3A_137 : memref<!tpu.dma_semaphore, #tpu.memory_space<semaphore_mem>>)
      %dma_wait3A_144 = arith.constant 0 : i32
      %dma_wait3A_145 = tpu.memref_slice %arg5[%arg0, %add3A_132, %dma_wait3A_144] : memref<2x10240x128xf32, #tpu.memory_space<hbm>> -> memref<1x64x128xf32, #tpu.memory_space<hbm>>
      %dma_wait3A_146 = tpu.memref_squeeze %dma_wait3A_145 : memref<1x64x128xf32, #tpu.memory_space<hbm>> -> memref<64x128xf32, #tpu.memory_space<hbm>>
      %dma_wait3A_147 = arith.constant 0 : i32
      %dma_wait3A_148 = tpu.memref_slice %arg5[%arg0, %add3A_132, %dma_wait3A_147] : memref<2x10240x128xf32, #tpu.memory_space<hbm>> -> memref<1x64x128xf32, #tpu.memory_space<hbm>>
      %dma_wait3A_149 = tpu.memref_squeeze %dma_wait3A_148 : memref<1x64x128xf32, #tpu.memory_space<hbm>> -> memref<64x128xf32, #tpu.memory_space<hbm>>
      tpu.wait_dma2 semaphore(%run_scoped3A_137 : memref<!tpu.dma_semaphore, #tpu.memory_space<semaphore_mem>>) src(%arg8 : memref<64x128xf32, #tpu.memory_space<vmem>>) dst(%dma_wait3A_149 : memref<64x128xf32, #tpu.memory_space<hbm>>)
      tpu.yield
    }) : () -> ()
    %mul3A_133 = arith.constant 640 : i32
    %mul3A_134 = arith.muli %arg1, %mul3A_133 : i32
    %add3A_135 = arith.constant 576 : i32
    %add3A_136 = arith.addi %mul3A_134, %add3A_135 : i32
    "tpu.region"() ({
      %run_scoped3A_137 = tpu.sem_alloc : memref<!tpu.dma_semaphore, #tpu.memory_space<semaphore_mem>>
      %dma_start3A_138 = arith.constant 0 : i32
      %dma_start3A_139 = tpu.memref_slice %arg11[%add3A_136, %dma_start3A_138] : memref<10240x128xf32, #tpu.memory_space<vmem_shared>> -> memref<64x128xf32, #tpu.memory_space<vmem_shared>>
      %dma_start3A_140 = arith.constant 0 : i32
      %dma_start3A_141 = tpu.memref_slice %arg11[%add3A_136, %dma_start3A_140] : memref<10240x128xf32, #tpu.memory_space<vmem_shared>> -> memref<64x128xf32, #tpu.memory_space<vmem_shared>>
      tpu.enqueue_dma source(%dma_start3A_141 : memref<64x128xf32, #tpu.memory_space<vmem_shared>>) target(%arg8 : memref<64x128xf32, #tpu.memory_space<vmem>>) target_semaphore(%run_scoped3A_137 : memref<!tpu.dma_semaphore, #tpu.memory_space<semaphore_mem>>)
      %dma_wait3A_142 = arith.constant 0 : i32
      %dma_wait3A_143 = tpu.memref_slice %arg11[%add3A_136, %dma_wait3A_142] : memref<10240x128xf32, #tpu.memory_space<vmem_shared>> -> memref<64x128xf32, #tpu.memory_space<vmem_shared>>
      %dma_wait3A_144 = arith.constant 0 : i32
      %dma_wait3A_145 = tpu.memref_slice %arg11[%add3A_136, %dma_wait3A_144] : memref<10240x128xf32, #tpu.memory_space<vmem_shared>> -> memref<64x128xf32, #tpu.memory_space<vmem_shared>>
      tpu.wait_dma2 semaphore(%run_scoped3A_137 : memref<!tpu.dma_semaphore, #tpu.memory_space<semaphore_mem>>) src(%dma_wait3A_145 : memref<64x128xf32, #tpu.memory_space<vmem_shared>>) dst(%arg8 : memref<64x128xf32, #tpu.memory_space<vmem>>)
      tpu.yield
    }) : () -> ()
    "tpu.region"() ({
      %run_scoped3A_137 = tpu.sem_alloc : memref<!tpu.dma_semaphore, #tpu.memory_space<semaphore_mem>>
      %dma_start3A_138 = arith.constant 0 : i32
      %dma_start3A_139 = tpu.memref_slice %arg5[%arg0, %add3A_136, %dma_start3A_138] : memref<2x10240x128xf32, #tpu.memory_space<hbm>> -> memref<1x64x128xf32, #tpu.memory_space<hbm>>
      %dma_start3A_140 = tpu.memref_squeeze %dma_start3A_139 : memref<1x64x128xf32, #tpu.memory_space<hbm>> -> memref<64x128xf32, #tpu.memory_space<hbm>>
      %dma_start3A_141 = arith.constant 0 : i32
      %dma_start3A_142 = tpu.memref_slice %arg5[%arg0, %add3A_136, %dma_start3A_141] : memref<2x10240x128xf32, #tpu.memory_space<hbm>> -> memref<1x64x128xf32, #tpu.memory_space<hbm>>
      %dma_start3A_143 = tpu.memref_squeeze %dma_start3A_142 : memref<1x64x128xf32, #tpu.memory_space<hbm>> -> memref<64x128xf32, #tpu.memory_space<hbm>>
      tpu.enqueue_dma source(%arg8 : memref<64x128xf32, #tpu.memory_space<vmem>>) target(%dma_start3A_143 : memref<64x128xf32, #tpu.memory_space<hbm>>) target_semaphore(%run_scoped3A_137 : memref<!tpu.dma_semaphore, #tpu.memory_space<semaphore_mem>>)
      %dma_wait3A_144 = arith.constant 0 : i32
      %dma_wait3A_145 = tpu.memref_slice %arg5[%arg0, %add3A_136, %dma_wait3A_144] : memref<2x10240x128xf32, #tpu.memory_space<hbm>> -> memref<1x64x128xf32, #tpu.memory_space<hbm>>
      %dma_wait3A_146 = tpu.memref_squeeze %dma_wait3A_145 : memref<1x64x128xf32, #tpu.memory_space<hbm>> -> memref<64x128xf32, #tpu.memory_space<hbm>>
      %dma_wait3A_147 = arith.constant 0 : i32
      %dma_wait3A_148 = tpu.memref_slice %arg5[%arg0, %add3A_136, %dma_wait3A_147] : memref<2x10240x128xf32, #tpu.memory_space<hbm>> -> memref<1x64x128xf32, #tpu.memory_space<hbm>>
      %dma_wait3A_149 = tpu.memref_squeeze %dma_wait3A_148 : memref<1x64x128xf32, #tpu.memory_space<hbm>> -> memref<64x128xf32, #tpu.memory_space<hbm>>
      tpu.wait_dma2 semaphore(%run_scoped3A_137 : memref<!tpu.dma_semaphore, #tpu.memory_space<semaphore_mem>>) src(%arg8 : memref<64x128xf32, #tpu.memory_space<vmem>>) dst(%dma_wait3A_149 : memref<64x128xf32, #tpu.memory_space<hbm>>)
      tpu.yield
    }) : () -> ()
    return
  }
}

module attributes {stable_mosaic.version = 14 : i64} {
  func.func @_tc_a_body(%arg0: i32, %arg1: memref<2x1000x16xf32, #tpu.memory_space<vmem>>, %arg2: memref<1000x128xf32, #tpu.memory_space<vmem>>, %arg3: memref<1000x1xf32, #tpu.memory_space<vmem>>, %arg4: memref<1000x128xf32, #tpu.memory_space<vmem>>) attributes {dimension_semantics = [#tpu.dimension_semantics<arbitrary>], iteration_bounds = array<i64: 10>, scalar_prefetch = 0 : i64, scratch_operands = 0 : i64, tpu.core_type = #tpu.core_type<tc>, window_params = [{transform_indices = @transform_0, window_bounds = array<i64: 2, 1000, 16>}, {transform_indices = @transform_1, window_bounds = array<i64: 1000, 128>}, {transform_indices = @transform_2, window_bounds = array<i64: 1000, 1>}, {transform_indices = @transform_3, window_bounds = array<i64: 1000, 128>}]} {
    %get3A = arith.constant 0 : index
    %get3A_0 = arith.constant 0 : index
    %get3A_1 = arith.constant 0 : index
    %get3A_2 = vector.load %arg1[%get3A, %get3A_0, %get3A_1] : memref<2x1000x16xf32, #tpu.memory_space<vmem>>, vector<1x1000x1xf32>
    %get3A_3 = vector.shape_cast %get3A_2 : vector<1x1000x1xf32> to vector<1000xf32>
    %get3A_4 = arith.constant 1 : index
    %get3A_5 = arith.constant 0 : index
    %get3A_6 = arith.constant 0 : index
    %get3A_7 = vector.load %arg1[%get3A_4, %get3A_5, %get3A_6] : memref<2x1000x16xf32, #tpu.memory_space<vmem>>, vector<1x1000x1xf32>
    %get3A_8 = vector.shape_cast %get3A_7 : vector<1x1000x1xf32> to vector<1000xf32>
    %add3A = arith.addf %get3A_3, %get3A_8 : vector<1000xf32>
    %add3A_9 = arith.constant 1.000000e+00 : f32
    %add3A_10 = vector.broadcast %add3A_9 : f32 to vector<1000xf32>
    %add3A_11 = arith.addf %add3A, %add3A_10 : vector<1000xf32>
    %rsqrt3A = math.rsqrt %add3A_11 : vector<1000xf32>
    %broadcast_in_dim3A = vector.shape_cast %rsqrt3A : vector<1000xf32> to vector<1000x1xf32>
    %swap3A = arith.constant 0 : index
    %swap3A_12 = arith.constant 0 : index
    %swap3A_13 = vector.load %arg3[%swap3A, %swap3A_12] : memref<1000x1xf32, #tpu.memory_space<vmem>>, vector<1000x1xf32>
    tpu.vector_store %arg3[%swap3A, %swap3A_12], %broadcast_in_dim3A {strides = array<i32>} : memref<1000x1xf32, #tpu.memory_space<vmem>>, vector<1000x1xf32>,
    %get3A_14 = arith.constant 0 : index
    %get3A_15 = arith.constant 0 : index
    %get3A_16 = vector.load %arg2[%get3A_14, %get3A_15] : memref<1000x128xf32, #tpu.memory_space<vmem>>, vector<1000x128xf32>
    %mul3A = vector.broadcast %broadcast_in_dim3A : vector<1000x1xf32> to vector<1000x128xf32>
    %mul3A_17 = arith.mulf %get3A_16, %mul3A : vector<1000x128xf32>
    %swap3A_18 = arith.constant 0 : index
    %swap3A_19 = arith.constant 0 : index
    %swap3A_20 = vector.load %arg4[%swap3A_18, %swap3A_19] : memref<1000x128xf32, #tpu.memory_space<vmem>>, vector<1000x128xf32>
    tpu.vector_store %arg4[%swap3A_18, %swap3A_19], %mul3A_17 {strides = array<i32>} : memref<1000x128xf32, #tpu.memory_space<vmem>>, vector<1000x128xf32>,
    return
  }
  func.func @transform_0(%arg0: i32) -> (i32, i32, i32) {
    %c0_i32 = arith.constant 0 : i32
    %c0_i32_0 = arith.constant 0 : i32
    %c0_i32_1 = arith.constant 0 : i32
    return %c0_i32, %arg0, %c0_i32_0 : i32, i32, i32
  }
  func.func @transform_1(%arg0: i32) -> (i32, i32) {
    %c0_i32 = arith.constant 0 : i32
    %c0_i32_0 = arith.constant 0 : i32
    return %arg0, %c0_i32 : i32, i32
  }
  func.func @transform_2(%arg0: i32) -> (i32, i32) {
    %c0_i32 = arith.constant 0 : i32
    %c0_i32_0 = arith.constant 0 : i32
    return %arg0, %c0_i32 : i32, i32
  }
  func.func @transform_3(%arg0: i32) -> (i32, i32) {
    %c0_i32 = arith.constant 0 : i32
    %c0_i32_0 = arith.constant 0 : i32
    return %arg0, %c0_i32 : i32, i32
  }
}

module attributes {stable_mosaic.version = 14 : i64} {
  func.func @_tc_b_body(%arg0: i32, %arg1: memref<2x1000x128xf32, #tpu.memory_space<vmem>>, %arg2: memref<1000x128xf32, #tpu.memory_space<vmem>>, %arg3: memref<1000x1xf32, #tpu.memory_space<vmem>>, %arg4: memref<128x256xf32, #tpu.memory_space<vmem>>, %arg5: memref<1x256xf32, #tpu.memory_space<vmem>>, %arg6: memref<256x128xf32, #tpu.memory_space<vmem>>, %arg7: memref<1000x128xf32, #tpu.memory_space<vmem>>) attributes {dimension_semantics = [#tpu.dimension_semantics<arbitrary>], iteration_bounds = array<i64: 10>, scalar_prefetch = 0 : i64, scratch_operands = 0 : i64, tpu.core_type = #tpu.core_type<tc>, window_params = [{transform_indices = @transform_0, window_bounds = array<i64: 2, 1000, 128>}, {transform_indices = @transform_1, window_bounds = array<i64: 1000, 128>}, {transform_indices = @transform_2, window_bounds = array<i64: 1000, 1>}, {pipeline_mode = #tpu.pipeline_mode<synchronous>, transform_indices = @transform_3, window_bounds = array<i64: 128, 256>}, {pipeline_mode = #tpu.pipeline_mode<synchronous>, transform_indices = @transform_4, window_bounds = array<i64: 1, 256>}, {pipeline_mode = #tpu.pipeline_mode<synchronous>, transform_indices = @transform_5, window_bounds = array<i64: 256, 128>}, {transform_indices = @transform_6, window_bounds = array<i64: 1000, 128>}]} {
    %get3A = arith.constant 0 : index
    %get3A_0 = arith.constant 0 : index
    %get3A_1 = vector.load %arg3[%get3A, %get3A_0] : memref<1000x1xf32, #tpu.memory_space<vmem>>, vector<1000x1xf32>
    %get3A_2 = arith.constant 0 : index
    %get3A_3 = arith.constant 0 : index
    %get3A_4 = arith.constant 0 : index
    %get3A_5 = vector.load %arg1[%get3A_2, %get3A_3, %get3A_4] : memref<2x1000x128xf32, #tpu.memory_space<vmem>>, vector<1x1000x128xf32>
    %get3A_6 = vector.shape_cast %get3A_5 : vector<1x1000x128xf32> to vector<1000x128xf32>
    %get3A_7 = arith.constant 1 : index
    %get3A_8 = arith.constant 0 : index
    %get3A_9 = arith.constant 0 : index
    %get3A_10 = vector.load %arg1[%get3A_7, %get3A_8, %get3A_9] : memref<2x1000x128xf32, #tpu.memory_space<vmem>>, vector<1x1000x128xf32>
    %get3A_11 = vector.shape_cast %get3A_10 : vector<1x1000x128xf32> to vector<1000x128xf32>
    %add3A = arith.addf %get3A_6, %get3A_11 : vector<1000x128xf32>
    %get3A_12 = arith.constant 0 : index
    %get3A_13 = arith.constant 0 : index
    %get3A_14 = vector.load %arg2[%get3A_12, %get3A_13] : memref<1000x128xf32, #tpu.memory_space<vmem>>, vector<1000x128xf32>
    %add3A_15 = arith.addf %add3A, %get3A_14 : vector<1000x128xf32>
    %mul3A = vector.broadcast %get3A_1 : vector<1000x1xf32> to vector<1000x128xf32>
    %mul3A_16 = arith.mulf %mul3A, %add3A_15 : vector<1000x128xf32>
    %get3A_17 = arith.constant 0 : index
    %get3A_18 = arith.constant 0 : index
    %get3A_19 = vector.load %arg4[%get3A_17, %get3A_18] : memref<128x256xf32, #tpu.memory_space<vmem>>, vector<128x256xf32>
    %dot_general3A = arith.constant dense<0.000000e+00> : vector<1000x256xf32>
    %dot_general3A_20 = tpu.matmul %mul3A_16, %get3A_19, %dot_general3A {dimension_numbers = #tpu.dot_dimension_numbers<[1], [0], [0], [1], [0, 0, 1, 1], [], []>, transpose_lhs_hint = false} : vector<1000x128xf32>, vector<128x256xf32>, vector<1000x256xf32> -> vector<1000x256xf32>
    %get3A_21 = arith.constant 0 : index
    %get3A_22 = arith.constant 0 : index
    %get3A_23 = vector.load %arg5[%get3A_21, %get3A_22] : memref<1x256xf32, #tpu.memory_space<vmem>>, vector<1x256xf32>
    %add3A_24 = vector.broadcast %get3A_23 : vector<1x256xf32> to vector<1000x256xf32>
    %add3A_25 = arith.addf %dot_general3A_20, %add3A_24 : vector<1000x256xf32>
    %max3A = arith.constant 0.000000e+00 : f32
    %max3A_26 = vector.broadcast %max3A : f32 to vector<1000x256xf32>
    %max3A_27 = arith.maximumf %add3A_25, %max3A_26 : vector<1000x256xf32>
    %get3A_28 = arith.constant 0 : index
    %get3A_29 = arith.constant 0 : index
    %get3A_30 = vector.load %arg6[%get3A_28, %get3A_29] : memref<256x128xf32, #tpu.memory_space<vmem>>, vector<256x128xf32>
    %dot_general3A_31 = arith.constant dense<0.000000e+00> : vector<1000x128xf32>
    %dot_general3A_32 = tpu.matmul %max3A_27, %get3A_30, %dot_general3A_31 {dimension_numbers = #tpu.dot_dimension_numbers<[1], [0], [0], [1], [0, 0, 1, 1], [], []>, transpose_lhs_hint = false} : vector<1000x256xf32>, vector<256x128xf32>, vector<1000x128xf32> -> vector<1000x128xf32>
    %mul3A_33 = vector.broadcast %get3A_1 : vector<1000x1xf32> to vector<1000x128xf32>
    %mul3A_34 = arith.mulf %mul3A_33, %dot_general3A_32 : vector<1000x128xf32>
    %swap3A = arith.constant 0 : index
    %swap3A_35 = arith.constant 0 : index
    %swap3A_36 = vector.load %arg7[%swap3A, %swap3A_35] : memref<1000x128xf32, #tpu.memory_space<vmem>>, vector<1000x128xf32>
    tpu.vector_store %arg7[%swap3A, %swap3A_35], %mul3A_34 {strides = array<i32>} : memref<1000x128xf32, #tpu.memory_space<vmem>>, vector<1000x128xf32>,
    return
  }
  func.func @transform_0(%arg0: i32) -> (i32, i32, i32) {
    %c0_i32 = arith.constant 0 : i32
    %c0_i32_0 = arith.constant 0 : i32
    %c0_i32_1 = arith.constant 0 : i32
    return %c0_i32, %arg0, %c0_i32_0 : i32, i32, i32
  }
  func.func @transform_1(%arg0: i32) -> (i32, i32) {
    %c0_i32 = arith.constant 0 : i32
    %c0_i32_0 = arith.constant 0 : i32
    return %arg0, %c0_i32 : i32, i32
  }
  func.func @transform_2(%arg0: i32) -> (i32, i32) {
    %c0_i32 = arith.constant 0 : i32
    %c0_i32_0 = arith.constant 0 : i32
    return %arg0, %c0_i32 : i32, i32
  }
  func.func @transform_3(%arg0: i32) -> (i32, i32) {
    %c0_i32 = arith.constant 0 : i32
    %c0_i32_0 = arith.constant 0 : i32
    %c0_i32_1 = arith.constant 0 : i32
    return %c0_i32, %c0_i32_0 : i32, i32
  }
  func.func @transform_4(%arg0: i32) -> (i32, i32) {
    %c0_i32 = arith.constant 0 : i32
    %c0_i32_0 = arith.constant 0 : i32
    %c0_i32_1 = arith.constant 0 : i32
    return %c0_i32, %c0_i32_0 : i32, i32
  }
  func.func @transform_5(%arg0: i32) -> (i32, i32) {
    %c0_i32 = arith.constant 0 : i32
    %c0_i32_0 = arith.constant 0 : i32
    %c0_i32_1 = arith.constant 0 : i32
    return %c0_i32, %c0_i32_0 : i32, i32
  }
  func.func @transform_6(%arg0: i32) -> (i32, i32) {
    %c0_i32 = arith.constant 0 : i32
    %c0_i32_0 = arith.constant 0 : i32
    return %arg0, %c0_i32 : i32, i32
  }
}

module attributes {stable_mosaic.version = 14 : i64} {
  func.func @_tc_c_body(%arg0: i32, %arg1: memref<2x1000x128xf32, #tpu.memory_space<vmem>>, %arg2: memref<1000x128xf32, #tpu.memory_space<vmem>>, %arg3: memref<1000x1xf32, #tpu.memory_space<vmem>>, %arg4: memref<1x128xf32, #tpu.memory_space<vmem>>, %arg5: memref<128x16xf32, #tpu.memory_space<vmem>>, %arg6: memref<1000x16xf32, #tpu.memory_space<vmem>>) attributes {dimension_semantics = [#tpu.dimension_semantics<arbitrary>], iteration_bounds = array<i64: 10>, scalar_prefetch = 0 : i64, scratch_operands = 0 : i64, tpu.core_type = #tpu.core_type<tc>, window_params = [{transform_indices = @transform_0, window_bounds = array<i64: 2, 1000, 128>}, {transform_indices = @transform_1, window_bounds = array<i64: 1000, 128>}, {transform_indices = @transform_2, window_bounds = array<i64: 1000, 1>}, {pipeline_mode = #tpu.pipeline_mode<synchronous>, transform_indices = @transform_3, window_bounds = array<i64: 1, 128>}, {pipeline_mode = #tpu.pipeline_mode<synchronous>, transform_indices = @transform_4, window_bounds = array<i64: 128, 16>}, {transform_indices = @transform_5, window_bounds = array<i64: 1000, 16>}]} {
    %get3A = arith.constant 0 : index
    %get3A_0 = arith.constant 0 : index
    %get3A_1 = vector.load %arg3[%get3A, %get3A_0] : memref<1000x1xf32, #tpu.memory_space<vmem>>, vector<1000x1xf32>
    %get3A_2 = arith.constant 0 : index
    %get3A_3 = arith.constant 0 : index
    %get3A_4 = arith.constant 0 : index
    %get3A_5 = vector.load %arg1[%get3A_2, %get3A_3, %get3A_4] : memref<2x1000x128xf32, #tpu.memory_space<vmem>>, vector<1x1000x128xf32>
    %get3A_6 = vector.shape_cast %get3A_5 : vector<1x1000x128xf32> to vector<1000x128xf32>
    %get3A_7 = arith.constant 1 : index
    %get3A_8 = arith.constant 0 : index
    %get3A_9 = arith.constant 0 : index
    %get3A_10 = vector.load %arg1[%get3A_7, %get3A_8, %get3A_9] : memref<2x1000x128xf32, #tpu.memory_space<vmem>>, vector<1x1000x128xf32>
    %get3A_11 = vector.shape_cast %get3A_10 : vector<1x1000x128xf32> to vector<1000x128xf32>
    %add3A = arith.addf %get3A_6, %get3A_11 : vector<1000x128xf32>
    %get3A_12 = arith.constant 0 : index
    %get3A_13 = arith.constant 0 : index
    %get3A_14 = vector.load %arg2[%get3A_12, %get3A_13] : memref<1000x128xf32, #tpu.memory_space<vmem>>, vector<1000x128xf32>
    %add3A_15 = arith.addf %add3A, %get3A_14 : vector<1000x128xf32>
    %mul3A = vector.broadcast %get3A_1 : vector<1000x1xf32> to vector<1000x128xf32>
    %mul3A_16 = arith.mulf %mul3A, %add3A_15 : vector<1000x128xf32>
    %get3A_17 = arith.constant 0 : index
    %get3A_18 = arith.constant 0 : index
    %get3A_19 = vector.load %arg4[%get3A_17, %get3A_18] : memref<1x128xf32, #tpu.memory_space<vmem>>, vector<1x128xf32>
    %add3A_20 = vector.broadcast %get3A_19 : vector<1x128xf32> to vector<1000x128xf32>
    %add3A_21 = arith.addf %mul3A_16, %add3A_20 : vector<1000x128xf32>
    %max3A = arith.constant 0.000000e+00 : f32
    %max3A_22 = vector.broadcast %max3A : f32 to vector<1000x128xf32>
    %max3A_23 = arith.maximumf %add3A_21, %max3A_22 : vector<1000x128xf32>
    %get3A_24 = arith.constant 0 : index
    %get3A_25 = arith.constant 0 : index
    %get3A_26 = vector.load %arg5[%get3A_24, %get3A_25] : memref<128x16xf32, #tpu.memory_space<vmem>>, vector<128x16xf32>
    %dot_general3A = arith.constant dense<0.000000e+00> : vector<1000x16xf32>
    %dot_general3A_27 = tpu.matmul %max3A_23, %get3A_26, %dot_general3A {dimension_numbers = #tpu.dot_dimension_numbers<[1], [0], [0], [1], [0, 0, 1, 1], [], []>, transpose_lhs_hint = false} : vector<1000x128xf32>, vector<128x16xf32>, vector<1000x16xf32> -> vector<1000x16xf32>
    %mul3A_28 = vector.broadcast %get3A_1 : vector<1000x1xf32> to vector<1000x16xf32>
    %mul3A_29 = arith.mulf %mul3A_28, %dot_general3A_27 : vector<1000x16xf32>
    %swap3A = arith.constant 0 : index
    %swap3A_30 = arith.constant 0 : index
    %swap3A_31 = vector.load %arg6[%swap3A, %swap3A_30] : memref<1000x16xf32, #tpu.memory_space<vmem>>, vector<1000x16xf32>
    tpu.vector_store %arg6[%swap3A, %swap3A_30], %mul3A_29 {strides = array<i32>} : memref<1000x16xf32, #tpu.memory_space<vmem>>, vector<1000x16xf32>,
    return
  }
  func.func @transform_0(%arg0: i32) -> (i32, i32, i32) {
    %c0_i32 = arith.constant 0 : i32
    %c0_i32_0 = arith.constant 0 : i32
    %c0_i32_1 = arith.constant 0 : i32
    return %c0_i32, %arg0, %c0_i32_0 : i32, i32, i32
  }
  func.func @transform_1(%arg0: i32) -> (i32, i32) {
    %c0_i32 = arith.constant 0 : i32
    %c0_i32_0 = arith.constant 0 : i32
    return %arg0, %c0_i32 : i32, i32
  }
  func.func @transform_2(%arg0: i32) -> (i32, i32) {
    %c0_i32 = arith.constant 0 : i32
    %c0_i32_0 = arith.constant 0 : i32
    return %arg0, %c0_i32 : i32, i32
  }
  func.func @transform_3(%arg0: i32) -> (i32, i32) {
    %c0_i32 = arith.constant 0 : i32
    %c0_i32_0 = arith.constant 0 : i32
    %c0_i32_1 = arith.constant 0 : i32
    return %c0_i32, %c0_i32_0 : i32, i32
  }
  func.func @transform_4(%arg0: i32) -> (i32, i32) {
    %c0_i32 = arith.constant 0 : i32
    %c0_i32_0 = arith.constant 0 : i32
    %c0_i32_1 = arith.constant 0 : i32
    return %c0_i32, %c0_i32_0 : i32, i32
  }
  func.func @transform_5(%arg0: i32) -> (i32, i32) {
    %c0_i32 = arith.constant 0 : i32
    %c0_i32_0 = arith.constant 0 : i32
    return %arg0, %c0_i32 : i32, i32
  }
}

module attributes {stable_mosaic.version = 14 : i64} {
  func.func @_tc_d_body(%arg0: i32, %arg1: memref<2x1000x16xf32, #tpu.memory_space<vmem>>, %arg2: memref<1000x16xf32, #tpu.memory_space<vmem>>, %arg3: memref<1000x1xf32, #tpu.memory_space<vmem>>, %arg4: memref<1x16xf32, #tpu.memory_space<vmem>>, %arg5: memref<1000x16xf32, #tpu.memory_space<vmem>>) attributes {dimension_semantics = [#tpu.dimension_semantics<arbitrary>], iteration_bounds = array<i64: 10>, scalar_prefetch = 0 : i64, scratch_operands = 0 : i64, tpu.core_type = #tpu.core_type<tc>, window_params = [{transform_indices = @transform_0, window_bounds = array<i64: 2, 1000, 16>}, {transform_indices = @transform_1, window_bounds = array<i64: 1000, 16>}, {transform_indices = @transform_2, window_bounds = array<i64: 1000, 1>}, {pipeline_mode = #tpu.pipeline_mode<synchronous>, transform_indices = @transform_3, window_bounds = array<i64: 1, 16>}, {transform_indices = @transform_4, window_bounds = array<i64: 1000, 16>}]} {
    %get3A = arith.constant 0 : index
    %get3A_0 = arith.constant 0 : index
    %get3A_1 = vector.load %arg3[%get3A, %get3A_0] : memref<1000x1xf32, #tpu.memory_space<vmem>>, vector<1000x1xf32>
    %get3A_2 = arith.constant 0 : index
    %get3A_3 = arith.constant 0 : index
    %get3A_4 = arith.constant 0 : index
    %get3A_5 = vector.load %arg1[%get3A_2, %get3A_3, %get3A_4] : memref<2x1000x16xf32, #tpu.memory_space<vmem>>, vector<1x1000x16xf32>
    %get3A_6 = vector.shape_cast %get3A_5 : vector<1x1000x16xf32> to vector<1000x16xf32>
    %get3A_7 = arith.constant 1 : index
    %get3A_8 = arith.constant 0 : index
    %get3A_9 = arith.constant 0 : index
    %get3A_10 = vector.load %arg1[%get3A_7, %get3A_8, %get3A_9] : memref<2x1000x16xf32, #tpu.memory_space<vmem>>, vector<1x1000x16xf32>
    %get3A_11 = vector.shape_cast %get3A_10 : vector<1x1000x16xf32> to vector<1000x16xf32>
    %add3A = arith.addf %get3A_6, %get3A_11 : vector<1000x16xf32>
    %get3A_12 = arith.constant 0 : index
    %get3A_13 = arith.constant 0 : index
    %get3A_14 = vector.load %arg2[%get3A_12, %get3A_13] : memref<1000x16xf32, #tpu.memory_space<vmem>>, vector<1000x16xf32>
    %add3A_15 = arith.addf %add3A, %get3A_14 : vector<1000x16xf32>
    %mul3A = vector.broadcast %get3A_1 : vector<1000x1xf32> to vector<1000x16xf32>
    %mul3A_16 = arith.mulf %mul3A, %add3A_15 : vector<1000x16xf32>
    %get3A_17 = arith.constant 0 : index
    %get3A_18 = arith.constant 0 : index
    %get3A_19 = vector.load %arg4[%get3A_17, %get3A_18] : memref<1x16xf32, #tpu.memory_space<vmem>>, vector<1x16xf32>
    %add3A_20 = vector.broadcast %get3A_19 : vector<1x16xf32> to vector<1000x16xf32>
    %add3A_21 = arith.addf %mul3A_16, %add3A_20 : vector<1000x16xf32>
    %iota3A = tpu.iota {dimensions = array<i32: 1>} : vector<1000x16xi32>
    %lt3A = arith.constant 2 : i32
    %lt3A_22 = vector.broadcast %lt3A : i32 to vector<1000x16xi32>
    %lt3A_23 = arith.cmpi slt, %iota3A, %lt3A_22 : vector<1000x16xi32>
    %jit3A = arith.constant 0xFF800000 : f32
    %broadcast_in_dim3A = vector.broadcast %jit3A : f32 to vector<1000x16xf32>
    %select_n3A = arith.select %lt3A_23, %add3A_21, %broadcast_in_dim3A : vector<1000x16xi1>, vector<1000x16xf32>
    %reduce_max3A = arith.constant dense<0xFF800000> : vector<1000xf32>
    %reduce_max3A_24 = vector.multi_reduction <maximumf>, %select_n3A, %reduce_max3A [1] : vector<1000x16xf32> to vector<1000xf32>
    %broadcast_in_dim3A_25 = vector.shape_cast %reduce_max3A_24 : vector<1000xf32> to vector<1000x1xf32>
    %sub3A = vector.broadcast %broadcast_in_dim3A_25 : vector<1000x1xf32> to vector<1000x16xf32>
    %sub3A_26 = arith.subf %add3A_21, %sub3A : vector<1000x16xf32>
    %exp3A = math.exp %sub3A_26 : vector<1000x16xf32>
    %jit3A_27 = arith.constant 0.000000e+00 : f32
    %broadcast_in_dim3A_28 = vector.broadcast %jit3A_27 : f32 to vector<1000x16xf32>
    %select_n3A_29 = arith.select %lt3A_23, %exp3A, %broadcast_in_dim3A_28 : vector<1000x16xi1>, vector<1000x16xf32>
    %reduce_sum3A = arith.constant dense<0.000000e+00> : vector<1000xf32>
    %reduce_sum3A_30 = vector.multi_reduction <add>, %select_n3A_29, %reduce_sum3A [1] : vector<1000x16xf32> to vector<1000xf32>
    %broadcast_in_dim3A_31 = vector.shape_cast %reduce_sum3A_30 : vector<1000xf32> to vector<1000x1xf32>
    %sub3A_32 = vector.broadcast %broadcast_in_dim3A_25 : vector<1000x1xf32> to vector<1000x16xf32>
    %sub3A_33 = arith.subf %add3A_21, %sub3A_32 : vector<1000x16xf32>
    %log3A = math.log %broadcast_in_dim3A_31 : vector<1000x1xf32>
    %sub3A_34 = vector.broadcast %log3A : vector<1000x1xf32> to vector<1000x16xf32>
    %sub3A_35 = arith.subf %sub3A_33, %sub3A_34 : vector<1000x16xf32>
    %swap3A = arith.constant 0 : index
    %swap3A_36 = arith.constant 0 : index
    %swap3A_37 = vector.load %arg5[%swap3A, %swap3A_36] : memref<1000x16xf32, #tpu.memory_space<vmem>>, vector<1000x16xf32>
    tpu.vector_store %arg5[%swap3A, %swap3A_36], %sub3A_35 {strides = array<i32>} : memref<1000x16xf32, #tpu.memory_space<vmem>>, vector<1000x16xf32>,
    return
  }
  func.func @transform_0(%arg0: i32) -> (i32, i32, i32) {
    %c0_i32 = arith.constant 0 : i32
    %c0_i32_0 = arith.constant 0 : i32
    %c0_i32_1 = arith.constant 0 : i32
    return %c0_i32, %arg0, %c0_i32_0 : i32, i32, i32
  }
  func.func @transform_1(%arg0: i32) -> (i32, i32) {
    %c0_i32 = arith.constant 0 : i32
    %c0_i32_0 = arith.constant 0 : i32
    return %arg0, %c0_i32 : i32, i32
  }
  func.func @transform_2(%arg0: i32) -> (i32, i32) {
    %c0_i32 = arith.constant 0 : i32
    %c0_i32_0 = arith.constant 0 : i32
    return %arg0, %c0_i32 : i32, i32
  }
  func.func @transform_3(%arg0: i32) -> (i32, i32) {
    %c0_i32 = arith.constant 0 : i32
    %c0_i32_0 = arith.constant 0 : i32
    %c0_i32_1 = arith.constant 0 : i32
    return %c0_i32, %c0_i32_0 : i32, i32
  }
  func.func @transform_4(%arg0: i32) -> (i32, i32) {
    %c0_i32 = arith.constant 0 : i32
    %c0_i32_0 = arith.constant 0 : i32
    return %arg0, %c0_i32 : i32, i32
  }
}

</mosaic_0001>

<sc_bundles>
// kernel: kernel.10.cloned.1.call-start
scs
__scs_entry_jumppad:
0x0: {  	(pc) =	sbr.rel $0x88, $3  }
0x1: {  	(tag) =	ssettag $0x0;
	lr =	simm.s32 $0x1  }
0x2: {  	[smem:$0x3F99] =	sst lr;
	_ =	strace $0xD0000000  }
0x3: {  	_ = 	snop  }
0x4: {  	_ = 	snop  }
0x5: {  	_ = 	snop  }
0x6: {  	_ = 	snop  }
0x7: {  	_ = 	snop  }
__scs_overlays_trampoline_lowered:
0x8: {  	[smem:$0x3FA8] =	sst s0  }
0x9: {  	[smem:$0x3FA9] =	sst s1  }
0xa: {  	[smem:$0x3FAA] =	sst s2  }
0xb: {  	[smem:$0x3FAB] =	sst s3  }
0xc: {  	[smem:$0x3FAC] =	sst s4  }
0xd: {  	[smem:$0x3FAD] =	sst s5  }
0xe: {  	[smem:$0x3FAE] =	sst s6  }
0xf: {  	[smem:$0x3FAF] =	sst s7  }
0x10: {  	[smem:$0x3FB0] =	sst s8  }
0x11: {  	[smem:$0x3FB1] =	sst s9;
	s0 =	simm.s32 @!p0 $0x0  }
0x12: {  	s1 =	sld [smem:$0x3F97];
	s0 =	simm.s32 @p0 $0x1  }
0x13: {  	[smem:$0x3FB2] =	sst s0;
	s0 =	simm.s32 @!p1 $0x0  }
0x14: {  	s2 =	sld [smem:$0x3F96];
	s0 =	simm.s32 @p1 $0x1  }
0x15: {  	[smem:$0x3FB3] =	sst s0;
	s0 =	simm.s32 @!p2 $0x0  }
0x16: {  	s3 =	sld [smem:$0x3FDB];
	s0 =	simm.s32 @p2 $0x1  }
0x17: {  	s4 =	simm.s32 $0x1BF5;
	[smem:$0x3FB5] =	sst s0  }
0x18: {  	s0 =	sld [smem:$0x3F98];
	_ =	swait.ge [sflag:s4], $0x0  }
0x19: {  	s7 =	sld [smem:$0x3F99]  }
0x1a: {  	s8 =	sadd.s32 $0xFFFFE003, lr  }
0x1b: {  	s9 =	sadd.s32 $0xFFFFFEF7, lr;
	s5 =	simm.s32 $0xFFFFFFFF;
	p2 =	slt.u32 s8, $0xFFFFF086  }
0x1c: {  	p1 =	slt.u32 s9, $0xF7A;
	s5 =	simm.s32 @!p2 $0x0  }
0x1d: {  	s5 =	simm.s32 @p1 $0x1;
	p0 =	seq.s32 s7, s2  }
0x1e: {  	s7 =	smul.u32 @!p0 $0xF7A, s2;
	p2 =	seq.s32 @!p0 s5, $0x0  }
0x1f: {  	s9 =	smul.u32 $0xF7A, s1;
	s8 =	simm.s32 @!p0 $0x1BF5;
	p2 =	por !p2, p0  }
0x20: {  	[sflag:s8] =	ssyncset.s32 @!p0 $0xFFFFF086;
	s6 =	sadd.s32 @!p0 s3, s7;
	s7 =	simm.s32 @!p0 $0x108  }
0x21: {  	s3 =	sadd.s32 s3, s9;
	s6 =	sadd.s32 @!p0 $0x88, s6;
	s7 =	simm.s32 @p2 $0x1082  }
0x22: {  	[simem:s7], [sflag:s8] =	dma.local @!p0 [hbm:s6], $0xF7A  }
0x23: {  	s9 =	sor.u32 $0xD0000000, s2;
	s6 =	simm.s32 $0x108;
	_ =	swait.ge @!p0 [sflag:s8], $0x0  }
0x24: {  	s3 =	sadd.s32 $0x88, s3;
	s6 =	simm.s32 @!p1 $0x1082;
	[sflag:s4] =	ssyncset.s32 $0xFFFFF086  }
0x25: {  	[simem:s6], [sflag:s4] =	dma.local [hbm:s3], $0xF7A  }
0x26: {  	[smem:$0x3F99] =	sst s1;
	(tag) =	ssettag s2;
	_ =	strace s9  }
0x27: {  	s1 =	sld [smem:$0x3FA9]  }
0x28: {  	s2 =	sld [smem:$0x3FAA]  }
0x29: {  	s4 =	sld [smem:$0x3FAC]  }
0x2a: {  	p0 =	seq.s32 s5, $0x0;
	s5 =	sld [smem:$0x3FAD]  }
0x2b: {  	s6 =	sld [smem:$0x3FAE]  }
0x2c: {  	s7 =	sld [smem:$0x3FAF]  }
0x2d: {  	s3 =	simm.s32 $0x108;
	s8 =	sld [smem:$0x3FB0]  }
0x2e: {  	s3 =	simm.s32 @!p0 $0x1082;
	s9 =	sld [smem:$0x3FB1]  }
0x2f: {  	lr =	sadd.s32 s0, s3;
	s0 =	sld [smem:$0x3FA8]  }
0x30: {  	s3 =	sld [smem:$0x3FAB]  }
0x31: {  	[smem:$0x3FB4] =	sst s10  }
0x32: {  	s10 =	sld [smem:$0x3FB2];
	_ =	sdelay $0x3  }
0x33: {  	p0 =	seq.s32 s10, $0x1;
	s10 =	sld [smem:$0x3FB4];
	_ =	sdelay $0x3  }
0x34: {  	[smem:$0x3FB4] =	sst s10  }
0x35: {  	s10 =	sld [smem:$0x3FB3];
	_ =	sdelay $0x3  }
0x36: {  	p1 =	seq.s32 s10, $0x1;
	s10 =	sld [smem:$0x3FB4];
	_ =	sdelay $0x3  }
0x37: {  	[smem:$0x3FB4] =	sst s10  }
0x38: {  	s10 =	sld [smem:$0x3FB5]  }
0x39: {  	_ = 	snop;
	(pc) =	sbr.ind lr, $3  }
0x3a: {  	_ = 	snop  }
0x3b: {  	_ = 	snop  }
0x3c: {  	p2 =	seq.s32 s10, $0x1;
	s10 =	sld [smem:$0x3FB4]  }
0x3d: {  	_ =	shalt  }
0x3e: {  	_ =	shalt  }
0x3f: {  	_ =	shalt  }
0x40: {  	_ =	shalt  }
0x41: {  	_ =	shalt  }
0x42: {  	_ =	shalt  }
0x43: {  	_ =	shalt  }
0x44: {  	_ =	shalt  }
0x45: {  	_ =	shalt  }
0x46: {  	_ =	shalt  }
0x47: {  	_ =	shalt  }
0x48: {  	_ =	shalt  }
0x49: {  	_ =	shalt  }
0x4a: {  	_ =	shalt  }
0x4b: {  	_ =	shalt  }
0x4c: {  	_ =	shalt  }
0x4d: {  	_ =	shalt  }
0x4e: {  	_ =	shalt  }
0x4f: {  	_ =	shalt  }
0x50: {  	_ =	shalt  }
0x51: {  	_ =	shalt  }
0x52: {  	_ =	shalt  }
0x53: {  	_ =	shalt  }
0x54: {  	_ =	shalt  }
0x55: {  	_ =	shalt  }
0x56: {  	_ =	shalt  }
0x57: {  	_ =	shalt  }
0x58: {  	_ =	shalt  }
0x59: {  	_ =	shalt  }
0x5a: {  	_ =	shalt  }
0x5b: {  	_ =	shalt  }
0x5c: {  	_ =	shalt  }
0x5d: {  	_ =	shalt  }
0x5e: {  	_ =	shalt  }
0x5f: {  	_ =	shalt  }
0x60: {  	_ =	shalt  }
0x61: {  	_ =	shalt  }
0x62: {  	_ =	shalt  }
0x63: {  	_ =	shalt  }
0x64: {  	_ =	shalt  }
0x65: {  	_ =	shalt  }
0x66: {  	_ =	shalt  }
0x67: {  	_ =	shalt  }
0x68: {  	_ =	shalt  }
0x69: {  	_ =	shalt  }
0x6a: {  	_ =	shalt  }
0x6b: {  	_ =	shalt  }
0x6c: {  	_ =	shalt  }
0x6d: {  	_ =	shalt  }
0x6e: {  	_ =	shalt  }
0x6f: {  	_ =	shalt  }
0x70: {  	_ =	shalt  }
0x71: {  	_ =	shalt  }
0x72: {  	_ =	shalt  }
0x73: {  	_ =	shalt  }
0x74: {  	_ =	shalt  }
0x75: {  	_ =	shalt  }
0x76: {  	_ =	shalt  }
0x77: {  	_ =	shalt  }
0x78: {  	_ =	shalt  }
0x79: {  	_ =	shalt  }
0x7a: {  	_ =	shalt  }
0x7b: {  	_ =	shalt  }
0x7c: {  	_ =	shalt  }
0x7d: {  	_ =	shalt  }
0x7e: {  	_ =	shalt  }
0x7f: {  	_ =	shalt  }
0x80: {  	_ =	shalt  }
0x81: {  	_ =	shalt  }
0x82: {  	_ =	shalt  }
0x83: {  	_ =	shalt  }
0x84: {  	_ =	shalt  }
0x85: {  	_ =	shalt  }
0x86: {  	_ =	shalt  }
0x87: {  	_ =	shalt  }
.Lfunc_end0:
.L_simem_size_0:
called_computation_lowered:
.L_overlay_start_0:
0x88: {  	s2 =	sld [smem:$0x3FD9]  }
0x89: {  	s3 =	sld [smem:$0x3FFE];
	_ =	sdelay $0x1  }
0x8a: {  	s1 =	srdreg.scid  }
0x8b: {  	s0 =	sand.u32 $0x1, s1  }
0x8c: {  	s16 =	sshll.u32 s0, $0xA;
	s2 =	sadd.s32 s3, s2  }
0x8d: {  	s2 =	sadd.s32 s2, s16  }
0x8e: {  	[smem:$0x3FC0] =	sst s2  }
0x8f: {  	_ = 	snop  }
0x90: {  	(tm) =	ssettm $0x1  }
0x91: {  	s17 =	sld [smem:$0x3FFB];
	_ =	sdelay $0x3  }
0x92: {  	_ =	strace s17  }
0x93: {  	s2 =	sld [smem:$0x3FFC];
	_ =	sdelay $0x3  }
0x94: {  	_ =	strace s2  }
0x95: {  	s2 =	sld [smem:$0x3FFD];
	_ =	sdelay $0x3  }
0x96: {  	_ =	strace s2  }
0x97: {  	_ =	strace $0x8FFFFFFF  }
0x98: {  	s18 =	sld [smem:$0x3FDB];
	_ =	sdelay $0x1  }
0x99: {  	s19 =	simm.s32 $_scs_section_size  }
0x9a: {  	s4 =	simm.s32 $_size__tile_overlayer_lowered;
	s5 =	simm.s32 $_tile_overlayer_lowered  }
0x9b: {  	s22 =	simm.s32 $0x1BFF;
	s21 =	sshll.u32 s5, $0x1;
	s2 =	sadd.s32 s19, s18  }
0x9c: {  	s6 =	simm.s32 $0x0;
	s20 =	sshll.u32 s4, $0x1;
	s4 =	sadd.s32 s21, s2  }
0x9d: {  	[timem:s6], [sflag:s22] =	dma.local [hbm:s4], s20  }
0x9e: {  	_ =	swait.ge [sflag:s22], s20  }
0x9f: {  	s3 =	ssub.s32 $0x0, s20;
	[sflag:s22] =	ssyncset.done $0x0  }
0xa0: {  	[sflag:s22] =	ssyncadd.s32 s3;
	_ =	sdelay $0x1  }
0xa1: {  	s23 =	simm.s32 $0x1B8B  }
0xa2: {  	_ =	swait.ge [sflag:s23], $0x1  }
0xa3: {  	[sflag:s23] =	ssyncset.done $0x0  }
0xa4: {  	s25 =	simm.s32 $0x1B8E;
	s24 =	sld [smem:$0x3FFE];
	[sflag:s23] =	ssyncadd.s32 $0xFFFFFFFF  }
0xa5: {  	s26 =	simm.s32 $execute0_lowered;
	[smem:$0x3FD2] =	sst s25  }
0xa6: {  	s4 =	sshll.u32 s26, $0x1;
	_ =	strace $0x80000046;
	[dreg:$0x1] =	wrdreg $0xFFFFFFFF  }
0xa7: {  	s28 =	simm.s32 $_size_execute0_lowered;
	s2 =	sadd.s32 s2, s4;
	[dreg:$0x0] =	wrdreg $0x0  }
0xa8: {  	s4 =	sshll.u32 s28, $0x1;
	[dreg:$0x2] =	wrdreg s2  }
0xa9: {  	[dreg:$0x3] =	wrdreg s4  }
0xaa: {  	[dreg:$0x4] =	wrdreg $0xC0  }
0xab: {  	_ =	task [dreg:s6], $0x5FFFF  }
0xac: {  	[dreg:$0x1] =	wrdreg $0xFFFFFFFF  }
0xad: {  	[dreg:$0x0] =	wrdreg $0x60  }
0xae: {  	[dreg:$0x2] =	wrdreg s24  }
0xaf: {  	[dreg:$0x3] =	wrdreg $0x38800  }
0xb0: {  	[dreg:$0x4] =	wrdreg $0x9  }
0xb1: {  	_ =	task.clear_ibuf [dreg:s6], $0x5FFFF;
	_ =	strace $0x90000046  }
0xb2: {  	s29 =	simm.s32 $0x9;
	_ =	strace $0x80000048  }
0xb3: {  	_ =	swait.ge [sflag:s29], $0x1  }
0xb4: {  	[sflag:s29] =	ssyncadd.s32 $0xFFFFFFFF  }
0xb5: {  	_ =	strace $0x90000048  }
0xb6: {  	_ =	sfence  }
0xb7: {  	s30 =	sld [smem:$0x0];
	_ =	sdelay $0x2  }
0xb8: {  	s31 =	sshll.u32 s1, $0xD;
	s1 =	sshrl.u32 s1, $0x2  }
0xb9: {  	s3 =	sand.u32 $0x4000, s31;
	s1 =	sadd.s32 s1, s30  }
0xba: {  	s0 =	sor.u32 s3, s0;
	s1 =	sshll.u32 s1, $0x11  }
0xbb: {  	s0 =	sor.u32 s1, s0  }
0xbc: {  	s0 =	sadd.s32 $0x8F2B, s0  }
0xbd: {  	[sflag:s0] =	ssyncadd.remote.s32 $0x1  }
0xbe: {  	_ =	sfence.sel $0xFFFF  }
0xbf: {  	[dreg:$0x0] =	wrdreg $0xFFFFFFFF;
	(pc) =	sbr.abs _section_cstart, $3  }
0xc0: {  	[dreg:$0x1] =	wrdreg $0xFFFFFFFF  }
0xc1: {  	_ =	task.clear_ibuf [dreg:s6], $0x2FFFF;
	_ =	strace $0x9FFFFFFF  }
0xc2: {  	(tm) =	ssettm $0x7FFFFFFF  }
0xc3: {  	_ =	shalt  }
tec
execute0_lowered:
.L_overlay_start_1:
0x0: {  	(tag) =	ssettag $0x1  }
0x1: {  	s4 =	rddreg [dreg:$0x0];
	s1 =	srdreg.scid  }
0x2: {  	s0 =	stileid.u32;
	s2 =	rddreg [dreg:$0x1]  }
0x3: {  	s3 =	simm.s32 $0x0;
	s19 =	simm.s32 $0x2880;
	s20 =	simm.s32 $0x1  }
0x4: {  	s21 =	simm.s32 $0x2800;
	s6 =	sand.u32 $0x1, s1;
	s1 =	rddreg [dreg:$0x2]  }
0x5: {  	s22 =	simm.s32 $0x0;
	s5 =	sshll.u32 s0, $0x1;
	[smem:$0x7FF] =	sst s3  }
0x6: {  	s9 =	smul.u32 $0x2800, s0;
	s14 =	sadd.s32 $0x17A00, s4;
	s5 =	sor.u32 s6, s5  }
0x7: {  	_ =	strace $0x80000047;
	s7 =	ssub.s32 $0x2, s6;
	s12 =	smul.u32 $0x28000, s6  }
0x8: {  	s5 =	smul.u32 $0x510, s5;
	s8 =	sshrl.u32 s7, $0x1;
	s10 =	sadd.s32 $0x800, s9  }
0x9: {  	s13 =	sadd.s32 $0x1000, s9;
	s16 =	sadd.s32 $0x1800, s9;
	s17 =	sadd.s32 $0x2000, s9  }
0xa: {  	s15 =	ssub.s32 s7, s8;
	s6 =	sadd.s32 s10, s2;
	s7 =	sadd.s32 s13, s2  }
0xb: {  	s8 =	sadd.s32 s16, s2;
	s11 =	sadd.s32 s9, s12;
	s18 =	sadd.s32 s12, s10  }
0xc: {  	s13 =	sadd.s32 s12, s13;
	s16 =	sadd.s32 s12, s16;
	s5 =	sadd.s32 s5, s4  }
0xd: {  	s11 =	sshrl.u32 s11, $0x3;
	s30 =	sshrl.u32 s18, $0x3;
	s13 =	sshrl.u32 s13, $0x3  }
0xe: {  	s16 =	sshrl.u32 s16, $0x3;
	s15 =	smax.u32 s15, $0x1;
	s18 =	simm.s32 $0x80  }
0xf: {  	s4 =	sadd.s32 $0x3600, s5;
	s5 =	sadd.s32 s9, s2;
	s9 =	sadd.s32 s17, s2  }
0x10: {  	s10 =	sadd.s32 s14, s11;
	s11 =	sadd.s32 s14, s30;
	s17 =	sadd.s32 s12, s17  }
0x11: {  	s12 =	sadd.s32 s14, s13;
	s13 =	sadd.s32 s14, s16;
	s31 =	sshrl.u32 s17, $0x3  }
0x12: {  	v0 =	vimm.f32 $1.000000000e+00;
	v1 =	vimm.f32 $0.0e+00;
	s16 =	simm.s32 $0x2;
	s17 =	simm.s32 $0x3080;
	s14 =	sadd.s32 s14, s31  }
.LBB2_1:
0x13: {  	[tilespmem:s3], [sflag:$0x2] =	stream.linear.gather [hbm4b:s4+s3], $0x2880, $0x38;
	[tilespmem:$0x6080] =	vst v63  }
0x14: {  	_ =	swait.ge [sflag:s16], $0x2880  }
0x15: {  	[sflag:s16] =	ssyncset.done $0x0  }
0x16: {  	s23 =	simm.s32 $0x0;
	[sflag:s16] =	ssyncadd.s32 $0xFFFFD780  }
.LBB2_2:
0x17: {  	p0 =	sne.s32 s23, $0x1FC0  }
.Ltmp0:
0x18: {  	_ = 	snop;
	(pc) =	sbr.rel @p0 .LBB2_2-.Ltmp0, $3  }
0x19: {  	_ =	sdelay $0x1  }
0x1a: {  	s24 =	sshra.s32 s23, $0x2  }
0x1b: {  	s23 =	sadd.s32 $0x40, s23;
	[tilespmem:s24+$0x2880] =	vst v0  }
0x1c: {  	s23 =	simm.s32 $0x40;
	s24 =	simm.s32 $0x0  }
.LBB2_4:
0x1d: {  	p0 =	sne.s32 s23, $0x1FC0;
	[tilespmem:s24+$0x3080] =	vst v1;
	s24 =	smov.u32 s23;
	s23 =	sadd.s32 $0x40, s23  }
.Ltmp1:
0x1e: {  	(pc) =	sbr.rel @p0 .LBB2_4-.Ltmp1, $2  }
0x1f: {  	_ =	sdelay $0x2  }
0x20: {  	s24 =	sshra.s32 s24, $0x2  }
0x21: {  	[tilespmem:s24+$0x3080] =	vst v1  }
0x22: {  	[spmem:s5] =	stream.linear.scatter [tilespmem:s17], [sflag:$0x2], $0x800, $0x38;
	[tilespmem:$0x6080] =	vst v63  }
0x23: {  	_ =	swait.ge [sflag:s16], $0x800  }
0x24: {  	[sflag:s16] =	ssyncset.done $0x0  }
0x25: {  	[sflag:s16] =	ssyncadd.s32 $0xFFFFF800  }
0x26: {  	[spmem:s6] =	stream.linear.scatter [tilespmem:s17], [sflag:$0x2], $0x800, $0x38;
	[tilespmem:$0x6080] =	vst v63  }
0x27: {  	_ =	swait.ge [sflag:s16], $0x800  }
0x28: {  	[sflag:s16] =	ssyncset.done $0x0  }
0x29: {  	[sflag:s16] =	ssyncadd.s32 $0xFFFFF800  }
0x2a: {  	[spmem:s7] =	stream.linear.scatter [tilespmem:s17], [sflag:$0x2], $0x800, $0x38;
	[tilespmem:$0x6080] =	vst v63  }
0x2b: {  	_ =	swait.ge [sflag:s16], $0x800  }
0x2c: {  	[sflag:s16] =	ssyncset.done $0x0  }
0x2d: {  	[sflag:s16] =	ssyncadd.s32 $0xFFFFF800  }
0x2e: {  	[spmem:s8] =	stream.linear.scatter [tilespmem:s17], [sflag:$0x2], $0x800, $0x38;
	[tilespmem:$0x6080] =	vst v63  }
0x2f: {  	_ =	swait.ge [sflag:s16], $0x800  }
0x30: {  	[sflag:s16] =	ssyncset.done $0x0  }
0x31: {  	[sflag:s16] =	ssyncadd.s32 $0xFFFFF800  }
0x32: {  	[spmem:s9] =	stream.linear.scatter [tilespmem:s17], [sflag:$0x2], $0x800, $0x38;
	[tilespmem:$0x6080] =	vst v63  }
0x33: {  	_ =	swait.ge [sflag:s16], $0x800  }
0x34: {  	[sflag:s16] =	ssyncset.done $0x0  }
0x35: {  	[sflag:s16] =	ssyncadd.s32 $0xFFFFF800  }
0x36: {  	s23 =	simm.s32 $0x0;
	[bflag:$0x0] =	sbarrier.arrive $0xFFFF  }
0x37: {  	[spmem:s2] =	stream.indirect.scatter.add.f32 [tilespmem:s19], [sflag:$0x1], $0x10, s23, s18, $0xb8;
	[tilespmem:$0x6080] =	vst v63  }
0x38: {  	s24 =	simm.s32 $0x80  }
0x39: {  	[spmem:s2] =	stream.indirect.scatter.add.f32 [tilespmem:s19], [sflag:$0x1], $0x10, s24, s18, $0xb8;
	[tilespmem:$0x6080] =	vst v63  }
0x3a: {  	s25 =	simm.s32 $0x100  }
0x3b: {  	[spmem:s2] =	stream.indirect.scatter.add.f32 [tilespmem:s19], [sflag:$0x1], $0x10, s25, s18, $0xb8;
	[tilespmem:$0x6080] =	vst v63  }
0x3c: {  	s26 =	simm.s32 $0x180  }
0x3d: {  	[spmem:s2] =	stream.indirect.scatter.add.f32 [tilespmem:s19], [sflag:$0x1], $0x10, s26, s18, $0xb8;
	[tilespmem:$0x6080] =	vst v63  }
0x3e: {  	s28 =	simm.s32 $0x200  }
0x3f: {  	[spmem:s2] =	stream.indirect.scatter.add.f32 [tilespmem:s19], [sflag:$0x1], $0x10, s28, s18, $0xb8;
	[tilespmem:$0x6080] =	vst v63  }
0x40: {  	s29 =	simm.s32 $0x280  }
0x41: {  	[spmem:s2] =	stream.indirect.scatter.add.f32 [tilespmem:s19], [sflag:$0x1], $0x10, s29, s18, $0xb8;
	[tilespmem:$0x6080] =	vst v63  }
0x42: {  	s30 =	simm.s32 $0x300  }
0x43: {  	[spmem:s2] =	stream.indirect.scatter.add.f32 [tilespmem:s19], [sflag:$0x1], $0x10, s30, s18, $0xb8;
	[tilespmem:$0x6080] =	vst v63  }
0x44: {  	s31 =	simm.s32 $0x380  }
0x45: {  	[spmem:s2] =	stream.indirect.scatter.add.f32 [tilespmem:s19], [sflag:$0x1], $0x10, s31, s18, $0xb8;
	[tilespmem:$0x6080] =	vst v63  }
0x46: {  	_ =	swait.ge [sflag:s20], $0x800  }
0x47: {  	[sflag:s20] =	ssyncset.done $0x0  }
0x48: {  	[sflag:s20] =	ssyncadd.s32 $0xFFFFF800  }
0x49: {  	_ =	swait.ge [sflag:s20], $0x800  }
0x4a: {  	[sflag:s20] =	ssyncset.done $0x0  }
0x4b: {  	[sflag:s20] =	ssyncadd.s32 $0xFFFFF800  }
0x4c: {  	_ =	swait.ge [sflag:s20], $0x800  }
0x4d: {  	[sflag:s20] =	ssyncset.done $0x0  }
0x4e: {  	[sflag:s20] =	ssyncadd.s32 $0xFFFFF800  }
0x4f: {  	_ =	swait.ge [sflag:s20], $0x800  }
0x50: {  	[sflag:s20] =	ssyncset.done $0x0  }
0x51: {  	[sflag:s20] =	ssyncadd.s32 $0xFFFFF800  }
0x52: {  	_ =	swait.ge [sflag:s20], $0x800  }
0x53: {  	[sflag:s20] =	ssyncset.done $0x0  }
0x54: {  	[sflag:s20] =	ssyncadd.s32 $0xFFFFF800  }
0x55: {  	_ =	swait.ge [sflag:s20], $0x800  }
0x56: {  	[sflag:s20] =	ssyncset.done $0x0  }
0x57: {  	[sflag:s20] =	ssyncadd.s32 $0xFFFFF800  }
0x58: {  	_ =	swait.ge [sflag:s20], $0x800  }
0x59: {  	[sflag:s20] =	ssyncset.done $0x0  }
0x5a: {  	[sflag:s20] =	ssyncadd.s32 $0xFFFFF800  }
0x5b: {  	_ =	swait.ge [sflag:s20], $0x800  }
0x5c: {  	s23 =	simm.s32 $0x1000;
	s25 =	simm.s32 $0x2000;
	[sflag:s20] =	ssyncset.done $0x0  }
.LBB2_6:
0x5d: {  	s26 =	sshra.s32 s23, $0x2  }
0x5e: {  	[sflag:s20] =	ssyncadd.s32 $0xFFFFF800;
	s23 =	smov.u32 s25;
	s24 =	sadd.s32 $0x1000, s25  }
0x5f: {  	[spmem:s2] =	stream.indirect.scatter.add.f32 [tilespmem:s19], [sflag:$0x1], $0x10, s26, s18, $0xb8;
	[tilespmem:$0x6080] =	vst v63  }
0x60: {  	p0 =	sne.s32 s25, $0x9000;
	s25 =	sadd.s32 $0x80, s26  }
0x61: {  	[spmem:s2] =	stream.indirect.scatter.add.f32 [tilespmem:s19], [sflag:$0x1], $0x10, s25, s18, $0xb8;
	[tilespmem:$0x6080] =	vst v63  }
0x62: {  	s25 =	sadd.s32 $0x100, s26  }
0x63: {  	[spmem:s2] =	stream.indirect.scatter.add.f32 [tilespmem:s19], [sflag:$0x1], $0x10, s25, s18, $0xb8;
	[tilespmem:$0x6080] =	vst v63  }
0x64: {  	s25 =	sadd.s32 $0x180, s26  }
0x65: {  	[spmem:s2] =	stream.indirect.scatter.add.f32 [tilespmem:s19], [sflag:$0x1], $0x10, s25, s18, $0xb8;
	[tilespmem:$0x6080] =	vst v63  }
0x66: {  	s25 =	sadd.s32 $0x200, s26  }
0x67: {  	[spmem:s2] =	stream.indirect.scatter.add.f32 [tilespmem:s19], [sflag:$0x1], $0x10, s25, s18, $0xb8;
	[tilespmem:$0x6080] =	vst v63  }
0x68: {  	s25 =	sadd.s32 $0x280, s26  }
0x69: {  	[spmem:s2] =	stream.indirect.scatter.add.f32 [tilespmem:s19], [sflag:$0x1], $0x10, s25, s18, $0xb8;
	[tilespmem:$0x6080] =	vst v63  }
0x6a: {  	s25 =	sadd.s32 $0x300, s26  }
0x6b: {  	[spmem:s2] =	stream.indirect.scatter.add.f32 [tilespmem:s19], [sflag:$0x1], $0x10, s25, s18, $0xb8;
	[tilespmem:$0x6080] =	vst v63  }
0x6c: {  	s25 =	sadd.s32 $0x380, s26  }
0x6d: {  	[spmem:s2] =	stream.indirect.scatter.add.f32 [tilespmem:s19], [sflag:$0x1], $0x10, s25, s18, $0xb8;
	[tilespmem:$0x6080] =	vst v63  }
0x6e: {  	_ =	swait.ge [sflag:s20], $0x800  }
0x6f: {  	[sflag:s20] =	ssyncset.done $0x0  }
0x70: {  	[sflag:s20] =	ssyncadd.s32 $0xFFFFF800  }
0x71: {  	_ =	swait.ge [sflag:s20], $0x800  }
0x72: {  	[sflag:s20] =	ssyncset.done $0x0  }
0x73: {  	[sflag:s20] =	ssyncadd.s32 $0xFFFFF800  }
0x74: {  	_ =	swait.ge [sflag:s20], $0x800  }
0x75: {  	[sflag:s20] =	ssyncset.done $0x0  }
0x76: {  	[sflag:s20] =	ssyncadd.s32 $0xFFFFF800  }
0x77: {  	_ =	swait.ge [sflag:s20], $0x800  }
0x78: {  	[sflag:s20] =	ssyncset.done $0x0  }
0x79: {  	[sflag:s20] =	ssyncadd.s32 $0xFFFFF800  }
0x7a: {  	_ =	swait.ge [sflag:s20], $0x800  }
0x7b: {  	[sflag:s20] =	ssyncset.done $0x0  }
0x7c: {  	[sflag:s20] =	ssyncadd.s32 $0xFFFFF800  }
0x7d: {  	_ =	swait.ge [sflag:s20], $0x800  }
0x7e: {  	[sflag:s20] =	ssyncset.done $0x0  }
0x7f: {  	[sflag:s20] =	ssyncadd.s32 $0xFFFFF800  }
.Ltmp2:
0x80: {  	_ =	swait.ge [sflag:s20], $0x800;
	(pc) =	sbr.rel @p0 .LBB2_6-.Ltmp2, $4  }
0x81: {  	[sflag:s20] =	ssyncset.done $0x0  }
0x82: {  	[sflag:s20] =	ssyncadd.s32 $0xFFFFF800  }
0x83: {  	_ =	swait.ge [sflag:s20], $0x800  }
0x84: {  	s25 =	smov.u32 s24;
	[sflag:s20] =	ssyncset.done $0x0  }
0x85: {  	s23 =	sshra.s32 s23, $0x2;
	[sflag:s20] =	ssyncadd.s32 $0xFFFFF800  }
0x86: {  	[spmem:s2] =	stream.indirect.scatter.add.f32 [tilespmem:s19], [sflag:$0x1], $0x10, s23, s18, $0xb8;
	[tilespmem:$0x6080] =	vst v63  }
0x87: {  	s24 =	sadd.s32 $0x80, s23  }
0x88: {  	[spmem:s2] =	stream.indirect.scatter.add.f32 [tilespmem:s19], [sflag:$0x1], $0x10, s24, s18, $0xb8;
	[tilespmem:$0x6080] =	vst v63  }
0x89: {  	s26 =	sadd.s32 $0x100, s23  }
0x8a: {  	[spmem:s2] =	stream.indirect.scatter.add.f32 [tilespmem:s19], [sflag:$0x1], $0x10, s26, s18, $0xb8;
	[tilespmem:$0x6080] =	vst v63  }
0x8b: {  	s28 =	sadd.s32 $0x180, s23  }
0x8c: {  	[spmem:s2] =	stream.indirect.scatter.add.f32 [tilespmem:s19], [sflag:$0x1], $0x10, s28, s18, $0xb8;
	[tilespmem:$0x6080] =	vst v63  }
0x8d: {  	s29 =	sadd.s32 $0x200, s23  }
0x8e: {  	[spmem:s2] =	stream.indirect.scatter.add.f32 [tilespmem:s19], [sflag:$0x1], $0x10, s29, s18, $0xb8;
	[tilespmem:$0x6080] =	vst v63  }
0x8f: {  	s30 =	sadd.s32 $0x280, s23  }
0x90: {  	[spmem:s2] =	stream.indirect.scatter.add.f32 [tilespmem:s19], [sflag:$0x1], $0x10, s30, s18, $0xb8;
	[tilespmem:$0x6080] =	vst v63  }
0x91: {  	s31 =	sadd.s32 $0x300, s23  }
0x92: {  	[spmem:s2] =	stream.indirect.scatter.add.f32 [tilespmem:s19], [sflag:$0x1], $0x10, s31, s18, $0xb8;
	[tilespmem:$0x6080] =	vst v63  }
0x93: {  	s23 =	sadd.s32 $0x380, s23  }
0x94: {  	[spmem:s2] =	stream.indirect.scatter.add.f32 [tilespmem:s19], [sflag:$0x1], $0x10, s23, s18, $0xb8;
	[tilespmem:$0x6080] =	vst v63  }
0x95: {  	_ =	swait.ge [sflag:s20], $0x800  }
0x96: {  	[sflag:s20] =	ssyncset.done $0x0  }
0x97: {  	[sflag:s20] =	ssyncadd.s32 $0xFFFFF800  }
0x98: {  	_ =	swait.ge [sflag:s20], $0x800  }
0x99: {  	[sflag:s20] =	ssyncset.done $0x0  }
0x9a: {  	[sflag:s20] =	ssyncadd.s32 $0xFFFFF800  }
0x9b: {  	_ =	swait.ge [sflag:s20], $0x800  }
0x9c: {  	[sflag:s20] =	ssyncset.done $0x0  }
0x9d: {  	[sflag:s20] =	ssyncadd.s32 $0xFFFFF800  }
0x9e: {  	_ =	swait.ge [sflag:s20], $0x800  }
0x9f: {  	[sflag:s20] =	ssyncset.done $0x0  }
0xa0: {  	[sflag:s20] =	ssyncadd.s32 $0xFFFFF800  }
0xa1: {  	_ =	swait.ge [sflag:s20], $0x800  }
0xa2: {  	[sflag:s20] =	ssyncset.done $0x0  }
0xa3: {  	[sflag:s20] =	ssyncadd.s32 $0xFFFFF800  }
0xa4: {  	_ =	swait.ge [sflag:s20], $0x800  }
0xa5: {  	[sflag:s20] =	ssyncset.done $0x0  }
0xa6: {  	[sflag:s20] =	ssyncadd.s32 $0xFFFFF800  }
0xa7: {  	_ =	swait.ge [sflag:s20], $0x800  }
0xa8: {  	[sflag:s20] =	ssyncset.done $0x0  }
0xa9: {  	[sflag:s20] =	ssyncadd.s32 $0xFFFFF800  }
0xaa: {  	_ =	swait.ge [sflag:s20], $0x800  }
0xab: {  	[sflag:s20] =	ssyncset.done $0x0  }
0xac: {  	[sflag:s20] =	ssyncadd.s32 $0xFFFFF800  }
0xad: {  	[spmem:s2] =	stream.indirect.scatter.add.f32 [tilespmem:s19], [sflag:$0x2], $0x10, s21, s18, $0xb8;
	[tilespmem:$0x6080] =	vst v63  }
0xae: {  	_ =	swait.ge [sflag:s16], $0x800  }
0xaf: {  	[sflag:s16] =	ssyncset.done $0x0  }
0xb0: {  	[sflag:s16] =	ssyncadd.s32 $0xFFFFF800  }
0xb1: {  	[bflag:$0x0] =	sbarrier.arrive $0xFFFF  }
0xb2: {  	[tilespmem:s17], [sflag:$0x2] =	stream.linear.gather [spmem:s5], $0x800, $0x38;
	[tilespmem:$0x6080] =	vst v63  }
0xb3: {  	_ =	swait.ge [sflag:s16], $0x800  }
0xb4: {  	[sflag:s16] =	ssyncset.done $0x0  }
0xb5: {  	[sflag:s16] =	ssyncadd.s32 $0xFFFFF800  }
0xb6: {  	[hbm4b:s10+s3] =	stream.linear.scatter [tilespmem:s17], [sflag:$0x2], $0x800, $0x38;
	[tilespmem:$0x6080] =	vst v63  }
0xb7: {  	_ =	swait.ge [sflag:s16], $0x800  }
0xb8: {  	[sflag:s16] =	ssyncset.done $0x0  }
0xb9: {  	[sflag:s16] =	ssyncadd.s32 $0xFFFFF800  }
0xba: {  	[tilespmem:s17], [sflag:$0x2] =	stream.linear.gather [spmem:s6], $0x800, $0x38;
	[tilespmem:$0x6080] =	vst v63  }
0xbb: {  	_ =	swait.ge [sflag:s16], $0x800  }
0xbc: {  	[sflag:s16] =	ssyncset.done $0x0  }
0xbd: {  	[sflag:s16] =	ssyncadd.s32 $0xFFFFF800  }
0xbe: {  	[hbm4b:s11+s3] =	stream.linear.scatter [tilespmem:s17], [sflag:$0x2], $0x800, $0x38;
	[tilespmem:$0x6080] =	vst v63  }
0xbf: {  	_ =	swait.ge [sflag:s16], $0x800  }
0xc0: {  	[sflag:s16] =	ssyncset.done $0x0  }
0xc1: {  	[sflag:s16] =	ssyncadd.s32 $0xFFFFF800  }
0xc2: {  	[tilespmem:s17], [sflag:$0x2] =	stream.linear.gather [spmem:s7], $0x800, $0x38;
	[tilespmem:$0x6080] =	vst v63  }
0xc3: {  	_ =	swait.ge [sflag:s16], $0x800  }
0xc4: {  	[sflag:s16] =	ssyncset.done $0x0  }
0xc5: {  	[sflag:s16] =	ssyncadd.s32 $0xFFFFF800  }
0xc6: {  	[hbm4b:s12+s3] =	stream.linear.scatter [tilespmem:s17], [sflag:$0x2], $0x800, $0x38;
	[tilespmem:$0x6080] =	vst v63  }
0xc7: {  	_ =	swait.ge [sflag:s16], $0x800  }
0xc8: {  	[sflag:s16] =	ssyncset.done $0x0  }
0xc9: {  	[sflag:s16] =	ssyncadd.s32 $0xFFFFF800  }
0xca: {  	[tilespmem:s17], [sflag:$0x2] =	stream.linear.gather [spmem:s8], $0x800, $0x38;
	[tilespmem:$0x6080] =	vst v63  }
0xcb: {  	_ =	swait.ge [sflag:s16], $0x800  }
0xcc: {  	[sflag:s16] =	ssyncset.done $0x0  }
0xcd: {  	[sflag:s16] =	ssyncadd.s32 $0xFFFFF800  }
0xce: {  	[hbm4b:s13+s3] =	stream.linear.scatter [tilespmem:s17], [sflag:$0x2], $0x800, $0x38;
	[tilespmem:$0x6080] =	vst v63  }
0xcf: {  	_ =	swait.ge [sflag:s16], $0x800  }
0xd0: {  	[sflag:s16] =	ssyncset.done $0x0  }
0xd1: {  	[sflag:s16] =	ssyncadd.s32 $0xFFFFF800  }
0xd2: {  	[tilespmem:s17], [sflag:$0x2] =	stream.linear.gather [spmem:s9], $0x800, $0x38;
	[tilespmem:$0x6080] =	vst v63  }
0xd3: {  	s22 =	sadd.s32 $0x1, s22;
	_ =	swait.ge [sflag:s16], $0x800  }
0xd4: {  	p0 =	sne.s32 s22, s15;
	[sflag:s16] =	ssyncset.done $0x0  }
.Ltmp3:
0xd5: {  	[sflag:s16] =	ssyncadd.s32 $0xFFFFF800;
	(pc) =	sbr.rel @p0 .LBB2_1-.Ltmp3, $4  }
0xd6: {  	[hbm4b:s14+s3] =	stream.linear.scatter [tilespmem:s17], [sflag:$0x2], $0x800, $0x38;
	[tilespmem:$0x6080] =	vst v63  }
0xd7: {  	_ =	swait.ge [sflag:s16], $0x800  }
0xd8: {  	[sflag:s16] =	ssyncset.done $0x0  }
0xd9: {  	[sflag:s16] =	ssyncadd.s32 $0xFFFFF800  }
0xda: {  	_ =	sfence.sel $0x180000  }
0xdb: {  	[bflag:$0x0] =	sbarrier.arrive $0xFFFF  }
0xdc: {  	p0 =	sne.s32 s0, $0x0;
	_ =	strace $0x90000047  }
0xdd: {  	s0 =	sadd.s32 @!p0 $0x100000, s1;
	[bflag:$0x2] =	sbarrier.arrive $0xFFFF  }
0xde: {  	[sflag:s0] =	ssyncadd.tile.s32 @!p0 $0x1;
	_ =	shalt  }
.Lfunc_end2:
_tile_overlayer_lowered:
.L_overlay_start_2:
0xdf: {  	(tag) =	ssettag $0x2  }
0xe0: {  	s0 =	rddreg [dreg:$0x0];
	s2 =	stileid.u32  }
0xe1: {  	s1 =	rddreg [dreg:$0x1];
	p0 =	sne.s32 s2, $0x0  }
0xe2: {  	s3 =	rddreg [dreg:$0x2];
	[bflag:$0x3] =	sbarrier.arrive $0xFFFF;
	s2 =	simm.s32 @!p0 $0x1C02  }
0xe3: {  	[timem:s3], [sflag:s2] =	dma.local @!p0 [hbm:s0], s1  }
0xe4: {  	s0 =	simm.s32 @!p0 $0x2  }
0xe5: {  	_ =	swait.ge @!p0 [sflag:s0], s1  }
0xe6: {  	s1 =	ssub.s32 @!p0 $0x0, s1;
	[sflag:s0] =	ssyncset.done @!p0 $0x0  }
0xe7: {  	[sflag:s0] =	ssyncadd.s32 @!p0 s1  }
0xe8: {  	[bflag:$0x3] =	sbarrier.arrive $0xFFFF  }
0xe9: {  	_ =	shalt  }

// kernel: kernel.13.cloned.1.call-start
scs
__scs_entry_jumppad:
0x0: {  	(pc) =	sbr.rel $0x88, $3  }
0x1: {  	(tag) =	ssettag $0x0;
	lr =	simm.s32 $0x1  }
0x2: {  	[smem:$0x3F99] =	sst lr;
	_ =	strace $0xD0000000  }
0x3: {  	_ = 	snop  }
0x4: {  	_ = 	snop  }
0x5: {  	_ = 	snop  }
0x6: {  	_ = 	snop  }
0x7: {  	_ = 	snop  }
__scs_overlays_trampoline_lowered:
0x8: {  	[smem:$0x3FA8] =	sst s0  }
0x9: {  	[smem:$0x3FA9] =	sst s1  }
0xa: {  	[smem:$0x3FAA] =	sst s2  }
0xb: {  	[smem:$0x3FAB] =	sst s3  }
0xc: {  	[smem:$0x3FAC] =	sst s4  }
0xd: {  	[smem:$0x3FAD] =	sst s5  }
0xe: {  	[smem:$0x3FAE] =	sst s6  }
0xf: {  	[smem:$0x3FAF] =	sst s7  }
0x10: {  	[smem:$0x3FB0] =	sst s8  }
0x11: {  	[smem:$0x3FB1] =	sst s9;
	s0 =	simm.s32 @!p0 $0x0  }
0x12: {  	s1 =	sld [smem:$0x3F97];
	s0 =	simm.s32 @p0 $0x1  }
0x13: {  	[smem:$0x3FB2] =	sst s0;
	s0 =	simm.s32 @!p1 $0x0  }
0x14: {  	s2 =	sld [smem:$0x3F96];
	s0 =	simm.s32 @p1 $0x1  }
0x15: {  	[smem:$0x3FB3] =	sst s0;
	s0 =	simm.s32 @!p2 $0x0  }
0x16: {  	s3 =	sld [smem:$0x3FDB];
	s0 =	simm.s32 @p2 $0x1  }
0x17: {  	s4 =	simm.s32 $0x1BF5;
	[smem:$0x3FB5] =	sst s0  }
0x18: {  	s0 =	sld [smem:$0x3F98];
	_ =	swait.ge [sflag:s4], $0x0  }
0x19: {  	s7 =	sld [smem:$0x3F99]  }
0x1a: {  	s8 =	sadd.s32 $0xFFFFE003, lr  }
0x1b: {  	s9 =	sadd.s32 $0xFFFFFEF7, lr;
	s5 =	simm.s32 $0xFFFFFFFF;
	p2 =	slt.u32 s8, $0xFFFFF086  }
0x1c: {  	p1 =	slt.u32 s9, $0xF7A;
	s5 =	simm.s32 @!p2 $0x0  }
0x1d: {  	s5 =	simm.s32 @p1 $0x1;
	p0 =	seq.s32 s7, s2  }
0x1e: {  	s7 =	smul.u32 @!p0 $0xF7A, s2;
	p2 =	seq.s32 @!p0 s5, $0x0  }
0x1f: {  	s9 =	smul.u32 $0xF7A, s1;
	s8 =	simm.s32 @!p0 $0x1BF5;
	p2 =	por !p2, p0  }
0x20: {  	[sflag:s8] =	ssyncset.s32 @!p0 $0xFFFFF086;
	s6 =	sadd.s32 @!p0 s3, s7;
	s7 =	simm.s32 @!p0 $0x108  }
0x21: {  	s3 =	sadd.s32 s3, s9;
	s6 =	sadd.s32 @!p0 $0x88, s6;
	s7 =	simm.s32 @p2 $0x1082  }
0x22: {  	[simem:s7], [sflag:s8] =	dma.local @!p0 [hbm:s6], $0xF7A  }
0x23: {  	s9 =	sor.u32 $0xD0000000, s2;
	s6 =	simm.s32 $0x108;
	_ =	swait.ge @!p0 [sflag:s8], $0x0  }
0x24: {  	s3 =	sadd.s32 $0x88, s3;
	s6 =	simm.s32 @!p1 $0x1082;
	[sflag:s4] =	ssyncset.s32 $0xFFFFF086  }
0x25: {  	[simem:s6], [sflag:s4] =	dma.local [hbm:s3], $0xF7A  }
0x26: {  	[smem:$0x3F99] =	sst s1;
	(tag) =	ssettag s2;
	_ =	strace s9  }
0x27: {  	s1 =	sld [smem:$0x3FA9]  }
0x28: {  	s2 =	sld [smem:$0x3FAA]  }
0x29: {  	s4 =	sld [smem:$0x3FAC]  }
0x2a: {  	p0 =	seq.s32 s5, $0x0;
	s5 =	sld [smem:$0x3FAD]  }
0x2b: {  	s6 =	sld [smem:$0x3FAE]  }
0x2c: {  	s7 =	sld [smem:$0x3FAF]  }
0x2d: {  	s3 =	simm.s32 $0x108;
	s8 =	sld [smem:$0x3FB0]  }
0x2e: {  	s3 =	simm.s32 @!p0 $0x1082;
	s9 =	sld [smem:$0x3FB1]  }
0x2f: {  	lr =	sadd.s32 s0, s3;
	s0 =	sld [smem:$0x3FA8]  }
0x30: {  	s3 =	sld [smem:$0x3FAB]  }
0x31: {  	[smem:$0x3FB4] =	sst s10  }
0x32: {  	s10 =	sld [smem:$0x3FB2];
	_ =	sdelay $0x3  }
0x33: {  	p0 =	seq.s32 s10, $0x1;
	s10 =	sld [smem:$0x3FB4];
	_ =	sdelay $0x3  }
0x34: {  	[smem:$0x3FB4] =	sst s10  }
0x35: {  	s10 =	sld [smem:$0x3FB3];
	_ =	sdelay $0x3  }
0x36: {  	p1 =	seq.s32 s10, $0x1;
	s10 =	sld [smem:$0x3FB4];
	_ =	sdelay $0x3  }
0x37: {  	[smem:$0x3FB4] =	sst s10  }
0x38: {  	s10 =	sld [smem:$0x3FB5]  }
0x39: {  	_ = 	snop;
	(pc) =	sbr.ind lr, $3  }
0x3a: {  	_ = 	snop  }
0x3b: {  	_ = 	snop  }
0x3c: {  	p2 =	seq.s32 s10, $0x1;
	s10 =	sld [smem:$0x3FB4]  }
0x3d: {  	_ =	shalt  }
0x3e: {  	_ =	shalt  }
0x3f: {  	_ =	shalt  }
0x40: {  	_ =	shalt  }
0x41: {  	_ =	shalt  }
0x42: {  	_ =	shalt  }
0x43: {  	_ =	shalt  }
0x44: {  	_ =	shalt  }
0x45: {  	_ =	shalt  }
0x46: {  	_ =	shalt  }
0x47: {  	_ =	shalt  }
0x48: {  	_ =	shalt  }
0x49: {  	_ =	shalt  }
0x4a: {  	_ =	shalt  }
0x4b: {  	_ =	shalt  }
0x4c: {  	_ =	shalt  }
0x4d: {  	_ =	shalt  }
0x4e: {  	_ =	shalt  }
0x4f: {  	_ =	shalt  }
0x50: {  	_ =	shalt  }
0x51: {  	_ =	shalt  }
0x52: {  	_ =	shalt  }
0x53: {  	_ =	shalt  }
0x54: {  	_ =	shalt  }
0x55: {  	_ =	shalt  }
0x56: {  	_ =	shalt  }
0x57: {  	_ =	shalt  }
0x58: {  	_ =	shalt  }
0x59: {  	_ =	shalt  }
0x5a: {  	_ =	shalt  }
0x5b: {  	_ =	shalt  }
0x5c: {  	_ =	shalt  }
0x5d: {  	_ =	shalt  }
0x5e: {  	_ =	shalt  }
0x5f: {  	_ =	shalt  }
0x60: {  	_ =	shalt  }
0x61: {  	_ =	shalt  }
0x62: {  	_ =	shalt  }
0x63: {  	_ =	shalt  }
0x64: {  	_ =	shalt  }
0x65: {  	_ =	shalt  }
0x66: {  	_ =	shalt  }
0x67: {  	_ =	shalt  }
0x68: {  	_ =	shalt  }
0x69: {  	_ =	shalt  }
0x6a: {  	_ =	shalt  }
0x6b: {  	_ =	shalt  }
0x6c: {  	_ =	shalt  }
0x6d: {  	_ =	shalt  }
0x6e: {  	_ =	shalt  }
0x6f: {  	_ =	shalt  }
0x70: {  	_ =	shalt  }
0x71: {  	_ =	shalt  }
0x72: {  	_ =	shalt  }
0x73: {  	_ =	shalt  }
0x74: {  	_ =	shalt  }
0x75: {  	_ =	shalt  }
0x76: {  	_ =	shalt  }
0x77: {  	_ =	shalt  }
0x78: {  	_ =	shalt  }
0x79: {  	_ =	shalt  }
0x7a: {  	_ =	shalt  }
0x7b: {  	_ =	shalt  }
0x7c: {  	_ =	shalt  }
0x7d: {  	_ =	shalt  }
0x7e: {  	_ =	shalt  }
0x7f: {  	_ =	shalt  }
0x80: {  	_ =	shalt  }
0x81: {  	_ =	shalt  }
0x82: {  	_ =	shalt  }
0x83: {  	_ =	shalt  }
0x84: {  	_ =	shalt  }
0x85: {  	_ =	shalt  }
0x86: {  	_ =	shalt  }
0x87: {  	_ =	shalt  }
.Lfunc_end0:
.L_simem_size_0:
called_computation.1_lowered:
.L_overlay_start_0:
0x88: {  	s2 =	sld [smem:$0x3FD9]  }
0x89: {  	s3 =	sld [smem:$0x3FFE];
	_ =	sdelay $0x1  }
0x8a: {  	s1 =	srdreg.scid  }
0x8b: {  	s0 =	sand.u32 $0x1, s1  }
0x8c: {  	s16 =	sshll.u32 s0, $0xA;
	s2 =	sadd.s32 s3, s2  }
0x8d: {  	s2 =	sadd.s32 s2, s16  }
0x8e: {  	[smem:$0x3FC0] =	sst s2  }
0x8f: {  	_ = 	snop  }
0x90: {  	(tm) =	ssettm $0x1  }
0x91: {  	s17 =	sld [smem:$0x3FFB];
	_ =	sdelay $0x3  }
0x92: {  	_ =	strace s17  }
0x93: {  	s2 =	sld [smem:$0x3FFC];
	_ =	sdelay $0x3  }
0x94: {  	_ =	strace s2  }
0x95: {  	s2 =	sld [smem:$0x3FFD];
	_ =	sdelay $0x3  }
0x96: {  	_ =	strace s2  }
0x97: {  	_ =	strace $0x8FFFFFFF  }
0x98: {  	s18 =	sld [smem:$0x3FDB];
	_ =	sdelay $0x1  }
0x99: {  	s19 =	simm.s32 $_scs_section_size  }
0x9a: {  	s4 =	simm.s32 $_size__tile_overlayer_lowered;
	s5 =	simm.s32 $_tile_overlayer_lowered  }
0x9b: {  	s22 =	simm.s32 $0x1BFF;
	s21 =	sshll.u32 s5, $0x1;
	s2 =	sadd.s32 s19, s18  }
0x9c: {  	s6 =	simm.s32 $0x0;
	s20 =	sshll.u32 s4, $0x1;
	s4 =	sadd.s32 s21, s2  }
0x9d: {  	[timem:s6], [sflag:s22] =	dma.local [hbm:s4], s20  }
0x9e: {  	_ =	swait.ge [sflag:s22], s20  }
0x9f: {  	s3 =	ssub.s32 $0x0, s20;
	[sflag:s22] =	ssyncset.done $0x0  }
0xa0: {  	[sflag:s22] =	ssyncadd.s32 s3;
	_ =	sdelay $0x1  }
0xa1: {  	s23 =	simm.s32 $0x1B8B  }
0xa2: {  	_ =	swait.ge [sflag:s23], $0x1  }
0xa3: {  	[sflag:s23] =	ssyncset.done $0x0  }
0xa4: {  	s25 =	simm.s32 $0x1B8E;
	s24 =	sld [smem:$0x3FFE];
	[sflag:s23] =	ssyncadd.s32 $0xFFFFFFFF  }
0xa5: {  	s26 =	simm.s32 $execute0_lowered;
	[smem:$0x3FD2] =	sst s25  }
0xa6: {  	s4 =	sshll.u32 s26, $0x1;
	_ =	strace $0x80000049;
	[dreg:$0x1] =	wrdreg $0xFFFFFFFF  }
0xa7: {  	s28 =	simm.s32 $_size_execute0_lowered;
	s2 =	sadd.s32 s2, s4;
	[dreg:$0x0] =	wrdreg $0x0  }
0xa8: {  	s4 =	sshll.u32 s28, $0x1;
	[dreg:$0x2] =	wrdreg s2  }
0xa9: {  	[dreg:$0x3] =	wrdreg s4  }
0xaa: {  	[dreg:$0x4] =	wrdreg $0xC0  }
0xab: {  	_ =	task [dreg:s6], $0x5FFFF  }
0xac: {  	[dreg:$0x1] =	wrdreg $0xFFFFFFFF  }
0xad: {  	[dreg:$0x0] =	wrdreg $0x60  }
0xae: {  	[dreg:$0x2] =	wrdreg s24  }
0xaf: {  	[dreg:$0x3] =	wrdreg $0xAF800  }
0xb0: {  	[dreg:$0x4] =	wrdreg $0x9  }
0xb1: {  	_ =	task.clear_ibuf [dreg:s6], $0x5FFFF;
	_ =	strace $0x90000049  }
0xb2: {  	s29 =	simm.s32 $0x9;
	_ =	strace $0x8000004B  }
0xb3: {  	_ =	swait.ge [sflag:s29], $0x1  }
0xb4: {  	[sflag:s29] =	ssyncadd.s32 $0xFFFFFFFF  }
0xb5: {  	_ =	strace $0x9000004B  }
0xb6: {  	_ =	sfence  }
0xb7: {  	s30 =	sld [smem:$0x0];
	_ =	sdelay $0x2  }
0xb8: {  	s31 =	sshll.u32 s1, $0xD;
	s1 =	sshrl.u32 s1, $0x2  }
0xb9: {  	s3 =	sand.u32 $0x4000, s31;
	s1 =	sadd.s32 s1, s30  }
0xba: {  	s0 =	sor.u32 s3, s0;
	s1 =	sshll.u32 s1, $0x11  }
0xbb: {  	s0 =	sor.u32 s1, s0  }
0xbc: {  	s0 =	sadd.s32 $0x8F2B, s0  }
0xbd: {  	[sflag:s0] =	ssyncadd.remote.s32 $0x1  }
0xbe: {  	_ =	sfence.sel $0xFFFF  }
0xbf: {  	[dreg:$0x0] =	wrdreg $0xFFFFFFFF;
	(pc) =	sbr.abs _section_cstart, $3  }
0xc0: {  	[dreg:$0x1] =	wrdreg $0xFFFFFFFF  }
0xc1: {  	_ =	task.clear_ibuf [dreg:s6], $0x2FFFF;
	_ =	strace $0x9FFFFFFF  }
0xc2: {  	(tm) =	ssettm $0x7FFFFFFF  }
0xc3: {  	_ =	shalt  }
tec
execute0_lowered:
.L_overlay_start_1:
0x0: {  	(tag) =	ssettag $0x1  }
0x1: {  	s0 =	rddreg [dreg:$0x0];
	s2 =	srdreg.scid;
	s1 =	simm.s32 $0x0  }
0x2: {  	s6 =	stileid.u32;
	s29 =	simm.s32 $0x7;
	s31 =	simm.s32 $0x4F80  }
0x3: {  	s30 =	simm.s32 $0x8F80;
	s2 =	sand.u32 $0x1, s2;
	[smem:$0x7FF] =	sst s1  }
0x4: {  	s3 =	sshll.u32 s6, $0x1;
	s6 =	smul.u32 $0x14000, s6;
	s7 =	sadd.s32 $0x5CC00, s0  }
0x5: {  	s4 =	ssub.s32 $0x2, s2;
	s3 =	sor.u32 s2, s3;
	s2 =	smul.u32 $0x140000, s2  }
0x6: {  	s5 =	sshrl.u32 s4, $0x1;
	s3 =	smul.u32 $0x4F8, s3;
	s8 =	sadd.s32 $0x4000, s6  }
0x7: {  	s9 =	sadd.s32 $0x6000, s6;
	s10 =	sadd.s32 $0x8000, s6;
	s12 =	sadd.s32 $0xA000, s6  }
0x8: {  	s23 =	sadd.s32 $0xC000, s6;
	s24 =	sadd.s32 $0xE000, s6;
	s25 =	sadd.s32 $0x10000, s6  }
0x9: {  	s26 =	sadd.s32 $0x12000, s6;
	s4 =	ssub.s32 s4, s5;
	s5 =	sor.u32 $0x2000, s6  }
0xa: {  	s11 =	sadd.s32 s6, s2;
	s21 =	sadd.s32 s2, s8;
	s22 =	sadd.s32 s2, s9  }
0xb: {  	s14 =	sadd.s32 s2, s10;
	s15 =	sadd.s32 s2, s12;
	s16 =	sadd.s32 s2, s23  }
0xc: {  	s17 =	sadd.s32 s2, s24;
	s11 =	sshrl.u32 s11, $0x3;
	s13 =	sadd.s32 s2, s5  }
0xd: {  	s14 =	sshrl.u32 s14, $0x3;
	s19 =	sshrl.u32 s17, $0x3;
	s28 =	smax.u32 s4, $0x1  }
0xe: {  	s4 =	simm.s32 $0x3;
	s11 =	sadd.s32 s7, s11;
	s20 =	sshrl.u32 s13, $0x3  }
0xf: {  	s13 =	sshrl.u32 s22, $0x3;
	s22 =	sadd.s32 s3, s0;
	s3 =	simm.s32 $0x2  }
0x10: {  	[dreg:$0x3] =	wrdreg s11;
	s11 =	sadd.s32 s7, s20;
	s13 =	sadd.s32 s7, s13  }
0x11: {  	s20 =	sadd.s32 s2, s25;
	[dreg:$0x4] =	wrdreg s11;
	s11 =	sshrl.u32 s21, $0x3  }
0x12: {  	[dreg:$0x6] =	wrdreg s13;
	s13 =	sshrl.u32 s16, $0x3;
	s11 =	sadd.s32 s7, s11  }
0x13: {  	s21 =	sshrl.u32 s20, $0x3;
	s18 =	sadd.s32 s7, s13;
	[dreg:$0x5] =	wrdreg s11  }
0x14: {  	s2 =	sadd.s32 s2, s26;
	s13 =	sadd.s32 s7, s21;
	[dreg:$0x9] =	wrdreg s18  }
0x15: {  	s2 =	sshrl.u32 s2, $0x3;
	s11 =	sadd.s32 s7, s14;
	[dreg:$0xb] =	wrdreg s13  }
0x16: {  	s2 =	sadd.s32 s7, s2;
	[dreg:$0x7] =	wrdreg s11;
	s11 =	sshrl.u32 s15, $0x3  }
0x17: {  	s16 =	sadd.s32 $0x2BA00, s22;
	[dreg:$0xc] =	wrdreg s2;
	s11 =	sadd.s32 s7, s11  }
0x18: {  	s14 =	sadd.s32 $0x35A00, s0;
	[dreg:$0x8] =	wrdreg s11;
	s11 =	sadd.s32 s7, s19  }
0x19: {  	s0 =	simm.s32 $0x6F80;
	s2 =	simm.s32 $0x1;
	[dreg:$0xa] =	wrdreg s11  }
0x1a: {  	s15 =	sadd.s32 $0x21A00, s22;
	s7 =	simm.s32 $0x6;
	s11 =	rddreg [dreg:$0x1]  }
0x1b: {  	_ =	strace $0x8000004A;
	s17 =	sadd.s32 s6, s11;
	s18 =	sadd.s32 s5, s11  }
0x1c: {  	s19 =	sadd.s32 s8, s11;
	s20 =	sadd.s32 s9, s11;
	s21 =	sadd.s32 s10, s11  }
0x1d: {  	s22 =	sadd.s32 s12, s11;
	s23 =	sadd.s32 s23, s11;
	s24 =	sadd.s32 s24, s11  }
0x1e: {  	s25 =	sadd.s32 s25, s11;
	s26 =	sadd.s32 s26, s11;
	s10 =	simm.s32 $0x40  }
0x1f: {  	v0 =	vimm.f32 $0.0e+00;
	s5 =	simm.s32 $0x4;
	s6 =	simm.s32 $0x5;
	s8 =	simm.s32 $0x0  }
.LBB2_1:
0x20: {  	[tilespmem:s1], [sflag:$0x7] =	stream.linear.gather [hbm4b:s15+s1], $0x27C0, $0x38;
	[tilespmem:$0x1EF80] =	vst v63  }
0x21: {  	_ =	swait.ge [sflag:s29], $0x27C0  }
0x22: {  	[sflag:s29] =	ssyncset.done $0x0  }
0x23: {  	s9 =	simm.s32 $0x27C0;
	[sflag:s29] =	ssyncadd.s32 $0xFFFFD840  }
0x24: {  	[tilespmem:s9], [sflag:$0x7] =	stream.linear.gather [hbm4b:s16+s1], $0x27C0, $0x38;
	[tilespmem:$0x1EF80] =	vst v63  }
0x25: {  	_ =	swait.ge [sflag:s29], $0x27C0  }
0x26: {  	[sflag:s29] =	ssyncset.done $0x0  }
0x27: {  	s12 =	simm.s32 $0x200;
	s9 =	simm.s32 $0x0;
	[sflag:s29] =	ssyncadd.s32 $0xFFFFD840  }
.LBB2_2:
0x28: {  	p0 =	sne.s32 s12, $0x7E00;
	[tilespmem:s9+$0x4FF0] =	vst v0  }
0x29: {  	[tilespmem:s9+$0x4F80] =	vst v0  }
0x2a: {  	[tilespmem:s9+$0x4F90] =	vst v0  }
.Ltmp0:
0x2b: {  	[tilespmem:s9+$0x4FA0] =	vst v0;
	(pc) =	sbr.rel @p0 .LBB2_2-.Ltmp0, $4  }
0x2c: {  	[tilespmem:s9+$0x4FB0] =	vst v0  }
0x2d: {  	[tilespmem:s9+$0x4FC0] =	vst v0  }
0x2e: {  	[tilespmem:s9+$0x4FD0] =	vst v0  }
0x2f: {  	[tilespmem:s9+$0x4FE0] =	vst v0;
	s9 =	sshra.s32 s12, $0x2;
	s12 =	sadd.s32 $0x200, s12  }
0x30: {  	[tilespmem:s9+$0x4FF0] =	vst v0  }
0x31: {  	[tilespmem:s9+$0x4F80] =	vst v0  }
0x32: {  	[tilespmem:s9+$0x4F90] =	vst v0  }
0x33: {  	[tilespmem:s9+$0x4FA0] =	vst v0  }
0x34: {  	[tilespmem:s9+$0x4FB0] =	vst v0  }
0x35: {  	[tilespmem:s9+$0x4FC0] =	vst v0  }
0x36: {  	[tilespmem:s9+$0x4FD0] =	vst v0  }
0x37: {  	[tilespmem:s9+$0x4FE0] =	vst v0  }
0x38: {  	[spmem:s17] =	stream.linear.scatter [tilespmem:s31], [sflag:$0x7], $0x2000, $0x38;
	[tilespmem:$0x1EF80] =	vst v63  }
0x39: {  	_ =	swait.ge [sflag:s29], $0x2000  }
0x3a: {  	[sflag:s29] =	ssyncset.done $0x0  }
0x3b: {  	[sflag:s29] =	ssyncadd.s32 $0xFFFFE000  }
0x3c: {  	[spmem:s18] =	stream.linear.scatter [tilespmem:s31], [sflag:$0x7], $0x2000, $0x38;
	[tilespmem:$0x1EF80] =	vst v63  }
0x3d: {  	_ =	swait.ge [sflag:s29], $0x2000  }
0x3e: {  	[sflag:s29] =	ssyncset.done $0x0  }
0x3f: {  	[sflag:s29] =	ssyncadd.s32 $0xFFFFE000  }
0x40: {  	[spmem:s19] =	stream.linear.scatter [tilespmem:s31], [sflag:$0x7], $0x2000, $0x38;
	[tilespmem:$0x1EF80] =	vst v63  }
0x41: {  	_ =	swait.ge [sflag:s29], $0x2000  }
0x42: {  	[sflag:s29] =	ssyncset.done $0x0  }
0x43: {  	[sflag:s29] =	ssyncadd.s32 $0xFFFFE000  }
0x44: {  	[spmem:s20] =	stream.linear.scatter [tilespmem:s31], [sflag:$0x7], $0x2000, $0x38;
	[tilespmem:$0x1EF80] =	vst v63  }
0x45: {  	_ =	swait.ge [sflag:s29], $0x2000  }
0x46: {  	[sflag:s29] =	ssyncset.done $0x0  }
0x47: {  	[sflag:s29] =	ssyncadd.s32 $0xFFFFE000  }
0x48: {  	[spmem:s21] =	stream.linear.scatter [tilespmem:s31], [sflag:$0x7], $0x2000, $0x38;
	[tilespmem:$0x1EF80] =	vst v63  }
0x49: {  	_ =	swait.ge [sflag:s29], $0x2000  }
0x4a: {  	[sflag:s29] =	ssyncset.done $0x0  }
0x4b: {  	[sflag:s29] =	ssyncadd.s32 $0xFFFFE000  }
0x4c: {  	[spmem:s22] =	stream.linear.scatter [tilespmem:s31], [sflag:$0x7], $0x2000, $0x38;
	[tilespmem:$0x1EF80] =	vst v63  }
0x4d: {  	_ =	swait.ge [sflag:s29], $0x2000  }
0x4e: {  	[sflag:s29] =	ssyncset.done $0x0  }
0x4f: {  	[sflag:s29] =	ssyncadd.s32 $0xFFFFE000  }
0x50: {  	[spmem:s23] =	stream.linear.scatter [tilespmem:s31], [sflag:$0x7], $0x2000, $0x38;
	[tilespmem:$0x1EF80] =	vst v63  }
0x51: {  	_ =	swait.ge [sflag:s29], $0x2000  }
0x52: {  	[sflag:s29] =	ssyncset.done $0x0  }
0x53: {  	[sflag:s29] =	ssyncadd.s32 $0xFFFFE000  }
0x54: {  	[spmem:s24] =	stream.linear.scatter [tilespmem:s31], [sflag:$0x7], $0x2000, $0x38;
	[tilespmem:$0x1EF80] =	vst v63  }
0x55: {  	_ =	swait.ge [sflag:s29], $0x2000  }
0x56: {  	[sflag:s29] =	ssyncset.done $0x0  }
0x57: {  	[sflag:s29] =	ssyncadd.s32 $0xFFFFE000  }
0x58: {  	[spmem:s25] =	stream.linear.scatter [tilespmem:s31], [sflag:$0x7], $0x2000, $0x38;
	[tilespmem:$0x1EF80] =	vst v63  }
0x59: {  	_ =	swait.ge [sflag:s29], $0x2000  }
0x5a: {  	[sflag:s29] =	ssyncset.done $0x0  }
0x5b: {  	[sflag:s29] =	ssyncadd.s32 $0xFFFFE000  }
0x5c: {  	[spmem:s26] =	stream.linear.scatter [tilespmem:s31], [sflag:$0x7], $0x2000, $0x38;
	[tilespmem:$0x1EF80] =	vst v63  }
0x5d: {  	_ =	swait.ge [sflag:s29], $0x2000  }
0x5e: {  	[sflag:s29] =	ssyncset.done $0x0  }
0x5f: {  	[sflag:s29] =	ssyncadd.s32 $0xFFFFE000  }
0x60: {  	s13 =	simm.s32 $0x0;
	[bflag:$0x0] =	sbarrier.arrive $0xFFFF  }
0x61: {  	[tilespmem:s31], [sflag:$0x1] =	stream.indirect.gather [hbm4b:s14+s10], $0x80, s13, s10, $0xb8;
	[tilespmem:$0x1EF80] =	vst v63  }
0x62: {  	_ = 	snop  }
0x63: {  	[tilespmem:s0], [sflag:$0x2] =	stream.indirect.gather [hbm4b:s14+s10], $0x80, s10, s10, $0xb8;
	[tilespmem:$0x1EF80] =	vst v63  }
0x64: {  	s12 =	simm.s32 $0x80  }
0x65: {  	[tilespmem:s30], [sflag:$0x3] =	stream.indirect.gather [hbm4b:s14+s10], $0x80, s12, s10, $0xb8;
	[tilespmem:$0x1EF80] =	vst v63  }
0x66: {  	_ =	swait.ge [sflag:s2], $0x2000  }
0x67: {  	[sflag:s2] =	ssyncset.done $0x0  }
0x68: {  	s13 =	simm.s32 $0x27C0;
	[sflag:s2] =	ssyncadd.s32 $0xFFFFE000  }
0x69: {  	[spmem:s11] =	stream.indirect.scatter.add.f32 [tilespmem:s31], [sflag:$0x4], $0x80, s13, s10, $0xb8;
	[tilespmem:$0x1EF80] =	vst v63  }
0x6a: {  	_ =	swait.ge [sflag:s3], $0x2000  }
0x6b: {  	[sflag:s3] =	ssyncset.done $0x0  }
0x6c: {  	s12 =	simm.s32 $0x2800;
	[sflag:s3] =	ssyncadd.s32 $0xFFFFE000  }
0x6d: {  	[spmem:s11] =	stream.indirect.scatter.add.f32 [tilespmem:s0], [sflag:$0x5], $0x80, s12, s10, $0xb8;
	[tilespmem:$0x1EF80] =	vst v63  }
0x6e: {  	_ =	swait.ge [sflag:s4], $0x2000  }
0x6f: {  	[sflag:s4] =	ssyncset.done $0x0  }
0x70: {  	s13 =	simm.s32 $0x2840;
	[sflag:s4] =	ssyncadd.s32 $0xFFFFE000  }
0x71: {  	[spmem:s11] =	stream.indirect.scatter.add.f32 [tilespmem:s30], [sflag:$0x6], $0x80, s13, s10, $0xb8;
	[tilespmem:$0x1EF80] =	vst v63  }
0x72: {  	_ =	swait.ge [sflag:s5], $0x2000  }
0x73: {  	[sflag:s5] =	ssyncset.done $0x0  }
0x74: {  	s12 =	simm.s32 $0xC0;
	[sflag:s5] =	ssyncadd.s32 $0xFFFFE000  }
0x75: {  	[tilespmem:s31], [sflag:$0x1] =	stream.indirect.gather [hbm4b:s14+s10], $0x80, s12, s10, $0xb8;
	[tilespmem:$0x1EF80] =	vst v63  }
0x76: {  	_ =	swait.ge [sflag:s6], $0x2000  }
0x77: {  	[sflag:s6] =	ssyncset.done $0x0  }
0x78: {  	s13 =	simm.s32 $0x100;
	[sflag:s6] =	ssyncadd.s32 $0xFFFFE000  }
0x79: {  	[tilespmem:s0], [sflag:$0x2] =	stream.indirect.gather [hbm4b:s14+s10], $0x80, s13, s10, $0xb8;
	[tilespmem:$0x1EF80] =	vst v63  }
0x7a: {  	_ =	swait.ge [sflag:s7], $0x2000  }
0x7b: {  	[sflag:s7] =	ssyncset.done $0x0  }
0x7c: {  	s9 =	simm.s32 $0x300;
	s12 =	simm.s32 $0x140;
	[sflag:s7] =	ssyncadd.s32 $0xFFFFE000  }
.LBB2_4:
0x7d: {  	[tilespmem:s30], [sflag:$0x3] =	stream.indirect.gather [hbm4b:s14+s10], $0x80, s12, s10, $0xb8;
	[tilespmem:$0x1EF80] =	vst v63  }
0x7e: {  	s12 =	smov.u32 s9  }
0x7f: {  	p0 =	sne.s32 s9, $0x9900;
	s9 =	sadd.s32 $0x300, s9;
	_ =	swait.ge [sflag:s2], $0x2000  }
0x80: {  	s12 =	sshra.s32 s12, $0x2;
	[sflag:s2] =	ssyncset.done $0x0  }
0x81: {  	s13 =	sadd.s32 $0x27C0, s12;
	[sflag:s2] =	ssyncadd.s32 $0xFFFFE000  }
0x82: {  	[spmem:s11] =	stream.indirect.scatter.add.f32 [tilespmem:s31], [sflag:$0x4], $0x80, s13, s10, $0xb8;
	[tilespmem:$0x1EF80] =	vst v63  }
0x83: {  	_ =	swait.ge [sflag:s3], $0x2000  }
0x84: {  	[sflag:s3] =	ssyncset.done $0x0  }
0x85: {  	s13 =	sadd.s32 $0x2800, s12;
	[sflag:s3] =	ssyncadd.s32 $0xFFFFE000  }
0x86: {  	[spmem:s11] =	stream.indirect.scatter.add.f32 [tilespmem:s0], [sflag:$0x5], $0x80, s13, s10, $0xb8;
	[tilespmem:$0x1EF80] =	vst v63  }
0x87: {  	_ =	swait.ge [sflag:s4], $0x2000  }
0x88: {  	[sflag:s4] =	ssyncset.done $0x0  }
0x89: {  	s13 =	sadd.s32 $0x2840, s12;
	[sflag:s4] =	ssyncadd.s32 $0xFFFFE000  }
0x8a: {  	[spmem:s11] =	stream.indirect.scatter.add.f32 [tilespmem:s30], [sflag:$0x6], $0x80, s13, s10, $0xb8;
	[tilespmem:$0x1EF80] =	vst v63  }
0x8b: {  	_ =	swait.ge [sflag:s5], $0x2000  }
0x8c: {  	[sflag:s5] =	ssyncset.done $0x0  }
0x8d: {  	s13 =	sadd.s32 $0xC0, s12;
	[sflag:s5] =	ssyncadd.s32 $0xFFFFE000  }
0x8e: {  	[tilespmem:s31], [sflag:$0x1] =	stream.indirect.gather [hbm4b:s14+s10], $0x80, s13, s10, $0xb8;
	[tilespmem:$0x1EF80] =	vst v63  }
0x8f: {  	_ =	swait.ge [sflag:s6], $0x2000  }
0x90: {  	[sflag:s6] =	ssyncset.done $0x0  }
.Ltmp1:
0x91: {  	s13 =	sadd.s32 $0x100, s12;
	[sflag:s6] =	ssyncadd.s32 $0xFFFFE000;
	(pc) =	sbr.rel @p0 .LBB2_4-.Ltmp1, $4  }
0x92: {  	[tilespmem:s0], [sflag:$0x2] =	stream.indirect.gather [hbm4b:s14+s10], $0x80, s13, s10, $0xb8;
	[tilespmem:$0x1EF80] =	vst v63  }
0x93: {  	_ =	swait.ge [sflag:s7], $0x2000  }
0x94: {  	[sflag:s7] =	ssyncset.done $0x0  }
0x95: {  	s12 =	sadd.s32 $0x140, s12;
	[sflag:s7] =	ssyncadd.s32 $0xFFFFE000  }
0x96: {  	[tilespmem:s30], [sflag:$0x3] =	stream.indirect.gather [hbm4b:s14+s10], $0x80, s12, s10, $0xb8;
	[tilespmem:$0x1EF80] =	vst v63  }
0x97: {  	_ =	swait.ge [sflag:s2], $0x2000  }
0x98: {  	[sflag:s2] =	ssyncset.done $0x0  }
0x99: {  	s9 =	simm.s32 $0x4EC0;
	[sflag:s2] =	ssyncadd.s32 $0xFFFFE000  }
0x9a: {  	[spmem:s11] =	stream.indirect.scatter.add.f32 [tilespmem:s31], [sflag:$0x7], $0x80, s9, s10, $0xb8;
	[tilespmem:$0x1EF80] =	vst v63  }
0x9b: {  	_ =	swait.ge [sflag:s29], $0x2000  }
0x9c: {  	[sflag:s29] =	ssyncset.done $0x0  }
0x9d: {  	[sflag:s29] =	ssyncadd.s32 $0xFFFFE000  }
0x9e: {  	_ =	swait.ge [sflag:s3], $0x2000  }
0x9f: {  	[sflag:s3] =	ssyncset.done $0x0  }
0xa0: {  	s12 =	simm.s32 $0x4F00;
	[sflag:s3] =	ssyncadd.s32 $0xFFFFE000  }
0xa1: {  	[spmem:s11] =	stream.indirect.scatter.add.f32 [tilespmem:s0], [sflag:$0x7], $0x80, s12, s10, $0xb8;
	[tilespmem:$0x1EF80] =	vst v63  }
0xa2: {  	_ =	swait.ge [sflag:s29], $0x2000  }
0xa3: {  	[sflag:s29] =	ssyncset.done $0x0  }
0xa4: {  	[sflag:s29] =	ssyncadd.s32 $0xFFFFE000  }
0xa5: {  	_ =	swait.ge [sflag:s4], $0x2000  }
0xa6: {  	[sflag:s4] =	ssyncset.done $0x0  }
0xa7: {  	s13 =	simm.s32 $0x4F40;
	[sflag:s4] =	ssyncadd.s32 $0xFFFFE000  }
0xa8: {  	[spmem:s11] =	stream.indirect.scatter.add.f32 [tilespmem:s30], [sflag:$0x7], $0x80, s13, s10, $0xb8;
	[tilespmem:$0x1EF80] =	vst v63  }
0xa9: {  	_ =	swait.ge [sflag:s29], $0x2000  }
0xaa: {  	[sflag:s29] =	ssyncset.done $0x0  }
0xab: {  	[sflag:s29] =	ssyncadd.s32 $0xFFFFE000  }
0xac: {  	[bflag:$0x0] =	sbarrier.arrive $0xFFFF  }
0xad: {  	[tilespmem:s31], [sflag:$0x7] =	stream.linear.gather [spmem:s17], $0x2000, $0x38;
	[tilespmem:$0x1EF80] =	vst v63  }
0xae: {  	_ =	swait.ge [sflag:s29], $0x2000  }
0xaf: {  	[sflag:s29] =	ssyncset.done $0x0  }
0xb0: {  	s12 =	rddreg [dreg:$0x3];
	[sflag:s29] =	ssyncadd.s32 $0xFFFFE000  }
0xb1: {  	[hbm4b:s12+s1] =	stream.linear.scatter [tilespmem:s31], [sflag:$0x7], $0x2000, $0x38;
	[tilespmem:$0x1EF80] =	vst v63  }
0xb2: {  	_ =	swait.ge [sflag:s29], $0x2000  }
0xb3: {  	[sflag:s29] =	ssyncset.done $0x0  }
0xb4: {  	[sflag:s29] =	ssyncadd.s32 $0xFFFFE000  }
0xb5: {  	[tilespmem:s31], [sflag:$0x7] =	stream.linear.gather [spmem:s18], $0x2000, $0x38;
	[tilespmem:$0x1EF80] =	vst v63  }
0xb6: {  	_ =	swait.ge [sflag:s29], $0x2000  }
0xb7: {  	[sflag:s29] =	ssyncset.done $0x0  }
0xb8: {  	s13 =	rddreg [dreg:$0x4];
	[sflag:s29] =	ssyncadd.s32 $0xFFFFE000  }
0xb9: {  	[hbm4b:s13+s1] =	stream.linear.scatter [tilespmem:s31], [sflag:$0x7], $0x2000, $0x38;
	[tilespmem:$0x1EF80] =	vst v63  }
0xba: {  	_ =	swait.ge [sflag:s29], $0x2000  }
0xbb: {  	[sflag:s29] =	ssyncset.done $0x0  }
0xbc: {  	[sflag:s29] =	ssyncadd.s32 $0xFFFFE000  }
0xbd: {  	[tilespmem:s31], [sflag:$0x7] =	stream.linear.gather [spmem:s19], $0x2000, $0x38;
	[tilespmem:$0x1EF80] =	vst v63  }
0xbe: {  	_ =	swait.ge [sflag:s29], $0x2000  }
0xbf: {  	[sflag:s29] =	ssyncset.done $0x0  }
0xc0: {  	s12 =	rddreg [dreg:$0x5];
	[sflag:s29] =	ssyncadd.s32 $0xFFFFE000  }
0xc1: {  	[hbm4b:s12+s1] =	stream.linear.scatter [tilespmem:s31], [sflag:$0x7], $0x2000, $0x38;
	[tilespmem:$0x1EF80] =	vst v63  }
0xc2: {  	_ =	swait.ge [sflag:s29], $0x2000  }
0xc3: {  	[sflag:s29] =	ssyncset.done $0x0  }
0xc4: {  	[sflag:s29] =	ssyncadd.s32 $0xFFFFE000  }
0xc5: {  	[tilespmem:s31], [sflag:$0x7] =	stream.linear.gather [spmem:s20], $0x2000, $0x38;
	[tilespmem:$0x1EF80] =	vst v63  }
0xc6: {  	_ =	swait.ge [sflag:s29], $0x2000  }
0xc7: {  	[sflag:s29] =	ssyncset.done $0x0  }
0xc8: {  	s13 =	rddreg [dreg:$0x6];
	[sflag:s29] =	ssyncadd.s32 $0xFFFFE000  }
0xc9: {  	[hbm4b:s13+s1] =	stream.linear.scatter [tilespmem:s31], [sflag:$0x7], $0x2000, $0x38;
	[tilespmem:$0x1EF80] =	vst v63  }
0xca: {  	_ =	swait.ge [sflag:s29], $0x2000  }
0xcb: {  	[sflag:s29] =	ssyncset.done $0x0  }
0xcc: {  	[sflag:s29] =	ssyncadd.s32 $0xFFFFE000  }
0xcd: {  	[tilespmem:s31], [sflag:$0x7] =	stream.linear.gather [spmem:s21], $0x2000, $0x38;
	[tilespmem:$0x1EF80] =	vst v63  }
0xce: {  	_ =	swait.ge [sflag:s29], $0x2000  }
0xcf: {  	[sflag:s29] =	ssyncset.done $0x0  }
0xd0: {  	s12 =	rddreg [dreg:$0x7];
	[sflag:s29] =	ssyncadd.s32 $0xFFFFE000  }
0xd1: {  	[hbm4b:s12+s1] =	stream.linear.scatter [tilespmem:s31], [sflag:$0x7], $0x2000, $0x38;
	[tilespmem:$0x1EF80] =	vst v63  }
0xd2: {  	_ =	swait.ge [sflag:s29], $0x2000  }
0xd3: {  	[sflag:s29] =	ssyncset.done $0x0  }
0xd4: {  	[sflag:s29] =	ssyncadd.s32 $0xFFFFE000  }
0xd5: {  	[tilespmem:s31], [sflag:$0x7] =	stream.linear.gather [spmem:s22], $0x2000, $0x38;
	[tilespmem:$0x1EF80] =	vst v63  }
0xd6: {  	_ =	swait.ge [sflag:s29], $0x2000  }
0xd7: {  	[sflag:s29] =	ssyncset.done $0x0  }
0xd8: {  	s13 =	rddreg [dreg:$0x8];
	[sflag:s29] =	ssyncadd.s32 $0xFFFFE000  }
0xd9: {  	[hbm4b:s13+s1] =	stream.linear.scatter [tilespmem:s31], [sflag:$0x7], $0x2000, $0x38;
	[tilespmem:$0x1EF80] =	vst v63  }
0xda: {  	_ =	swait.ge [sflag:s29], $0x2000  }
0xdb: {  	[sflag:s29] =	ssyncset.done $0x0  }
0xdc: {  	[sflag:s29] =	ssyncadd.s32 $0xFFFFE000  }
0xdd: {  	[tilespmem:s31], [sflag:$0x7] =	stream.linear.gather [spmem:s23], $0x2000, $0x38;
	[tilespmem:$0x1EF80] =	vst v63  }
0xde: {  	_ =	swait.ge [sflag:s29], $0x2000  }
0xdf: {  	[sflag:s29] =	ssyncset.done $0x0  }
0xe0: {  	s12 =	rddreg [dreg:$0x9];
	[sflag:s29] =	ssyncadd.s32 $0xFFFFE000  }
0xe1: {  	[hbm4b:s12+s1] =	stream.linear.scatter [tilespmem:s31], [sflag:$0x7], $0x2000, $0x38;
	[tilespmem:$0x1EF80] =	vst v63  }
0xe2: {  	_ =	swait.ge [sflag:s29], $0x2000  }
0xe3: {  	[sflag:s29] =	ssyncset.done $0x0  }
0xe4: {  	[sflag:s29] =	ssyncadd.s32 $0xFFFFE000  }
0xe5: {  	[tilespmem:s31], [sflag:$0x7] =	stream.linear.gather [spmem:s24], $0x2000, $0x38;
	[tilespmem:$0x1EF80] =	vst v63  }
0xe6: {  	_ =	swait.ge [sflag:s29], $0x2000  }
0xe7: {  	[sflag:s29] =	ssyncset.done $0x0  }
0xe8: {  	s13 =	rddreg [dreg:$0xa];
	[sflag:s29] =	ssyncadd.s32 $0xFFFFE000  }
0xe9: {  	[hbm4b:s13+s1] =	stream.linear.scatter [tilespmem:s31], [sflag:$0x7], $0x2000, $0x38;
	[tilespmem:$0x1EF80] =	vst v63  }
0xea: {  	_ =	swait.ge [sflag:s29], $0x2000  }
0xeb: {  	[sflag:s29] =	ssyncset.done $0x0  }
0xec: {  	[sflag:s29] =	ssyncadd.s32 $0xFFFFE000  }
0xed: {  	[tilespmem:s31], [sflag:$0x7] =	stream.linear.gather [spmem:s25], $0x2000, $0x38;
	[tilespmem:$0x1EF80] =	vst v63  }
0xee: {  	_ =	swait.ge [sflag:s29], $0x2000  }
0xef: {  	[sflag:s29] =	ssyncset.done $0x0  }
0xf0: {  	s12 =	rddreg [dreg:$0xb];
	[sflag:s29] =	ssyncadd.s32 $0xFFFFE000  }
0xf1: {  	[hbm4b:s12+s1] =	stream.linear.scatter [tilespmem:s31], [sflag:$0x7], $0x2000, $0x38;
	[tilespmem:$0x1EF80] =	vst v63  }
0xf2: {  	_ =	swait.ge [sflag:s29], $0x2000  }
0xf3: {  	[sflag:s29] =	ssyncset.done $0x0  }
0xf4: {  	[sflag:s29] =	ssyncadd.s32 $0xFFFFE000  }
0xf5: {  	[tilespmem:s31], [sflag:$0x7] =	stream.linear.gather [spmem:s26], $0x2000, $0x38;
	[tilespmem:$0x1EF80] =	vst v63  }
0xf6: {  	s8 =	sadd.s32 $0x1, s8;
	_ =	swait.ge [sflag:s29], $0x2000  }
0xf7: {  	p0 =	sne.s32 s8, s28;
	[sflag:s29] =	ssyncset.done $0x0  }
.Ltmp2:
0xf8: {  	s13 =	rddreg [dreg:$0xc];
	[sflag:s29] =	ssyncadd.s32 $0xFFFFE000;
	(pc) =	sbr.rel @p0 .LBB2_1-.Ltmp2, $4  }
0xf9: {  	[hbm4b:s13+s1] =	stream.linear.scatter [tilespmem:s31], [sflag:$0x7], $0x2000, $0x38;
	[tilespmem:$0x1EF80] =	vst v63  }
0xfa: {  	_ =	swait.ge [sflag:s29], $0x2000  }
0xfb: {  	[sflag:s29] =	ssyncset.done $0x0  }
0xfc: {  	[sflag:s29] =	ssyncadd.s32 $0xFFFFE000  }
0xfd: {  	_ =	sfence.sel $0x180000  }
0xfe: {  	[bflag:$0x0] =	sbarrier.arrive $0xFFFF  }
0xff: {  	_ =	strace $0x9000004A  }
0x100: {  	s0 =	stileid.u32;
	[bflag:$0x2] =	sbarrier.arrive $0xFFFF  }
0x101: {  	p0 =	sne.s32 s0, $0x0;
	s0 =	rddreg [dreg:$0x2]  }
0x102: {  	s0 =	sadd.s32 @!p0 $0x100000, s0  }
0x103: {  	[sflag:s0] =	ssyncadd.tile.s32 @!p0 $0x1;
	_ =	shalt  }
.Lfunc_end2:
_tile_overlayer_lowered:
.L_overlay_start_2:
0x104: {  	(tag) =	ssettag $0x2  }
0x105: {  	s0 =	rddreg [dreg:$0x0];
	s2 =	stileid.u32  }
0x106: {  	s1 =	rddreg [dreg:$0x1];
	p0 =	sne.s32 s2, $0x0  }
0x107: {  	s3 =	rddreg [dreg:$0x2];
	[bflag:$0x3] =	sbarrier.arrive $0xFFFF;
	s2 =	simm.s32 @!p0 $0x1C07  }
0x108: {  	[timem:s3], [sflag:s2] =	dma.local @!p0 [hbm:s0], s1  }
0x109: {  	s0 =	simm.s32 @!p0 $0x7  }
0x10a: {  	_ =	swait.ge @!p0 [sflag:s0], s1  }
0x10b: {  	s1 =	ssub.s32 @!p0 $0x0, s1;
	[sflag:s0] =	ssyncset.done @!p0 $0x0  }
0x10c: {  	[sflag:s0] =	ssyncadd.s32 @!p0 s1  }
0x10d: {  	[bflag:$0x3] =	sbarrier.arrive $0xFFFF  }
0x10e: {  	_ =	shalt  }

// kernel: kernel.16.cloned.1.call-start
scs
__scs_entry_jumppad:
0x0: {  	(pc) =	sbr.rel $0x88, $3  }
0x1: {  	(tag) =	ssettag $0x0;
	lr =	simm.s32 $0x1  }
0x2: {  	[smem:$0x3F99] =	sst lr;
	_ =	strace $0xD0000000  }
0x3: {  	_ = 	snop  }
0x4: {  	_ = 	snop  }
0x5: {  	_ = 	snop  }
0x6: {  	_ = 	snop  }
0x7: {  	_ = 	snop  }
__scs_overlays_trampoline_lowered:
0x8: {  	[smem:$0x3FA8] =	sst s0  }
0x9: {  	[smem:$0x3FA9] =	sst s1  }
0xa: {  	[smem:$0x3FAA] =	sst s2  }
0xb: {  	[smem:$0x3FAB] =	sst s3  }
0xc: {  	[smem:$0x3FAC] =	sst s4  }
0xd: {  	[smem:$0x3FAD] =	sst s5  }
0xe: {  	[smem:$0x3FAE] =	sst s6  }
0xf: {  	[smem:$0x3FAF] =	sst s7  }
0x10: {  	[smem:$0x3FB0] =	sst s8  }
0x11: {  	[smem:$0x3FB1] =	sst s9;
	s0 =	simm.s32 @!p0 $0x0  }
0x12: {  	s1 =	sld [smem:$0x3F97];
	s0 =	simm.s32 @p0 $0x1  }
0x13: {  	[smem:$0x3FB2] =	sst s0;
	s0 =	simm.s32 @!p1 $0x0  }
0x14: {  	s2 =	sld [smem:$0x3F96];
	s0 =	simm.s32 @p1 $0x1  }
0x15: {  	[smem:$0x3FB3] =	sst s0;
	s0 =	simm.s32 @!p2 $0x0  }
0x16: {  	s3 =	sld [smem:$0x3FDB];
	s0 =	simm.s32 @p2 $0x1  }
0x17: {  	s4 =	simm.s32 $0x1BF5;
	[smem:$0x3FB5] =	sst s0  }
0x18: {  	s0 =	sld [smem:$0x3F98];
	_ =	swait.ge [sflag:s4], $0x0  }
0x19: {  	s7 =	sld [smem:$0x3F99]  }
0x1a: {  	s8 =	sadd.s32 $0xFFFFE003, lr  }
0x1b: {  	s9 =	sadd.s32 $0xFFFFFEF7, lr;
	s5 =	simm.s32 $0xFFFFFFFF;
	p2 =	slt.u32 s8, $0xFFFFF086  }
0x1c: {  	p1 =	slt.u32 s9, $0xF7A;
	s5 =	simm.s32 @!p2 $0x0  }
0x1d: {  	s5 =	simm.s32 @p1 $0x1;
	p0 =	seq.s32 s7, s2  }
0x1e: {  	s7 =	smul.u32 @!p0 $0xF7A, s2;
	p2 =	seq.s32 @!p0 s5, $0x0  }
0x1f: {  	s9 =	smul.u32 $0xF7A, s1;
	s8 =	simm.s32 @!p0 $0x1BF5;
	p2 =	por !p2, p0  }
0x20: {  	[sflag:s8] =	ssyncset.s32 @!p0 $0xFFFFF086;
	s6 =	sadd.s32 @!p0 s3, s7;
	s7 =	simm.s32 @!p0 $0x108  }
0x21: {  	s3 =	sadd.s32 s3, s9;
	s6 =	sadd.s32 @!p0 $0x88, s6;
	s7 =	simm.s32 @p2 $0x1082  }
0x22: {  	[simem:s7], [sflag:s8] =	dma.local @!p0 [hbm:s6], $0xF7A  }
0x23: {  	s9 =	sor.u32 $0xD0000000, s2;
	s6 =	simm.s32 $0x108;
	_ =	swait.ge @!p0 [sflag:s8], $0x0  }
0x24: {  	s3 =	sadd.s32 $0x88, s3;
	s6 =	simm.s32 @!p1 $0x1082;
	[sflag:s4] =	ssyncset.s32 $0xFFFFF086  }
0x25: {  	[simem:s6], [sflag:s4] =	dma.local [hbm:s3], $0xF7A  }
0x26: {  	[smem:$0x3F99] =	sst s1;
	(tag) =	ssettag s2;
	_ =	strace s9  }
0x27: {  	s1 =	sld [smem:$0x3FA9]  }
0x28: {  	s2 =	sld [smem:$0x3FAA]  }
0x29: {  	s4 =	sld [smem:$0x3FAC]  }
0x2a: {  	p0 =	seq.s32 s5, $0x0;
	s5 =	sld [smem:$0x3FAD]  }
0x2b: {  	s6 =	sld [smem:$0x3FAE]  }
0x2c: {  	s7 =	sld [smem:$0x3FAF]  }
0x2d: {  	s3 =	simm.s32 $0x108;
	s8 =	sld [smem:$0x3FB0]  }
0x2e: {  	s3 =	simm.s32 @!p0 $0x1082;
	s9 =	sld [smem:$0x3FB1]  }
0x2f: {  	lr =	sadd.s32 s0, s3;
	s0 =	sld [smem:$0x3FA8]  }
0x30: {  	s3 =	sld [smem:$0x3FAB]  }
0x31: {  	[smem:$0x3FB4] =	sst s10  }
0x32: {  	s10 =	sld [smem:$0x3FB2];
	_ =	sdelay $0x3  }
0x33: {  	p0 =	seq.s32 s10, $0x1;
	s10 =	sld [smem:$0x3FB4];
	_ =	sdelay $0x3  }
0x34: {  	[smem:$0x3FB4] =	sst s10  }
0x35: {  	s10 =	sld [smem:$0x3FB3];
	_ =	sdelay $0x3  }
0x36: {  	p1 =	seq.s32 s10, $0x1;
	s10 =	sld [smem:$0x3FB4];
	_ =	sdelay $0x3  }
0x37: {  	[smem:$0x3FB4] =	sst s10  }
0x38: {  	s10 =	sld [smem:$0x3FB5]  }
0x39: {  	_ = 	snop;
	(pc) =	sbr.ind lr, $3  }
0x3a: {  	_ = 	snop  }
0x3b: {  	_ = 	snop  }
0x3c: {  	p2 =	seq.s32 s10, $0x1;
	s10 =	sld [smem:$0x3FB4]  }
0x3d: {  	_ =	shalt  }
0x3e: {  	_ =	shalt  }
0x3f: {  	_ =	shalt  }
0x40: {  	_ =	shalt  }
0x41: {  	_ =	shalt  }
0x42: {  	_ =	shalt  }
0x43: {  	_ =	shalt  }
0x44: {  	_ =	shalt  }
0x45: {  	_ =	shalt  }
0x46: {  	_ =	shalt  }
0x47: {  	_ =	shalt  }
0x48: {  	_ =	shalt  }
0x49: {  	_ =	shalt  }
0x4a: {  	_ =	shalt  }
0x4b: {  	_ =	shalt  }
0x4c: {  	_ =	shalt  }
0x4d: {  	_ =	shalt  }
0x4e: {  	_ =	shalt  }
0x4f: {  	_ =	shalt  }
0x50: {  	_ =	shalt  }
0x51: {  	_ =	shalt  }
0x52: {  	_ =	shalt  }
0x53: {  	_ =	shalt  }
0x54: {  	_ =	shalt  }
0x55: {  	_ =	shalt  }
0x56: {  	_ =	shalt  }
0x57: {  	_ =	shalt  }
0x58: {  	_ =	shalt  }
0x59: {  	_ =	shalt  }
0x5a: {  	_ =	shalt  }
0x5b: {  	_ =	shalt  }
0x5c: {  	_ =	shalt  }
0x5d: {  	_ =	shalt  }
0x5e: {  	_ =	shalt  }
0x5f: {  	_ =	shalt  }
0x60: {  	_ =	shalt  }
0x61: {  	_ =	shalt  }
0x62: {  	_ =	shalt  }
0x63: {  	_ =	shalt  }
0x64: {  	_ =	shalt  }
0x65: {  	_ =	shalt  }
0x66: {  	_ =	shalt  }
0x67: {  	_ =	shalt  }
0x68: {  	_ =	shalt  }
0x69: {  	_ =	shalt  }
0x6a: {  	_ =	shalt  }
0x6b: {  	_ =	shalt  }
0x6c: {  	_ =	shalt  }
0x6d: {  	_ =	shalt  }
0x6e: {  	_ =	shalt  }
0x6f: {  	_ =	shalt  }
0x70: {  	_ =	shalt  }
0x71: {  	_ =	shalt  }
0x72: {  	_ =	shalt  }
0x73: {  	_ =	shalt  }
0x74: {  	_ =	shalt  }
0x75: {  	_ =	shalt  }
0x76: {  	_ =	shalt  }
0x77: {  	_ =	shalt  }
0x78: {  	_ =	shalt  }
0x79: {  	_ =	shalt  }
0x7a: {  	_ =	shalt  }
0x7b: {  	_ =	shalt  }
0x7c: {  	_ =	shalt  }
0x7d: {  	_ =	shalt  }
0x7e: {  	_ =	shalt  }
0x7f: {  	_ =	shalt  }
0x80: {  	_ =	shalt  }
0x81: {  	_ =	shalt  }
0x82: {  	_ =	shalt  }
0x83: {  	_ =	shalt  }
0x84: {  	_ =	shalt  }
0x85: {  	_ =	shalt  }
0x86: {  	_ =	shalt  }
0x87: {  	_ =	shalt  }
.Lfunc_end0:
.L_simem_size_0:
called_computation.2_lowered:
.L_overlay_start_0:
0x88: {  	s2 =	sld [smem:$0x3FD9]  }
0x89: {  	s3 =	sld [smem:$0x3FFE];
	_ =	sdelay $0x1  }
0x8a: {  	s1 =	srdreg.scid  }
0x8b: {  	s0 =	sand.u32 $0x1, s1  }
0x8c: {  	s16 =	sshll.u32 s0, $0xA;
	s2 =	sadd.s32 s3, s2  }
0x8d: {  	s2 =	sadd.s32 s2, s16  }
0x8e: {  	[smem:$0x3FC0] =	sst s2  }
0x8f: {  	_ = 	snop  }
0x90: {  	(tm) =	ssettm $0x1  }
0x91: {  	s17 =	sld [smem:$0x3FFB];
	_ =	sdelay $0x3  }
0x92: {  	_ =	strace s17  }
0x93: {  	s2 =	sld [smem:$0x3FFC];
	_ =	sdelay $0x3  }
0x94: {  	_ =	strace s2  }
0x95: {  	s2 =	sld [smem:$0x3FFD];
	_ =	sdelay $0x3  }
0x96: {  	_ =	strace s2  }
0x97: {  	_ =	strace $0x8FFFFFFF  }
0x98: {  	s18 =	sld [smem:$0x3FDB];
	_ =	sdelay $0x1  }
0x99: {  	s19 =	simm.s32 $_scs_section_size  }
0x9a: {  	s4 =	simm.s32 $_size__tile_overlayer_lowered;
	s5 =	simm.s32 $_tile_overlayer_lowered  }
0x9b: {  	s22 =	simm.s32 $0x1BFF;
	s21 =	sshll.u32 s5, $0x1;
	s2 =	sadd.s32 s19, s18  }
0x9c: {  	s6 =	simm.s32 $0x0;
	s20 =	sshll.u32 s4, $0x1;
	s4 =	sadd.s32 s21, s2  }
0x9d: {  	[timem:s6], [sflag:s22] =	dma.local [hbm:s4], s20  }
0x9e: {  	_ =	swait.ge [sflag:s22], s20  }
0x9f: {  	s3 =	ssub.s32 $0x0, s20;
	[sflag:s22] =	ssyncset.done $0x0  }
0xa0: {  	[sflag:s22] =	ssyncadd.s32 s3;
	_ =	sdelay $0x1  }
0xa1: {  	s23 =	simm.s32 $0x1B8B  }
0xa2: {  	_ =	swait.ge [sflag:s23], $0x1  }
0xa3: {  	[sflag:s23] =	ssyncset.done $0x0  }
0xa4: {  	s25 =	simm.s32 $0x1B8E;
	s24 =	sld [smem:$0x3FFE];
	[sflag:s23] =	ssyncadd.s32 $0xFFFFFFFF  }
0xa5: {  	s26 =	simm.s32 $execute0_lowered;
	[smem:$0x3FD2] =	sst s25  }
0xa6: {  	s4 =	sshll.u32 s26, $0x1;
	_ =	strace $0x8000004C;
	[dreg:$0x1] =	wrdreg $0xFFFFFFFF  }
0xa7: {  	s28 =	simm.s32 $_size_execute0_lowered;
	s2 =	sadd.s32 s2, s4;
	[dreg:$0x0] =	wrdreg $0x0  }
0xa8: {  	s4 =	sshll.u32 s28, $0x1;
	[dreg:$0x2] =	wrdreg s2  }
0xa9: {  	[dreg:$0x3] =	wrdreg s4  }
0xaa: {  	[dreg:$0x4] =	wrdreg $0xC0  }
0xab: {  	_ =	task [dreg:s6], $0x5FFFF  }
0xac: {  	[dreg:$0x1] =	wrdreg $0xFFFFFFFF  }
0xad: {  	[dreg:$0x0] =	wrdreg $0x60  }
0xae: {  	[dreg:$0x2] =	wrdreg s24  }
0xaf: {  	[dreg:$0x3] =	wrdreg $0xAF800  }
0xb0: {  	[dreg:$0x4] =	wrdreg $0x9  }
0xb1: {  	_ =	task.clear_ibuf [dreg:s6], $0x5FFFF;
	_ =	strace $0x9000004C  }
0xb2: {  	s29 =	simm.s32 $0x9;
	_ =	strace $0x8000004E  }
0xb3: {  	_ =	swait.ge [sflag:s29], $0x1  }
0xb4: {  	[sflag:s29] =	ssyncadd.s32 $0xFFFFFFFF  }
0xb5: {  	_ =	strace $0x9000004E  }
0xb6: {  	_ =	sfence  }
0xb7: {  	s30 =	sld [smem:$0x0];
	_ =	sdelay $0x2  }
0xb8: {  	s31 =	sshll.u32 s1, $0xD;
	s1 =	sshrl.u32 s1, $0x2  }
0xb9: {  	s3 =	sand.u32 $0x4000, s31;
	s1 =	sadd.s32 s1, s30  }
0xba: {  	s0 =	sor.u32 s3, s0;
	s1 =	sshll.u32 s1, $0x11  }
0xbb: {  	s0 =	sor.u32 s1, s0  }
0xbc: {  	s0 =	sadd.s32 $0x8F2B, s0  }
0xbd: {  	[sflag:s0] =	ssyncadd.remote.s32 $0x1  }
0xbe: {  	_ =	sfence.sel $0xFFFF  }
0xbf: {  	[dreg:$0x0] =	wrdreg $0xFFFFFFFF;
	(pc) =	sbr.abs _section_cstart, $3  }
0xc0: {  	[dreg:$0x1] =	wrdreg $0xFFFFFFFF  }
0xc1: {  	_ =	task.clear_ibuf [dreg:s6], $0x2FFFF;
	_ =	strace $0x9FFFFFFF  }
0xc2: {  	(tm) =	ssettm $0x7FFFFFFF  }
0xc3: {  	_ =	shalt  }
tec
execute0_lowered:
.L_overlay_start_1:
0x0: {  	(tag) =	ssettag $0x1  }
0x1: {  	s0 =	rddreg [dreg:$0x0];
	s2 =	srdreg.scid;
	s1 =	simm.s32 $0x0  }
0x2: {  	s6 =	stileid.u32;
	s29 =	simm.s32 $0x7;
	s31 =	simm.s32 $0x4F80  }
0x3: {  	s30 =	simm.s32 $0x8F80;
	s2 =	sand.u32 $0x1, s2;
	[smem:$0x7FF] =	sst s1  }
0x4: {  	s3 =	sshll.u32 s6, $0x1;
	s6 =	smul.u32 $0x14000, s6;
	s7 =	sadd.s32 $0x5CC00, s0  }
0x5: {  	s4 =	ssub.s32 $0x2, s2;
	s3 =	sor.u32 s2, s3;
	s2 =	smul.u32 $0x140000, s2  }
0x6: {  	s5 =	sshrl.u32 s4, $0x1;
	s3 =	smul.u32 $0x4F8, s3;
	s8 =	sadd.s32 $0x4000, s6  }
0x7: {  	s9 =	sadd.s32 $0x6000, s6;
	s10 =	sadd.s32 $0x8000, s6;
	s12 =	sadd.s32 $0xA000, s6  }
0x8: {  	s23 =	sadd.s32 $0xC000, s6;
	s24 =	sadd.s32 $0xE000, s6;
	s25 =	sadd.s32 $0x10000, s6  }
0x9: {  	s26 =	sadd.s32 $0x12000, s6;
	s4 =	ssub.s32 s4, s5;
	s5 =	sor.u32 $0x2000, s6  }
0xa: {  	s11 =	sadd.s32 s6, s2;
	s21 =	sadd.s32 s2, s8;
	s22 =	sadd.s32 s2, s9  }
0xb: {  	s14 =	sadd.s32 s2, s10;
	s15 =	sadd.s32 s2, s12;
	s16 =	sadd.s32 s2, s23  }
0xc: {  	s17 =	sadd.s32 s2, s24;
	s11 =	sshrl.u32 s11, $0x3;
	s13 =	sadd.s32 s2, s5  }
0xd: {  	s14 =	sshrl.u32 s14, $0x3;
	s19 =	sshrl.u32 s17, $0x3;
	s28 =	smax.u32 s4, $0x1  }
0xe: {  	s4 =	simm.s32 $0x3;
	s11 =	sadd.s32 s7, s11;
	s20 =	sshrl.u32 s13, $0x3  }
0xf: {  	s13 =	sshrl.u32 s22, $0x3;
	s22 =	sadd.s32 s3, s0;
	s3 =	simm.s32 $0x2  }
0x10: {  	[dreg:$0x3] =	wrdreg s11;
	s11 =	sadd.s32 s7, s20;
	s13 =	sadd.s32 s7, s13  }
0x11: {  	s20 =	sadd.s32 s2, s25;
	[dreg:$0x4] =	wrdreg s11;
	s11 =	sshrl.u32 s21, $0x3  }
0x12: {  	[dreg:$0x6] =	wrdreg s13;
	s13 =	sshrl.u32 s16, $0x3;
	s11 =	sadd.s32 s7, s11  }
0x13: {  	s21 =	sshrl.u32 s20, $0x3;
	s18 =	sadd.s32 s7, s13;
	[dreg:$0x5] =	wrdreg s11  }
0x14: {  	s2 =	sadd.s32 s2, s26;
	s13 =	sadd.s32 s7, s21;
	[dreg:$0x9] =	wrdreg s18  }
0x15: {  	s2 =	sshrl.u32 s2, $0x3;
	s11 =	sadd.s32 s7, s14;
	[dreg:$0xb] =	wrdreg s13  }
0x16: {  	s2 =	sadd.s32 s7, s2;
	[dreg:$0x7] =	wrdreg s11;
	s11 =	sshrl.u32 s15, $0x3  }
0x17: {  	s16 =	sadd.s32 $0x2BA00, s22;
	[dreg:$0xc] =	wrdreg s2;
	s11 =	sadd.s32 s7, s11  }
0x18: {  	s14 =	sadd.s32 $0x35A00, s0;
	[dreg:$0x8] =	wrdreg s11;
	s11 =	sadd.s32 s7, s19  }
0x19: {  	s0 =	simm.s32 $0x6F80;
	s2 =	simm.s32 $0x1;
	[dreg:$0xa] =	wrdreg s11  }
0x1a: {  	s15 =	sadd.s32 $0x21A00, s22;
	s7 =	simm.s32 $0x6;
	s11 =	rddreg [dreg:$0x1]  }
0x1b: {  	_ =	strace $0x8000004D;
	s17 =	sadd.s32 s6, s11;
	s18 =	sadd.s32 s5, s11  }
0x1c: {  	s19 =	sadd.s32 s8, s11;
	s20 =	sadd.s32 s9, s11;
	s21 =	sadd.s32 s10, s11  }
0x1d: {  	s22 =	sadd.s32 s12, s11;
	s23 =	sadd.s32 s23, s11;
	s24 =	sadd.s32 s24, s11  }
0x1e: {  	s25 =	sadd.s32 s25, s11;
	s26 =	sadd.s32 s26, s11;
	s10 =	simm.s32 $0x40  }
0x1f: {  	v0 =	vimm.f32 $0.0e+00;
	s5 =	simm.s32 $0x4;
	s6 =	simm.s32 $0x5;
	s8 =	simm.s32 $0x0  }
.LBB2_1:
0x20: {  	[tilespmem:s1], [sflag:$0x7] =	stream.linear.gather [hbm4b:s15+s1], $0x27C0, $0x38;
	[tilespmem:$0x1EF80] =	vst v63  }
0x21: {  	_ =	swait.ge [sflag:s29], $0x27C0  }
0x22: {  	[sflag:s29] =	ssyncset.done $0x0  }
0x23: {  	s9 =	simm.s32 $0x27C0;
	[sflag:s29] =	ssyncadd.s32 $0xFFFFD840  }
0x24: {  	[tilespmem:s9], [sflag:$0x7] =	stream.linear.gather [hbm4b:s16+s1], $0x27C0, $0x38;
	[tilespmem:$0x1EF80] =	vst v63  }
0x25: {  	_ =	swait.ge [sflag:s29], $0x27C0  }
0x26: {  	[sflag:s29] =	ssyncset.done $0x0  }
0x27: {  	s12 =	simm.s32 $0x200;
	s9 =	simm.s32 $0x0;
	[sflag:s29] =	ssyncadd.s32 $0xFFFFD840  }
.LBB2_2:
0x28: {  	p0 =	sne.s32 s12, $0x7E00;
	[tilespmem:s9+$0x4FF0] =	vst v0  }
0x29: {  	[tilespmem:s9+$0x4F80] =	vst v0  }
0x2a: {  	[tilespmem:s9+$0x4F90] =	vst v0  }
.Ltmp0:
0x2b: {  	[tilespmem:s9+$0x4FA0] =	vst v0;
	(pc) =	sbr.rel @p0 .LBB2_2-.Ltmp0, $4  }
0x2c: {  	[tilespmem:s9+$0x4FB0] =	vst v0  }
0x2d: {  	[tilespmem:s9+$0x4FC0] =	vst v0  }
0x2e: {  	[tilespmem:s9+$0x4FD0] =	vst v0  }
0x2f: {  	[tilespmem:s9+$0x4FE0] =	vst v0;
	s9 =	sshra.s32 s12, $0x2;
	s12 =	sadd.s32 $0x200, s12  }
0x30: {  	[tilespmem:s9+$0x4FF0] =	vst v0  }
0x31: {  	[tilespmem:s9+$0x4F80] =	vst v0  }
0x32: {  	[tilespmem:s9+$0x4F90] =	vst v0  }
0x33: {  	[tilespmem:s9+$0x4FA0] =	vst v0  }
0x34: {  	[tilespmem:s9+$0x4FB0] =	vst v0  }
0x35: {  	[tilespmem:s9+$0x4FC0] =	vst v0  }
0x36: {  	[tilespmem:s9+$0x4FD0] =	vst v0  }
0x37: {  	[tilespmem:s9+$0x4FE0] =	vst v0  }
0x38: {  	[spmem:s17] =	stream.linear.scatter [tilespmem:s31], [sflag:$0x7], $0x2000, $0x38;
	[tilespmem:$0x1EF80] =	vst v63  }
0x39: {  	_ =	swait.ge [sflag:s29], $0x2000  }
0x3a: {  	[sflag:s29] =	ssyncset.done $0x0  }
0x3b: {  	[sflag:s29] =	ssyncadd.s32 $0xFFFFE000  }
0x3c: {  	[spmem:s18] =	stream.linear.scatter [tilespmem:s31], [sflag:$0x7], $0x2000, $0x38;
	[tilespmem:$0x1EF80] =	vst v63  }
0x3d: {  	_ =	swait.ge [sflag:s29], $0x2000  }
0x3e: {  	[sflag:s29] =	ssyncset.done $0x0  }
0x3f: {  	[sflag:s29] =	ssyncadd.s32 $0xFFFFE000  }
0x40: {  	[spmem:s19] =	stream.linear.scatter [tilespmem:s31], [sflag:$0x7], $0x2000, $0x38;
	[tilespmem:$0x1EF80] =	vst v63  }
0x41: {  	_ =	swait.ge [sflag:s29], $0x2000  }
0x42: {  	[sflag:s29] =	ssyncset.done $0x0  }
0x43: {  	[sflag:s29] =	ssyncadd.s32 $0xFFFFE000  }
0x44: {  	[spmem:s20] =	stream.linear.scatter [tilespmem:s31], [sflag:$0x7], $0x2000, $0x38;
	[tilespmem:$0x1EF80] =	vst v63  }
0x45: {  	_ =	swait.ge [sflag:s29], $0x2000  }
0x46: {  	[sflag:s29] =	ssyncset.done $0x0  }
0x47: {  	[sflag:s29] =	ssyncadd.s32 $0xFFFFE000  }
0x48: {  	[spmem:s21] =	stream.linear.scatter [tilespmem:s31], [sflag:$0x7], $0x2000, $0x38;
	[tilespmem:$0x1EF80] =	vst v63  }
0x49: {  	_ =	swait.ge [sflag:s29], $0x2000  }
0x4a: {  	[sflag:s29] =	ssyncset.done $0x0  }
0x4b: {  	[sflag:s29] =	ssyncadd.s32 $0xFFFFE000  }
0x4c: {  	[spmem:s22] =	stream.linear.scatter [tilespmem:s31], [sflag:$0x7], $0x2000, $0x38;
	[tilespmem:$0x1EF80] =	vst v63  }
0x4d: {  	_ =	swait.ge [sflag:s29], $0x2000  }
0x4e: {  	[sflag:s29] =	ssyncset.done $0x0  }
0x4f: {  	[sflag:s29] =	ssyncadd.s32 $0xFFFFE000  }
0x50: {  	[spmem:s23] =	stream.linear.scatter [tilespmem:s31], [sflag:$0x7], $0x2000, $0x38;
	[tilespmem:$0x1EF80] =	vst v63  }
0x51: {  	_ =	swait.ge [sflag:s29], $0x2000  }
0x52: {  	[sflag:s29] =	ssyncset.done $0x0  }
0x53: {  	[sflag:s29] =	ssyncadd.s32 $0xFFFFE000  }
0x54: {  	[spmem:s24] =	stream.linear.scatter [tilespmem:s31], [sflag:$0x7], $0x2000, $0x38;
	[tilespmem:$0x1EF80] =	vst v63  }
0x55: {  	_ =	swait.ge [sflag:s29], $0x2000  }
0x56: {  	[sflag:s29] =	ssyncset.done $0x0  }
0x57: {  	[sflag:s29] =	ssyncadd.s32 $0xFFFFE000  }
0x58: {  	[spmem:s25] =	stream.linear.scatter [tilespmem:s31], [sflag:$0x7], $0x2000, $0x38;
	[tilespmem:$0x1EF80] =	vst v63  }
0x59: {  	_ =	swait.ge [sflag:s29], $0x2000  }
0x5a: {  	[sflag:s29] =	ssyncset.done $0x0  }
0x5b: {  	[sflag:s29] =	ssyncadd.s32 $0xFFFFE000  }
0x5c: {  	[spmem:s26] =	stream.linear.scatter [tilespmem:s31], [sflag:$0x7], $0x2000, $0x38;
	[tilespmem:$0x1EF80] =	vst v63  }
0x5d: {  	_ =	swait.ge [sflag:s29], $0x2000  }
0x5e: {  	[sflag:s29] =	ssyncset.done $0x0  }
0x5f: {  	[sflag:s29] =	ssyncadd.s32 $0xFFFFE000  }
0x60: {  	s13 =	simm.s32 $0x0;
	[bflag:$0x0] =	sbarrier.arrive $0xFFFF  }
0x61: {  	[tilespmem:s31], [sflag:$0x1] =	stream.indirect.gather [hbm4b:s14+s10], $0x80, s13, s10, $0xb8;
	[tilespmem:$0x1EF80] =	vst v63  }
0x62: {  	_ = 	snop  }
0x63: {  	[tilespmem:s0], [sflag:$0x2] =	stream.indirect.gather [hbm4b:s14+s10], $0x80, s10, s10, $0xb8;
	[tilespmem:$0x1EF80] =	vst v63  }
0x64: {  	s12 =	simm.s32 $0x80  }
0x65: {  	[tilespmem:s30], [sflag:$0x3] =	stream.indirect.gather [hbm4b:s14+s10], $0x80, s12, s10, $0xb8;
	[tilespmem:$0x1EF80] =	vst v63  }
0x66: {  	_ =	swait.ge [sflag:s2], $0x2000  }
0x67: {  	[sflag:s2] =	ssyncset.done $0x0  }
0x68: {  	s13 =	simm.s32 $0x27C0;
	[sflag:s2] =	ssyncadd.s32 $0xFFFFE000  }
0x69: {  	[spmem:s11] =	stream.indirect.scatter.add.f32 [tilespmem:s31], [sflag:$0x4], $0x80, s13, s10, $0xb8;
	[tilespmem:$0x1EF80] =	vst v63  }
0x6a: {  	_ =	swait.ge [sflag:s3], $0x2000  }
0x6b: {  	[sflag:s3] =	ssyncset.done $0x0  }
0x6c: {  	s12 =	simm.s32 $0x2800;
	[sflag:s3] =	ssyncadd.s32 $0xFFFFE000  }
0x6d: {  	[spmem:s11] =	stream.indirect.scatter.add.f32 [tilespmem:s0], [sflag:$0x5], $0x80, s12, s10, $0xb8;
	[tilespmem:$0x1EF80] =	vst v63  }
0x6e: {  	_ =	swait.ge [sflag:s4], $0x2000  }
0x6f: {  	[sflag:s4] =	ssyncset.done $0x0  }
0x70: {  	s13 =	simm.s32 $0x2840;
	[sflag:s4] =	ssyncadd.s32 $0xFFFFE000  }
0x71: {  	[spmem:s11] =	stream.indirect.scatter.add.f32 [tilespmem:s30], [sflag:$0x6], $0x80, s13, s10, $0xb8;
	[tilespmem:$0x1EF80] =	vst v63  }
0x72: {  	_ =	swait.ge [sflag:s5], $0x2000  }
0x73: {  	[sflag:s5] =	ssyncset.done $0x0  }
0x74: {  	s12 =	simm.s32 $0xC0;
	[sflag:s5] =	ssyncadd.s32 $0xFFFFE000  }
0x75: {  	[tilespmem:s31], [sflag:$0x1] =	stream.indirect.gather [hbm4b:s14+s10], $0x80, s12, s10, $0xb8;
	[tilespmem:$0x1EF80] =	vst v63  }
0x76: {  	_ =	swait.ge [sflag:s6], $0x2000  }
0x77: {  	[sflag:s6] =	ssyncset.done $0x0  }
0x78: {  	s13 =	simm.s32 $0x100;
	[sflag:s6] =	ssyncadd.s32 $0xFFFFE000  }
0x79: {  	[tilespmem:s0], [sflag:$0x2] =	stream.indirect.gather [hbm4b:s14+s10], $0x80, s13, s10, $0xb8;
	[tilespmem:$0x1EF80] =	vst v63  }
0x7a: {  	_ =	swait.ge [sflag:s7], $0x2000  }
0x7b: {  	[sflag:s7] =	ssyncset.done $0x0  }
0x7c: {  	s9 =	simm.s32 $0x300;
	s12 =	simm.s32 $0x140;
	[sflag:s7] =	ssyncadd.s32 $0xFFFFE000  }
.LBB2_4:
0x7d: {  	[tilespmem:s30], [sflag:$0x3] =	stream.indirect.gather [hbm4b:s14+s10], $0x80, s12, s10, $0xb8;
	[tilespmem:$0x1EF80] =	vst v63  }
0x7e: {  	s12 =	smov.u32 s9  }
0x7f: {  	p0 =	sne.s32 s9, $0x9900;
	s9 =	sadd.s32 $0x300, s9;
	_ =	swait.ge [sflag:s2], $0x2000  }
0x80: {  	s12 =	sshra.s32 s12, $0x2;
	[sflag:s2] =	ssyncset.done $0x0  }
0x81: {  	s13 =	sadd.s32 $0x27C0, s12;
	[sflag:s2] =	ssyncadd.s32 $0xFFFFE000  }
0x82: {  	[spmem:s11] =	stream.indirect.scatter.add.f32 [tilespmem:s31], [sflag:$0x4], $0x80, s13, s10, $0xb8;
	[tilespmem:$0x1EF80] =	vst v63  }
0x83: {  	_ =	swait.ge [sflag:s3], $0x2000  }
0x84: {  	[sflag:s3] =	ssyncset.done $0x0  }
0x85: {  	s13 =	sadd.s32 $0x2800, s12;
	[sflag:s3] =	ssyncadd.s32 $0xFFFFE000  }
0x86: {  	[spmem:s11] =	stream.indirect.scatter.add.f32 [tilespmem:s0], [sflag:$0x5], $0x80, s13, s10, $0xb8;
	[tilespmem:$0x1EF80] =	vst v63  }
0x87: {  	_ =	swait.ge [sflag:s4], $0x2000  }
0x88: {  	[sflag:s4] =	ssyncset.done $0x0  }
0x89: {  	s13 =	sadd.s32 $0x2840, s12;
	[sflag:s4] =	ssyncadd.s32 $0xFFFFE000  }
0x8a: {  	[spmem:s11] =	stream.indirect.scatter.add.f32 [tilespmem:s30], [sflag:$0x6], $0x80, s13, s10, $0xb8;
	[tilespmem:$0x1EF80] =	vst v63  }
0x8b: {  	_ =	swait.ge [sflag:s5], $0x2000  }
0x8c: {  	[sflag:s5] =	ssyncset.done $0x0  }
0x8d: {  	s13 =	sadd.s32 $0xC0, s12;
	[sflag:s5] =	ssyncadd.s32 $0xFFFFE000  }
0x8e: {  	[tilespmem:s31], [sflag:$0x1] =	stream.indirect.gather [hbm4b:s14+s10], $0x80, s13, s10, $0xb8;
	[tilespmem:$0x1EF80] =	vst v63  }
0x8f: {  	_ =	swait.ge [sflag:s6], $0x2000  }
0x90: {  	[sflag:s6] =	ssyncset.done $0x0  }
.Ltmp1:
0x91: {  	s13 =	sadd.s32 $0x100, s12;
	[sflag:s6] =	ssyncadd.s32 $0xFFFFE000;
	(pc) =	sbr.rel @p0 .LBB2_4-.Ltmp1, $4  }
0x92: {  	[tilespmem:s0], [sflag:$0x2] =	stream.indirect.gather [hbm4b:s14+s10], $0x80, s13, s10, $0xb8;
	[tilespmem:$0x1EF80] =	vst v63  }
0x93: {  	_ =	swait.ge [sflag:s7], $0x2000  }
0x94: {  	[sflag:s7] =	ssyncset.done $0x0  }
0x95: {  	s12 =	sadd.s32 $0x140, s12;
	[sflag:s7] =	ssyncadd.s32 $0xFFFFE000  }
0x96: {  	[tilespmem:s30], [sflag:$0x3] =	stream.indirect.gather [hbm4b:s14+s10], $0x80, s12, s10, $0xb8;
	[tilespmem:$0x1EF80] =	vst v63  }
0x97: {  	_ =	swait.ge [sflag:s2], $0x2000  }
0x98: {  	[sflag:s2] =	ssyncset.done $0x0  }
0x99: {  	s9 =	simm.s32 $0x4EC0;
	[sflag:s2] =	ssyncadd.s32 $0xFFFFE000  }
0x9a: {  	[spmem:s11] =	stream.indirect.scatter.add.f32 [tilespmem:s31], [sflag:$0x7], $0x80, s9, s10, $0xb8;
	[tilespmem:$0x1EF80] =	vst v63  }
0x9b: {  	_ =	swait.ge [sflag:s29], $0x2000  }
0x9c: {  	[sflag:s29] =	ssyncset.done $0x0  }
0x9d: {  	[sflag:s29] =	ssyncadd.s32 $0xFFFFE000  }
0x9e: {  	_ =	swait.ge [sflag:s3], $0x2000  }
0x9f: {  	[sflag:s3] =	ssyncset.done $0x0  }
0xa0: {  	s12 =	simm.s32 $0x4F00;
	[sflag:s3] =	ssyncadd.s32 $0xFFFFE000  }
0xa1: {  	[spmem:s11] =	stream.indirect.scatter.add.f32 [tilespmem:s0], [sflag:$0x7], $0x80, s12, s10, $0xb8;
	[tilespmem:$0x1EF80] =	vst v63  }
0xa2: {  	_ =	swait.ge [sflag:s29], $0x2000  }
0xa3: {  	[sflag:s29] =	ssyncset.done $0x0  }
0xa4: {  	[sflag:s29] =	ssyncadd.s32 $0xFFFFE000  }
0xa5: {  	_ =	swait.ge [sflag:s4], $0x2000  }
0xa6: {  	[sflag:s4] =	ssyncset.done $0x0  }
0xa7: {  	s13 =	simm.s32 $0x4F40;
	[sflag:s4] =	ssyncadd.s32 $0xFFFFE000  }
0xa8: {  	[spmem:s11] =	stream.indirect.scatter.add.f32 [tilespmem:s30], [sflag:$0x7], $0x80, s13, s10, $0xb8;
	[tilespmem:$0x1EF80] =	vst v63  }
0xa9: {  	_ =	swait.ge [sflag:s29], $0x2000  }
0xaa: {  	[sflag:s29] =	ssyncset.done $0x0  }
0xab: {  	[sflag:s29] =	ssyncadd.s32 $0xFFFFE000  }
0xac: {  	[bflag:$0x0] =	sbarrier.arrive $0xFFFF  }
0xad: {  	[tilespmem:s31], [sflag:$0x7] =	stream.linear.gather [spmem:s17], $0x2000, $0x38;
	[tilespmem:$0x1EF80] =	vst v63  }
0xae: {  	_ =	swait.ge [sflag:s29], $0x2000  }
0xaf: {  	[sflag:s29] =	ssyncset.done $0x0  }
0xb0: {  	s12 =	rddreg [dreg:$0x3];
	[sflag:s29] =	ssyncadd.s32 $0xFFFFE000  }
0xb1: {  	[hbm4b:s12+s1] =	stream.linear.scatter [tilespmem:s31], [sflag:$0x7], $0x2000, $0x38;
	[tilespmem:$0x1EF80] =	vst v63  }
0xb2: {  	_ =	swait.ge [sflag:s29], $0x2000  }
0xb3: {  	[sflag:s29] =	ssyncset.done $0x0  }
0xb4: {  	[sflag:s29] =	ssyncadd.s32 $0xFFFFE000  }
0xb5: {  	[tilespmem:s31], [sflag:$0x7] =	stream.linear.gather [spmem:s18], $0x2000, $0x38;
	[tilespmem:$0x1EF80] =	vst v63  }
0xb6: {  	_ =	swait.ge [sflag:s29], $0x2000  }
0xb7: {  	[sflag:s29] =	ssyncset.done $0x0  }
0xb8: {  	s13 =	rddreg [dreg:$0x4];
	[sflag:s29] =	ssyncadd.s32 $0xFFFFE000  }
0xb9: {  	[hbm4b:s13+s1] =	stream.linear.scatter [tilespmem:s31], [sflag:$0x7], $0x2000, $0x38;
	[tilespmem:$0x1EF80] =	vst v63  }
0xba: {  	_ =	swait.ge [sflag:s29], $0x2000  }
0xbb: {  	[sflag:s29] =	ssyncset.done $0x0  }
0xbc: {  	[sflag:s29] =	ssyncadd.s32 $0xFFFFE000  }
0xbd: {  	[tilespmem:s31], [sflag:$0x7] =	stream.linear.gather [spmem:s19], $0x2000, $0x38;
	[tilespmem:$0x1EF80] =	vst v63  }
0xbe: {  	_ =	swait.ge [sflag:s29], $0x2000  }
0xbf: {  	[sflag:s29] =	ssyncset.done $0x0  }
0xc0: {  	s12 =	rddreg [dreg:$0x5];
	[sflag:s29] =	ssyncadd.s32 $0xFFFFE000  }
0xc1: {  	[hbm4b:s12+s1] =	stream.linear.scatter [tilespmem:s31], [sflag:$0x7], $0x2000, $0x38;
	[tilespmem:$0x1EF80] =	vst v63  }
0xc2: {  	_ =	swait.ge [sflag:s29], $0x2000  }
0xc3: {  	[sflag:s29] =	ssyncset.done $0x0  }
0xc4: {  	[sflag:s29] =	ssyncadd.s32 $0xFFFFE000  }
0xc5: {  	[tilespmem:s31], [sflag:$0x7] =	stream.linear.gather [spmem:s20], $0x2000, $0x38;
	[tilespmem:$0x1EF80] =	vst v63  }
0xc6: {  	_ =	swait.ge [sflag:s29], $0x2000  }
0xc7: {  	[sflag:s29] =	ssyncset.done $0x0  }
0xc8: {  	s13 =	rddreg [dreg:$0x6];
	[sflag:s29] =	ssyncadd.s32 $0xFFFFE000  }
0xc9: {  	[hbm4b:s13+s1] =	stream.linear.scatter [tilespmem:s31], [sflag:$0x7], $0x2000, $0x38;
	[tilespmem:$0x1EF80] =	vst v63  }
0xca: {  	_ =	swait.ge [sflag:s29], $0x2000  }
0xcb: {  	[sflag:s29] =	ssyncset.done $0x0  }
0xcc: {  	[sflag:s29] =	ssyncadd.s32 $0xFFFFE000  }
0xcd: {  	[tilespmem:s31], [sflag:$0x7] =	stream.linear.gather [spmem:s21], $0x2000, $0x38;
	[tilespmem:$0x1EF80] =	vst v63  }
0xce: {  	_ =	swait.ge [sflag:s29], $0x2000  }
0xcf: {  	[sflag:s29] =	ssyncset.done $0x0  }
0xd0: {  	s12 =	rddreg [dreg:$0x7];
	[sflag:s29] =	ssyncadd.s32 $0xFFFFE000  }
0xd1: {  	[hbm4b:s12+s1] =	stream.linear.scatter [tilespmem:s31], [sflag:$0x7], $0x2000, $0x38;
	[tilespmem:$0x1EF80] =	vst v63  }
0xd2: {  	_ =	swait.ge [sflag:s29], $0x2000  }
0xd3: {  	[sflag:s29] =	ssyncset.done $0x0  }
0xd4: {  	[sflag:s29] =	ssyncadd.s32 $0xFFFFE000  }
0xd5: {  	[tilespmem:s31], [sflag:$0x7] =	stream.linear.gather [spmem:s22], $0x2000, $0x38;
	[tilespmem:$0x1EF80] =	vst v63  }
0xd6: {  	_ =	swait.ge [sflag:s29], $0x2000  }
0xd7: {  	[sflag:s29] =	ssyncset.done $0x0  }
0xd8: {  	s13 =	rddreg [dreg:$0x8];
	[sflag:s29] =	ssyncadd.s32 $0xFFFFE000  }
0xd9: {  	[hbm4b:s13+s1] =	stream.linear.scatter [tilespmem:s31], [sflag:$0x7], $0x2000, $0x38;
	[tilespmem:$0x1EF80] =	vst v63  }
0xda: {  	_ =	swait.ge [sflag:s29], $0x2000  }
0xdb: {  	[sflag:s29] =	ssyncset.done $0x0  }
0xdc: {  	[sflag:s29] =	ssyncadd.s32 $0xFFFFE000  }
0xdd: {  	[tilespmem:s31], [sflag:$0x7] =	stream.linear.gather [spmem:s23], $0x2000, $0x38;
	[tilespmem:$0x1EF80] =	vst v63  }
0xde: {  	_ =	swait.ge [sflag:s29], $0x2000  }
0xdf: {  	[sflag:s29] =	ssyncset.done $0x0  }
0xe0: {  	s12 =	rddreg [dreg:$0x9];
	[sflag:s29] =	ssyncadd.s32 $0xFFFFE000  }
0xe1: {  	[hbm4b:s12+s1] =	stream.linear.scatter [tilespmem:s31], [sflag:$0x7], $0x2000, $0x38;
	[tilespmem:$0x1EF80] =	vst v63  }
0xe2: {  	_ =	swait.ge [sflag:s29], $0x2000  }
0xe3: {  	[sflag:s29] =	ssyncset.done $0x0  }
0xe4: {  	[sflag:s29] =	ssyncadd.s32 $0xFFFFE000  }
0xe5: {  	[tilespmem:s31], [sflag:$0x7] =	stream.linear.gather [spmem:s24], $0x2000, $0x38;
	[tilespmem:$0x1EF80] =	vst v63  }
0xe6: {  	_ =	swait.ge [sflag:s29], $0x2000  }
0xe7: {  	[sflag:s29] =	ssyncset.done $0x0  }
0xe8: {  	s13 =	rddreg [dreg:$0xa];
	[sflag:s29] =	ssyncadd.s32 $0xFFFFE000  }
0xe9: {  	[hbm4b:s13+s1] =	stream.linear.scatter [tilespmem:s31], [sflag:$0x7], $0x2000, $0x38;
	[tilespmem:$0x1EF80] =	vst v63  }
0xea: {  	_ =	swait.ge [sflag:s29], $0x2000  }
0xeb: {  	[sflag:s29] =	ssyncset.done $0x0  }
0xec: {  	[sflag:s29] =	ssyncadd.s32 $0xFFFFE000  }
0xed: {  	[tilespmem:s31], [sflag:$0x7] =	stream.linear.gather [spmem:s25], $0x2000, $0x38;
	[tilespmem:$0x1EF80] =	vst v63  }
0xee: {  	_ =	swait.ge [sflag:s29], $0x2000  }
0xef: {  	[sflag:s29] =	ssyncset.done $0x0  }
0xf0: {  	s12 =	rddreg [dreg:$0xb];
	[sflag:s29] =	ssyncadd.s32 $0xFFFFE000  }
0xf1: {  	[hbm4b:s12+s1] =	stream.linear.scatter [tilespmem:s31], [sflag:$0x7], $0x2000, $0x38;
	[tilespmem:$0x1EF80] =	vst v63  }
0xf2: {  	_ =	swait.ge [sflag:s29], $0x2000  }
0xf3: {  	[sflag:s29] =	ssyncset.done $0x0  }
0xf4: {  	[sflag:s29] =	ssyncadd.s32 $0xFFFFE000  }
0xf5: {  	[tilespmem:s31], [sflag:$0x7] =	stream.linear.gather [spmem:s26], $0x2000, $0x38;
	[tilespmem:$0x1EF80] =	vst v63  }
0xf6: {  	s8 =	sadd.s32 $0x1, s8;
	_ =	swait.ge [sflag:s29], $0x2000  }
0xf7: {  	p0 =	sne.s32 s8, s28;
	[sflag:s29] =	ssyncset.done $0x0  }
.Ltmp2:
0xf8: {  	s13 =	rddreg [dreg:$0xc];
	[sflag:s29] =	ssyncadd.s32 $0xFFFFE000;
	(pc) =	sbr.rel @p0 .LBB2_1-.Ltmp2, $4  }
0xf9: {  	[hbm4b:s13+s1] =	stream.linear.scatter [tilespmem:s31], [sflag:$0x7], $0x2000, $0x38;
	[tilespmem:$0x1EF80] =	vst v63  }
0xfa: {  	_ =	swait.ge [sflag:s29], $0x2000  }
0xfb: {  	[sflag:s29] =	ssyncset.done $0x0  }
0xfc: {  	[sflag:s29] =	ssyncadd.s32 $0xFFFFE000  }
0xfd: {  	_ =	sfence.sel $0x180000  }
0xfe: {  	[bflag:$0x0] =	sbarrier.arrive $0xFFFF  }
0xff: {  	_ =	strace $0x9000004D  }
0x100: {  	s0 =	stileid.u32;
	[bflag:$0x2] =	sbarrier.arrive $0xFFFF  }
0x101: {  	p0 =	sne.s32 s0, $0x0;
	s0 =	rddreg [dreg:$0x2]  }
0x102: {  	s0 =	sadd.s32 @!p0 $0x100000, s0  }
0x103: {  	[sflag:s0] =	ssyncadd.tile.s32 @!p0 $0x1;
	_ =	shalt  }
.Lfunc_end2:
_tile_overlayer_lowered:
.L_overlay_start_2:
0x104: {  	(tag) =	ssettag $0x2  }
0x105: {  	s0 =	rddreg [dreg:$0x0];
	s2 =	stileid.u32  }
0x106: {  	s1 =	rddreg [dreg:$0x1];
	p0 =	sne.s32 s2, $0x0  }
0x107: {  	s3 =	rddreg [dreg:$0x2];
	[bflag:$0x3] =	sbarrier.arrive $0xFFFF;
	s2 =	simm.s32 @!p0 $0x1C07  }
0x108: {  	[timem:s3], [sflag:s2] =	dma.local @!p0 [hbm:s0], s1  }
0x109: {  	s0 =	simm.s32 @!p0 $0x7  }
0x10a: {  	_ =	swait.ge @!p0 [sflag:s0], s1  }
0x10b: {  	s1 =	ssub.s32 @!p0 $0x0, s1;
	[sflag:s0] =	ssyncset.done @!p0 $0x0  }
0x10c: {  	[sflag:s0] =	ssyncadd.s32 @!p0 s1  }
0x10d: {  	[bflag:$0x3] =	sbarrier.arrive $0xFFFF  }
0x10e: {  	_ =	shalt  }

// kernel: kernel.19.cloned.1.call-start
scs
__scs_entry_jumppad:
0x0: {  	(pc) =	sbr.rel $0x88, $3  }
0x1: {  	(tag) =	ssettag $0x0;
	lr =	simm.s32 $0x1  }
0x2: {  	[smem:$0x3F99] =	sst lr;
	_ =	strace $0xD0000000  }
0x3: {  	_ = 	snop  }
0x4: {  	_ = 	snop  }
0x5: {  	_ = 	snop  }
0x6: {  	_ = 	snop  }
0x7: {  	_ = 	snop  }
__scs_overlays_trampoline_lowered:
0x8: {  	[smem:$0x3FA8] =	sst s0  }
0x9: {  	[smem:$0x3FA9] =	sst s1  }
0xa: {  	[smem:$0x3FAA] =	sst s2  }
0xb: {  	[smem:$0x3FAB] =	sst s3  }
0xc: {  	[smem:$0x3FAC] =	sst s4  }
0xd: {  	[smem:$0x3FAD] =	sst s5  }
0xe: {  	[smem:$0x3FAE] =	sst s6  }
0xf: {  	[smem:$0x3FAF] =	sst s7  }
0x10: {  	[smem:$0x3FB0] =	sst s8  }
0x11: {  	[smem:$0x3FB1] =	sst s9;
	s0 =	simm.s32 @!p0 $0x0  }
0x12: {  	s1 =	sld [smem:$0x3F97];
	s0 =	simm.s32 @p0 $0x1  }
0x13: {  	[smem:$0x3FB2] =	sst s0;
	s0 =	simm.s32 @!p1 $0x0  }
0x14: {  	s2 =	sld [smem:$0x3F96];
	s0 =	simm.s32 @p1 $0x1  }
0x15: {  	[smem:$0x3FB3] =	sst s0;
	s0 =	simm.s32 @!p2 $0x0  }
0x16: {  	s3 =	sld [smem:$0x3FDB];
	s0 =	simm.s32 @p2 $0x1  }
0x17: {  	s4 =	simm.s32 $0x1BF5;
	[smem:$0x3FB5] =	sst s0  }
0x18: {  	s0 =	sld [smem:$0x3F98];
	_ =	swait.ge [sflag:s4], $0x0  }
0x19: {  	s7 =	sld [smem:$0x3F99]  }
0x1a: {  	s8 =	sadd.s32 $0xFFFFE003, lr  }
0x1b: {  	s9 =	sadd.s32 $0xFFFFFEF7, lr;
	s5 =	simm.s32 $0xFFFFFFFF;
	p2 =	slt.u32 s8, $0xFFFFF086  }
0x1c: {  	p1 =	slt.u32 s9, $0xF7A;
	s5 =	simm.s32 @!p2 $0x0  }
0x1d: {  	s5 =	simm.s32 @p1 $0x1;
	p0 =	seq.s32 s7, s2  }
0x1e: {  	s7 =	smul.u32 @!p0 $0xF7A, s2;
	p2 =	seq.s32 @!p0 s5, $0x0  }
0x1f: {  	s9 =	smul.u32 $0xF7A, s1;
	s8 =	simm.s32 @!p0 $0x1BF5;
	p2 =	por !p2, p0  }
0x20: {  	[sflag:s8] =	ssyncset.s32 @!p0 $0xFFFFF086;
	s6 =	sadd.s32 @!p0 s3, s7;
	s7 =	simm.s32 @!p0 $0x108  }
0x21: {  	s3 =	sadd.s32 s3, s9;
	s6 =	sadd.s32 @!p0 $0x88, s6;
	s7 =	simm.s32 @p2 $0x1082  }
0x22: {  	[simem:s7], [sflag:s8] =	dma.local @!p0 [hbm:s6], $0xF7A  }
0x23: {  	s9 =	sor.u32 $0xD0000000, s2;
	s6 =	simm.s32 $0x108;
	_ =	swait.ge @!p0 [sflag:s8], $0x0  }
0x24: {  	s3 =	sadd.s32 $0x88, s3;
	s6 =	simm.s32 @!p1 $0x1082;
	[sflag:s4] =	ssyncset.s32 $0xFFFFF086  }
0x25: {  	[simem:s6], [sflag:s4] =	dma.local [hbm:s3], $0xF7A  }
0x26: {  	[smem:$0x3F99] =	sst s1;
	(tag) =	ssettag s2;
	_ =	strace s9  }
0x27: {  	s1 =	sld [smem:$0x3FA9]  }
0x28: {  	s2 =	sld [smem:$0x3FAA]  }
0x29: {  	s4 =	sld [smem:$0x3FAC]  }
0x2a: {  	p0 =	seq.s32 s5, $0x0;
	s5 =	sld [smem:$0x3FAD]  }
0x2b: {  	s6 =	sld [smem:$0x3FAE]  }
0x2c: {  	s7 =	sld [smem:$0x3FAF]  }
0x2d: {  	s3 =	simm.s32 $0x108;
	s8 =	sld [smem:$0x3FB0]  }
0x2e: {  	s3 =	simm.s32 @!p0 $0x1082;
	s9 =	sld [smem:$0x3FB1]  }
0x2f: {  	lr =	sadd.s32 s0, s3;
	s0 =	sld [smem:$0x3FA8]  }
0x30: {  	s3 =	sld [smem:$0x3FAB]  }
0x31: {  	[smem:$0x3FB4] =	sst s10  }
0x32: {  	s10 =	sld [smem:$0x3FB2];
	_ =	sdelay $0x3  }
0x33: {  	p0 =	seq.s32 s10, $0x1;
	s10 =	sld [smem:$0x3FB4];
	_ =	sdelay $0x3  }
0x34: {  	[smem:$0x3FB4] =	sst s10  }
0x35: {  	s10 =	sld [smem:$0x3FB3];
	_ =	sdelay $0x3  }
0x36: {  	p1 =	seq.s32 s10, $0x1;
	s10 =	sld [smem:$0x3FB4];
	_ =	sdelay $0x3  }
0x37: {  	[smem:$0x3FB4] =	sst s10  }
0x38: {  	s10 =	sld [smem:$0x3FB5]  }
0x39: {  	_ = 	snop;
	(pc) =	sbr.ind lr, $3  }
0x3a: {  	_ = 	snop  }
0x3b: {  	_ = 	snop  }
0x3c: {  	p2 =	seq.s32 s10, $0x1;
	s10 =	sld [smem:$0x3FB4]  }
0x3d: {  	_ =	shalt  }
0x3e: {  	_ =	shalt  }
0x3f: {  	_ =	shalt  }
0x40: {  	_ =	shalt  }
0x41: {  	_ =	shalt  }
0x42: {  	_ =	shalt  }
0x43: {  	_ =	shalt  }
0x44: {  	_ =	shalt  }
0x45: {  	_ =	shalt  }
0x46: {  	_ =	shalt  }
0x47: {  	_ =	shalt  }
0x48: {  	_ =	shalt  }
0x49: {  	_ =	shalt  }
0x4a: {  	_ =	shalt  }
0x4b: {  	_ =	shalt  }
0x4c: {  	_ =	shalt  }
0x4d: {  	_ =	shalt  }
0x4e: {  	_ =	shalt  }
0x4f: {  	_ =	shalt  }
0x50: {  	_ =	shalt  }
0x51: {  	_ =	shalt  }
0x52: {  	_ =	shalt  }
0x53: {  	_ =	shalt  }
0x54: {  	_ =	shalt  }
0x55: {  	_ =	shalt  }
0x56: {  	_ =	shalt  }
0x57: {  	_ =	shalt  }
0x58: {  	_ =	shalt  }
0x59: {  	_ =	shalt  }
0x5a: {  	_ =	shalt  }
0x5b: {  	_ =	shalt  }
0x5c: {  	_ =	shalt  }
0x5d: {  	_ =	shalt  }
0x5e: {  	_ =	shalt  }
0x5f: {  	_ =	shalt  }
0x60: {  	_ =	shalt  }
0x61: {  	_ =	shalt  }
0x62: {  	_ =	shalt  }
0x63: {  	_ =	shalt  }
0x64: {  	_ =	shalt  }
0x65: {  	_ =	shalt  }
0x66: {  	_ =	shalt  }
0x67: {  	_ =	shalt  }
0x68: {  	_ =	shalt  }
0x69: {  	_ =	shalt  }
0x6a: {  	_ =	shalt  }
0x6b: {  	_ =	shalt  }
0x6c: {  	_ =	shalt  }
0x6d: {  	_ =	shalt  }
0x6e: {  	_ =	shalt  }
0x6f: {  	_ =	shalt  }
0x70: {  	_ =	shalt  }
0x71: {  	_ =	shalt  }
0x72: {  	_ =	shalt  }
0x73: {  	_ =	shalt  }
0x74: {  	_ =	shalt  }
0x75: {  	_ =	shalt  }
0x76: {  	_ =	shalt  }
0x77: {  	_ =	shalt  }
0x78: {  	_ =	shalt  }
0x79: {  	_ =	shalt  }
0x7a: {  	_ =	shalt  }
0x7b: {  	_ =	shalt  }
0x7c: {  	_ =	shalt  }
0x7d: {  	_ =	shalt  }
0x7e: {  	_ =	shalt  }
0x7f: {  	_ =	shalt  }
0x80: {  	_ =	shalt  }
0x81: {  	_ =	shalt  }
0x82: {  	_ =	shalt  }
0x83: {  	_ =	shalt  }
0x84: {  	_ =	shalt  }
0x85: {  	_ =	shalt  }
0x86: {  	_ =	shalt  }
0x87: {  	_ =	shalt  }
.Lfunc_end0:
.L_simem_size_0:
called_computation.3_lowered:
.L_overlay_start_0:
0x88: {  	s2 =	sld [smem:$0x3FD9]  }
0x89: {  	s3 =	sld [smem:$0x3FFE];
	_ =	sdelay $0x1  }
0x8a: {  	s1 =	srdreg.scid  }
0x8b: {  	s0 =	sand.u32 $0x1, s1  }
0x8c: {  	s16 =	sshll.u32 s0, $0xA;
	s2 =	sadd.s32 s3, s2  }
0x8d: {  	s2 =	sadd.s32 s2, s16  }
0x8e: {  	[smem:$0x3FC0] =	sst s2  }
0x8f: {  	_ = 	snop  }
0x90: {  	(tm) =	ssettm $0x1  }
0x91: {  	s17 =	sld [smem:$0x3FFB];
	_ =	sdelay $0x3  }
0x92: {  	_ =	strace s17  }
0x93: {  	s2 =	sld [smem:$0x3FFC];
	_ =	sdelay $0x3  }
0x94: {  	_ =	strace s2  }
0x95: {  	s2 =	sld [smem:$0x3FFD];
	_ =	sdelay $0x3  }
0x96: {  	_ =	strace s2  }
0x97: {  	_ =	strace $0x8FFFFFFF  }
0x98: {  	s18 =	sld [smem:$0x3FDB];
	_ =	sdelay $0x1  }
0x99: {  	s19 =	simm.s32 $_scs_section_size  }
0x9a: {  	s4 =	simm.s32 $_size__tile_overlayer_lowered;
	s5 =	simm.s32 $_tile_overlayer_lowered  }
0x9b: {  	s22 =	simm.s32 $0x1BFF;
	s21 =	sshll.u32 s5, $0x1;
	s2 =	sadd.s32 s19, s18  }
0x9c: {  	s6 =	simm.s32 $0x0;
	s20 =	sshll.u32 s4, $0x1;
	s4 =	sadd.s32 s21, s2  }
0x9d: {  	[timem:s6], [sflag:s22] =	dma.local [hbm:s4], s20  }
0x9e: {  	_ =	swait.ge [sflag:s22], s20  }
0x9f: {  	s3 =	ssub.s32 $0x0, s20;
	[sflag:s22] =	ssyncset.done $0x0  }
0xa0: {  	[sflag:s22] =	ssyncadd.s32 s3;
	_ =	sdelay $0x1  }
0xa1: {  	s23 =	simm.s32 $0x1B8B  }
0xa2: {  	_ =	swait.ge [sflag:s23], $0x1  }
0xa3: {  	[sflag:s23] =	ssyncset.done $0x0  }
0xa4: {  	s25 =	simm.s32 $0x1B8E;
	s24 =	sld [smem:$0x3FFE];
	[sflag:s23] =	ssyncadd.s32 $0xFFFFFFFF  }
0xa5: {  	s26 =	simm.s32 $execute0_lowered;
	[smem:$0x3FD2] =	sst s25  }
0xa6: {  	s4 =	sshll.u32 s26, $0x1;
	_ =	strace $0x8000004F;
	[dreg:$0x1] =	wrdreg $0xFFFFFFFF  }
0xa7: {  	s28 =	simm.s32 $_size_execute0_lowered;
	s2 =	sadd.s32 s2, s4;
	[dreg:$0x0] =	wrdreg $0x0  }
0xa8: {  	s4 =	sshll.u32 s28, $0x1;
	[dreg:$0x2] =	wrdreg s2  }
0xa9: {  	[dreg:$0x3] =	wrdreg s4  }
0xaa: {  	[dreg:$0x4] =	wrdreg $0xC0  }
0xab: {  	_ =	task [dreg:s6], $0x5FFFF  }
0xac: {  	[dreg:$0x1] =	wrdreg $0xFFFFFFFF  }
0xad: {  	[dreg:$0x0] =	wrdreg $0x60  }
0xae: {  	[dreg:$0x2] =	wrdreg s24  }
0xaf: {  	[dreg:$0x3] =	wrdreg $0x69000  }
0xb0: {  	[dreg:$0x4] =	wrdreg $0x9  }
0xb1: {  	_ =	task.clear_ibuf [dreg:s6], $0x5FFFF;
	_ =	strace $0x9000004F  }
0xb2: {  	s29 =	simm.s32 $0x9;
	_ =	strace $0x80000051  }
0xb3: {  	_ =	swait.ge [sflag:s29], $0x1  }
0xb4: {  	[sflag:s29] =	ssyncadd.s32 $0xFFFFFFFF  }
0xb5: {  	_ =	strace $0x90000051  }
0xb6: {  	_ =	sfence  }
0xb7: {  	s30 =	sld [smem:$0x0];
	_ =	sdelay $0x2  }
0xb8: {  	s31 =	sshll.u32 s1, $0xD;
	s1 =	sshrl.u32 s1, $0x2  }
0xb9: {  	s3 =	sand.u32 $0x4000, s31;
	s1 =	sadd.s32 s1, s30  }
0xba: {  	s0 =	sor.u32 s3, s0;
	s1 =	sshll.u32 s1, $0x11  }
0xbb: {  	s0 =	sor.u32 s1, s0  }
0xbc: {  	s0 =	sadd.s32 $0x8F2B, s0  }
0xbd: {  	[sflag:s0] =	ssyncadd.remote.s32 $0x1  }
0xbe: {  	_ =	sfence.sel $0xFFFF  }
0xbf: {  	[dreg:$0x0] =	wrdreg $0xFFFFFFFF;
	(pc) =	sbr.abs _section_cstart, $3  }
0xc0: {  	[dreg:$0x1] =	wrdreg $0xFFFFFFFF  }
0xc1: {  	_ =	task.clear_ibuf [dreg:s6], $0x2FFFF;
	_ =	strace $0x9FFFFFFF  }
0xc2: {  	(tm) =	ssettm $0x7FFFFFFF  }
0xc3: {  	_ =	shalt  }
tec
execute0_lowered:
.L_overlay_start_1:
0x0: {  	(tag) =	ssettag $0x1  }
0x1: {  	s0 =	rddreg [dreg:$0x0]  }
0x2: {  	s2 =	rddreg [dreg:$0x1]  }
0x3: {  	s1 =	srdreg.scid;
	s8 =	stileid.u32  }
0x4: {  	s3 =	simm.s32 $0x0;
	s20 =	simm.s32 $0x5100;
	s21 =	simm.s32 $0x80  }
0x5: {  	s22 =	simm.s32 $0x5900;
	s24 =	simm.s32 $0x6100;
	s25 =	simm.s32 $0x1  }
0x6: {  	s28 =	simm.s32 $0x3;
	s29 =	simm.s32 $0x4;
	s30 =	simm.s32 $0x5  }
0x7: {  	s31 =	simm.s32 $0x6;
	s23 =	simm.s32 $0x0;
	s1 =	sand.u32 $0x1, s1  }
0x8: {  	s4 =	sshll.u32 s8, $0x1;
	[smem:$0x7FF] =	sst s3;
	s11 =	smul.u32 $0x2800, s8  }
0x9: {  	s4 =	sor.u32 s1, s4;
	s6 =	ssub.s32 $0x2, s1;
	s1 =	smul.u32 $0x28000, s1  }
0xa: {  	_ =	strace $0x80000050;
	s5 =	smul.u32 $0x510, s4;
	s4 =	sadd.s32 $0x17A00, s0  }
0xb: {  	s7 =	sshrl.u32 s6, $0x1;
	s12 =	sadd.s32 $0x800, s11;
	s14 =	sadd.s32 $0x1000, s11  }
0xc: {  	s15 =	sadd.s32 $0x1800, s11;
	s16 =	sadd.s32 $0x2000, s11;
	s17 =	ssub.s32 s6, s7  }
0xd: {  	s7 =	sadd.s32 s11, s2;
	s8 =	sadd.s32 s12, s2;
	s9 =	sadd.s32 s14, s2  }
0xe: {  	s10 =	sadd.s32 s15, s2;
	s13 =	sadd.s32 s11, s1;
	s12 =	sadd.s32 s1, s12  }
0xf: {  	s11 =	sadd.s32 s16, s2;
	s14 =	sadd.s32 s1, s14;
	s15 =	sadd.s32 s1, s15  }
0x10: {  	s1 =	sadd.s32 s1, s16;
	s26 =	sadd.s32 s5, s0;
	s0 =	sadd.s32 $0x1CA00, s0  }
0x11: {  	s13 =	sshrl.u32 s13, $0x3;
	s18 =	sshrl.u32 s12, $0x3;
	s14 =	sshrl.u32 s14, $0x3  }
0x12: {  	s15 =	sshrl.u32 s15, $0x3;
	s1 =	sshrl.u32 s1, $0x3;
	s17 =	smax.u32 s17, $0x1  }
0x13: {  	s5 =	sadd.s32 $0xD800, s26;
	s6 =	sadd.s32 $0x3600, s26;
	s12 =	sadd.s32 s0, s13  }
0x14: {  	s13 =	sadd.s32 s0, s18;
	s14 =	sadd.s32 s0, s14;
	s15 =	sadd.s32 s0, s15  }
0x15: {  	v0 =	vimm.f32 $0.0e+00;
	s16 =	sadd.s32 s0, s1;
	s18 =	simm.s32 $0x7;
	s26 =	simm.s32 $0x2  }
.LBB2_1:
0x16: {  	[tilespmem:s3], [sflag:$0x7] =	stream.linear.gather [hbm4b:s5+s3], $0x2880, $0x38;
	[tilespmem:$0x9100] =	vst v63  }
0x17: {  	_ =	swait.ge [sflag:s18], $0x2880  }
0x18: {  	[sflag:s18] =	ssyncset.done $0x0  }
0x19: {  	s0 =	simm.s32 $0x2880;
	[sflag:s18] =	ssyncadd.s32 $0xFFFFD780  }
0x1a: {  	[tilespmem:s0], [sflag:$0x7] =	stream.linear.gather [hbm4b:s6+s3], $0x2880, $0x38;
	[tilespmem:$0x9100] =	vst v63  }
0x1b: {  	_ =	swait.ge [sflag:s18], $0x2880  }
0x1c: {  	[sflag:s18] =	ssyncset.done $0x0  }
0x1d: {  	s1 =	simm.s32 $0x0;
	s0 =	simm.s32 $0x40;
	[sflag:s18] =	ssyncadd.s32 $0xFFFFD780  }
.LBB2_2:
0x1e: {  	p0 =	sne.s32 s0, $0x1FC0;
	[tilespmem:s1+$0x5100] =	vst v0;
	s1 =	smov.u32 s0;
	s0 =	sadd.s32 $0x40, s0  }
.Ltmp0:
0x1f: {  	(pc) =	sbr.rel @p0 .LBB2_2-.Ltmp0, $2  }
0x20: {  	_ =	sdelay $0x2  }
0x21: {  	s1 =	sshra.s32 s1, $0x2  }
0x22: {  	[tilespmem:s1+$0x5100] =	vst v0  }
0x23: {  	[spmem:s7] =	stream.linear.scatter [tilespmem:s20], [sflag:$0x7], $0x800, $0x38;
	[tilespmem:$0x9100] =	vst v63  }
0x24: {  	_ =	swait.ge [sflag:s18], $0x800  }
0x25: {  	[sflag:s18] =	ssyncset.done $0x0  }
0x26: {  	[sflag:s18] =	ssyncadd.s32 $0xFFFFF800  }
0x27: {  	[spmem:s8] =	stream.linear.scatter [tilespmem:s20], [sflag:$0x7], $0x800, $0x38;
	[tilespmem:$0x9100] =	vst v63  }
0x28: {  	_ =	swait.ge [sflag:s18], $0x800  }
0x29: {  	[sflag:s18] =	ssyncset.done $0x0  }
0x2a: {  	[sflag:s18] =	ssyncadd.s32 $0xFFFFF800  }
0x2b: {  	[spmem:s9] =	stream.linear.scatter [tilespmem:s20], [sflag:$0x7], $0x800, $0x38;
	[tilespmem:$0x9100] =	vst v63  }
0x2c: {  	_ =	swait.ge [sflag:s18], $0x800  }
0x2d: {  	[sflag:s18] =	ssyncset.done $0x0  }
0x2e: {  	[sflag:s18] =	ssyncadd.s32 $0xFFFFF800  }
0x2f: {  	[spmem:s10] =	stream.linear.scatter [tilespmem:s20], [sflag:$0x7], $0x800, $0x38;
	[tilespmem:$0x9100] =	vst v63  }
0x30: {  	_ =	swait.ge [sflag:s18], $0x800  }
0x31: {  	[sflag:s18] =	ssyncset.done $0x0  }
0x32: {  	[sflag:s18] =	ssyncadd.s32 $0xFFFFF800  }
0x33: {  	[spmem:s11] =	stream.linear.scatter [tilespmem:s20], [sflag:$0x7], $0x800, $0x38;
	[tilespmem:$0x9100] =	vst v63  }
0x34: {  	_ =	swait.ge [sflag:s18], $0x800  }
0x35: {  	[sflag:s18] =	ssyncset.done $0x0  }
0x36: {  	[sflag:s18] =	ssyncadd.s32 $0xFFFFF800  }
0x37: {  	s0 =	simm.s32 $0x0;
	[bflag:$0x0] =	sbarrier.arrive $0xFFFF  }
0x38: {  	[tilespmem:s20], [sflag:$0x1] =	stream.indirect.gather [hbm4b:s4+s21], $0x10, s0, s21, $0xb8;
	[tilespmem:$0x9100] =	vst v63  }
0x39: {  	_ = 	snop  }
0x3a: {  	[tilespmem:s22], [sflag:$0x2] =	stream.indirect.gather [hbm4b:s4+s21], $0x10, s21, s21, $0xb8;
	[tilespmem:$0x9100] =	vst v63  }
0x3b: {  	s1 =	simm.s32 $0x100  }
0x3c: {  	[tilespmem:s24], [sflag:$0x3] =	stream.indirect.gather [hbm4b:s4+s21], $0x10, s1, s21, $0xb8;
	[tilespmem:$0x9100] =	vst v63  }
0x3d: {  	_ =	swait.ge [sflag:s25], $0x800  }
0x3e: {  	[sflag:s25] =	ssyncset.done $0x0  }
0x3f: {  	s19 =	simm.s32 $0x2880;
	[sflag:s25] =	ssyncadd.s32 $0xFFFFF800  }
0x40: {  	[spmem:s2] =	stream.indirect.scatter.add.f32 [tilespmem:s20], [sflag:$0x4], $0x10, s19, s21, $0xb8;
	[tilespmem:$0x9100] =	vst v63  }
0x41: {  	_ =	swait.ge [sflag:s26], $0x800  }
0x42: {  	[sflag:s26] =	ssyncset.done $0x0  }
0x43: {  	s1 =	simm.s32 $0x2900;
	[sflag:s26] =	ssyncadd.s32 $0xFFFFF800  }
0x44: {  	[spmem:s2] =	stream.indirect.scatter.add.f32 [tilespmem:s22], [sflag:$0x5], $0x10, s1, s21, $0xb8;
	[tilespmem:$0x9100] =	vst v63  }
0x45: {  	_ =	swait.ge [sflag:s28], $0x800  }
0x46: {  	[sflag:s28] =	ssyncset.done $0x0  }
0x47: {  	s19 =	simm.s32 $0x2980;
	[sflag:s28] =	ssyncadd.s32 $0xFFFFF800  }
0x48: {  	[spmem:s2] =	stream.indirect.scatter.add.f32 [tilespmem:s24], [sflag:$0x6], $0x10, s19, s21, $0xb8;
	[tilespmem:$0x9100] =	vst v63  }
0x49: {  	_ =	swait.ge [sflag:s29], $0x800  }
0x4a: {  	[sflag:s29] =	ssyncset.done $0x0  }
0x4b: {  	s1 =	simm.s32 $0x180;
	[sflag:s29] =	ssyncadd.s32 $0xFFFFF800  }
0x4c: {  	[tilespmem:s20], [sflag:$0x1] =	stream.indirect.gather [hbm4b:s4+s21], $0x10, s1, s21, $0xb8;
	[tilespmem:$0x9100] =	vst v63  }
0x4d: {  	_ =	swait.ge [sflag:s30], $0x800  }
0x4e: {  	[sflag:s30] =	ssyncset.done $0x0  }
0x4f: {  	s19 =	simm.s32 $0x200;
	[sflag:s30] =	ssyncadd.s32 $0xFFFFF800  }
0x50: {  	[tilespmem:s22], [sflag:$0x2] =	stream.indirect.gather [hbm4b:s4+s21], $0x10, s19, s21, $0xb8;
	[tilespmem:$0x9100] =	vst v63  }
0x51: {  	_ =	swait.ge [sflag:s31], $0x800  }
0x52: {  	[sflag:s31] =	ssyncset.done $0x0  }
0x53: {  	s0 =	simm.s32 $0x600;
	s1 =	simm.s32 $0x280;
	[sflag:s31] =	ssyncadd.s32 $0xFFFFF800  }
.LBB2_4:
0x54: {  	[tilespmem:s24], [sflag:$0x3] =	stream.indirect.gather [hbm4b:s4+s21], $0x10, s1, s21, $0xb8;
	[tilespmem:$0x9100] =	vst v63  }
0x55: {  	s1 =	smov.u32 s0  }
0x56: {  	p0 =	sne.s32 s0, $0x9600;
	s0 =	sadd.s32 $0x600, s0;
	_ =	swait.ge [sflag:s25], $0x800  }
0x57: {  	s1 =	sshra.s32 s1, $0x2;
	[sflag:s25] =	ssyncset.done $0x0  }
0x58: {  	s19 =	sadd.s32 $0x2880, s1;
	[sflag:s25] =	ssyncadd.s32 $0xFFFFF800  }
0x59: {  	[spmem:s2] =	stream.indirect.scatter.add.f32 [tilespmem:s20], [sflag:$0x4], $0x10, s19, s21, $0xb8;
	[tilespmem:$0x9100] =	vst v63  }
0x5a: {  	_ =	swait.ge [sflag:s26], $0x800  }
0x5b: {  	[sflag:s26] =	ssyncset.done $0x0  }
0x5c: {  	s19 =	sadd.s32 $0x2900, s1;
	[sflag:s26] =	ssyncadd.s32 $0xFFFFF800  }
0x5d: {  	[spmem:s2] =	stream.indirect.scatter.add.f32 [tilespmem:s22], [sflag:$0x5], $0x10, s19, s21, $0xb8;
	[tilespmem:$0x9100] =	vst v63  }
0x5e: {  	_ =	swait.ge [sflag:s28], $0x800  }
0x5f: {  	[sflag:s28] =	ssyncset.done $0x0  }
0x60: {  	s19 =	sadd.s32 $0x2980, s1;
	[sflag:s28] =	ssyncadd.s32 $0xFFFFF800  }
0x61: {  	[spmem:s2] =	stream.indirect.scatter.add.f32 [tilespmem:s24], [sflag:$0x6], $0x10, s19, s21, $0xb8;
	[tilespmem:$0x9100] =	vst v63  }
0x62: {  	_ =	swait.ge [sflag:s29], $0x800  }
0x63: {  	[sflag:s29] =	ssyncset.done $0x0  }
0x64: {  	s19 =	sadd.s32 $0x180, s1;
	[sflag:s29] =	ssyncadd.s32 $0xFFFFF800  }
0x65: {  	[tilespmem:s20], [sflag:$0x1] =	stream.indirect.gather [hbm4b:s4+s21], $0x10, s19, s21, $0xb8;
	[tilespmem:$0x9100] =	vst v63  }
0x66: {  	_ =	swait.ge [sflag:s30], $0x800  }
0x67: {  	[sflag:s30] =	ssyncset.done $0x0  }
.Ltmp1:
0x68: {  	s19 =	sadd.s32 $0x200, s1;
	[sflag:s30] =	ssyncadd.s32 $0xFFFFF800;
	(pc) =	sbr.rel @p0 .LBB2_4-.Ltmp1, $4  }
0x69: {  	[tilespmem:s22], [sflag:$0x2] =	stream.indirect.gather [hbm4b:s4+s21], $0x10, s19, s21, $0xb8;
	[tilespmem:$0x9100] =	vst v63  }
0x6a: {  	_ =	swait.ge [sflag:s31], $0x800  }
0x6b: {  	[sflag:s31] =	ssyncset.done $0x0  }
0x6c: {  	s1 =	sadd.s32 $0x280, s1;
	[sflag:s31] =	ssyncadd.s32 $0xFFFFF800  }
0x6d: {  	[tilespmem:s24], [sflag:$0x3] =	stream.indirect.gather [hbm4b:s4+s21], $0x10, s1, s21, $0xb8;
	[tilespmem:$0x9100] =	vst v63  }
0x6e: {  	_ =	swait.ge [sflag:s25], $0x800  }
0x6f: {  	[sflag:s25] =	ssyncset.done $0x0  }
0x70: {  	s0 =	simm.s32 $0x4F80;
	[sflag:s25] =	ssyncadd.s32 $0xFFFFF800  }
0x71: {  	[spmem:s2] =	stream.indirect.scatter.add.f32 [tilespmem:s20], [sflag:$0x7], $0x10, s0, s21, $0xb8;
	[tilespmem:$0x9100] =	vst v63  }
0x72: {  	_ =	swait.ge [sflag:s18], $0x800  }
0x73: {  	[sflag:s18] =	ssyncset.done $0x0  }
0x74: {  	[sflag:s18] =	ssyncadd.s32 $0xFFFFF800  }
0x75: {  	_ =	swait.ge [sflag:s26], $0x800  }
0x76: {  	[sflag:s26] =	ssyncset.done $0x0  }
0x77: {  	s1 =	simm.s32 $0x5000;
	[sflag:s26] =	ssyncadd.s32 $0xFFFFF800  }
0x78: {  	[spmem:s2] =	stream.indirect.scatter.add.f32 [tilespmem:s22], [sflag:$0x7], $0x10, s1, s21, $0xb8;
	[tilespmem:$0x9100] =	vst v63  }
0x79: {  	_ =	swait.ge [sflag:s18], $0x800  }
0x7a: {  	[sflag:s18] =	ssyncset.done $0x0  }
0x7b: {  	[sflag:s18] =	ssyncadd.s32 $0xFFFFF800  }
0x7c: {  	_ =	swait.ge [sflag:s28], $0x800  }
0x7d: {  	[sflag:s28] =	ssyncset.done $0x0  }
0x7e: {  	s19 =	simm.s32 $0x5080;
	[sflag:s28] =	ssyncadd.s32 $0xFFFFF800  }
0x7f: {  	[spmem:s2] =	stream.indirect.scatter.add.f32 [tilespmem:s24], [sflag:$0x7], $0x10, s19, s21, $0xb8;
	[tilespmem:$0x9100] =	vst v63  }
0x80: {  	_ =	swait.ge [sflag:s18], $0x800  }
0x81: {  	[sflag:s18] =	ssyncset.done $0x0  }
0x82: {  	[sflag:s18] =	ssyncadd.s32 $0xFFFFF800  }
0x83: {  	[bflag:$0x0] =	sbarrier.arrive $0xFFFF  }
0x84: {  	[tilespmem:s20], [sflag:$0x7] =	stream.linear.gather [spmem:s7], $0x800, $0x38;
	[tilespmem:$0x9100] =	vst v63  }
0x85: {  	_ =	swait.ge [sflag:s18], $0x800  }
0x86: {  	[sflag:s18] =	ssyncset.done $0x0  }
0x87: {  	[sflag:s18] =	ssyncadd.s32 $0xFFFFF800  }
0x88: {  	[hbm4b:s12+s3] =	stream.linear.scatter [tilespmem:s20], [sflag:$0x7], $0x800, $0x38;
	[tilespmem:$0x9100] =	vst v63  }
0x89: {  	_ =	swait.ge [sflag:s18], $0x800  }
0x8a: {  	[sflag:s18] =	ssyncset.done $0x0  }
0x8b: {  	[sflag:s18] =	ssyncadd.s32 $0xFFFFF800  }
0x8c: {  	[tilespmem:s20], [sflag:$0x7] =	stream.linear.gather [spmem:s8], $0x800, $0x38;
	[tilespmem:$0x9100] =	vst v63  }
0x8d: {  	_ =	swait.ge [sflag:s18], $0x800  }
0x8e: {  	[sflag:s18] =	ssyncset.done $0x0  }
0x8f: {  	[sflag:s18] =	ssyncadd.s32 $0xFFFFF800  }
0x90: {  	[hbm4b:s13+s3] =	stream.linear.scatter [tilespmem:s20], [sflag:$0x7], $0x800, $0x38;
	[tilespmem:$0x9100] =	vst v63  }
0x91: {  	_ =	swait.ge [sflag:s18], $0x800  }
0x92: {  	[sflag:s18] =	ssyncset.done $0x0  }
0x93: {  	[sflag:s18] =	ssyncadd.s32 $0xFFFFF800  }
0x94: {  	[tilespmem:s20], [sflag:$0x7] =	stream.linear.gather [spmem:s9], $0x800, $0x38;
	[tilespmem:$0x9100] =	vst v63  }
0x95: {  	_ =	swait.ge [sflag:s18], $0x800  }
0x96: {  	[sflag:s18] =	ssyncset.done $0x0  }
0x97: {  	[sflag:s18] =	ssyncadd.s32 $0xFFFFF800  }
0x98: {  	[hbm4b:s14+s3] =	stream.linear.scatter [tilespmem:s20], [sflag:$0x7], $0x800, $0x38;
	[tilespmem:$0x9100] =	vst v63  }
0x99: {  	_ =	swait.ge [sflag:s18], $0x800  }
0x9a: {  	[sflag:s18] =	ssyncset.done $0x0  }
0x9b: {  	[sflag:s18] =	ssyncadd.s32 $0xFFFFF800  }
0x9c: {  	[tilespmem:s20], [sflag:$0x7] =	stream.linear.gather [spmem:s10], $0x800, $0x38;
	[tilespmem:$0x9100] =	vst v63  }
0x9d: {  	_ =	swait.ge [sflag:s18], $0x800  }
0x9e: {  	[sflag:s18] =	ssyncset.done $0x0  }
0x9f: {  	[sflag:s18] =	ssyncadd.s32 $0xFFFFF800  }
0xa0: {  	[hbm4b:s15+s3] =	stream.linear.scatter [tilespmem:s20], [sflag:$0x7], $0x800, $0x38;
	[tilespmem:$0x9100] =	vst v63  }
0xa1: {  	_ =	swait.ge [sflag:s18], $0x800  }
0xa2: {  	[sflag:s18] =	ssyncset.done $0x0  }
0xa3: {  	[sflag:s18] =	ssyncadd.s32 $0xFFFFF800  }
0xa4: {  	[tilespmem:s20], [sflag:$0x7] =	stream.linear.gather [spmem:s11], $0x800, $0x38;
	[tilespmem:$0x9100] =	vst v63  }
0xa5: {  	s23 =	sadd.s32 $0x1, s23;
	_ =	swait.ge [sflag:s18], $0x800  }
0xa6: {  	p0 =	sne.s32 s23, s17;
	[sflag:s18] =	ssyncset.done $0x0  }
.Ltmp2:
0xa7: {  	[sflag:s18] =	ssyncadd.s32 $0xFFFFF800;
	(pc) =	sbr.rel @p0 .LBB2_1-.Ltmp2, $4  }
0xa8: {  	[hbm4b:s16+s3] =	stream.linear.scatter [tilespmem:s20], [sflag:$0x7], $0x800, $0x38;
	[tilespmem:$0x9100] =	vst v63  }
0xa9: {  	_ =	swait.ge [sflag:s18], $0x800  }
0xaa: {  	[sflag:s18] =	ssyncset.done $0x0  }
0xab: {  	[sflag:s18] =	ssyncadd.s32 $0xFFFFF800  }
0xac: {  	_ =	sfence.sel $0x180000  }
0xad: {  	[bflag:$0x0] =	sbarrier.arrive $0xFFFF  }
0xae: {  	_ =	strace $0x90000050  }
0xaf: {  	s0 =	stileid.u32;
	[bflag:$0x2] =	sbarrier.arrive $0xFFFF  }
0xb0: {  	p0 =	sne.s32 s0, $0x0;
	s0 =	rddreg [dreg:$0x2]  }
0xb1: {  	s0 =	sadd.s32 @!p0 $0x100000, s0  }
0xb2: {  	[sflag:s0] =	ssyncadd.tile.s32 @!p0 $0x1;
	_ =	shalt  }
.Lfunc_end2:
_tile_overlayer_lowered:
.L_overlay_start_2:
0xb3: {  	(tag) =	ssettag $0x2  }
0xb4: {  	s0 =	rddreg [dreg:$0x0];
	s2 =	stileid.u32  }
0xb5: {  	s1 =	rddreg [dreg:$0x1];
	p0 =	sne.s32 s2, $0x0  }
0xb6: {  	s3 =	rddreg [dreg:$0x2];
	[bflag:$0x3] =	sbarrier.arrive $0xFFFF;
	s2 =	simm.s32 @!p0 $0x1C07  }
0xb7: {  	[timem:s3], [sflag:s2] =	dma.local @!p0 [hbm:s0], s1  }
0xb8: {  	s0 =	simm.s32 @!p0 $0x7  }
0xb9: {  	_ =	swait.ge @!p0 [sflag:s0], s1  }
0xba: {  	s1 =	ssub.s32 @!p0 $0x0, s1;
	[sflag:s0] =	ssyncset.done @!p0 $0x0  }
0xbb: {  	[sflag:s0] =	ssyncadd.s32 @!p0 s1  }
0xbc: {  	[bflag:$0x3] =	sbarrier.arrive $0xFFFF  }
0xbd: {  	_ =	shalt  }

</sc_bundles>
